<compile_context>
chip_gen: v7x
topology: tpu7x:2x2x1
jax: 0.10.2.dev20260603
libtpu: 0.0.44.dev20260713+nightly
codegen_flags: <defaults>
</compile_context>

<pallas_src>
import functools

import jax
import jax.numpy as jnp
from jax import lax
from jax.experimental import pallas as pl
from jax.experimental.pallas import tpu as pltpu
from jax.experimental.pallas import tpu_sc as plsc

C = 1074
K = 5
D = 2048
N = 16384

NC, NS = 2, 16
NW = NC * NS
CPAD = 1280
CPT = CPAD // NW
SPC = CPAD // NS
DH = D // NC
RPS = N // NS
RA = 128
TCOLS = D // NW
RPW = N // NW
RC = 16
CB = 8
CBL = 128

def _segment_sums_body(feat_hbm, lab_hbm, out_hbm, feat_v, lab_v,
                       feat_v1, lab_v1, acc_v, sem_f0, sem_l0, sem_f1, sem_l1):
    cidx = lax.axis_index("c")
    s = lax.axis_index("s")
    wid = s * NC + cidx
    half = (wid % 2) * TCOLS

    def z(i, _):
        acc_v[pl.ds(i * 16, 16)] = jnp.zeros((16,), jnp.float32)
        return 0

    lax.fori_loop(0, CPAD * TCOLS // 16, z, 0)

    slab = (wid // 2) * 128

    def start(jc, fv, lv, fs, ls):
        rbase = jc * RA
        pltpu.async_copy(feat_hbm.at[pl.ds(rbase, RA), pl.ds(slab, 128)], fv, fs)
        pltpu.async_copy(lab_hbm.at[pl.ds(rbase, RA)], lv, ls)

    def wait(fv, lv, fs, ls):
        pltpu.make_async_copy(feat_hbm.at[pl.ds(0, RA), pl.ds(slab, 128)], fv, fs).wait()
        pltpu.make_async_copy(lab_hbm.at[pl.ds(0, RA)], lv, ls).wait()

    def process(fv, lv):
        @plsc.parallel_loop(0, RA // 16)
        def grp(q):
            lvec = lv[pl.ds(q * 16, 16)]
            bases = [lvec[rr] * TCOLS for rr in range(16)]
            for rr in range(16):
                for u in range(TCOLS // 16):
                    x = fv[q * 16 + rr, pl.ds(half + u * 16, 16)]
                    plsc.addupdate(acc_v.at[pl.ds(bases[rr] + u * 16, 16)], x)

    npairs = N // RA // 2
    start(0, feat_v, lab_v, sem_f0, sem_l0)

    def pairstep(p, _):
        jc0 = p * 2
        wait(feat_v, lab_v, sem_f0, sem_l0)
        start(jc0 + 1, feat_v1, lab_v1, sem_f1, sem_l1)
        process(feat_v, lab_v)
        wait(feat_v1, lab_v1, sem_f1, sem_l1)

        @pl.when(p < npairs - 1)
        def _():
            start(jc0 + 2, feat_v, lab_v, sem_f0, sem_l0)

        process(feat_v1, lab_v1)
        return 0

    lax.fori_loop(0, npairs, pairstep, 0)
    pltpu.sync_copy(acc_v, out_hbm.at[wid])


def _means_body(lab_ref, sums_ref, means_ref):
    i = pl.program_id(0)
    lab = lab_ref[...]
    for t in range(CB):
        cid = i * CB + t
        cnt = jnp.sum(jnp.where(lab == cid, 1, 0))
        denom = jnp.maximum(cnt, 1).astype(jnp.float32)
        means_ref[pl.ds(t, 1), :] = sums_ref[pl.ds(t, 1), :] / denom


def _means_call(lab8, sums):
    return pl.pallas_call(
        _means_body,
        grid=(CPAD // CB,),
        in_specs=[
            pl.BlockSpec((8, N // 8), lambda i: (0, 0)),
            pl.BlockSpec((CB, D), lambda i: (i, 0)),
        ],
        out_specs=pl.BlockSpec((CB, D), lambda i: (i, 0)),
        out_shape=jax.ShapeDtypeStruct((CPAD, D), jnp.float32),
    )(lab8, sums)


def _dists_body(feat_hbm, lab_hbm, means_hbm, out_hbm,
                feat0, feat1, lab0, lab1, mean_v, ssq_v,
                sf0, sf1, sl0, sl1, sg):
    cidx = lax.axis_index("c")
    s = lax.axis_index("s")
    wid = s * NC + cidx

    lanes = lax.iota(jnp.int32, 16)

    def startf(j, fv, lv, fs, ls):
        base = wid * RPW + j * RC
        pltpu.async_copy(feat_hbm.at[pl.ds(base, RC)], fv, fs)
        pltpu.async_copy(lab_hbm.at[pl.ds(base, RC)], lv, ls)

    def waitf(fv, lv, fs, ls):
        pltpu.make_async_copy(feat_hbm.at[pl.ds(0, RC)], fv, fs).wait()
        pltpu.make_async_copy(lab_hbm.at[pl.ds(0, RC)], lv, ls).wait()

    def process(j, fv, lv):
        pltpu.async_copy(means_hbm.at[lv], mean_v, sg).wait()

        def row(r, vec):
            def colstep(k2, acc):
                for u in range(4):
                    sl = pl.ds(k2 * 64 + u * 16, 16)
                    dd = fv[r, sl] - mean_v[r, sl]
                    acc = acc + dd * dd
                return acc

            acc = lax.fori_loop(0, D // 64, colstep,
                                jnp.zeros((16,), jnp.float32))
            return jnp.where(lanes == r, jnp.sum(acc), vec)

        vec = plsc.parallel_loop(
            0, RC, carry=jnp.zeros((16,), jnp.float32))(row)
        ssq_v[pl.ds(j * RC, RC)] = vec

    npairs = RPW // RC // 2
    startf(0, feat0, lab0, sf0, sl0)

    def pairstep(p, _):
        j0 = 2 * p
        waitf(feat0, lab0, sf0, sl0)
        startf(j0 + 1, feat1, lab1, sf1, sl1)
        process(j0, feat0, lab0)
        waitf(feat1, lab1, sf1, sl1)

        @pl.when(p < npairs - 1)
        def _():
            startf(j0 + 2, feat0, lab0, sf0, sl0)

        process(j0 + 1, feat1, lab1)
        return 0

    lax.fori_loop(0, npairs, pairstep, 0)
    pltpu.sync_copy(ssq_v, out_hbm.at[pl.ds(wid * RPW, RPW)])


def _topk_body(lab_ref, ssq_ref, idx_ref, w_ref):
    i = pl.program_id(0)
    lab = lab_ref[...]
    d = jnp.sqrt(ssq_ref[...] + 1e-12)
    cls = i * CBL + lax.broadcasted_iota(jnp.int32, (CBL, 1), 0)
    member = lab == cls
    cnt = jnp.sum(member.astype(jnp.int32), axis=1, keepdims=True)
    cntf = jnp.maximum(cnt, 1).astype(jnp.float32)
    dist = jnp.where(member, d, jnp.inf)
    col = lax.broadcasted_iota(jnp.int32, (CBL, N), 1)
    col128 = lax.broadcasted_iota(jnp.int32, (CBL, 128), 1)
    idx_mat = jnp.zeros((CBL, 128), jnp.int32)
    w_mat = jnp.zeros((CBL, 128), jnp.float32)
    for k in range(K):
        m = jnp.min(dist, axis=1, keepdims=True)
        am = jnp.min(jnp.where(dist == m, col, N), axis=1, keepdims=True)
        wk = jnp.where(cnt >= K, jnp.float32(1.0 / K),
                       jnp.where(k < cnt, 1.0 / cntf, jnp.float32(0.0)))
        if k == 0:
            idx_mat = jnp.broadcast_to(am, (CBL, 128)).astype(jnp.int32)
        else:
            idx_mat = jnp.where(col128 == k, am, idx_mat)
        w_mat = jnp.where(col128 == k, wk, w_mat)
        dist = jnp.where(col == am, jnp.inf, dist)
    idx_ref[...] = idx_mat
    w_ref[...] = w_mat


def _topk_call(lab1, ssq1):
    return pl.pallas_call(
        _topk_body,
        grid=(CPAD // CBL,),
        in_specs=[
            pl.BlockSpec((1, N), lambda i: (0, 0)),
            pl.BlockSpec((1, N), lambda i: (0, 0)),
        ],
        out_specs=[
            pl.BlockSpec((CBL, 128), lambda i: (i, 0)),
            pl.BlockSpec((CBL, 128), lambda i: (i, 0)),
        ],
        out_shape=[
            jax.ShapeDtypeStruct((CPAD, 128), jnp.int32),
            jax.ShapeDtypeStruct((CPAD, 128), jnp.float32),
        ],
    )(lab1, ssq1)


def _protos_body(feat_hbm, idx_hbm, w_hbm, out_hbm,
                 idx_v, w_v, rows0, rows1, proto_v, sem0, sem1):
    cidx = lax.axis_index("c")
    s = lax.axis_index("s")
    wid = s * NC + cidx
    base = wid * CPT
    pltpu.sync_copy(idx_hbm.at[pl.ds(base, CPT)], idx_v)
    pltpu.sync_copy(w_hbm.at[pl.ds(base, CPT)], w_v)

    def startg(t, rv, sem):
        pltpu.async_copy(feat_hbm.at[idx_v.at[t, pl.ds(0, 8)]], rv, sem)

    def waitg(rv, sem):
        pltpu.make_async_copy(feat_hbm.at[pl.ds(0, 8)], rv, sem).wait()

    def compute(t, rv):
        wvec = w_v[t, pl.ds(0, 16)]
        w0 = wvec[0]
        w1 = wvec[1]
        w2 = wvec[2]
        w3 = wvec[3]
        w4 = wvec[4]

        @plsc.parallel_loop(0, D // 16)
        def col(kk):
            sl = pl.ds(kk * 16, 16)
            acc = rv[0, sl] * w0
            acc = acc + rv[1, sl] * w1
            acc = acc + rv[2, sl] * w2
            acc = acc + rv[3, sl] * w3
            acc = acc + rv[4, sl] * w4
            proto_v[t, sl] = acc

    npairs = CPT // 2
    startg(0, rows0, sem0)

    def pairstep(p, _):
        t0 = 2 * p
        waitg(rows0, sem0)
        startg(t0 + 1, rows1, sem1)
        compute(t0, rows0)
        waitg(rows1, sem1)

        @pl.when(p < npairs - 1)
        def _():
            startg(t0 + 2, rows0, sem0)

        compute(t0 + 1, rows1)
        return 0

    lax.fori_loop(0, npairs, pairstep, 0)
    pltpu.sync_copy(proto_v, out_hbm.at[pl.ds(base, CPT)])


@functools.lru_cache(maxsize=1)
def _build_sc_kernels():
    mesh = plsc.VectorSubcoreMesh(
        core_axis_name="c", subcore_axis_name="s",
        num_cores=NC, num_subcores=NS)
    params = pltpu.CompilerParams(needs_layout_passes=False)
    segment_sums = pl.kernel(
        _segment_sums_body,
        out_type=jax.ShapeDtypeStruct((NW, CPAD * TCOLS), jnp.float32),
        mesh=mesh,
        compiler_params=params,
        scratch_types=[
            pltpu.VMEM((RA, 128), jnp.float32),
            pltpu.VMEM((RA,), jnp.int32),
            pltpu.VMEM((RA, 128), jnp.float32),
            pltpu.VMEM((RA,), jnp.int32),
            pltpu.VMEM((CPAD * TCOLS,), jnp.float32),
            pltpu.SemaphoreType.DMA,
            pltpu.SemaphoreType.DMA,
            pltpu.SemaphoreType.DMA,
            pltpu.SemaphoreType.DMA,
        ],
    )
    dists = pl.kernel(
        _dists_body,
        out_type=jax.ShapeDtypeStruct((N,), jnp.float32),
        mesh=mesh,
        compiler_params=params,
        scratch_types=[
            pltpu.VMEM((RC, D), jnp.float32),
            pltpu.VMEM((RC, D), jnp.float32),
            pltpu.VMEM((RC,), jnp.int32),
            pltpu.VMEM((RC,), jnp.int32),
            pltpu.VMEM((RC, D), jnp.float32),
            pltpu.VMEM((RPW,), jnp.float32),
            pltpu.SemaphoreType.DMA,
            pltpu.SemaphoreType.DMA,
            pltpu.SemaphoreType.DMA,
            pltpu.SemaphoreType.DMA,
            pltpu.SemaphoreType.DMA,
        ],
    )
    protos_k = pl.kernel(
        _protos_body,
        out_type=jax.ShapeDtypeStruct((CPAD, D), jnp.float32),
        mesh=mesh,
        compiler_params=params,
        scratch_types=[
            pltpu.VMEM((CPT, 128), jnp.int32),
            pltpu.VMEM((CPT, 128), jnp.float32),
            pltpu.VMEM((8, D), jnp.float32),
            pltpu.VMEM((8, D), jnp.float32),
            pltpu.VMEM((CPT, D), jnp.float32),
            pltpu.SemaphoreType.DMA,
            pltpu.SemaphoreType.DMA,
        ],
    )
    return segment_sums, dists, protos_k


def kernel(features, labels):
    segment_sums, dists, protos_k = _build_sc_kernels()
    labels = labels.astype(jnp.int32)
    lab8 = labels.reshape(8, N // 8)
    sums3 = segment_sums(features, labels)
    sums = sums3.reshape(NW, CPAD, TCOLS).transpose(1, 0, 2).reshape(CPAD, D)
    means = _means_call(lab8, sums)
    ssq = dists(features, labels, means)
    idx128, w128 = _topk_call(labels.reshape(1, N), ssq.reshape(1, N))
    protos = protos_k(features, idx128, w128)
    return protos[:C]

# --- scband reference (transcript-rebuilt; emitter-appended) ---
"""Pipeline reference for scband-prototype-memory-71648644432205 (READ-ONLY COPY).

The authoritative reference and input builder live on the scoring server;
editing this copy changes nothing except your own understanding.
"""

import jax, jax.numpy as jnp
import numpy as np

C = 1074
K = 5
D = 2048
N = 16384

def setup_inputs(seed: int = 0):
    key = jax.random.key(seed)
    k1, k2 = jax.random.split(key)
    features = jax.random.normal(k1, (N, D), dtype=jnp.float32)
    labels = jax.random.randint(k2, (N,), 0, C)
    return {"features": features, "labels": labels}

def reference(features, labels):
    # update_memory(features, labels) followed by get_representative_feature(),
    # vectorized: per-class mean, distance of each member to its class mean,
    # top_k closest members averaged as the class prototype.
    counts = jnp.bincount(labels, length=C)
    sums = jax.ops.segment_sum(features, labels, num_segments=C)
    means = sums / jnp.maximum(counts, 1).astype(features.dtype)[:, None]
    diff = features - jnp.take(means, labels, axis=0)
    d = jnp.sqrt(jnp.sum(diff * diff, axis=1) + 1e-12)  # [N], dist to own class mean
    member = labels[None, :] == jnp.arange(C)[:, None]   # [C, N]
    dist_mat = jnp.where(member, d[None, :], jnp.inf)
    _, idx = jax.lax.top_k(-dist_mat, K)                 # K smallest distances per class
    sel = jnp.take(features, idx, axis=0)                # [C, K, D]
    topk_mean = jnp.mean(sel, axis=1)                    # [C, D]
    proto = jnp.where((counts >= K)[:, None], topk_mean, means)
    proto = jnp.where((counts == 0)[:, None], jnp.zeros_like(proto), proto)
    return proto

if __name__ == "__main__":
    import jax
    _d = setup_inputs()
    print(jax.jit(kernel)(*tuple(_d.values())))

</pallas_src>

<mosaic_0001>
#map = affine_map<(d0, d1) -> (0, 0)>
#map1 = affine_map<(d0, d1) -> (0)>
module attributes {stable_mosaic.version = 14 : i64} {
  func.func @_segment_sums_body(%arg0: i32, %arg1: i32, %arg2: memref<16384x2048xf32, #tpu.memory_space<hbm>>, %arg3: memref<16384xi32, #tpu.memory_space<hbm>>, %arg4: memref<32x81920xf32, #tpu.memory_space<hbm>>, %arg5: memref<128x128xf32, #tpu.memory_space<vmem>>, %arg6: memref<128xi32, #tpu.memory_space<vmem>>, %arg7: memref<128x128xf32, #tpu.memory_space<vmem>>, %arg8: memref<128xi32, #tpu.memory_space<vmem>>, %arg9: memref<81920xf32, #tpu.memory_space<vmem>>, %arg10: memref<!tpu.dma_semaphore, #tpu.memory_space<semaphore_mem>>, %arg11: memref<!tpu.dma_semaphore, #tpu.memory_space<semaphore_mem>>, %arg12: memref<!tpu.dma_semaphore, #tpu.memory_space<semaphore_mem>>, %arg13: memref<!tpu.dma_semaphore, #tpu.memory_space<semaphore_mem>>) attributes {dimension_semantics = [#tpu.dimension_semantics<core_parallel>, #tpu.dimension_semantics<subcore_parallel>], iteration_bounds = array<i64: 2, 16>, scalar_prefetch = 0 : i64, scratch_operands = 9 : i64, tpu.core_type = #tpu.core_type<sc_vector_subcore>, window_params = [{transform_indices = #map}, {transform_indices = #map1}, {transform_indices = #map}]} {
    %mul3A = arith.constant 2 : i32
    %mul3A_0 = arith.muli %arg1, %mul3A : i32
    %add3A = arith.addi %mul3A_0, %arg0 : i32
    %jit3A = arith.constant 2 : i32
    %eq3A = arith.constant 0 : i32
    %eq3A_1 = arith.cmpi eq, %jit3A, %eq3A : i32
    %jit3A_2 = arith.constant 1 : i32
    %select_n3A = arith.select %eq3A_1, %jit3A_2, %jit3A : i32
    %rem3A = arith.remsi %add3A, %select_n3A : i32
    %ne3A = arith.constant 0 : i32
    %ne3A_3 = arith.cmpi ne, %rem3A, %ne3A : i32
    %lt3A = arith.constant 0 : i32
    %lt3A_4 = arith.cmpi slt, %rem3A, %lt3A : i32
    %lt3A_5 = arith.constant 0 : i32
    %lt3A_6 = arith.cmpi slt, %select_n3A, %lt3A_5 : i32
    %ne3A_7 = arith.xori %lt3A_4, %lt3A_6 : i1
    %and3A = arith.andi %ne3A_7, %ne3A_3 : i1
    %add3A_8 = arith.addi %rem3A, %select_n3A : i32
    %select_n3A_9 = arith.select %and3A, %add3A_8, %rem3A : i32
    %mul3A_10 = arith.constant 64 : i32
    %mul3A_11 = arith.muli %select_n3A_9, %mul3A_10 : i32
    %scan3A = arith.constant 0 : i32
    %scan3A_12 = arith.constant 0 : i32
    %scan3A_13 = arith.constant 5120 : i32
    %scan3A_14 = arith.addi %scan3A_12, %scan3A_13 : i32
    %scan3A_15 = arith.constant 1 : i32
    %scan3A_16 = scf.for %scan3A_55 = %scan3A_12 to %scan3A_14 step %scan3A_15 iter_args(%scan3A_56 = %scan3A) -> (i32)  : i32 {
      %broadcast_in_dim3A = arith.constant 0.000000e+00 : f32
      %broadcast_in_dim3A_57 = vector.broadcast %broadcast_in_dim3A : f32 to vector<16xf32>
      %mul3A_58 = arith.constant 16 : i32
      %mul3A_59 = arith.muli %scan3A_55, %mul3A_58 : i32
      %swap3A = arith.index_cast %mul3A_59 : i32 to index
      %swap3A_60 = tpu.vector_load %arg9[%swap3A] {strides = array<i32>} : memref<81920xf32, #tpu.memory_space<vmem>>, vector<16xf32>,
      tpu.vector_store %arg9[%swap3A], %broadcast_in_dim3A_57 {strides = array<i32>} : memref<81920xf32, #tpu.memory_space<vmem>>, vector<16xf32>,
      %scan3A_61 = arith.constant 0 : i32
      scf.yield %scan3A_61 : i32
    }
    %scan3A_17 = arith.constant 5120 : i32
    %jit3A_18 = arith.constant 2 : i32
    %div3A = arith.divsi %add3A, %jit3A_18 : i32
    %sign3A = arith.constant 0 : i32
    %sign3A_19 = arith.cmpi sgt, %add3A, %sign3A : i32
    %sign3A_20 = arith.extui %sign3A_19 : i1 to i32
    %sign3A_21 = arith.constant 0 : i32
    %sign3A_22 = arith.cmpi slt, %add3A, %sign3A_21 : i32
    %sign3A_23 = arith.extui %sign3A_22 : i1 to i32
    %sign3A_24 = arith.subi %sign3A_20, %sign3A_23 : i32
    %sign3A_25 = arith.constant 0 : i32
    %sign3A_26 = arith.cmpi sgt, %jit3A_18, %sign3A_25 : i32
    %sign3A_27 = arith.extui %sign3A_26 : i1 to i32
    %sign3A_28 = arith.constant 0 : i32
    %sign3A_29 = arith.cmpi slt, %jit3A_18, %sign3A_28 : i32
    %sign3A_30 = arith.extui %sign3A_29 : i1 to i32
    %sign3A_31 = arith.subi %sign3A_27, %sign3A_30 : i32
    %ne3A_32 = arith.cmpi ne, %sign3A_24, %sign3A_31 : i32
    %rem3A_33 = arith.remsi %add3A, %jit3A_18 : i32
    %ne3A_34 = arith.constant 0 : i32
    %ne3A_35 = arith.cmpi ne, %rem3A_33, %ne3A_34 : i32
    %and3A_36 = arith.andi %ne3A_32, %ne3A_35 : i1
    %sub3A = arith.constant 1 : i32
    %sub3A_37 = arith.subi %div3A, %sub3A : i32
    %select_n3A_38 = arith.select %and3A_36, %sub3A_37, %div3A : i32
    %mul3A_39 = arith.constant 128 : i32
    %mul3A_40 = arith.muli %select_n3A_38, %mul3A_39 : i32
    %dma_start3A = arith.constant 0 : i32
    %dma_start3A_41 = tpu.memref_slice %arg2[%dma_start3A, %mul3A_40] : memref<16384x2048xf32, #tpu.memory_space<hbm>> -> memref<128x128xf32, #tpu.memory_space<hbm>>
    %dma_start3A_42 = arith.constant 0 : i32
    %dma_start3A_43 = tpu.memref_slice %arg2[%dma_start3A_42, %mul3A_40] : memref<16384x2048xf32, #tpu.memory_space<hbm>> -> memref<128x128xf32, #tpu.memory_space<hbm>>
    tpu.enqueue_dma source(%dma_start3A_43 : memref<128x128xf32, #tpu.memory_space<hbm>>) target(%arg5 : memref<128x128xf32, #tpu.memory_space<vmem>>) target_semaphore(%arg10 : memref<!tpu.dma_semaphore, #tpu.memory_space<semaphore_mem>>)
    %dma_start3A_44 = arith.constant 0 : i32
    %dma_start3A_45 = tpu.memref_slice %arg3[%dma_start3A_44] : memref<16384xi32, #tpu.memory_space<hbm>> -> memref<128xi32, #tpu.memory_space<hbm>>
    %dma_start3A_46 = arith.constant 0 : i32
    %dma_start3A_47 = tpu.memref_slice %arg3[%dma_start3A_46] : memref<16384xi32, #tpu.memory_space<hbm>> -> memref<128xi32, #tpu.memory_space<hbm>>
    tpu.enqueue_dma source(%dma_start3A_47 : memref<128xi32, #tpu.memory_space<hbm>>) target(%arg6 : memref<128xi32, #tpu.memory_space<vmem>>) target_semaphore(%arg11 : memref<!tpu.dma_semaphore, #tpu.memory_space<semaphore_mem>>)
    %scan3A_48 = arith.constant 0 : i32
    %scan3A_49 = arith.constant 0 : i32
    %scan3A_50 = arith.constant 64 : i32
    %scan3A_51 = arith.addi %scan3A_49, %scan3A_50 : i32
    %scan3A_52 = arith.constant 1 : i32
    %scan3A_53 = scf.for %scan3A_55 = %scan3A_49 to %scan3A_51 step %scan3A_52 iter_args(%scan3A_56 = %scan3A_48) -> (i32)  : i32 {
      %mul3A_57 = arith.constant 2 : i32
      %mul3A_58 = arith.muli %scan3A_55, %mul3A_57 : i32
      %dma_wait3A = arith.constant 0 : i32
      %dma_wait3A_59 = tpu.memref_slice %arg2[%dma_wait3A, %mul3A_40] : memref<16384x2048xf32, #tpu.memory_space<hbm>> -> memref<128x128xf32, #tpu.memory_space<hbm>>
      %dma_wait3A_60 = arith.constant 0 : i32
      %dma_wait3A_61 = tpu.memref_slice %arg2[%dma_wait3A_60, %mul3A_40] : memref<16384x2048xf32, #tpu.memory_space<hbm>> -> memref<128x128xf32, #tpu.memory_space<hbm>>
      tpu.wait_dma2 semaphore(%arg10 : memref<!tpu.dma_semaphore, #tpu.memory_space<semaphore_mem>>) src(%dma_wait3A_61 : memref<128x128xf32, #tpu.memory_space<hbm>>) dst(%arg5 : memref<128x128xf32, #tpu.memory_space<vmem>>)
      %dma_wait3A_62 = arith.constant 0 : i32
      %dma_wait3A_63 = tpu.memref_slice %arg3[%dma_wait3A_62] : memref<16384xi32, #tpu.memory_space<hbm>> -> memref<128xi32, #tpu.memory_space<hbm>>
      %dma_wait3A_64 = arith.constant 0 : i32
      %dma_wait3A_65 = tpu.memref_slice %arg3[%dma_wait3A_64] : memref<16384xi32, #tpu.memory_space<hbm>> -> memref<128xi32, #tpu.memory_space<hbm>>
      tpu.wait_dma2 semaphore(%arg11 : memref<!tpu.dma_semaphore, #tpu.memory_space<semaphore_mem>>) src(%dma_wait3A_65 : memref<128xi32, #tpu.memory_space<hbm>>) dst(%arg6 : memref<128xi32, #tpu.memory_space<vmem>>)
      %add3A_66 = arith.constant 1 : i32
      %add3A_67 = arith.addi %mul3A_58, %add3A_66 : i32
      %mul3A_68 = arith.constant 128 : i32
      %mul3A_69 = arith.muli %add3A_67, %mul3A_68 : i32
      %dma_start3A_70 = tpu.memref_slice %arg2[%mul3A_69, %mul3A_40] : memref<16384x2048xf32, #tpu.memory_space<hbm>> -> memref<128x128xf32, #tpu.memory_space<hbm>>
      %dma_start3A_71 = tpu.memref_slice %arg2[%mul3A_69, %mul3A_40] : memref<16384x2048xf32, #tpu.memory_space<hbm>> -> memref<128x128xf32, #tpu.memory_space<hbm>>
      tpu.enqueue_dma source(%dma_start3A_71 : memref<128x128xf32, #tpu.memory_space<hbm>>) target(%arg7 : memref<128x128xf32, #tpu.memory_space<vmem>>) target_semaphore(%arg12 : memref<!tpu.dma_semaphore, #tpu.memory_space<semaphore_mem>>)
      %dma_start3A_72 = tpu.memref_slice %arg3[%mul3A_69] : memref<16384xi32, #tpu.memory_space<hbm>> -> memref<128xi32, #tpu.memory_space<hbm>>
      %dma_start3A_73 = tpu.memref_slice %arg3[%mul3A_69] : memref<16384xi32, #tpu.memory_space<hbm>> -> memref<128xi32, #tpu.memory_space<hbm>>
      tpu.enqueue_dma source(%dma_start3A_73 : memref<128xi32, #tpu.memory_space<hbm>>) target(%arg8 : memref<128xi32, #tpu.memory_space<vmem>>) target_semaphore(%arg13 : memref<!tpu.dma_semaphore, #tpu.memory_space<semaphore_mem>>)
      %parallel_loop3A = arith.constant 0 : i32
      %parallel_loop3A_74 = arith.constant 8 : i32
      %parallel_loop3A_75 = arith.constant 1 : i32
      scf.for %parallel_loop3A_91 = %parallel_loop3A to %parallel_loop3A_74 step %parallel_loop3A_75  : i32 {
        %parallel_loop3A_92 = arith.constant 16 : i32
        %parallel_loop3A_93 = arith.muli %parallel_loop3A_91, %parallel_loop3A_92 : i32
        %parallel_loop3A_94 = arith.index_cast %parallel_loop3A_93 : i32 to index
        %parallel_loop3A_95 = tpu.vector_load %arg6[%parallel_loop3A_94] {strides = array<i32>} : memref<128xi32, #tpu.memory_space<vmem>>, vector<16xi32>,
        %parallel_loop3A_96 = vector.extract_strided_slice %parallel_loop3A_95 {offsets = [0], sizes = [1], strides = [1]} : vector<16xi32> to vector<1xi32>
        %parallel_loop3A_97 = vector.extract %parallel_loop3A_96[0] : i32 from vector<1xi32>
        %parallel_loop3A_98 = arith.constant 64 : i32
        %parallel_loop3A_99 = arith.muli %parallel_loop3A_97, %parallel_loop3A_98 : i32
        %parallel_loop3A_100 = vector.extract_strided_slice %parallel_loop3A_95 {offsets = [1], sizes = [1], strides = [1]} : vector<16xi32> to vector<1xi32>
        %parallel_loop3A_101 = vector.extract %parallel_loop3A_100[0] : i32 from vector<1xi32>
        %parallel_loop3A_102 = arith.constant 64 : i32
        %parallel_loop3A_103 = arith.muli %parallel_loop3A_101, %parallel_loop3A_102 : i32
        %parallel_loop3A_104 = vector.extract_strided_slice %parallel_loop3A_95 {offsets = [2], sizes = [1], strides = [1]} : vector<16xi32> to vector<1xi32>
        %parallel_loop3A_105 = vector.extract %parallel_loop3A_104[0] : i32 from vector<1xi32>
        %parallel_loop3A_106 = arith.constant 64 : i32
        %parallel_loop3A_107 = arith.muli %parallel_loop3A_105, %parallel_loop3A_106 : i32
        %parallel_loop3A_108 = vector.extract_strided_slice %parallel_loop3A_95 {offsets = [3], sizes = [1], strides = [1]} : vector<16xi32> to vector<1xi32>
        %parallel_loop3A_109 = vector.extract %parallel_loop3A_108[0] : i32 from vector<1xi32>
        %parallel_loop3A_110 = arith.constant 64 : i32
        %parallel_loop3A_111 = arith.muli %parallel_loop3A_109, %parallel_loop3A_110 : i32
        %parallel_loop3A_112 = vector.extract_strided_slice %parallel_loop3A_95 {offsets = [4], sizes = [1], strides = [1]} : vector<16xi32> to vector<1xi32>
        %parallel_loop3A_113 = vector.extract %parallel_loop3A_112[0] : i32 from vector<1xi32>
        %parallel_loop3A_114 = arith.constant 64 : i32
        %parallel_loop3A_115 = arith.muli %parallel_loop3A_113, %parallel_loop3A_114 : i32
        %parallel_loop3A_116 = vector.extract_strided_slice %parallel_loop3A_95 {offsets = [5], sizes = [1], strides = [1]} : vector<16xi32> to vector<1xi32>
        %parallel_loop3A_117 = vector.extract %parallel_loop3A_116[0] : i32 from vector<1xi32>
        %parallel_loop3A_118 = arith.constant 64 : i32
        %parallel_loop3A_119 = arith.muli %parallel_loop3A_117, %parallel_loop3A_118 : i32
        %parallel_loop3A_120 = vector.extract_strided_slice %parallel_loop3A_95 {offsets = [6], sizes = [1], strides = [1]} : vector<16xi32> to vector<1xi32>
        %parallel_loop3A_121 = vector.extract %parallel_loop3A_120[0] : i32 from vector<1xi32>
        %parallel_loop3A_122 = arith.constant 64 : i32
        %parallel_loop3A_123 = arith.muli %parallel_loop3A_121, %parallel_loop3A_122 : i32
        %parallel_loop3A_124 = vector.extract_strided_slice %parallel_loop3A_95 {offsets = [7], sizes = [1], strides = [1]} : vector<16xi32> to vector<1xi32>
        %parallel_loop3A_125 = vector.extract %parallel_loop3A_124[0] : i32 from vector<1xi32>
        %parallel_loop3A_126 = arith.constant 64 : i32
        %parallel_loop3A_127 = arith.muli %parallel_loop3A_125, %parallel_loop3A_126 : i32
        %parallel_loop3A_128 = vector.extract_strided_slice %parallel_loop3A_95 {offsets = [8], sizes = [1], strides = [1]} : vector<16xi32> to vector<1xi32>
        %parallel_loop3A_129 = vector.extract %parallel_loop3A_128[0] : i32 from vector<1xi32>
        %parallel_loop3A_130 = arith.constant 64 : i32
        %parallel_loop3A_131 = arith.muli %parallel_loop3A_129, %parallel_loop3A_130 : i32
        %parallel_loop3A_132 = vector.extract_strided_slice %parallel_loop3A_95 {offsets = [9], sizes = [1], strides = [1]} : vector<16xi32> to vector<1xi32>
        %parallel_loop3A_133 = vector.extract %parallel_loop3A_132[0] : i32 from vector<1xi32>
        %parallel_loop3A_134 = arith.constant 64 : i32
        %parallel_loop3A_135 = arith.muli %parallel_loop3A_133, %parallel_loop3A_134 : i32
        %parallel_loop3A_136 = vector.extract_strided_slice %parallel_loop3A_95 {offsets = [10], sizes = [1], strides = [1]} : vector<16xi32> to vector<1xi32>
        %parallel_loop3A_137 = vector.extract %parallel_loop3A_136[0] : i32 from vector<1xi32>
        %parallel_loop3A_138 = arith.constant 64 : i32
        %parallel_loop3A_139 = arith.muli %parallel_loop3A_137, %parallel_loop3A_138 : i32
        %parallel_loop3A_140 = vector.extract_strided_slice %parallel_loop3A_95 {offsets = [11], sizes = [1], strides = [1]} : vector<16xi32> to vector<1xi32>
        %parallel_loop3A_141 = vector.extract %parallel_loop3A_140[0] : i32 from vector<1xi32>
        %parallel_loop3A_142 = arith.constant 64 : i32
        %parallel_loop3A_143 = arith.muli %parallel_loop3A_141, %parallel_loop3A_142 : i32
        %parallel_loop3A_144 = vector.extract_strided_slice %parallel_loop3A_95 {offsets = [12], sizes = [1], strides = [1]} : vector<16xi32> to vector<1xi32>
        %parallel_loop3A_145 = vector.extract %parallel_loop3A_144[0] : i32 from vector<1xi32>
        %parallel_loop3A_146 = arith.constant 64 : i32
        %parallel_loop3A_147 = arith.muli %parallel_loop3A_145, %parallel_loop3A_146 : i32
        %parallel_loop3A_148 = vector.extract_strided_slice %parallel_loop3A_95 {offsets = [13], sizes = [1], strides = [1]} : vector<16xi32> to vector<1xi32>
        %parallel_loop3A_149 = vector.extract %parallel_loop3A_148[0] : i32 from vector<1xi32>
        %parallel_loop3A_150 = arith.constant 64 : i32
        %parallel_loop3A_151 = arith.muli %parallel_loop3A_149, %parallel_loop3A_150 : i32
        %parallel_loop3A_152 = vector.extract_strided_slice %parallel_loop3A_95 {offsets = [14], sizes = [1], strides = [1]} : vector<16xi32> to vector<1xi32>
        %parallel_loop3A_153 = vector.extract %parallel_loop3A_152[0] : i32 from vector<1xi32>
        %parallel_loop3A_154 = arith.constant 64 : i32
        %parallel_loop3A_155 = arith.muli %parallel_loop3A_153, %parallel_loop3A_154 : i32
        %parallel_loop3A_156 = vector.extract_strided_slice %parallel_loop3A_95 {offsets = [15], sizes = [1], strides = [1]} : vector<16xi32> to vector<1xi32>
        %parallel_loop3A_157 = vector.extract %parallel_loop3A_156[0] : i32 from vector<1xi32>
        %parallel_loop3A_158 = arith.constant 64 : i32
        %parallel_loop3A_159 = arith.muli %parallel_loop3A_157, %parallel_loop3A_158 : i32
        %parallel_loop3A_160 = arith.constant 16 : i32
        %parallel_loop3A_161 = arith.muli %parallel_loop3A_91, %parallel_loop3A_160 : i32
        %parallel_loop3A_162 = arith.constant 0 : i32
        %parallel_loop3A_163 = arith.addi %parallel_loop3A_161, %parallel_loop3A_162 : i32
        %parallel_loop3A_164 = arith.constant 0 : i32
        %parallel_loop3A_165 = arith.addi %mul3A_11, %parallel_loop3A_164 : i32
        %parallel_loop3A_166 = arith.index_cast %parallel_loop3A_163 : i32 to index
        %parallel_loop3A_167 = arith.index_cast %parallel_loop3A_165 : i32 to index
        %parallel_loop3A_168 = tpu.vector_load %arg5[%parallel_loop3A_166, %parallel_loop3A_167] {strides = array<i32>} : memref<128x128xf32, #tpu.memory_space<vmem>>, vector<16xf32>,
        %parallel_loop3A_169 = arith.constant 0 : i32
        %parallel_loop3A_170 = arith.addi %parallel_loop3A_99, %parallel_loop3A_169 : i32
        %parallel_loop3A_171 = arith.index_cast %parallel_loop3A_170 : i32 to index
        %parallel_loop3A_172 = tpu.vector_load %arg9[%parallel_loop3A_171] {strides = array<i32>} : memref<81920xf32, #tpu.memory_space<vmem>>, vector<16xf32>,
        tpu.vector_store %arg9[%parallel_loop3A_171], %parallel_loop3A_168 {add = true, strides = array<i32>} : memref<81920xf32, #tpu.memory_space<vmem>>, vector<16xf32>,
        %parallel_loop3A_173 = arith.constant 16 : i32
        %parallel_loop3A_174 = arith.muli %parallel_loop3A_91, %parallel_loop3A_173 : i32
        %parallel_loop3A_175 = arith.constant 0 : i32
        %parallel_loop3A_176 = arith.addi %parallel_loop3A_174, %parallel_loop3A_175 : i32
        %parallel_loop3A_177 = arith.constant 16 : i32
        %parallel_loop3A_178 = arith.addi %mul3A_11, %parallel_loop3A_177 : i32
        %parallel_loop3A_179 = arith.index_cast %parallel_loop3A_176 : i32 to index
        %parallel_loop3A_180 = arith.index_cast %parallel_loop3A_178 : i32 to index
        %parallel_loop3A_181 = tpu.vector_load %arg5[%parallel_loop3A_179, %parallel_loop3A_180] {strides = array<i32>} : memref<128x128xf32, #tpu.memory_space<vmem>>, vector<16xf32>,
        %parallel_loop3A_182 = arith.constant 16 : i32
        %parallel_loop3A_183 = arith.addi %parallel_loop3A_99, %parallel_loop3A_182 : i32
        %parallel_loop3A_184 = arith.index_cast %parallel_loop3A_183 : i32 to index
        %parallel_loop3A_185 = tpu.vector_load %arg9[%parallel_loop3A_184] {strides = array<i32>} : memref<81920xf32, #tpu.memory_space<vmem>>, vector<16xf32>,
        tpu.vector_store %arg9[%parallel_loop3A_184], %parallel_loop3A_181 {add = true, strides = array<i32>} : memref<81920xf32, #tpu.memory_space<vmem>>, vector<16xf32>,
        %parallel_loop3A_186 = arith.constant 16 : i32
        %parallel_loop3A_187 = arith.muli %parallel_loop3A_91, %parallel_loop3A_186 : i32
        %parallel_loop3A_188 = arith.constant 0 : i32
        %parallel_loop3A_189 = arith.addi %parallel_loop3A_187, %parallel_loop3A_188 : i32
        %parallel_loop3A_190 = arith.constant 32 : i32
        %parallel_loop3A_191 = arith.addi %mul3A_11, %parallel_loop3A_190 : i32
        %parallel_loop3A_192 = arith.index_cast %parallel_loop3A_189 : i32 to index
        %parallel_loop3A_193 = arith.index_cast %parallel_loop3A_191 : i32 to index
        %parallel_loop3A_194 = tpu.vector_load %arg5[%parallel_loop3A_192, %parallel_loop3A_193] {strides = array<i32>} : memref<128x128xf32, #tpu.memory_space<vmem>>, vector<16xf32>,
        %parallel_loop3A_195 = arith.constant 32 : i32
        %parallel_loop3A_196 = arith.addi %parallel_loop3A_99, %parallel_loop3A_195 : i32
        %parallel_loop3A_197 = arith.index_cast %parallel_loop3A_196 : i32 to index
        %parallel_loop3A_198 = tpu.vector_load %arg9[%parallel_loop3A_197] {strides = array<i32>} : memref<81920xf32, #tpu.memory_space<vmem>>, vector<16xf32>,
        tpu.vector_store %arg9[%parallel_loop3A_197], %parallel_loop3A_194 {add = true, strides = array<i32>} : memref<81920xf32, #tpu.memory_space<vmem>>, vector<16xf32>,
        %parallel_loop3A_199 = arith.constant 16 : i32
        %parallel_loop3A_200 = arith.muli %parallel_loop3A_91, %parallel_loop3A_199 : i32
        %parallel_loop3A_201 = arith.constant 0 : i32
        %parallel_loop3A_202 = arith.addi %parallel_loop3A_200, %parallel_loop3A_201 : i32
        %parallel_loop3A_203 = arith.constant 48 : i32
        %parallel_loop3A_204 = arith.addi %mul3A_11, %parallel_loop3A_203 : i32
        %parallel_loop3A_205 = arith.index_cast %parallel_loop3A_202 : i32 to index
        %parallel_loop3A_206 = arith.index_cast %parallel_loop3A_204 : i32 to index
        %parallel_loop3A_207 = tpu.vector_load %arg5[%parallel_loop3A_205, %parallel_loop3A_206] {strides = array<i32>} : memref<128x128xf32, #tpu.memory_space<vmem>>, vector<16xf32>,
        %parallel_loop3A_208 = arith.constant 48 : i32
        %parallel_loop3A_209 = arith.addi %parallel_loop3A_99, %parallel_loop3A_208 : i32
        %parallel_loop3A_210 = arith.index_cast %parallel_loop3A_209 : i32 to index
        %parallel_loop3A_211 = tpu.vector_load %arg9[%parallel_loop3A_210] {strides = array<i32>} : memref<81920xf32, #tpu.memory_space<vmem>>, vector<16xf32>,
        tpu.vector_store %arg9[%parallel_loop3A_210], %parallel_loop3A_207 {add = true, strides = array<i32>} : memref<81920xf32, #tpu.memory_space<vmem>>, vector<16xf32>,
        %parallel_loop3A_212 = arith.constant 16 : i32
        %parallel_loop3A_213 = arith.muli %parallel_loop3A_91, %parallel_loop3A_212 : i32
        %parallel_loop3A_214 = arith.constant 1 : i32
        %parallel_loop3A_215 = arith.addi %parallel_loop3A_213, %parallel_loop3A_214 : i32
        %parallel_loop3A_216 = arith.constant 0 : i32
        %parallel_loop3A_217 = arith.addi %mul3A_11, %parallel_loop3A_216 : i32
        %parallel_loop3A_218 = arith.index_cast %parallel_loop3A_215 : i32 to index
        %parallel_loop3A_219 = arith.index_cast %parallel_loop3A_217 : i32 to index
        %parallel_loop3A_220 = tpu.vector_load %arg5[%parallel_loop3A_218, %parallel_loop3A_219] {strides = array<i32>} : memref<128x128xf32, #tpu.memory_space<vmem>>, vector<16xf32>,
        %parallel_loop3A_221 = arith.constant 0 : i32
        %parallel_loop3A_222 = arith.addi %parallel_loop3A_103, %parallel_loop3A_221 : i32
        %parallel_loop3A_223 = arith.index_cast %parallel_loop3A_222 : i32 to index
        %parallel_loop3A_224 = tpu.vector_load %arg9[%parallel_loop3A_223] {strides = array<i32>} : memref<81920xf32, #tpu.memory_space<vmem>>, vector<16xf32>,
        tpu.vector_store %arg9[%parallel_loop3A_223], %parallel_loop3A_220 {add = true, strides = array<i32>} : memref<81920xf32, #tpu.memory_space<vmem>>, vector<16xf32>,
        %parallel_loop3A_225 = arith.constant 16 : i32
        %parallel_loop3A_226 = arith.muli %parallel_loop3A_91, %parallel_loop3A_225 : i32
        %parallel_loop3A_227 = arith.constant 1 : i32
        %parallel_loop3A_228 = arith.addi %parallel_loop3A_226, %parallel_loop3A_227 : i32
        %parallel_loop3A_229 = arith.constant 16 : i32
        %parallel_loop3A_230 = arith.addi %mul3A_11, %parallel_loop3A_229 : i32
        %parallel_loop3A_231 = arith.index_cast %parallel_loop3A_228 : i32 to index
        %parallel_loop3A_232 = arith.index_cast %parallel_loop3A_230 : i32 to index
        %parallel_loop3A_233 = tpu.vector_load %arg5[%parallel_loop3A_231, %parallel_loop3A_232] {strides = array<i32>} : memref<128x128xf32, #tpu.memory_space<vmem>>, vector<16xf32>,
        %parallel_loop3A_234 = arith.constant 16 : i32
        %parallel_loop3A_235 = arith.addi %parallel_loop3A_103, %parallel_loop3A_234 : i32
        %parallel_loop3A_236 = arith.index_cast %parallel_loop3A_235 : i32 to index
        %parallel_loop3A_237 = tpu.vector_load %arg9[%parallel_loop3A_236] {strides = array<i32>} : memref<81920xf32, #tpu.memory_space<vmem>>, vector<16xf32>,
        tpu.vector_store %arg9[%parallel_loop3A_236], %parallel_loop3A_233 {add = true, strides = array<i32>} : memref<81920xf32, #tpu.memory_space<vmem>>, vector<16xf32>,
        %parallel_loop3A_238 = arith.constant 16 : i32
        %parallel_loop3A_239 = arith.muli %parallel_loop3A_91, %parallel_loop3A_238 : i32
        %parallel_loop3A_240 = arith.constant 1 : i32
        %parallel_loop3A_241 = arith.addi %parallel_loop3A_239, %parallel_loop3A_240 : i32
        %parallel_loop3A_242 = arith.constant 32 : i32
        %parallel_loop3A_243 = arith.addi %mul3A_11, %parallel_loop3A_242 : i32
        %parallel_loop3A_244 = arith.index_cast %parallel_loop3A_241 : i32 to index
        %parallel_loop3A_245 = arith.index_cast %parallel_loop3A_243 : i32 to index
        %parallel_loop3A_246 = tpu.vector_load %arg5[%parallel_loop3A_244, %parallel_loop3A_245] {strides = array<i32>} : memref<128x128xf32, #tpu.memory_space<vmem>>, vector<16xf32>,
        %parallel_loop3A_247 = arith.constant 32 : i32
        %parallel_loop3A_248 = arith.addi %parallel_loop3A_103, %parallel_loop3A_247 : i32
        %parallel_loop3A_249 = arith.index_cast %parallel_loop3A_248 : i32 to index
        %parallel_loop3A_250 = tpu.vector_load %arg9[%parallel_loop3A_249] {strides = array<i32>} : memref<81920xf32, #tpu.memory_space<vmem>>, vector<16xf32>,
        tpu.vector_store %arg9[%parallel_loop3A_249], %parallel_loop3A_246 {add = true, strides = array<i32>} : memref<81920xf32, #tpu.memory_space<vmem>>, vector<16xf32>,
        %parallel_loop3A_251 = arith.constant 16 : i32
        %parallel_loop3A_252 = arith.muli %parallel_loop3A_91, %parallel_loop3A_251 : i32
        %parallel_loop3A_253 = arith.constant 1 : i32
        %parallel_loop3A_254 = arith.addi %parallel_loop3A_252, %parallel_loop3A_253 : i32
        %parallel_loop3A_255 = arith.constant 48 : i32
        %parallel_loop3A_256 = arith.addi %mul3A_11, %parallel_loop3A_255 : i32
        %parallel_loop3A_257 = arith.index_cast %parallel_loop3A_254 : i32 to index
        %parallel_loop3A_258 = arith.index_cast %parallel_loop3A_256 : i32 to index
        %parallel_loop3A_259 = tpu.vector_load %arg5[%parallel_loop3A_257, %parallel_loop3A_258] {strides = array<i32>} : memref<128x128xf32, #tpu.memory_space<vmem>>, vector<16xf32>,
        %parallel_loop3A_260 = arith.constant 48 : i32
        %parallel_loop3A_261 = arith.addi %parallel_loop3A_103, %parallel_loop3A_260 : i32
        %parallel_loop3A_262 = arith.index_cast %parallel_loop3A_261 : i32 to index
        %parallel_loop3A_263 = tpu.vector_load %arg9[%parallel_loop3A_262] {strides = array<i32>} : memref<81920xf32, #tpu.memory_space<vmem>>, vector<16xf32>,
        tpu.vector_store %arg9[%parallel_loop3A_262], %parallel_loop3A_259 {add = true, strides = array<i32>} : memref<81920xf32, #tpu.memory_space<vmem>>, vector<16xf32>,
        %parallel_loop3A_264 = arith.constant 16 : i32
        %parallel_loop3A_265 = arith.muli %parallel_loop3A_91, %parallel_loop3A_264 : i32
        %parallel_loop3A_266 = arith.constant 2 : i32
        %parallel_loop3A_267 = arith.addi %parallel_loop3A_265, %parallel_loop3A_266 : i32
        %parallel_loop3A_268 = arith.constant 0 : i32
        %parallel_loop3A_269 = arith.addi %mul3A_11, %parallel_loop3A_268 : i32
        %parallel_loop3A_270 = arith.index_cast %parallel_loop3A_267 : i32 to index
        %parallel_loop3A_271 = arith.index_cast %parallel_loop3A_269 : i32 to index
        %parallel_loop3A_272 = tpu.vector_load %arg5[%parallel_loop3A_270, %parallel_loop3A_271] {strides = array<i32>} : memref<128x128xf32, #tpu.memory_space<vmem>>, vector<16xf32>,
        %parallel_loop3A_273 = arith.constant 0 : i32
        %parallel_loop3A_274 = arith.addi %parallel_loop3A_107, %parallel_loop3A_273 : i32
        %parallel_loop3A_275 = arith.index_cast %parallel_loop3A_274 : i32 to index
        %parallel_loop3A_276 = tpu.vector_load %arg9[%parallel_loop3A_275] {strides = array<i32>} : memref<81920xf32, #tpu.memory_space<vmem>>, vector<16xf32>,
        tpu.vector_store %arg9[%parallel_loop3A_275], %parallel_loop3A_272 {add = true, strides = array<i32>} : memref<81920xf32, #tpu.memory_space<vmem>>, vector<16xf32>,
        %parallel_loop3A_277 = arith.constant 16 : i32
        %parallel_loop3A_278 = arith.muli %parallel_loop3A_91, %parallel_loop3A_277 : i32
        %parallel_loop3A_279 = arith.constant 2 : i32
        %parallel_loop3A_280 = arith.addi %parallel_loop3A_278, %parallel_loop3A_279 : i32
        %parallel_loop3A_281 = arith.constant 16 : i32
        %parallel_loop3A_282 = arith.addi %mul3A_11, %parallel_loop3A_281 : i32
        %parallel_loop3A_283 = arith.index_cast %parallel_loop3A_280 : i32 to index
        %parallel_loop3A_284 = arith.index_cast %parallel_loop3A_282 : i32 to index
        %parallel_loop3A_285 = tpu.vector_load %arg5[%parallel_loop3A_283, %parallel_loop3A_284] {strides = array<i32>} : memref<128x128xf32, #tpu.memory_space<vmem>>, vector<16xf32>,
        %parallel_loop3A_286 = arith.constant 16 : i32
        %parallel_loop3A_287 = arith.addi %parallel_loop3A_107, %parallel_loop3A_286 : i32
        %parallel_loop3A_288 = arith.index_cast %parallel_loop3A_287 : i32 to index
        %parallel_loop3A_289 = tpu.vector_load %arg9[%parallel_loop3A_288] {strides = array<i32>} : memref<81920xf32, #tpu.memory_space<vmem>>, vector<16xf32>,
        tpu.vector_store %arg9[%parallel_loop3A_288], %parallel_loop3A_285 {add = true, strides = array<i32>} : memref<81920xf32, #tpu.memory_space<vmem>>, vector<16xf32>,
        %parallel_loop3A_290 = arith.constant 16 : i32
        %parallel_loop3A_291 = arith.muli %parallel_loop3A_91, %parallel_loop3A_290 : i32
        %parallel_loop3A_292 = arith.constant 2 : i32
        %parallel_loop3A_293 = arith.addi %parallel_loop3A_291, %parallel_loop3A_292 : i32
        %parallel_loop3A_294 = arith.constant 32 : i32
        %parallel_loop3A_295 = arith.addi %mul3A_11, %parallel_loop3A_294 : i32
        %parallel_loop3A_296 = arith.index_cast %parallel_loop3A_293 : i32 to index
        %parallel_loop3A_297 = arith.index_cast %parallel_loop3A_295 : i32 to index
        %parallel_loop3A_298 = tpu.vector_load %arg5[%parallel_loop3A_296, %parallel_loop3A_297] {strides = array<i32>} : memref<128x128xf32, #tpu.memory_space<vmem>>, vector<16xf32>,
        %parallel_loop3A_299 = arith.constant 32 : i32
        %parallel_loop3A_300 = arith.addi %parallel_loop3A_107, %parallel_loop3A_299 : i32
        %parallel_loop3A_301 = arith.index_cast %parallel_loop3A_300 : i32 to index
        %parallel_loop3A_302 = tpu.vector_load %arg9[%parallel_loop3A_301] {strides = array<i32>} : memref<81920xf32, #tpu.memory_space<vmem>>, vector<16xf32>,
        tpu.vector_store %arg9[%parallel_loop3A_301], %parallel_loop3A_298 {add = true, strides = array<i32>} : memref<81920xf32, #tpu.memory_space<vmem>>, vector<16xf32>,
        %parallel_loop3A_303 = arith.constant 16 : i32
        %parallel_loop3A_304 = arith.muli %parallel_loop3A_91, %parallel_loop3A_303 : i32
        %parallel_loop3A_305 = arith.constant 2 : i32
        %parallel_loop3A_306 = arith.addi %parallel_loop3A_304, %parallel_loop3A_305 : i32
        %parallel_loop3A_307 = arith.constant 48 : i32
        %parallel_loop3A_308 = arith.addi %mul3A_11, %parallel_loop3A_307 : i32
        %parallel_loop3A_309 = arith.index_cast %parallel_loop3A_306 : i32 to index
        %parallel_loop3A_310 = arith.index_cast %parallel_loop3A_308 : i32 to index
        %parallel_loop3A_311 = tpu.vector_load %arg5[%parallel_loop3A_309, %parallel_loop3A_310] {strides = array<i32>} : memref<128x128xf32, #tpu.memory_space<vmem>>, vector<16xf32>,
        %parallel_loop3A_312 = arith.constant 48 : i32
        %parallel_loop3A_313 = arith.addi %parallel_loop3A_107, %parallel_loop3A_312 : i32
        %parallel_loop3A_314 = arith.index_cast %parallel_loop3A_313 : i32 to index
        %parallel_loop3A_315 = tpu.vector_load %arg9[%parallel_loop3A_314] {strides = array<i32>} : memref<81920xf32, #tpu.memory_space<vmem>>, vector<16xf32>,
        tpu.vector_store %arg9[%parallel_loop3A_314], %parallel_loop3A_311 {add = true, strides = array<i32>} : memref<81920xf32, #tpu.memory_space<vmem>>, vector<16xf32>,
        %parallel_loop3A_316 = arith.constant 16 : i32
        %parallel_loop3A_317 = arith.muli %parallel_loop3A_91, %parallel_loop3A_316 : i32
        %parallel_loop3A_318 = arith.constant 3 : i32
        %parallel_loop3A_319 = arith.addi %parallel_loop3A_317, %parallel_loop3A_318 : i32
        %parallel_loop3A_320 = arith.constant 0 : i32
        %parallel_loop3A_321 = arith.addi %mul3A_11, %parallel_loop3A_320 : i32
        %parallel_loop3A_322 = arith.index_cast %parallel_loop3A_319 : i32 to index
        %parallel_loop3A_323 = arith.index_cast %parallel_loop3A_321 : i32 to index
        %parallel_loop3A_324 = tpu.vector_load %arg5[%parallel_loop3A_322, %parallel_loop3A_323] {strides = array<i32>} : memref<128x128xf32, #tpu.memory_space<vmem>>, vector<16xf32>,
        %parallel_loop3A_325 = arith.constant 0 : i32
        %parallel_loop3A_326 = arith.addi %parallel_loop3A_111, %parallel_loop3A_325 : i32
        %parallel_loop3A_327 = arith.index_cast %parallel_loop3A_326 : i32 to index
        %parallel_loop3A_328 = tpu.vector_load %arg9[%parallel_loop3A_327] {strides = array<i32>} : memref<81920xf32, #tpu.memory_space<vmem>>, vector<16xf32>,
        tpu.vector_store %arg9[%parallel_loop3A_327], %parallel_loop3A_324 {add = true, strides = array<i32>} : memref<81920xf32, #tpu.memory_space<vmem>>, vector<16xf32>,
        %parallel_loop3A_329 = arith.constant 16 : i32
        %parallel_loop3A_330 = arith.muli %parallel_loop3A_91, %parallel_loop3A_329 : i32
        %parallel_loop3A_331 = arith.constant 3 : i32
        %parallel_loop3A_332 = arith.addi %parallel_loop3A_330, %parallel_loop3A_331 : i32
        %parallel_loop3A_333 = arith.constant 16 : i32
        %parallel_loop3A_334 = arith.addi %mul3A_11, %parallel_loop3A_333 : i32
        %parallel_loop3A_335 = arith.index_cast %parallel_loop3A_332 : i32 to index
        %parallel_loop3A_336 = arith.index_cast %parallel_loop3A_334 : i32 to index
        %parallel_loop3A_337 = tpu.vector_load %arg5[%parallel_loop3A_335, %parallel_loop3A_336] {strides = array<i32>} : memref<128x128xf32, #tpu.memory_space<vmem>>, vector<16xf32>,
        %parallel_loop3A_338 = arith.constant 16 : i32
        %parallel_loop3A_339 = arith.addi %parallel_loop3A_111, %parallel_loop3A_338 : i32
        %parallel_loop3A_340 = arith.index_cast %parallel_loop3A_339 : i32 to index
        %parallel_loop3A_341 = tpu.vector_load %arg9[%parallel_loop3A_340] {strides = array<i32>} : memref<81920xf32, #tpu.memory_space<vmem>>, vector<16xf32>,
        tpu.vector_store %arg9[%parallel_loop3A_340], %parallel_loop3A_337 {add = true, strides = array<i32>} : memref<81920xf32, #tpu.memory_space<vmem>>, vector<16xf32>,
        %parallel_loop3A_342 = arith.constant 16 : i32
        %parallel_loop3A_343 = arith.muli %parallel_loop3A_91, %parallel_loop3A_342 : i32
        %parallel_loop3A_344 = arith.constant 3 : i32
        %parallel_loop3A_345 = arith.addi %parallel_loop3A_343, %parallel_loop3A_344 : i32
        %parallel_loop3A_346 = arith.constant 32 : i32
        %parallel_loop3A_347 = arith.addi %mul3A_11, %parallel_loop3A_346 : i32
        %parallel_loop3A_348 = arith.index_cast %parallel_loop3A_345 : i32 to index
        %parallel_loop3A_349 = arith.index_cast %parallel_loop3A_347 : i32 to index
        %parallel_loop3A_350 = tpu.vector_load %arg5[%parallel_loop3A_348, %parallel_loop3A_349] {strides = array<i32>} : memref<128x128xf32, #tpu.memory_space<vmem>>, vector<16xf32>,
        %parallel_loop3A_351 = arith.constant 32 : i32
        %parallel_loop3A_352 = arith.addi %parallel_loop3A_111, %parallel_loop3A_351 : i32
        %parallel_loop3A_353 = arith.index_cast %parallel_loop3A_352 : i32 to index
        %parallel_loop3A_354 = tpu.vector_load %arg9[%parallel_loop3A_353] {strides = array<i32>} : memref<81920xf32, #tpu.memory_space<vmem>>, vector<16xf32>,
        tpu.vector_store %arg9[%parallel_loop3A_353], %parallel_loop3A_350 {add = true, strides = array<i32>} : memref<81920xf32, #tpu.memory_space<vmem>>, vector<16xf32>,
        %parallel_loop3A_355 = arith.constant 16 : i32
        %parallel_loop3A_356 = arith.muli %parallel_loop3A_91, %parallel_loop3A_355 : i32
        %parallel_loop3A_357 = arith.constant 3 : i32
        %parallel_loop3A_358 = arith.addi %parallel_loop3A_356, %parallel_loop3A_357 : i32
        %parallel_loop3A_359 = arith.constant 48 : i32
        %parallel_loop3A_360 = arith.addi %mul3A_11, %parallel_loop3A_359 : i32
        %parallel_loop3A_361 = arith.index_cast %parallel_loop3A_358 : i32 to index
        %parallel_loop3A_362 = arith.index_cast %parallel_loop3A_360 : i32 to index
        %parallel_loop3A_363 = tpu.vector_load %arg5[%parallel_loop3A_361, %parallel_loop3A_362] {strides = array<i32>} : memref<128x128xf32, #tpu.memory_space<vmem>>, vector<16xf32>,
        %parallel_loop3A_364 = arith.constant 48 : i32
        %parallel_loop3A_365 = arith.addi %parallel_loop3A_111, %parallel_loop3A_364 : i32
        %parallel_loop3A_366 = arith.index_cast %parallel_loop3A_365 : i32 to index
        %parallel_loop3A_367 = tpu.vector_load %arg9[%parallel_loop3A_366] {strides = array<i32>} : memref<81920xf32, #tpu.memory_space<vmem>>, vector<16xf32>,
        tpu.vector_store %arg9[%parallel_loop3A_366], %parallel_loop3A_363 {add = true, strides = array<i32>} : memref<81920xf32, #tpu.memory_space<vmem>>, vector<16xf32>,
        %parallel_loop3A_368 = arith.constant 16 : i32
        %parallel_loop3A_369 = arith.muli %parallel_loop3A_91, %parallel_loop3A_368 : i32
        %parallel_loop3A_370 = arith.constant 4 : i32
        %parallel_loop3A_371 = arith.addi %parallel_loop3A_369, %parallel_loop3A_370 : i32
        %parallel_loop3A_372 = arith.constant 0 : i32
        %parallel_loop3A_373 = arith.addi %mul3A_11, %parallel_loop3A_372 : i32
        %parallel_loop3A_374 = arith.index_cast %parallel_loop3A_371 : i32 to index
        %parallel_loop3A_375 = arith.index_cast %parallel_loop3A_373 : i32 to index
        %parallel_loop3A_376 = tpu.vector_load %arg5[%parallel_loop3A_374, %parallel_loop3A_375] {strides = array<i32>} : memref<128x128xf32, #tpu.memory_space<vmem>>, vector<16xf32>,
        %parallel_loop3A_377 = arith.constant 0 : i32
        %parallel_loop3A_378 = arith.addi %parallel_loop3A_115, %parallel_loop3A_377 : i32
        %parallel_loop3A_379 = arith.index_cast %parallel_loop3A_378 : i32 to index
        %parallel_loop3A_380 = tpu.vector_load %arg9[%parallel_loop3A_379] {strides = array<i32>} : memref<81920xf32, #tpu.memory_space<vmem>>, vector<16xf32>,
        tpu.vector_store %arg9[%parallel_loop3A_379], %parallel_loop3A_376 {add = true, strides = array<i32>} : memref<81920xf32, #tpu.memory_space<vmem>>, vector<16xf32>,
        %parallel_loop3A_381 = arith.constant 16 : i32
        %parallel_loop3A_382 = arith.muli %parallel_loop3A_91, %parallel_loop3A_381 : i32
        %parallel_loop3A_383 = arith.constant 4 : i32
        %parallel_loop3A_384 = arith.addi %parallel_loop3A_382, %parallel_loop3A_383 : i32
        %parallel_loop3A_385 = arith.constant 16 : i32
        %parallel_loop3A_386 = arith.addi %mul3A_11, %parallel_loop3A_385 : i32
        %parallel_loop3A_387 = arith.index_cast %parallel_loop3A_384 : i32 to index
        %parallel_loop3A_388 = arith.index_cast %parallel_loop3A_386 : i32 to index
        %parallel_loop3A_389 = tpu.vector_load %arg5[%parallel_loop3A_387, %parallel_loop3A_388] {strides = array<i32>} : memref<128x128xf32, #tpu.memory_space<vmem>>, vector<16xf32>,
        %parallel_loop3A_390 = arith.constant 16 : i32
        %parallel_loop3A_391 = arith.addi %parallel_loop3A_115, %parallel_loop3A_390 : i32
        %parallel_loop3A_392 = arith.index_cast %parallel_loop3A_391 : i32 to index
        %parallel_loop3A_393 = tpu.vector_load %arg9[%parallel_loop3A_392] {strides = array<i32>} : memref<81920xf32, #tpu.memory_space<vmem>>, vector<16xf32>,
        tpu.vector_store %arg9[%parallel_loop3A_392], %parallel_loop3A_389 {add = true, strides = array<i32>} : memref<81920xf32, #tpu.memory_space<vmem>>, vector<16xf32>,
        %parallel_loop3A_394 = arith.constant 16 : i32
        %parallel_loop3A_395 = arith.muli %parallel_loop3A_91, %parallel_loop3A_394 : i32
        %parallel_loop3A_396 = arith.constant 4 : i32
        %parallel_loop3A_397 = arith.addi %parallel_loop3A_395, %parallel_loop3A_396 : i32
        %parallel_loop3A_398 = arith.constant 32 : i32
        %parallel_loop3A_399 = arith.addi %mul3A_11, %parallel_loop3A_398 : i32
        %parallel_loop3A_400 = arith.index_cast %parallel_loop3A_397 : i32 to index
        %parallel_loop3A_401 = arith.index_cast %parallel_loop3A_399 : i32 to index
        %parallel_loop3A_402 = tpu.vector_load %arg5[%parallel_loop3A_400, %parallel_loop3A_401] {strides = array<i32>} : memref<128x128xf32, #tpu.memory_space<vmem>>, vector<16xf32>,
        %parallel_loop3A_403 = arith.constant 32 : i32
        %parallel_loop3A_404 = arith.addi %parallel_loop3A_115, %parallel_loop3A_403 : i32
        %parallel_loop3A_405 = arith.index_cast %parallel_loop3A_404 : i32 to index
        %parallel_loop3A_406 = tpu.vector_load %arg9[%parallel_loop3A_405] {strides = array<i32>} : memref<81920xf32, #tpu.memory_space<vmem>>, vector<16xf32>,
        tpu.vector_store %arg9[%parallel_loop3A_405], %parallel_loop3A_402 {add = true, strides = array<i32>} : memref<81920xf32, #tpu.memory_space<vmem>>, vector<16xf32>,
        %parallel_loop3A_407 = arith.constant 16 : i32
        %parallel_loop3A_408 = arith.muli %parallel_loop3A_91, %parallel_loop3A_407 : i32
        %parallel_loop3A_409 = arith.constant 4 : i32
        %parallel_loop3A_410 = arith.addi %parallel_loop3A_408, %parallel_loop3A_409 : i32
        %parallel_loop3A_411 = arith.constant 48 : i32
        %parallel_loop3A_412 = arith.addi %mul3A_11, %parallel_loop3A_411 : i32
        %parallel_loop3A_413 = arith.index_cast %parallel_loop3A_410 : i32 to index
        %parallel_loop3A_414 = arith.index_cast %parallel_loop3A_412 : i32 to index
        %parallel_loop3A_415 = tpu.vector_load %arg5[%parallel_loop3A_413, %parallel_loop3A_414] {strides = array<i32>} : memref<128x128xf32, #tpu.memory_space<vmem>>, vector<16xf32>,
        %parallel_loop3A_416 = arith.constant 48 : i32
        %parallel_loop3A_417 = arith.addi %parallel_loop3A_115, %parallel_loop3A_416 : i32
        %parallel_loop3A_418 = arith.index_cast %parallel_loop3A_417 : i32 to index
        %parallel_loop3A_419 = tpu.vector_load %arg9[%parallel_loop3A_418] {strides = array<i32>} : memref<81920xf32, #tpu.memory_space<vmem>>, vector<16xf32>,
        tpu.vector_store %arg9[%parallel_loop3A_418], %parallel_loop3A_415 {add = true, strides = array<i32>} : memref<81920xf32, #tpu.memory_space<vmem>>, vector<16xf32>,
        %parallel_loop3A_420 = arith.constant 16 : i32
        %parallel_loop3A_421 = arith.muli %parallel_loop3A_91, %parallel_loop3A_420 : i32
        %parallel_loop3A_422 = arith.constant 5 : i32
        %parallel_loop3A_423 = arith.addi %parallel_loop3A_421, %parallel_loop3A_422 : i32
        %parallel_loop3A_424 = arith.constant 0 : i32
        %parallel_loop3A_425 = arith.addi %mul3A_11, %parallel_loop3A_424 : i32
        %parallel_loop3A_426 = arith.index_cast %parallel_loop3A_423 : i32 to index
        %parallel_loop3A_427 = arith.index_cast %parallel_loop3A_425 : i32 to index
        %parallel_loop3A_428 = tpu.vector_load %arg5[%parallel_loop3A_426, %parallel_loop3A_427] {strides = array<i32>} : memref<128x128xf32, #tpu.memory_space<vmem>>, vector<16xf32>,
        %parallel_loop3A_429 = arith.constant 0 : i32
        %parallel_loop3A_430 = arith.addi %parallel_loop3A_119, %parallel_loop3A_429 : i32
        %parallel_loop3A_431 = arith.index_cast %parallel_loop3A_430 : i32 to index
        %parallel_loop3A_432 = tpu.vector_load %arg9[%parallel_loop3A_431] {strides = array<i32>} : memref<81920xf32, #tpu.memory_space<vmem>>, vector<16xf32>,
        tpu.vector_store %arg9[%parallel_loop3A_431], %parallel_loop3A_428 {add = true, strides = array<i32>} : memref<81920xf32, #tpu.memory_space<vmem>>, vector<16xf32>,
        %parallel_loop3A_433 = arith.constant 16 : i32
        %parallel_loop3A_434 = arith.muli %parallel_loop3A_91, %parallel_loop3A_433 : i32
        %parallel_loop3A_435 = arith.constant 5 : i32
        %parallel_loop3A_436 = arith.addi %parallel_loop3A_434, %parallel_loop3A_435 : i32
        %parallel_loop3A_437 = arith.constant 16 : i32
        %parallel_loop3A_438 = arith.addi %mul3A_11, %parallel_loop3A_437 : i32
        %parallel_loop3A_439 = arith.index_cast %parallel_loop3A_436 : i32 to index
        %parallel_loop3A_440 = arith.index_cast %parallel_loop3A_438 : i32 to index
        %parallel_loop3A_441 = tpu.vector_load %arg5[%parallel_loop3A_439, %parallel_loop3A_440] {strides = array<i32>} : memref<128x128xf32, #tpu.memory_space<vmem>>, vector<16xf32>,
        %parallel_loop3A_442 = arith.constant 16 : i32
        %parallel_loop3A_443 = arith.addi %parallel_loop3A_119, %parallel_loop3A_442 : i32
        %parallel_loop3A_444 = arith.index_cast %parallel_loop3A_443 : i32 to index
        %parallel_loop3A_445 = tpu.vector_load %arg9[%parallel_loop3A_444] {strides = array<i32>} : memref<81920xf32, #tpu.memory_space<vmem>>, vector<16xf32>,
        tpu.vector_store %arg9[%parallel_loop3A_444], %parallel_loop3A_441 {add = true, strides = array<i32>} : memref<81920xf32, #tpu.memory_space<vmem>>, vector<16xf32>,
        %parallel_loop3A_446 = arith.constant 16 : i32
        %parallel_loop3A_447 = arith.muli %parallel_loop3A_91, %parallel_loop3A_446 : i32
        %parallel_loop3A_448 = arith.constant 5 : i32
        %parallel_loop3A_449 = arith.addi %parallel_loop3A_447, %parallel_loop3A_448 : i32
        %parallel_loop3A_450 = arith.constant 32 : i32
        %parallel_loop3A_451 = arith.addi %mul3A_11, %parallel_loop3A_450 : i32
        %parallel_loop3A_452 = arith.index_cast %parallel_loop3A_449 : i32 to index
        %parallel_loop3A_453 = arith.index_cast %parallel_loop3A_451 : i32 to index
        %parallel_loop3A_454 = tpu.vector_load %arg5[%parallel_loop3A_452, %parallel_loop3A_453] {strides = array<i32>} : memref<128x128xf32, #tpu.memory_space<vmem>>, vector<16xf32>,
        %parallel_loop3A_455 = arith.constant 32 : i32
        %parallel_loop3A_456 = arith.addi %parallel_loop3A_119, %parallel_loop3A_455 : i32
        %parallel_loop3A_457 = arith.index_cast %parallel_loop3A_456 : i32 to index
        %parallel_loop3A_458 = tpu.vector_load %arg9[%parallel_loop3A_457] {strides = array<i32>} : memref<81920xf32, #tpu.memory_space<vmem>>, vector<16xf32>,
        tpu.vector_store %arg9[%parallel_loop3A_457], %parallel_loop3A_454 {add = true, strides = array<i32>} : memref<81920xf32, #tpu.memory_space<vmem>>, vector<16xf32>,
        %parallel_loop3A_459 = arith.constant 16 : i32
        %parallel_loop3A_460 = arith.muli %parallel_loop3A_91, %parallel_loop3A_459 : i32
        %parallel_loop3A_461 = arith.constant 5 : i32
        %parallel_loop3A_462 = arith.addi %parallel_loop3A_460, %parallel_loop3A_461 : i32
        %parallel_loop3A_463 = arith.constant 48 : i32
        %parallel_loop3A_464 = arith.addi %mul3A_11, %parallel_loop3A_463 : i32
        %parallel_loop3A_465 = arith.index_cast %parallel_loop3A_462 : i32 to index
        %parallel_loop3A_466 = arith.index_cast %parallel_loop3A_464 : i32 to index
        %parallel_loop3A_467 = tpu.vector_load %arg5[%parallel_loop3A_465, %parallel_loop3A_466] {strides = array<i32>} : memref<128x128xf32, #tpu.memory_space<vmem>>, vector<16xf32>,
        %parallel_loop3A_468 = arith.constant 48 : i32
        %parallel_loop3A_469 = arith.addi %parallel_loop3A_119, %parallel_loop3A_468 : i32
        %parallel_loop3A_470 = arith.index_cast %parallel_loop3A_469 : i32 to index
        %parallel_loop3A_471 = tpu.vector_load %arg9[%parallel_loop3A_470] {strides = array<i32>} : memref<81920xf32, #tpu.memory_space<vmem>>, vector<16xf32>,
        tpu.vector_store %arg9[%parallel_loop3A_470], %parallel_loop3A_467 {add = true, strides = array<i32>} : memref<81920xf32, #tpu.memory_space<vmem>>, vector<16xf32>,
        %parallel_loop3A_472 = arith.constant 16 : i32
        %parallel_loop3A_473 = arith.muli %parallel_loop3A_91, %parallel_loop3A_472 : i32
        %parallel_loop3A_474 = arith.constant 6 : i32
        %parallel_loop3A_475 = arith.addi %parallel_loop3A_473, %parallel_loop3A_474 : i32
        %parallel_loop3A_476 = arith.constant 0 : i32
        %parallel_loop3A_477 = arith.addi %mul3A_11, %parallel_loop3A_476 : i32
        %parallel_loop3A_478 = arith.index_cast %parallel_loop3A_475 : i32 to index
        %parallel_loop3A_479 = arith.index_cast %parallel_loop3A_477 : i32 to index
        %parallel_loop3A_480 = tpu.vector_load %arg5[%parallel_loop3A_478, %parallel_loop3A_479] {strides = array<i32>} : memref<128x128xf32, #tpu.memory_space<vmem>>, vector<16xf32>,
        %parallel_loop3A_481 = arith.constant 0 : i32
        %parallel_loop3A_482 = arith.addi %parallel_loop3A_123, %parallel_loop3A_481 : i32
        %parallel_loop3A_483 = arith.index_cast %parallel_loop3A_482 : i32 to index
        %parallel_loop3A_484 = tpu.vector_load %arg9[%parallel_loop3A_483] {strides = array<i32>} : memref<81920xf32, #tpu.memory_space<vmem>>, vector<16xf32>,
        tpu.vector_store %arg9[%parallel_loop3A_483], %parallel_loop3A_480 {add = true, strides = array<i32>} : memref<81920xf32, #tpu.memory_space<vmem>>, vector<16xf32>,
        %parallel_loop3A_485 = arith.constant 16 : i32
        %parallel_loop3A_486 = arith.muli %parallel_loop3A_91, %parallel_loop3A_485 : i32
        %parallel_loop3A_487 = arith.constant 6 : i32
        %parallel_loop3A_488 = arith.addi %parallel_loop3A_486, %parallel_loop3A_487 : i32
        %parallel_loop3A_489 = arith.constant 16 : i32
        %parallel_loop3A_490 = arith.addi %mul3A_11, %parallel_loop3A_489 : i32
        %parallel_loop3A_491 = arith.index_cast %parallel_loop3A_488 : i32 to index
        %parallel_loop3A_492 = arith.index_cast %parallel_loop3A_490 : i32 to index
        %parallel_loop3A_493 = tpu.vector_load %arg5[%parallel_loop3A_491, %parallel_loop3A_492] {strides = array<i32>} : memref<128x128xf32, #tpu.memory_space<vmem>>, vector<16xf32>,
        %parallel_loop3A_494 = arith.constant 16 : i32
        %parallel_loop3A_495 = arith.addi %parallel_loop3A_123, %parallel_loop3A_494 : i32
        %parallel_loop3A_496 = arith.index_cast %parallel_loop3A_495 : i32 to index
        %parallel_loop3A_497 = tpu.vector_load %arg9[%parallel_loop3A_496] {strides = array<i32>} : memref<81920xf32, #tpu.memory_space<vmem>>, vector<16xf32>,
        tpu.vector_store %arg9[%parallel_loop3A_496], %parallel_loop3A_493 {add = true, strides = array<i32>} : memref<81920xf32, #tpu.memory_space<vmem>>, vector<16xf32>,
        %parallel_loop3A_498 = arith.constant 16 : i32
        %parallel_loop3A_499 = arith.muli %parallel_loop3A_91, %parallel_loop3A_498 : i32
        %parallel_loop3A_500 = arith.constant 6 : i32
        %parallel_loop3A_501 = arith.addi %parallel_loop3A_499, %parallel_loop3A_500 : i32
        %parallel_loop3A_502 = arith.constant 32 : i32
        %parallel_loop3A_503 = arith.addi %mul3A_11, %parallel_loop3A_502 : i32
        %parallel_loop3A_504 = arith.index_cast %parallel_loop3A_501 : i32 to index
        %parallel_loop3A_505 = arith.index_cast %parallel_loop3A_503 : i32 to index
        %parallel_loop3A_506 = tpu.vector_load %arg5[%parallel_loop3A_504, %parallel_loop3A_505] {strides = array<i32>} : memref<128x128xf32, #tpu.memory_space<vmem>>, vector<16xf32>,
        %parallel_loop3A_507 = arith.constant 32 : i32
        %parallel_loop3A_508 = arith.addi %parallel_loop3A_123, %parallel_loop3A_507 : i32
        %parallel_loop3A_509 = arith.index_cast %parallel_loop3A_508 : i32 to index
        %parallel_loop3A_510 = tpu.vector_load %arg9[%parallel_loop3A_509] {strides = array<i32>} : memref<81920xf32, #tpu.memory_space<vmem>>, vector<16xf32>,
        tpu.vector_store %arg9[%parallel_loop3A_509], %parallel_loop3A_506 {add = true, strides = array<i32>} : memref<81920xf32, #tpu.memory_space<vmem>>, vector<16xf32>,
        %parallel_loop3A_511 = arith.constant 16 : i32
        %parallel_loop3A_512 = arith.muli %parallel_loop3A_91, %parallel_loop3A_511 : i32
        %parallel_loop3A_513 = arith.constant 6 : i32
        %parallel_loop3A_514 = arith.addi %parallel_loop3A_512, %parallel_loop3A_513 : i32
        %parallel_loop3A_515 = arith.constant 48 : i32
        %parallel_loop3A_516 = arith.addi %mul3A_11, %parallel_loop3A_515 : i32
        %parallel_loop3A_517 = arith.index_cast %parallel_loop3A_514 : i32 to index
        %parallel_loop3A_518 = arith.index_cast %parallel_loop3A_516 : i32 to index
        %parallel_loop3A_519 = tpu.vector_load %arg5[%parallel_loop3A_517, %parallel_loop3A_518] {strides = array<i32>} : memref<128x128xf32, #tpu.memory_space<vmem>>, vector<16xf32>,
        %parallel_loop3A_520 = arith.constant 48 : i32
        %parallel_loop3A_521 = arith.addi %parallel_loop3A_123, %parallel_loop3A_520 : i32
        %parallel_loop3A_522 = arith.index_cast %parallel_loop3A_521 : i32 to index
        %parallel_loop3A_523 = tpu.vector_load %arg9[%parallel_loop3A_522] {strides = array<i32>} : memref<81920xf32, #tpu.memory_space<vmem>>, vector<16xf32>,
        tpu.vector_store %arg9[%parallel_loop3A_522], %parallel_loop3A_519 {add = true, strides = array<i32>} : memref<81920xf32, #tpu.memory_space<vmem>>, vector<16xf32>,
        %parallel_loop3A_524 = arith.constant 16 : i32
        %parallel_loop3A_525 = arith.muli %parallel_loop3A_91, %parallel_loop3A_524 : i32
        %parallel_loop3A_526 = arith.constant 7 : i32
        %parallel_loop3A_527 = arith.addi %parallel_loop3A_525, %parallel_loop3A_526 : i32
        %parallel_loop3A_528 = arith.constant 0 : i32
        %parallel_loop3A_529 = arith.addi %mul3A_11, %parallel_loop3A_528 : i32
        %parallel_loop3A_530 = arith.index_cast %parallel_loop3A_527 : i32 to index
        %parallel_loop3A_531 = arith.index_cast %parallel_loop3A_529 : i32 to index
        %parallel_loop3A_532 = tpu.vector_load %arg5[%parallel_loop3A_530, %parallel_loop3A_531] {strides = array<i32>} : memref<128x128xf32, #tpu.memory_space<vmem>>, vector<16xf32>,
        %parallel_loop3A_533 = arith.constant 0 : i32
        %parallel_loop3A_534 = arith.addi %parallel_loop3A_127, %parallel_loop3A_533 : i32
        %parallel_loop3A_535 = arith.index_cast %parallel_loop3A_534 : i32 to index
        %parallel_loop3A_536 = tpu.vector_load %arg9[%parallel_loop3A_535] {strides = array<i32>} : memref<81920xf32, #tpu.memory_space<vmem>>, vector<16xf32>,
        tpu.vector_store %arg9[%parallel_loop3A_535], %parallel_loop3A_532 {add = true, strides = array<i32>} : memref<81920xf32, #tpu.memory_space<vmem>>, vector<16xf32>,
        %parallel_loop3A_537 = arith.constant 16 : i32
        %parallel_loop3A_538 = arith.muli %parallel_loop3A_91, %parallel_loop3A_537 : i32
        %parallel_loop3A_539 = arith.constant 7 : i32
        %parallel_loop3A_540 = arith.addi %parallel_loop3A_538, %parallel_loop3A_539 : i32
        %parallel_loop3A_541 = arith.constant 16 : i32
        %parallel_loop3A_542 = arith.addi %mul3A_11, %parallel_loop3A_541 : i32
        %parallel_loop3A_543 = arith.index_cast %parallel_loop3A_540 : i32 to index
        %parallel_loop3A_544 = arith.index_cast %parallel_loop3A_542 : i32 to index
        %parallel_loop3A_545 = tpu.vector_load %arg5[%parallel_loop3A_543, %parallel_loop3A_544] {strides = array<i32>} : memref<128x128xf32, #tpu.memory_space<vmem>>, vector<16xf32>,
        %parallel_loop3A_546 = arith.constant 16 : i32
        %parallel_loop3A_547 = arith.addi %parallel_loop3A_127, %parallel_loop3A_546 : i32
        %parallel_loop3A_548 = arith.index_cast %parallel_loop3A_547 : i32 to index
        %parallel_loop3A_549 = tpu.vector_load %arg9[%parallel_loop3A_548] {strides = array<i32>} : memref<81920xf32, #tpu.memory_space<vmem>>, vector<16xf32>,
        tpu.vector_store %arg9[%parallel_loop3A_548], %parallel_loop3A_545 {add = true, strides = array<i32>} : memref<81920xf32, #tpu.memory_space<vmem>>, vector<16xf32>,
        %parallel_loop3A_550 = arith.constant 16 : i32
        %parallel_loop3A_551 = arith.muli %parallel_loop3A_91, %parallel_loop3A_550 : i32
        %parallel_loop3A_552 = arith.constant 7 : i32
        %parallel_loop3A_553 = arith.addi %parallel_loop3A_551, %parallel_loop3A_552 : i32
        %parallel_loop3A_554 = arith.constant 32 : i32
        %parallel_loop3A_555 = arith.addi %mul3A_11, %parallel_loop3A_554 : i32
        %parallel_loop3A_556 = arith.index_cast %parallel_loop3A_553 : i32 to index
        %parallel_loop3A_557 = arith.index_cast %parallel_loop3A_555 : i32 to index
        %parallel_loop3A_558 = tpu.vector_load %arg5[%parallel_loop3A_556, %parallel_loop3A_557] {strides = array<i32>} : memref<128x128xf32, #tpu.memory_space<vmem>>, vector<16xf32>,
        %parallel_loop3A_559 = arith.constant 32 : i32
        %parallel_loop3A_560 = arith.addi %parallel_loop3A_127, %parallel_loop3A_559 : i32
        %parallel_loop3A_561 = arith.index_cast %parallel_loop3A_560 : i32 to index
        %parallel_loop3A_562 = tpu.vector_load %arg9[%parallel_loop3A_561] {strides = array<i32>} : memref<81920xf32, #tpu.memory_space<vmem>>, vector<16xf32>,
        tpu.vector_store %arg9[%parallel_loop3A_561], %parallel_loop3A_558 {add = true, strides = array<i32>} : memref<81920xf32, #tpu.memory_space<vmem>>, vector<16xf32>,
        %parallel_loop3A_563 = arith.constant 16 : i32
        %parallel_loop3A_564 = arith.muli %parallel_loop3A_91, %parallel_loop3A_563 : i32
        %parallel_loop3A_565 = arith.constant 7 : i32
        %parallel_loop3A_566 = arith.addi %parallel_loop3A_564, %parallel_loop3A_565 : i32
        %parallel_loop3A_567 = arith.constant 48 : i32
        %parallel_loop3A_568 = arith.addi %mul3A_11, %parallel_loop3A_567 : i32
        %parallel_loop3A_569 = arith.index_cast %parallel_loop3A_566 : i32 to index
        %parallel_loop3A_570 = arith.index_cast %parallel_loop3A_568 : i32 to index
        %parallel_loop3A_571 = tpu.vector_load %arg5[%parallel_loop3A_569, %parallel_loop3A_570] {strides = array<i32>} : memref<128x128xf32, #tpu.memory_space<vmem>>, vector<16xf32>,
        %parallel_loop3A_572 = arith.constant 48 : i32
        %parallel_loop3A_573 = arith.addi %parallel_loop3A_127, %parallel_loop3A_572 : i32
        %parallel_loop3A_574 = arith.index_cast %parallel_loop3A_573 : i32 to index
        %parallel_loop3A_575 = tpu.vector_load %arg9[%parallel_loop3A_574] {strides = array<i32>} : memref<81920xf32, #tpu.memory_space<vmem>>, vector<16xf32>,
        tpu.vector_store %arg9[%parallel_loop3A_574], %parallel_loop3A_571 {add = true, strides = array<i32>} : memref<81920xf32, #tpu.memory_space<vmem>>, vector<16xf32>,
        %parallel_loop3A_576 = arith.constant 16 : i32
        %parallel_loop3A_577 = arith.muli %parallel_loop3A_91, %parallel_loop3A_576 : i32
        %parallel_loop3A_578 = arith.constant 8 : i32
        %parallel_loop3A_579 = arith.addi %parallel_loop3A_577, %parallel_loop3A_578 : i32
        %parallel_loop3A_580 = arith.constant 0 : i32
        %parallel_loop3A_581 = arith.addi %mul3A_11, %parallel_loop3A_580 : i32
        %parallel_loop3A_582 = arith.index_cast %parallel_loop3A_579 : i32 to index
        %parallel_loop3A_583 = arith.index_cast %parallel_loop3A_581 : i32 to index
        %parallel_loop3A_584 = tpu.vector_load %arg5[%parallel_loop3A_582, %parallel_loop3A_583] {strides = array<i32>} : memref<128x128xf32, #tpu.memory_space<vmem>>, vector<16xf32>,
        %parallel_loop3A_585 = arith.constant 0 : i32
        %parallel_loop3A_586 = arith.addi %parallel_loop3A_131, %parallel_loop3A_585 : i32
        %parallel_loop3A_587 = arith.index_cast %parallel_loop3A_586 : i32 to index
        %parallel_loop3A_588 = tpu.vector_load %arg9[%parallel_loop3A_587] {strides = array<i32>} : memref<81920xf32, #tpu.memory_space<vmem>>, vector<16xf32>,
        tpu.vector_store %arg9[%parallel_loop3A_587], %parallel_loop3A_584 {add = true, strides = array<i32>} : memref<81920xf32, #tpu.memory_space<vmem>>, vector<16xf32>,
        %parallel_loop3A_589 = arith.constant 16 : i32
        %parallel_loop3A_590 = arith.muli %parallel_loop3A_91, %parallel_loop3A_589 : i32
        %parallel_loop3A_591 = arith.constant 8 : i32
        %parallel_loop3A_592 = arith.addi %parallel_loop3A_590, %parallel_loop3A_591 : i32
        %parallel_loop3A_593 = arith.constant 16 : i32
        %parallel_loop3A_594 = arith.addi %mul3A_11, %parallel_loop3A_593 : i32
        %parallel_loop3A_595 = arith.index_cast %parallel_loop3A_592 : i32 to index
        %parallel_loop3A_596 = arith.index_cast %parallel_loop3A_594 : i32 to index
        %parallel_loop3A_597 = tpu.vector_load %arg5[%parallel_loop3A_595, %parallel_loop3A_596] {strides = array<i32>} : memref<128x128xf32, #tpu.memory_space<vmem>>, vector<16xf32>,
        %parallel_loop3A_598 = arith.constant 16 : i32
        %parallel_loop3A_599 = arith.addi %parallel_loop3A_131, %parallel_loop3A_598 : i32
        %parallel_loop3A_600 = arith.index_cast %parallel_loop3A_599 : i32 to index
        %parallel_loop3A_601 = tpu.vector_load %arg9[%parallel_loop3A_600] {strides = array<i32>} : memref<81920xf32, #tpu.memory_space<vmem>>, vector<16xf32>,
        tpu.vector_store %arg9[%parallel_loop3A_600], %parallel_loop3A_597 {add = true, strides = array<i32>} : memref<81920xf32, #tpu.memory_space<vmem>>, vector<16xf32>,
        %parallel_loop3A_602 = arith.constant 16 : i32
        %parallel_loop3A_603 = arith.muli %parallel_loop3A_91, %parallel_loop3A_602 : i32
        %parallel_loop3A_604 = arith.constant 8 : i32
        %parallel_loop3A_605 = arith.addi %parallel_loop3A_603, %parallel_loop3A_604 : i32
        %parallel_loop3A_606 = arith.constant 32 : i32
        %parallel_loop3A_607 = arith.addi %mul3A_11, %parallel_loop3A_606 : i32
        %parallel_loop3A_608 = arith.index_cast %parallel_loop3A_605 : i32 to index
        %parallel_loop3A_609 = arith.index_cast %parallel_loop3A_607 : i32 to index
        %parallel_loop3A_610 = tpu.vector_load %arg5[%parallel_loop3A_608, %parallel_loop3A_609] {strides = array<i32>} : memref<128x128xf32, #tpu.memory_space<vmem>>, vector<16xf32>,
        %parallel_loop3A_611 = arith.constant 32 : i32
        %parallel_loop3A_612 = arith.addi %parallel_loop3A_131, %parallel_loop3A_611 : i32
        %parallel_loop3A_613 = arith.index_cast %parallel_loop3A_612 : i32 to index
        %parallel_loop3A_614 = tpu.vector_load %arg9[%parallel_loop3A_613] {strides = array<i32>} : memref<81920xf32, #tpu.memory_space<vmem>>, vector<16xf32>,
        tpu.vector_store %arg9[%parallel_loop3A_613], %parallel_loop3A_610 {add = true, strides = array<i32>} : memref<81920xf32, #tpu.memory_space<vmem>>, vector<16xf32>,
        %parallel_loop3A_615 = arith.constant 16 : i32
        %parallel_loop3A_616 = arith.muli %parallel_loop3A_91, %parallel_loop3A_615 : i32
        %parallel_loop3A_617 = arith.constant 8 : i32
        %parallel_loop3A_618 = arith.addi %parallel_loop3A_616, %parallel_loop3A_617 : i32
        %parallel_loop3A_619 = arith.constant 48 : i32
        %parallel_loop3A_620 = arith.addi %mul3A_11, %parallel_loop3A_619 : i32
        %parallel_loop3A_621 = arith.index_cast %parallel_loop3A_618 : i32 to index
        %parallel_loop3A_622 = arith.index_cast %parallel_loop3A_620 : i32 to index
        %parallel_loop3A_623 = tpu.vector_load %arg5[%parallel_loop3A_621, %parallel_loop3A_622] {strides = array<i32>} : memref<128x128xf32, #tpu.memory_space<vmem>>, vector<16xf32>,
        %parallel_loop3A_624 = arith.constant 48 : i32
        %parallel_loop3A_625 = arith.addi %parallel_loop3A_131, %parallel_loop3A_624 : i32
        %parallel_loop3A_626 = arith.index_cast %parallel_loop3A_625 : i32 to index
        %parallel_loop3A_627 = tpu.vector_load %arg9[%parallel_loop3A_626] {strides = array<i32>} : memref<81920xf32, #tpu.memory_space<vmem>>, vector<16xf32>,
        tpu.vector_store %arg9[%parallel_loop3A_626], %parallel_loop3A_623 {add = true, strides = array<i32>} : memref<81920xf32, #tpu.memory_space<vmem>>, vector<16xf32>,
        %parallel_loop3A_628 = arith.constant 16 : i32
        %parallel_loop3A_629 = arith.muli %parallel_loop3A_91, %parallel_loop3A_628 : i32
        %parallel_loop3A_630 = arith.constant 9 : i32
        %parallel_loop3A_631 = arith.addi %parallel_loop3A_629, %parallel_loop3A_630 : i32
        %parallel_loop3A_632 = arith.constant 0 : i32
        %parallel_loop3A_633 = arith.addi %mul3A_11, %parallel_loop3A_632 : i32
        %parallel_loop3A_634 = arith.index_cast %parallel_loop3A_631 : i32 to index
        %parallel_loop3A_635 = arith.index_cast %parallel_loop3A_633 : i32 to index
        %parallel_loop3A_636 = tpu.vector_load %arg5[%parallel_loop3A_634, %parallel_loop3A_635] {strides = array<i32>} : memref<128x128xf32, #tpu.memory_space<vmem>>, vector<16xf32>,
        %parallel_loop3A_637 = arith.constant 0 : i32
        %parallel_loop3A_638 = arith.addi %parallel_loop3A_135, %parallel_loop3A_637 : i32
        %parallel_loop3A_639 = arith.index_cast %parallel_loop3A_638 : i32 to index
        %parallel_loop3A_640 = tpu.vector_load %arg9[%parallel_loop3A_639] {strides = array<i32>} : memref<81920xf32, #tpu.memory_space<vmem>>, vector<16xf32>,
        tpu.vector_store %arg9[%parallel_loop3A_639], %parallel_loop3A_636 {add = true, strides = array<i32>} : memref<81920xf32, #tpu.memory_space<vmem>>, vector<16xf32>,
        %parallel_loop3A_641 = arith.constant 16 : i32
        %parallel_loop3A_642 = arith.muli %parallel_loop3A_91, %parallel_loop3A_641 : i32
        %parallel_loop3A_643 = arith.constant 9 : i32
        %parallel_loop3A_644 = arith.addi %parallel_loop3A_642, %parallel_loop3A_643 : i32
        %parallel_loop3A_645 = arith.constant 16 : i32
        %parallel_loop3A_646 = arith.addi %mul3A_11, %parallel_loop3A_645 : i32
        %parallel_loop3A_647 = arith.index_cast %parallel_loop3A_644 : i32 to index
        %parallel_loop3A_648 = arith.index_cast %parallel_loop3A_646 : i32 to index
        %parallel_loop3A_649 = tpu.vector_load %arg5[%parallel_loop3A_647, %parallel_loop3A_648] {strides = array<i32>} : memref<128x128xf32, #tpu.memory_space<vmem>>, vector<16xf32>,
        %parallel_loop3A_650 = arith.constant 16 : i32
        %parallel_loop3A_651 = arith.addi %parallel_loop3A_135, %parallel_loop3A_650 : i32
        %parallel_loop3A_652 = arith.index_cast %parallel_loop3A_651 : i32 to index
        %parallel_loop3A_653 = tpu.vector_load %arg9[%parallel_loop3A_652] {strides = array<i32>} : memref<81920xf32, #tpu.memory_space<vmem>>, vector<16xf32>,
        tpu.vector_store %arg9[%parallel_loop3A_652], %parallel_loop3A_649 {add = true, strides = array<i32>} : memref<81920xf32, #tpu.memory_space<vmem>>, vector<16xf32>,
        %parallel_loop3A_654 = arith.constant 16 : i32
        %parallel_loop3A_655 = arith.muli %parallel_loop3A_91, %parallel_loop3A_654 : i32
        %parallel_loop3A_656 = arith.constant 9 : i32
        %parallel_loop3A_657 = arith.addi %parallel_loop3A_655, %parallel_loop3A_656 : i32
        %parallel_loop3A_658 = arith.constant 32 : i32
        %parallel_loop3A_659 = arith.addi %mul3A_11, %parallel_loop3A_658 : i32
        %parallel_loop3A_660 = arith.index_cast %parallel_loop3A_657 : i32 to index
        %parallel_loop3A_661 = arith.index_cast %parallel_loop3A_659 : i32 to index
        %parallel_loop3A_662 = tpu.vector_load %arg5[%parallel_loop3A_660, %parallel_loop3A_661] {strides = array<i32>} : memref<128x128xf32, #tpu.memory_space<vmem>>, vector<16xf32>,
        %parallel_loop3A_663 = arith.constant 32 : i32
        %parallel_loop3A_664 = arith.addi %parallel_loop3A_135, %parallel_loop3A_663 : i32
        %parallel_loop3A_665 = arith.index_cast %parallel_loop3A_664 : i32 to index
        %parallel_loop3A_666 = tpu.vector_load %arg9[%parallel_loop3A_665] {strides = array<i32>} : memref<81920xf32, #tpu.memory_space<vmem>>, vector<16xf32>,
        tpu.vector_store %arg9[%parallel_loop3A_665], %parallel_loop3A_662 {add = true, strides = array<i32>} : memref<81920xf32, #tpu.memory_space<vmem>>, vector<16xf32>,
        %parallel_loop3A_667 = arith.constant 16 : i32
        %parallel_loop3A_668 = arith.muli %parallel_loop3A_91, %parallel_loop3A_667 : i32
        %parallel_loop3A_669 = arith.constant 9 : i32
        %parallel_loop3A_670 = arith.addi %parallel_loop3A_668, %parallel_loop3A_669 : i32
        %parallel_loop3A_671 = arith.constant 48 : i32
        %parallel_loop3A_672 = arith.addi %mul3A_11, %parallel_loop3A_671 : i32
        %parallel_loop3A_673 = arith.index_cast %parallel_loop3A_670 : i32 to index
        %parallel_loop3A_674 = arith.index_cast %parallel_loop3A_672 : i32 to index
        %parallel_loop3A_675 = tpu.vector_load %arg5[%parallel_loop3A_673, %parallel_loop3A_674] {strides = array<i32>} : memref<128x128xf32, #tpu.memory_space<vmem>>, vector<16xf32>,
        %parallel_loop3A_676 = arith.constant 48 : i32
        %parallel_loop3A_677 = arith.addi %parallel_loop3A_135, %parallel_loop3A_676 : i32
        %parallel_loop3A_678 = arith.index_cast %parallel_loop3A_677 : i32 to index
        %parallel_loop3A_679 = tpu.vector_load %arg9[%parallel_loop3A_678] {strides = array<i32>} : memref<81920xf32, #tpu.memory_space<vmem>>, vector<16xf32>,
        tpu.vector_store %arg9[%parallel_loop3A_678], %parallel_loop3A_675 {add = true, strides = array<i32>} : memref<81920xf32, #tpu.memory_space<vmem>>, vector<16xf32>,
        %parallel_loop3A_680 = arith.constant 16 : i32
        %parallel_loop3A_681 = arith.muli %parallel_loop3A_91, %parallel_loop3A_680 : i32
        %parallel_loop3A_682 = arith.constant 10 : i32
        %parallel_loop3A_683 = arith.addi %parallel_loop3A_681, %parallel_loop3A_682 : i32
        %parallel_loop3A_684 = arith.constant 0 : i32
        %parallel_loop3A_685 = arith.addi %mul3A_11, %parallel_loop3A_684 : i32
        %parallel_loop3A_686 = arith.index_cast %parallel_loop3A_683 : i32 to index
        %parallel_loop3A_687 = arith.index_cast %parallel_loop3A_685 : i32 to index
        %parallel_loop3A_688 = tpu.vector_load %arg5[%parallel_loop3A_686, %parallel_loop3A_687] {strides = array<i32>} : memref<128x128xf32, #tpu.memory_space<vmem>>, vector<16xf32>,
        %parallel_loop3A_689 = arith.constant 0 : i32
        %parallel_loop3A_690 = arith.addi %parallel_loop3A_139, %parallel_loop3A_689 : i32
        %parallel_loop3A_691 = arith.index_cast %parallel_loop3A_690 : i32 to index
        %parallel_loop3A_692 = tpu.vector_load %arg9[%parallel_loop3A_691] {strides = array<i32>} : memref<81920xf32, #tpu.memory_space<vmem>>, vector<16xf32>,
        tpu.vector_store %arg9[%parallel_loop3A_691], %parallel_loop3A_688 {add = true, strides = array<i32>} : memref<81920xf32, #tpu.memory_space<vmem>>, vector<16xf32>,
        %parallel_loop3A_693 = arith.constant 16 : i32
        %parallel_loop3A_694 = arith.muli %parallel_loop3A_91, %parallel_loop3A_693 : i32
        %parallel_loop3A_695 = arith.constant 10 : i32
        %parallel_loop3A_696 = arith.addi %parallel_loop3A_694, %parallel_loop3A_695 : i32
        %parallel_loop3A_697 = arith.constant 16 : i32
        %parallel_loop3A_698 = arith.addi %mul3A_11, %parallel_loop3A_697 : i32
        %parallel_loop3A_699 = arith.index_cast %parallel_loop3A_696 : i32 to index
        %parallel_loop3A_700 = arith.index_cast %parallel_loop3A_698 : i32 to index
        %parallel_loop3A_701 = tpu.vector_load %arg5[%parallel_loop3A_699, %parallel_loop3A_700] {strides = array<i32>} : memref<128x128xf32, #tpu.memory_space<vmem>>, vector<16xf32>,
        %parallel_loop3A_702 = arith.constant 16 : i32
        %parallel_loop3A_703 = arith.addi %parallel_loop3A_139, %parallel_loop3A_702 : i32
        %parallel_loop3A_704 = arith.index_cast %parallel_loop3A_703 : i32 to index
        %parallel_loop3A_705 = tpu.vector_load %arg9[%parallel_loop3A_704] {strides = array<i32>} : memref<81920xf32, #tpu.memory_space<vmem>>, vector<16xf32>,
        tpu.vector_store %arg9[%parallel_loop3A_704], %parallel_loop3A_701 {add = true, strides = array<i32>} : memref<81920xf32, #tpu.memory_space<vmem>>, vector<16xf32>,
        %parallel_loop3A_706 = arith.constant 16 : i32
        %parallel_loop3A_707 = arith.muli %parallel_loop3A_91, %parallel_loop3A_706 : i32
        %parallel_loop3A_708 = arith.constant 10 : i32
        %parallel_loop3A_709 = arith.addi %parallel_loop3A_707, %parallel_loop3A_708 : i32
        %parallel_loop3A_710 = arith.constant 32 : i32
        %parallel_loop3A_711 = arith.addi %mul3A_11, %parallel_loop3A_710 : i32
        %parallel_loop3A_712 = arith.index_cast %parallel_loop3A_709 : i32 to index
        %parallel_loop3A_713 = arith.index_cast %parallel_loop3A_711 : i32 to index
        %parallel_loop3A_714 = tpu.vector_load %arg5[%parallel_loop3A_712, %parallel_loop3A_713] {strides = array<i32>} : memref<128x128xf32, #tpu.memory_space<vmem>>, vector<16xf32>,
        %parallel_loop3A_715 = arith.constant 32 : i32
        %parallel_loop3A_716 = arith.addi %parallel_loop3A_139, %parallel_loop3A_715 : i32
        %parallel_loop3A_717 = arith.index_cast %parallel_loop3A_716 : i32 to index
        %parallel_loop3A_718 = tpu.vector_load %arg9[%parallel_loop3A_717] {strides = array<i32>} : memref<81920xf32, #tpu.memory_space<vmem>>, vector<16xf32>,
        tpu.vector_store %arg9[%parallel_loop3A_717], %parallel_loop3A_714 {add = true, strides = array<i32>} : memref<81920xf32, #tpu.memory_space<vmem>>, vector<16xf32>,
        %parallel_loop3A_719 = arith.constant 16 : i32
        %parallel_loop3A_720 = arith.muli %parallel_loop3A_91, %parallel_loop3A_719 : i32
        %parallel_loop3A_721 = arith.constant 10 : i32
        %parallel_loop3A_722 = arith.addi %parallel_loop3A_720, %parallel_loop3A_721 : i32
        %parallel_loop3A_723 = arith.constant 48 : i32
        %parallel_loop3A_724 = arith.addi %mul3A_11, %parallel_loop3A_723 : i32
        %parallel_loop3A_725 = arith.index_cast %parallel_loop3A_722 : i32 to index
        %parallel_loop3A_726 = arith.index_cast %parallel_loop3A_724 : i32 to index
        %parallel_loop3A_727 = tpu.vector_load %arg5[%parallel_loop3A_725, %parallel_loop3A_726] {strides = array<i32>} : memref<128x128xf32, #tpu.memory_space<vmem>>, vector<16xf32>,
        %parallel_loop3A_728 = arith.constant 48 : i32
        %parallel_loop3A_729 = arith.addi %parallel_loop3A_139, %parallel_loop3A_728 : i32
        %parallel_loop3A_730 = arith.index_cast %parallel_loop3A_729 : i32 to index
        %parallel_loop3A_731 = tpu.vector_load %arg9[%parallel_loop3A_730] {strides = array<i32>} : memref<81920xf32, #tpu.memory_space<vmem>>, vector<16xf32>,
        tpu.vector_store %arg9[%parallel_loop3A_730], %parallel_loop3A_727 {add = true, strides = array<i32>} : memref<81920xf32, #tpu.memory_space<vmem>>, vector<16xf32>,
        %parallel_loop3A_732 = arith.constant 16 : i32
        %parallel_loop3A_733 = arith.muli %parallel_loop3A_91, %parallel_loop3A_732 : i32
        %parallel_loop3A_734 = arith.constant 11 : i32
        %parallel_loop3A_735 = arith.addi %parallel_loop3A_733, %parallel_loop3A_734 : i32
        %parallel_loop3A_736 = arith.constant 0 : i32
        %parallel_loop3A_737 = arith.addi %mul3A_11, %parallel_loop3A_736 : i32
        %parallel_loop3A_738 = arith.index_cast %parallel_loop3A_735 : i32 to index
        %parallel_loop3A_739 = arith.index_cast %parallel_loop3A_737 : i32 to index
        %parallel_loop3A_740 = tpu.vector_load %arg5[%parallel_loop3A_738, %parallel_loop3A_739] {strides = array<i32>} : memref<128x128xf32, #tpu.memory_space<vmem>>, vector<16xf32>,
        %parallel_loop3A_741 = arith.constant 0 : i32
        %parallel_loop3A_742 = arith.addi %parallel_loop3A_143, %parallel_loop3A_741 : i32
        %parallel_loop3A_743 = arith.index_cast %parallel_loop3A_742 : i32 to index
        %parallel_loop3A_744 = tpu.vector_load %arg9[%parallel_loop3A_743] {strides = array<i32>} : memref<81920xf32, #tpu.memory_space<vmem>>, vector<16xf32>,
        tpu.vector_store %arg9[%parallel_loop3A_743], %parallel_loop3A_740 {add = true, strides = array<i32>} : memref<81920xf32, #tpu.memory_space<vmem>>, vector<16xf32>,
        %parallel_loop3A_745 = arith.constant 16 : i32
        %parallel_loop3A_746 = arith.muli %parallel_loop3A_91, %parallel_loop3A_745 : i32
        %parallel_loop3A_747 = arith.constant 11 : i32
        %parallel_loop3A_748 = arith.addi %parallel_loop3A_746, %parallel_loop3A_747 : i32
        %parallel_loop3A_749 = arith.constant 16 : i32
        %parallel_loop3A_750 = arith.addi %mul3A_11, %parallel_loop3A_749 : i32
        %parallel_loop3A_751 = arith.index_cast %parallel_loop3A_748 : i32 to index
        %parallel_loop3A_752 = arith.index_cast %parallel_loop3A_750 : i32 to index
        %parallel_loop3A_753 = tpu.vector_load %arg5[%parallel_loop3A_751, %parallel_loop3A_752] {strides = array<i32>} : memref<128x128xf32, #tpu.memory_space<vmem>>, vector<16xf32>,
        %parallel_loop3A_754 = arith.constant 16 : i32
        %parallel_loop3A_755 = arith.addi %parallel_loop3A_143, %parallel_loop3A_754 : i32
        %parallel_loop3A_756 = arith.index_cast %parallel_loop3A_755 : i32 to index
        %parallel_loop3A_757 = tpu.vector_load %arg9[%parallel_loop3A_756] {strides = array<i32>} : memref<81920xf32, #tpu.memory_space<vmem>>, vector<16xf32>,
        tpu.vector_store %arg9[%parallel_loop3A_756], %parallel_loop3A_753 {add = true, strides = array<i32>} : memref<81920xf32, #tpu.memory_space<vmem>>, vector<16xf32>,
        %parallel_loop3A_758 = arith.constant 16 : i32
        %parallel_loop3A_759 = arith.muli %parallel_loop3A_91, %parallel_loop3A_758 : i32
        %parallel_loop3A_760 = arith.constant 11 : i32
        %parallel_loop3A_761 = arith.addi %parallel_loop3A_759, %parallel_loop3A_760 : i32
        %parallel_loop3A_762 = arith.constant 32 : i32
        %parallel_loop3A_763 = arith.addi %mul3A_11, %parallel_loop3A_762 : i32
        %parallel_loop3A_764 = arith.index_cast %parallel_loop3A_761 : i32 to index
        %parallel_loop3A_765 = arith.index_cast %parallel_loop3A_763 : i32 to index
        %parallel_loop3A_766 = tpu.vector_load %arg5[%parallel_loop3A_764, %parallel_loop3A_765] {strides = array<i32>} : memref<128x128xf32, #tpu.memory_space<vmem>>, vector<16xf32>,
        %parallel_loop3A_767 = arith.constant 32 : i32
        %parallel_loop3A_768 = arith.addi %parallel_loop3A_143, %parallel_loop3A_767 : i32
        %parallel_loop3A_769 = arith.index_cast %parallel_loop3A_768 : i32 to index
        %parallel_loop3A_770 = tpu.vector_load %arg9[%parallel_loop3A_769] {strides = array<i32>} : memref<81920xf32, #tpu.memory_space<vmem>>, vector<16xf32>,
        tpu.vector_store %arg9[%parallel_loop3A_769], %parallel_loop3A_766 {add = true, strides = array<i32>} : memref<81920xf32, #tpu.memory_space<vmem>>, vector<16xf32>,
        %parallel_loop3A_771 = arith.constant 16 : i32
        %parallel_loop3A_772 = arith.muli %parallel_loop3A_91, %parallel_loop3A_771 : i32
        %parallel_loop3A_773 = arith.constant 11 : i32
        %parallel_loop3A_774 = arith.addi %parallel_loop3A_772, %parallel_loop3A_773 : i32
        %parallel_loop3A_775 = arith.constant 48 : i32
        %parallel_loop3A_776 = arith.addi %mul3A_11, %parallel_loop3A_775 : i32
        %parallel_loop3A_777 = arith.index_cast %parallel_loop3A_774 : i32 to index
        %parallel_loop3A_778 = arith.index_cast %parallel_loop3A_776 : i32 to index
        %parallel_loop3A_779 = tpu.vector_load %arg5[%parallel_loop3A_777, %parallel_loop3A_778] {strides = array<i32>} : memref<128x128xf32, #tpu.memory_space<vmem>>, vector<16xf32>,
        %parallel_loop3A_780 = arith.constant 48 : i32
        %parallel_loop3A_781 = arith.addi %parallel_loop3A_143, %parallel_loop3A_780 : i32
        %parallel_loop3A_782 = arith.index_cast %parallel_loop3A_781 : i32 to index
        %parallel_loop3A_783 = tpu.vector_load %arg9[%parallel_loop3A_782] {strides = array<i32>} : memref<81920xf32, #tpu.memory_space<vmem>>, vector<16xf32>,
        tpu.vector_store %arg9[%parallel_loop3A_782], %parallel_loop3A_779 {add = true, strides = array<i32>} : memref<81920xf32, #tpu.memory_space<vmem>>, vector<16xf32>,
        %parallel_loop3A_784 = arith.constant 16 : i32
        %parallel_loop3A_785 = arith.muli %parallel_loop3A_91, %parallel_loop3A_784 : i32
        %parallel_loop3A_786 = arith.constant 12 : i32
        %parallel_loop3A_787 = arith.addi %parallel_loop3A_785, %parallel_loop3A_786 : i32
        %parallel_loop3A_788 = arith.constant 0 : i32
        %parallel_loop3A_789 = arith.addi %mul3A_11, %parallel_loop3A_788 : i32
        %parallel_loop3A_790 = arith.index_cast %parallel_loop3A_787 : i32 to index
        %parallel_loop3A_791 = arith.index_cast %parallel_loop3A_789 : i32 to index
        %parallel_loop3A_792 = tpu.vector_load %arg5[%parallel_loop3A_790, %parallel_loop3A_791] {strides = array<i32>} : memref<128x128xf32, #tpu.memory_space<vmem>>, vector<16xf32>,
        %parallel_loop3A_793 = arith.constant 0 : i32
        %parallel_loop3A_794 = arith.addi %parallel_loop3A_147, %parallel_loop3A_793 : i32
        %parallel_loop3A_795 = arith.index_cast %parallel_loop3A_794 : i32 to index
        %parallel_loop3A_796 = tpu.vector_load %arg9[%parallel_loop3A_795] {strides = array<i32>} : memref<81920xf32, #tpu.memory_space<vmem>>, vector<16xf32>,
        tpu.vector_store %arg9[%parallel_loop3A_795], %parallel_loop3A_792 {add = true, strides = array<i32>} : memref<81920xf32, #tpu.memory_space<vmem>>, vector<16xf32>,
        %parallel_loop3A_797 = arith.constant 16 : i32
        %parallel_loop3A_798 = arith.muli %parallel_loop3A_91, %parallel_loop3A_797 : i32
        %parallel_loop3A_799 = arith.constant 12 : i32
        %parallel_loop3A_800 = arith.addi %parallel_loop3A_798, %parallel_loop3A_799 : i32
        %parallel_loop3A_801 = arith.constant 16 : i32
        %parallel_loop3A_802 = arith.addi %mul3A_11, %parallel_loop3A_801 : i32
        %parallel_loop3A_803 = arith.index_cast %parallel_loop3A_800 : i32 to index
        %parallel_loop3A_804 = arith.index_cast %parallel_loop3A_802 : i32 to index
        %parallel_loop3A_805 = tpu.vector_load %arg5[%parallel_loop3A_803, %parallel_loop3A_804] {strides = array<i32>} : memref<128x128xf32, #tpu.memory_space<vmem>>, vector<16xf32>,
        %parallel_loop3A_806 = arith.constant 16 : i32
        %parallel_loop3A_807 = arith.addi %parallel_loop3A_147, %parallel_loop3A_806 : i32
        %parallel_loop3A_808 = arith.index_cast %parallel_loop3A_807 : i32 to index
        %parallel_loop3A_809 = tpu.vector_load %arg9[%parallel_loop3A_808] {strides = array<i32>} : memref<81920xf32, #tpu.memory_space<vmem>>, vector<16xf32>,
        tpu.vector_store %arg9[%parallel_loop3A_808], %parallel_loop3A_805 {add = true, strides = array<i32>} : memref<81920xf32, #tpu.memory_space<vmem>>, vector<16xf32>,
        %parallel_loop3A_810 = arith.constant 16 : i32
        %parallel_loop3A_811 = arith.muli %parallel_loop3A_91, %parallel_loop3A_810 : i32
        %parallel_loop3A_812 = arith.constant 12 : i32
        %parallel_loop3A_813 = arith.addi %parallel_loop3A_811, %parallel_loop3A_812 : i32
        %parallel_loop3A_814 = arith.constant 32 : i32
        %parallel_loop3A_815 = arith.addi %mul3A_11, %parallel_loop3A_814 : i32
        %parallel_loop3A_816 = arith.index_cast %parallel_loop3A_813 : i32 to index
        %parallel_loop3A_817 = arith.index_cast %parallel_loop3A_815 : i32 to index
        %parallel_loop3A_818 = tpu.vector_load %arg5[%parallel_loop3A_816, %parallel_loop3A_817] {strides = array<i32>} : memref<128x128xf32, #tpu.memory_space<vmem>>, vector<16xf32>,
        %parallel_loop3A_819 = arith.constant 32 : i32
        %parallel_loop3A_820 = arith.addi %parallel_loop3A_147, %parallel_loop3A_819 : i32
        %parallel_loop3A_821 = arith.index_cast %parallel_loop3A_820 : i32 to index
        %parallel_loop3A_822 = tpu.vector_load %arg9[%parallel_loop3A_821] {strides = array<i32>} : memref<81920xf32, #tpu.memory_space<vmem>>, vector<16xf32>,
        tpu.vector_store %arg9[%parallel_loop3A_821], %parallel_loop3A_818 {add = true, strides = array<i32>} : memref<81920xf32, #tpu.memory_space<vmem>>, vector<16xf32>,
        %parallel_loop3A_823 = arith.constant 16 : i32
        %parallel_loop3A_824 = arith.muli %parallel_loop3A_91, %parallel_loop3A_823 : i32
        %parallel_loop3A_825 = arith.constant 12 : i32
        %parallel_loop3A_826 = arith.addi %parallel_loop3A_824, %parallel_loop3A_825 : i32
        %parallel_loop3A_827 = arith.constant 48 : i32
        %parallel_loop3A_828 = arith.addi %mul3A_11, %parallel_loop3A_827 : i32
        %parallel_loop3A_829 = arith.index_cast %parallel_loop3A_826 : i32 to index
        %parallel_loop3A_830 = arith.index_cast %parallel_loop3A_828 : i32 to index
        %parallel_loop3A_831 = tpu.vector_load %arg5[%parallel_loop3A_829, %parallel_loop3A_830] {strides = array<i32>} : memref<128x128xf32, #tpu.memory_space<vmem>>, vector<16xf32>,
        %parallel_loop3A_832 = arith.constant 48 : i32
        %parallel_loop3A_833 = arith.addi %parallel_loop3A_147, %parallel_loop3A_832 : i32
        %parallel_loop3A_834 = arith.index_cast %parallel_loop3A_833 : i32 to index
        %parallel_loop3A_835 = tpu.vector_load %arg9[%parallel_loop3A_834] {strides = array<i32>} : memref<81920xf32, #tpu.memory_space<vmem>>, vector<16xf32>,
        tpu.vector_store %arg9[%parallel_loop3A_834], %parallel_loop3A_831 {add = true, strides = array<i32>} : memref<81920xf32, #tpu.memory_space<vmem>>, vector<16xf32>,
        %parallel_loop3A_836 = arith.constant 16 : i32
        %parallel_loop3A_837 = arith.muli %parallel_loop3A_91, %parallel_loop3A_836 : i32
        %parallel_loop3A_838 = arith.constant 13 : i32
        %parallel_loop3A_839 = arith.addi %parallel_loop3A_837, %parallel_loop3A_838 : i32
        %parallel_loop3A_840 = arith.constant 0 : i32
        %parallel_loop3A_841 = arith.addi %mul3A_11, %parallel_loop3A_840 : i32
        %parallel_loop3A_842 = arith.index_cast %parallel_loop3A_839 : i32 to index
        %parallel_loop3A_843 = arith.index_cast %parallel_loop3A_841 : i32 to index
        %parallel_loop3A_844 = tpu.vector_load %arg5[%parallel_loop3A_842, %parallel_loop3A_843] {strides = array<i32>} : memref<128x128xf32, #tpu.memory_space<vmem>>, vector<16xf32>,
        %parallel_loop3A_845 = arith.constant 0 : i32
        %parallel_loop3A_846 = arith.addi %parallel_loop3A_151, %parallel_loop3A_845 : i32
        %parallel_loop3A_847 = arith.index_cast %parallel_loop3A_846 : i32 to index
        %parallel_loop3A_848 = tpu.vector_load %arg9[%parallel_loop3A_847] {strides = array<i32>} : memref<81920xf32, #tpu.memory_space<vmem>>, vector<16xf32>,
        tpu.vector_store %arg9[%parallel_loop3A_847], %parallel_loop3A_844 {add = true, strides = array<i32>} : memref<81920xf32, #tpu.memory_space<vmem>>, vector<16xf32>,
        %parallel_loop3A_849 = arith.constant 16 : i32
        %parallel_loop3A_850 = arith.muli %parallel_loop3A_91, %parallel_loop3A_849 : i32
        %parallel_loop3A_851 = arith.constant 13 : i32
        %parallel_loop3A_852 = arith.addi %parallel_loop3A_850, %parallel_loop3A_851 : i32
        %parallel_loop3A_853 = arith.constant 16 : i32
        %parallel_loop3A_854 = arith.addi %mul3A_11, %parallel_loop3A_853 : i32
        %parallel_loop3A_855 = arith.index_cast %parallel_loop3A_852 : i32 to index
        %parallel_loop3A_856 = arith.index_cast %parallel_loop3A_854 : i32 to index
        %parallel_loop3A_857 = tpu.vector_load %arg5[%parallel_loop3A_855, %parallel_loop3A_856] {strides = array<i32>} : memref<128x128xf32, #tpu.memory_space<vmem>>, vector<16xf32>,
        %parallel_loop3A_858 = arith.constant 16 : i32
        %parallel_loop3A_859 = arith.addi %parallel_loop3A_151, %parallel_loop3A_858 : i32
        %parallel_loop3A_860 = arith.index_cast %parallel_loop3A_859 : i32 to index
        %parallel_loop3A_861 = tpu.vector_load %arg9[%parallel_loop3A_860] {strides = array<i32>} : memref<81920xf32, #tpu.memory_space<vmem>>, vector<16xf32>,
        tpu.vector_store %arg9[%parallel_loop3A_860], %parallel_loop3A_857 {add = true, strides = array<i32>} : memref<81920xf32, #tpu.memory_space<vmem>>, vector<16xf32>,
        %parallel_loop3A_862 = arith.constant 16 : i32
        %parallel_loop3A_863 = arith.muli %parallel_loop3A_91, %parallel_loop3A_862 : i32
        %parallel_loop3A_864 = arith.constant 13 : i32
        %parallel_loop3A_865 = arith.addi %parallel_loop3A_863, %parallel_loop3A_864 : i32
        %parallel_loop3A_866 = arith.constant 32 : i32
        %parallel_loop3A_867 = arith.addi %mul3A_11, %parallel_loop3A_866 : i32
        %parallel_loop3A_868 = arith.index_cast %parallel_loop3A_865 : i32 to index
        %parallel_loop3A_869 = arith.index_cast %parallel_loop3A_867 : i32 to index
        %parallel_loop3A_870 = tpu.vector_load %arg5[%parallel_loop3A_868, %parallel_loop3A_869] {strides = array<i32>} : memref<128x128xf32, #tpu.memory_space<vmem>>, vector<16xf32>,
        %parallel_loop3A_871 = arith.constant 32 : i32
        %parallel_loop3A_872 = arith.addi %parallel_loop3A_151, %parallel_loop3A_871 : i32
        %parallel_loop3A_873 = arith.index_cast %parallel_loop3A_872 : i32 to index
        %parallel_loop3A_874 = tpu.vector_load %arg9[%parallel_loop3A_873] {strides = array<i32>} : memref<81920xf32, #tpu.memory_space<vmem>>, vector<16xf32>,
        tpu.vector_store %arg9[%parallel_loop3A_873], %parallel_loop3A_870 {add = true, strides = array<i32>} : memref<81920xf32, #tpu.memory_space<vmem>>, vector<16xf32>,
        %parallel_loop3A_875 = arith.constant 16 : i32
        %parallel_loop3A_876 = arith.muli %parallel_loop3A_91, %parallel_loop3A_875 : i32
        %parallel_loop3A_877 = arith.constant 13 : i32
        %parallel_loop3A_878 = arith.addi %parallel_loop3A_876, %parallel_loop3A_877 : i32
        %parallel_loop3A_879 = arith.constant 48 : i32
        %parallel_loop3A_880 = arith.addi %mul3A_11, %parallel_loop3A_879 : i32
        %parallel_loop3A_881 = arith.index_cast %parallel_loop3A_878 : i32 to index
        %parallel_loop3A_882 = arith.index_cast %parallel_loop3A_880 : i32 to index
        %parallel_loop3A_883 = tpu.vector_load %arg5[%parallel_loop3A_881, %parallel_loop3A_882] {strides = array<i32>} : memref<128x128xf32, #tpu.memory_space<vmem>>, vector<16xf32>,
        %parallel_loop3A_884 = arith.constant 48 : i32
        %parallel_loop3A_885 = arith.addi %parallel_loop3A_151, %parallel_loop3A_884 : i32
        %parallel_loop3A_886 = arith.index_cast %parallel_loop3A_885 : i32 to index
        %parallel_loop3A_887 = tpu.vector_load %arg9[%parallel_loop3A_886] {strides = array<i32>} : memref<81920xf32, #tpu.memory_space<vmem>>, vector<16xf32>,
        tpu.vector_store %arg9[%parallel_loop3A_886], %parallel_loop3A_883 {add = true, strides = array<i32>} : memref<81920xf32, #tpu.memory_space<vmem>>, vector<16xf32>,
        %parallel_loop3A_888 = arith.constant 16 : i32
        %parallel_loop3A_889 = arith.muli %parallel_loop3A_91, %parallel_loop3A_888 : i32
        %parallel_loop3A_890 = arith.constant 14 : i32
        %parallel_loop3A_891 = arith.addi %parallel_loop3A_889, %parallel_loop3A_890 : i32
        %parallel_loop3A_892 = arith.constant 0 : i32
        %parallel_loop3A_893 = arith.addi %mul3A_11, %parallel_loop3A_892 : i32
        %parallel_loop3A_894 = arith.index_cast %parallel_loop3A_891 : i32 to index
        %parallel_loop3A_895 = arith.index_cast %parallel_loop3A_893 : i32 to index
        %parallel_loop3A_896 = tpu.vector_load %arg5[%parallel_loop3A_894, %parallel_loop3A_895] {strides = array<i32>} : memref<128x128xf32, #tpu.memory_space<vmem>>, vector<16xf32>,
        %parallel_loop3A_897 = arith.constant 0 : i32
        %parallel_loop3A_898 = arith.addi %parallel_loop3A_155, %parallel_loop3A_897 : i32
        %parallel_loop3A_899 = arith.index_cast %parallel_loop3A_898 : i32 to index
        %parallel_loop3A_900 = tpu.vector_load %arg9[%parallel_loop3A_899] {strides = array<i32>} : memref<81920xf32, #tpu.memory_space<vmem>>, vector<16xf32>,
        tpu.vector_store %arg9[%parallel_loop3A_899], %parallel_loop3A_896 {add = true, strides = array<i32>} : memref<81920xf32, #tpu.memory_space<vmem>>, vector<16xf32>,
        %parallel_loop3A_901 = arith.constant 16 : i32
        %parallel_loop3A_902 = arith.muli %parallel_loop3A_91, %parallel_loop3A_901 : i32
        %parallel_loop3A_903 = arith.constant 14 : i32
        %parallel_loop3A_904 = arith.addi %parallel_loop3A_902, %parallel_loop3A_903 : i32
        %parallel_loop3A_905 = arith.constant 16 : i32
        %parallel_loop3A_906 = arith.addi %mul3A_11, %parallel_loop3A_905 : i32
        %parallel_loop3A_907 = arith.index_cast %parallel_loop3A_904 : i32 to index
        %parallel_loop3A_908 = arith.index_cast %parallel_loop3A_906 : i32 to index
        %parallel_loop3A_909 = tpu.vector_load %arg5[%parallel_loop3A_907, %parallel_loop3A_908] {strides = array<i32>} : memref<128x128xf32, #tpu.memory_space<vmem>>, vector<16xf32>,
        %parallel_loop3A_910 = arith.constant 16 : i32
        %parallel_loop3A_911 = arith.addi %parallel_loop3A_155, %parallel_loop3A_910 : i32
        %parallel_loop3A_912 = arith.index_cast %parallel_loop3A_911 : i32 to index
        %parallel_loop3A_913 = tpu.vector_load %arg9[%parallel_loop3A_912] {strides = array<i32>} : memref<81920xf32, #tpu.memory_space<vmem>>, vector<16xf32>,
        tpu.vector_store %arg9[%parallel_loop3A_912], %parallel_loop3A_909 {add = true, strides = array<i32>} : memref<81920xf32, #tpu.memory_space<vmem>>, vector<16xf32>,
        %parallel_loop3A_914 = arith.constant 16 : i32
        %parallel_loop3A_915 = arith.muli %parallel_loop3A_91, %parallel_loop3A_914 : i32
        %parallel_loop3A_916 = arith.constant 14 : i32
        %parallel_loop3A_917 = arith.addi %parallel_loop3A_915, %parallel_loop3A_916 : i32
        %parallel_loop3A_918 = arith.constant 32 : i32
        %parallel_loop3A_919 = arith.addi %mul3A_11, %parallel_loop3A_918 : i32
        %parallel_loop3A_920 = arith.index_cast %parallel_loop3A_917 : i32 to index
        %parallel_loop3A_921 = arith.index_cast %parallel_loop3A_919 : i32 to index
        %parallel_loop3A_922 = tpu.vector_load %arg5[%parallel_loop3A_920, %parallel_loop3A_921] {strides = array<i32>} : memref<128x128xf32, #tpu.memory_space<vmem>>, vector<16xf32>,
        %parallel_loop3A_923 = arith.constant 32 : i32
        %parallel_loop3A_924 = arith.addi %parallel_loop3A_155, %parallel_loop3A_923 : i32
        %parallel_loop3A_925 = arith.index_cast %parallel_loop3A_924 : i32 to index
        %parallel_loop3A_926 = tpu.vector_load %arg9[%parallel_loop3A_925] {strides = array<i32>} : memref<81920xf32, #tpu.memory_space<vmem>>, vector<16xf32>,
        tpu.vector_store %arg9[%parallel_loop3A_925], %parallel_loop3A_922 {add = true, strides = array<i32>} : memref<81920xf32, #tpu.memory_space<vmem>>, vector<16xf32>,
        %parallel_loop3A_927 = arith.constant 16 : i32
        %parallel_loop3A_928 = arith.muli %parallel_loop3A_91, %parallel_loop3A_927 : i32
        %parallel_loop3A_929 = arith.constant 14 : i32
        %parallel_loop3A_930 = arith.addi %parallel_loop3A_928, %parallel_loop3A_929 : i32
        %parallel_loop3A_931 = arith.constant 48 : i32
        %parallel_loop3A_932 = arith.addi %mul3A_11, %parallel_loop3A_931 : i32
        %parallel_loop3A_933 = arith.index_cast %parallel_loop3A_930 : i32 to index
        %parallel_loop3A_934 = arith.index_cast %parallel_loop3A_932 : i32 to index
        %parallel_loop3A_935 = tpu.vector_load %arg5[%parallel_loop3A_933, %parallel_loop3A_934] {strides = array<i32>} : memref<128x128xf32, #tpu.memory_space<vmem>>, vector<16xf32>,
        %parallel_loop3A_936 = arith.constant 48 : i32
        %parallel_loop3A_937 = arith.addi %parallel_loop3A_155, %parallel_loop3A_936 : i32
        %parallel_loop3A_938 = arith.index_cast %parallel_loop3A_937 : i32 to index
        %parallel_loop3A_939 = tpu.vector_load %arg9[%parallel_loop3A_938] {strides = array<i32>} : memref<81920xf32, #tpu.memory_space<vmem>>, vector<16xf32>,
        tpu.vector_store %arg9[%parallel_loop3A_938], %parallel_loop3A_935 {add = true, strides = array<i32>} : memref<81920xf32, #tpu.memory_space<vmem>>, vector<16xf32>,
        %parallel_loop3A_940 = arith.constant 16 : i32
        %parallel_loop3A_941 = arith.muli %parallel_loop3A_91, %parallel_loop3A_940 : i32
        %parallel_loop3A_942 = arith.constant 15 : i32
        %parallel_loop3A_943 = arith.addi %parallel_loop3A_941, %parallel_loop3A_942 : i32
        %parallel_loop3A_944 = arith.constant 0 : i32
        %parallel_loop3A_945 = arith.addi %mul3A_11, %parallel_loop3A_944 : i32
        %parallel_loop3A_946 = arith.index_cast %parallel_loop3A_943 : i32 to index
        %parallel_loop3A_947 = arith.index_cast %parallel_loop3A_945 : i32 to index
        %parallel_loop3A_948 = tpu.vector_load %arg5[%parallel_loop3A_946, %parallel_loop3A_947] {strides = array<i32>} : memref<128x128xf32, #tpu.memory_space<vmem>>, vector<16xf32>,
        %parallel_loop3A_949 = arith.constant 0 : i32
        %parallel_loop3A_950 = arith.addi %parallel_loop3A_159, %parallel_loop3A_949 : i32
        %parallel_loop3A_951 = arith.index_cast %parallel_loop3A_950 : i32 to index
        %parallel_loop3A_952 = tpu.vector_load %arg9[%parallel_loop3A_951] {strides = array<i32>} : memref<81920xf32, #tpu.memory_space<vmem>>, vector<16xf32>,
        tpu.vector_store %arg9[%parallel_loop3A_951], %parallel_loop3A_948 {add = true, strides = array<i32>} : memref<81920xf32, #tpu.memory_space<vmem>>, vector<16xf32>,
        %parallel_loop3A_953 = arith.constant 16 : i32
        %parallel_loop3A_954 = arith.muli %parallel_loop3A_91, %parallel_loop3A_953 : i32
        %parallel_loop3A_955 = arith.constant 15 : i32
        %parallel_loop3A_956 = arith.addi %parallel_loop3A_954, %parallel_loop3A_955 : i32
        %parallel_loop3A_957 = arith.constant 16 : i32
        %parallel_loop3A_958 = arith.addi %mul3A_11, %parallel_loop3A_957 : i32
        %parallel_loop3A_959 = arith.index_cast %parallel_loop3A_956 : i32 to index
        %parallel_loop3A_960 = arith.index_cast %parallel_loop3A_958 : i32 to index
        %parallel_loop3A_961 = tpu.vector_load %arg5[%parallel_loop3A_959, %parallel_loop3A_960] {strides = array<i32>} : memref<128x128xf32, #tpu.memory_space<vmem>>, vector<16xf32>,
        %parallel_loop3A_962 = arith.constant 16 : i32
        %parallel_loop3A_963 = arith.addi %parallel_loop3A_159, %parallel_loop3A_962 : i32
        %parallel_loop3A_964 = arith.index_cast %parallel_loop3A_963 : i32 to index
        %parallel_loop3A_965 = tpu.vector_load %arg9[%parallel_loop3A_964] {strides = array<i32>} : memref<81920xf32, #tpu.memory_space<vmem>>, vector<16xf32>,
        tpu.vector_store %arg9[%parallel_loop3A_964], %parallel_loop3A_961 {add = true, strides = array<i32>} : memref<81920xf32, #tpu.memory_space<vmem>>, vector<16xf32>,
        %parallel_loop3A_966 = arith.constant 16 : i32
        %parallel_loop3A_967 = arith.muli %parallel_loop3A_91, %parallel_loop3A_966 : i32
        %parallel_loop3A_968 = arith.constant 15 : i32
        %parallel_loop3A_969 = arith.addi %parallel_loop3A_967, %parallel_loop3A_968 : i32
        %parallel_loop3A_970 = arith.constant 32 : i32
        %parallel_loop3A_971 = arith.addi %mul3A_11, %parallel_loop3A_970 : i32
        %parallel_loop3A_972 = arith.index_cast %parallel_loop3A_969 : i32 to index
        %parallel_loop3A_973 = arith.index_cast %parallel_loop3A_971 : i32 to index
        %parallel_loop3A_974 = tpu.vector_load %arg5[%parallel_loop3A_972, %parallel_loop3A_973] {strides = array<i32>} : memref<128x128xf32, #tpu.memory_space<vmem>>, vector<16xf32>,
        %parallel_loop3A_975 = arith.constant 32 : i32
        %parallel_loop3A_976 = arith.addi %parallel_loop3A_159, %parallel_loop3A_975 : i32
        %parallel_loop3A_977 = arith.index_cast %parallel_loop3A_976 : i32 to index
        %parallel_loop3A_978 = tpu.vector_load %arg9[%parallel_loop3A_977] {strides = array<i32>} : memref<81920xf32, #tpu.memory_space<vmem>>, vector<16xf32>,
        tpu.vector_store %arg9[%parallel_loop3A_977], %parallel_loop3A_974 {add = true, strides = array<i32>} : memref<81920xf32, #tpu.memory_space<vmem>>, vector<16xf32>,
        %parallel_loop3A_979 = arith.constant 16 : i32
        %parallel_loop3A_980 = arith.muli %parallel_loop3A_91, %parallel_loop3A_979 : i32
        %parallel_loop3A_981 = arith.constant 15 : i32
        %parallel_loop3A_982 = arith.addi %parallel_loop3A_980, %parallel_loop3A_981 : i32
        %parallel_loop3A_983 = arith.constant 48 : i32
        %parallel_loop3A_984 = arith.addi %mul3A_11, %parallel_loop3A_983 : i32
        %parallel_loop3A_985 = arith.index_cast %parallel_loop3A_982 : i32 to index
        %parallel_loop3A_986 = arith.index_cast %parallel_loop3A_984 : i32 to index
        %parallel_loop3A_987 = tpu.vector_load %arg5[%parallel_loop3A_985, %parallel_loop3A_986] {strides = array<i32>} : memref<128x128xf32, #tpu.memory_space<vmem>>, vector<16xf32>,
        %parallel_loop3A_988 = arith.constant 48 : i32
        %parallel_loop3A_989 = arith.addi %parallel_loop3A_159, %parallel_loop3A_988 : i32
        %parallel_loop3A_990 = arith.index_cast %parallel_loop3A_989 : i32 to index
        %parallel_loop3A_991 = tpu.vector_load %arg9[%parallel_loop3A_990] {strides = array<i32>} : memref<81920xf32, #tpu.memory_space<vmem>>, vector<16xf32>,
        tpu.vector_store %arg9[%parallel_loop3A_990], %parallel_loop3A_987 {add = true, strides = array<i32>} : memref<81920xf32, #tpu.memory_space<vmem>>, vector<16xf32>,
      } {sc.loop_unroll_factor = 1 : i64, sc.parallel_access}
      %dma_wait3A_76 = arith.constant 0 : i32
      %dma_wait3A_77 = tpu.memref_slice %arg2[%dma_wait3A_76, %mul3A_40] : memref<16384x2048xf32, #tpu.memory_space<hbm>> -> memref<128x128xf32, #tpu.memory_space<hbm>>
      %dma_wait3A_78 = arith.constant 0 : i32
      %dma_wait3A_79 = tpu.memref_slice %arg2[%dma_wait3A_78, %mul3A_40] : memref<16384x2048xf32, #tpu.memory_space<hbm>> -> memref<128x128xf32, #tpu.memory_space<hbm>>
      tpu.wait_dma2 semaphore(%arg12 : memref<!tpu.dma_semaphore, #tpu.memory_space<semaphore_mem>>) src(%dma_wait3A_79 : memref<128x128xf32, #tpu.memory_space<hbm>>) dst(%arg7 : memref<128x128xf32, #tpu.memory_space<vmem>>)
      %dma_wait3A_80 = arith.constant 0 : i32
      %dma_wait3A_81 = tpu.memref_slice %arg3[%dma_wait3A_80] : memref<16384xi32, #tpu.memory_space<hbm>> -> memref<128xi32, #tpu.memory_space<hbm>>
      %dma_wait3A_82 = arith.constant 0 : i32
      %dma_wait3A_83 = tpu.memref_slice %arg3[%dma_wait3A_82] : memref<16384xi32, #tpu.memory_space<hbm>> -> memref<128xi32, #tpu.memory_space<hbm>>
      tpu.wait_dma2 semaphore(%arg13 : memref<!tpu.dma_semaphore, #tpu.memory_space<semaphore_mem>>) src(%dma_wait3A_83 : memref<128xi32, #tpu.memory_space<hbm>>) dst(%arg8 : memref<128xi32, #tpu.memory_space<vmem>>)
      %lt3A_84 = arith.constant 63 : i32
      %lt3A_85 = arith.cmpi slt, %scan3A_55, %lt3A_84 : i32
      %convert_element_type3A = arith.extui %lt3A_85 : i1 to i32
      %cond3A = arith.constant 0 : i32
      %cond3A_86 = arith.cmpi ne, %convert_element_type3A, %cond3A : i32
      scf.if %cond3A_86 {
        %add3A_91 = arith.constant 2 : i32
        %add3A_92 = arith.addi %mul3A_58, %add3A_91 : i32
        %mul3A_93 = arith.constant 128 : i32
        %mul3A_94 = arith.muli %add3A_92, %mul3A_93 : i32
        %dma_start3A_95 = tpu.memref_slice %arg2[%mul3A_94, %mul3A_40] : memref<16384x2048xf32, #tpu.memory_space<hbm>> -> memref<128x128xf32, #tpu.memory_space<hbm>>
        %dma_start3A_96 = tpu.memref_slice %arg2[%mul3A_94, %mul3A_40] : memref<16384x2048xf32, #tpu.memory_space<hbm>> -> memref<128x128xf32, #tpu.memory_space<hbm>>
        tpu.enqueue_dma source(%dma_start3A_96 : memref<128x128xf32, #tpu.memory_space<hbm>>) target(%arg5 : memref<128x128xf32, #tpu.memory_space<vmem>>) target_semaphore(%arg10 : memref<!tpu.dma_semaphore, #tpu.memory_space<semaphore_mem>>)
        %dma_start3A_97 = tpu.memref_slice %arg3[%mul3A_94] : memref<16384xi32, #tpu.memory_space<hbm>> -> memref<128xi32, #tpu.memory_space<hbm>>
        %dma_start3A_98 = tpu.memref_slice %arg3[%mul3A_94] : memref<16384xi32, #tpu.memory_space<hbm>> -> memref<128xi32, #tpu.memory_space<hbm>>
        tpu.enqueue_dma source(%dma_start3A_98 : memref<128xi32, #tpu.memory_space<hbm>>) target(%arg6 : memref<128xi32, #tpu.memory_space<vmem>>) target_semaphore(%arg11 : memref<!tpu.dma_semaphore, #tpu.memory_space<semaphore_mem>>)
      } else {
      }
      %parallel_loop3A_87 = arith.constant 0 : i32
      %parallel_loop3A_88 = arith.constant 8 : i32
      %parallel_loop3A_89 = arith.constant 1 : i32
      scf.for %parallel_loop3A_91 = %parallel_loop3A_87 to %parallel_loop3A_88 step %parallel_loop3A_89  : i32 {
        %parallel_loop3A_92 = arith.constant 16 : i32
        %parallel_loop3A_93 = arith.muli %parallel_loop3A_91, %parallel_loop3A_92 : i32
        %parallel_loop3A_94 = arith.index_cast %parallel_loop3A_93 : i32 to index
        %parallel_loop3A_95 = tpu.vector_load %arg8[%parallel_loop3A_94] {strides = array<i32>} : memref<128xi32, #tpu.memory_space<vmem>>, vector<16xi32>,
        %parallel_loop3A_96 = vector.extract_strided_slice %parallel_loop3A_95 {offsets = [0], sizes = [1], strides = [1]} : vector<16xi32> to vector<1xi32>
        %parallel_loop3A_97 = vector.extract %parallel_loop3A_96[0] : i32 from vector<1xi32>
        %parallel_loop3A_98 = arith.constant 64 : i32
        %parallel_loop3A_99 = arith.muli %parallel_loop3A_97, %parallel_loop3A_98 : i32
        %parallel_loop3A_100 = vector.extract_strided_slice %parallel_loop3A_95 {offsets = [1], sizes = [1], strides = [1]} : vector<16xi32> to vector<1xi32>
        %parallel_loop3A_101 = vector.extract %parallel_loop3A_100[0] : i32 from vector<1xi32>
        %parallel_loop3A_102 = arith.constant 64 : i32
        %parallel_loop3A_103 = arith.muli %parallel_loop3A_101, %parallel_loop3A_102 : i32
        %parallel_loop3A_104 = vector.extract_strided_slice %parallel_loop3A_95 {offsets = [2], sizes = [1], strides = [1]} : vector<16xi32> to vector<1xi32>
        %parallel_loop3A_105 = vector.extract %parallel_loop3A_104[0] : i32 from vector<1xi32>
        %parallel_loop3A_106 = arith.constant 64 : i32
        %parallel_loop3A_107 = arith.muli %parallel_loop3A_105, %parallel_loop3A_106 : i32
        %parallel_loop3A_108 = vector.extract_strided_slice %parallel_loop3A_95 {offsets = [3], sizes = [1], strides = [1]} : vector<16xi32> to vector<1xi32>
        %parallel_loop3A_109 = vector.extract %parallel_loop3A_108[0] : i32 from vector<1xi32>
        %parallel_loop3A_110 = arith.constant 64 : i32
        %parallel_loop3A_111 = arith.muli %parallel_loop3A_109, %parallel_loop3A_110 : i32
        %parallel_loop3A_112 = vector.extract_strided_slice %parallel_loop3A_95 {offsets = [4], sizes = [1], strides = [1]} : vector<16xi32> to vector<1xi32>
        %parallel_loop3A_113 = vector.extract %parallel_loop3A_112[0] : i32 from vector<1xi32>
        %parallel_loop3A_114 = arith.constant 64 : i32
        %parallel_loop3A_115 = arith.muli %parallel_loop3A_113, %parallel_loop3A_114 : i32
        %parallel_loop3A_116 = vector.extract_strided_slice %parallel_loop3A_95 {offsets = [5], sizes = [1], strides = [1]} : vector<16xi32> to vector<1xi32>
        %parallel_loop3A_117 = vector.extract %parallel_loop3A_116[0] : i32 from vector<1xi32>
        %parallel_loop3A_118 = arith.constant 64 : i32
        %parallel_loop3A_119 = arith.muli %parallel_loop3A_117, %parallel_loop3A_118 : i32
        %parallel_loop3A_120 = vector.extract_strided_slice %parallel_loop3A_95 {offsets = [6], sizes = [1], strides = [1]} : vector<16xi32> to vector<1xi32>
        %parallel_loop3A_121 = vector.extract %parallel_loop3A_120[0] : i32 from vector<1xi32>
        %parallel_loop3A_122 = arith.constant 64 : i32
        %parallel_loop3A_123 = arith.muli %parallel_loop3A_121, %parallel_loop3A_122 : i32
        %parallel_loop3A_124 = vector.extract_strided_slice %parallel_loop3A_95 {offsets = [7], sizes = [1], strides = [1]} : vector<16xi32> to vector<1xi32>
        %parallel_loop3A_125 = vector.extract %parallel_loop3A_124[0] : i32 from vector<1xi32>
        %parallel_loop3A_126 = arith.constant 64 : i32
        %parallel_loop3A_127 = arith.muli %parallel_loop3A_125, %parallel_loop3A_126 : i32
        %parallel_loop3A_128 = vector.extract_strided_slice %parallel_loop3A_95 {offsets = [8], sizes = [1], strides = [1]} : vector<16xi32> to vector<1xi32>
        %parallel_loop3A_129 = vector.extract %parallel_loop3A_128[0] : i32 from vector<1xi32>
        %parallel_loop3A_130 = arith.constant 64 : i32
        %parallel_loop3A_131 = arith.muli %parallel_loop3A_129, %parallel_loop3A_130 : i32
        %parallel_loop3A_132 = vector.extract_strided_slice %parallel_loop3A_95 {offsets = [9], sizes = [1], strides = [1]} : vector<16xi32> to vector<1xi32>
        %parallel_loop3A_133 = vector.extract %parallel_loop3A_132[0] : i32 from vector<1xi32>
        %parallel_loop3A_134 = arith.constant 64 : i32
        %parallel_loop3A_135 = arith.muli %parallel_loop3A_133, %parallel_loop3A_134 : i32
        %parallel_loop3A_136 = vector.extract_strided_slice %parallel_loop3A_95 {offsets = [10], sizes = [1], strides = [1]} : vector<16xi32> to vector<1xi32>
        %parallel_loop3A_137 = vector.extract %parallel_loop3A_136[0] : i32 from vector<1xi32>
        %parallel_loop3A_138 = arith.constant 64 : i32
        %parallel_loop3A_139 = arith.muli %parallel_loop3A_137, %parallel_loop3A_138 : i32
        %parallel_loop3A_140 = vector.extract_strided_slice %parallel_loop3A_95 {offsets = [11], sizes = [1], strides = [1]} : vector<16xi32> to vector<1xi32>
        %parallel_loop3A_141 = vector.extract %parallel_loop3A_140[0] : i32 from vector<1xi32>
        %parallel_loop3A_142 = arith.constant 64 : i32
        %parallel_loop3A_143 = arith.muli %parallel_loop3A_141, %parallel_loop3A_142 : i32
        %parallel_loop3A_144 = vector.extract_strided_slice %parallel_loop3A_95 {offsets = [12], sizes = [1], strides = [1]} : vector<16xi32> to vector<1xi32>
        %parallel_loop3A_145 = vector.extract %parallel_loop3A_144[0] : i32 from vector<1xi32>
        %parallel_loop3A_146 = arith.constant 64 : i32
        %parallel_loop3A_147 = arith.muli %parallel_loop3A_145, %parallel_loop3A_146 : i32
        %parallel_loop3A_148 = vector.extract_strided_slice %parallel_loop3A_95 {offsets = [13], sizes = [1], strides = [1]} : vector<16xi32> to vector<1xi32>
        %parallel_loop3A_149 = vector.extract %parallel_loop3A_148[0] : i32 from vector<1xi32>
        %parallel_loop3A_150 = arith.constant 64 : i32
        %parallel_loop3A_151 = arith.muli %parallel_loop3A_149, %parallel_loop3A_150 : i32
        %parallel_loop3A_152 = vector.extract_strided_slice %parallel_loop3A_95 {offsets = [14], sizes = [1], strides = [1]} : vector<16xi32> to vector<1xi32>
        %parallel_loop3A_153 = vector.extract %parallel_loop3A_152[0] : i32 from vector<1xi32>
        %parallel_loop3A_154 = arith.constant 64 : i32
        %parallel_loop3A_155 = arith.muli %parallel_loop3A_153, %parallel_loop3A_154 : i32
        %parallel_loop3A_156 = vector.extract_strided_slice %parallel_loop3A_95 {offsets = [15], sizes = [1], strides = [1]} : vector<16xi32> to vector<1xi32>
        %parallel_loop3A_157 = vector.extract %parallel_loop3A_156[0] : i32 from vector<1xi32>
        %parallel_loop3A_158 = arith.constant 64 : i32
        %parallel_loop3A_159 = arith.muli %parallel_loop3A_157, %parallel_loop3A_158 : i32
        %parallel_loop3A_160 = arith.constant 16 : i32
        %parallel_loop3A_161 = arith.muli %parallel_loop3A_91, %parallel_loop3A_160 : i32
        %parallel_loop3A_162 = arith.constant 0 : i32
        %parallel_loop3A_163 = arith.addi %parallel_loop3A_161, %parallel_loop3A_162 : i32
        %parallel_loop3A_164 = arith.constant 0 : i32
        %parallel_loop3A_165 = arith.addi %mul3A_11, %parallel_loop3A_164 : i32
        %parallel_loop3A_166 = arith.index_cast %parallel_loop3A_163 : i32 to index
        %parallel_loop3A_167 = arith.index_cast %parallel_loop3A_165 : i32 to index
        %parallel_loop3A_168 = tpu.vector_load %arg7[%parallel_loop3A_166, %parallel_loop3A_167] {strides = array<i32>} : memref<128x128xf32, #tpu.memory_space<vmem>>, vector<16xf32>,
        %parallel_loop3A_169 = arith.constant 0 : i32
        %parallel_loop3A_170 = arith.addi %parallel_loop3A_99, %parallel_loop3A_169 : i32
        %parallel_loop3A_171 = arith.index_cast %parallel_loop3A_170 : i32 to index
        %parallel_loop3A_172 = tpu.vector_load %arg9[%parallel_loop3A_171] {strides = array<i32>} : memref<81920xf32, #tpu.memory_space<vmem>>, vector<16xf32>,
        tpu.vector_store %arg9[%parallel_loop3A_171], %parallel_loop3A_168 {add = true, strides = array<i32>} : memref<81920xf32, #tpu.memory_space<vmem>>, vector<16xf32>,
        %parallel_loop3A_173 = arith.constant 16 : i32
        %parallel_loop3A_174 = arith.muli %parallel_loop3A_91, %parallel_loop3A_173 : i32
        %parallel_loop3A_175 = arith.constant 0 : i32
        %parallel_loop3A_176 = arith.addi %parallel_loop3A_174, %parallel_loop3A_175 : i32
        %parallel_loop3A_177 = arith.constant 16 : i32
        %parallel_loop3A_178 = arith.addi %mul3A_11, %parallel_loop3A_177 : i32
        %parallel_loop3A_179 = arith.index_cast %parallel_loop3A_176 : i32 to index
        %parallel_loop3A_180 = arith.index_cast %parallel_loop3A_178 : i32 to index
        %parallel_loop3A_181 = tpu.vector_load %arg7[%parallel_loop3A_179, %parallel_loop3A_180] {strides = array<i32>} : memref<128x128xf32, #tpu.memory_space<vmem>>, vector<16xf32>,
        %parallel_loop3A_182 = arith.constant 16 : i32
        %parallel_loop3A_183 = arith.addi %parallel_loop3A_99, %parallel_loop3A_182 : i32
        %parallel_loop3A_184 = arith.index_cast %parallel_loop3A_183 : i32 to index
        %parallel_loop3A_185 = tpu.vector_load %arg9[%parallel_loop3A_184] {strides = array<i32>} : memref<81920xf32, #tpu.memory_space<vmem>>, vector<16xf32>,
        tpu.vector_store %arg9[%parallel_loop3A_184], %parallel_loop3A_181 {add = true, strides = array<i32>} : memref<81920xf32, #tpu.memory_space<vmem>>, vector<16xf32>,
        %parallel_loop3A_186 = arith.constant 16 : i32
        %parallel_loop3A_187 = arith.muli %parallel_loop3A_91, %parallel_loop3A_186 : i32
        %parallel_loop3A_188 = arith.constant 0 : i32
        %parallel_loop3A_189 = arith.addi %parallel_loop3A_187, %parallel_loop3A_188 : i32
        %parallel_loop3A_190 = arith.constant 32 : i32
        %parallel_loop3A_191 = arith.addi %mul3A_11, %parallel_loop3A_190 : i32
        %parallel_loop3A_192 = arith.index_cast %parallel_loop3A_189 : i32 to index
        %parallel_loop3A_193 = arith.index_cast %parallel_loop3A_191 : i32 to index
        %parallel_loop3A_194 = tpu.vector_load %arg7[%parallel_loop3A_192, %parallel_loop3A_193] {strides = array<i32>} : memref<128x128xf32, #tpu.memory_space<vmem>>, vector<16xf32>,
        %parallel_loop3A_195 = arith.constant 32 : i32
        %parallel_loop3A_196 = arith.addi %parallel_loop3A_99, %parallel_loop3A_195 : i32
        %parallel_loop3A_197 = arith.index_cast %parallel_loop3A_196 : i32 to index
        %parallel_loop3A_198 = tpu.vector_load %arg9[%parallel_loop3A_197] {strides = array<i32>} : memref<81920xf32, #tpu.memory_space<vmem>>, vector<16xf32>,
        tpu.vector_store %arg9[%parallel_loop3A_197], %parallel_loop3A_194 {add = true, strides = array<i32>} : memref<81920xf32, #tpu.memory_space<vmem>>, vector<16xf32>,
        %parallel_loop3A_199 = arith.constant 16 : i32
        %parallel_loop3A_200 = arith.muli %parallel_loop3A_91, %parallel_loop3A_199 : i32
        %parallel_loop3A_201 = arith.constant 0 : i32
        %parallel_loop3A_202 = arith.addi %parallel_loop3A_200, %parallel_loop3A_201 : i32
        %parallel_loop3A_203 = arith.constant 48 : i32
        %parallel_loop3A_204 = arith.addi %mul3A_11, %parallel_loop3A_203 : i32
        %parallel_loop3A_205 = arith.index_cast %parallel_loop3A_202 : i32 to index
        %parallel_loop3A_206 = arith.index_cast %parallel_loop3A_204 : i32 to index
        %parallel_loop3A_207 = tpu.vector_load %arg7[%parallel_loop3A_205, %parallel_loop3A_206] {strides = array<i32>} : memref<128x128xf32, #tpu.memory_space<vmem>>, vector<16xf32>,
        %parallel_loop3A_208 = arith.constant 48 : i32
        %parallel_loop3A_209 = arith.addi %parallel_loop3A_99, %parallel_loop3A_208 : i32
        %parallel_loop3A_210 = arith.index_cast %parallel_loop3A_209 : i32 to index
        %parallel_loop3A_211 = tpu.vector_load %arg9[%parallel_loop3A_210] {strides = array<i32>} : memref<81920xf32, #tpu.memory_space<vmem>>, vector<16xf32>,
        tpu.vector_store %arg9[%parallel_loop3A_210], %parallel_loop3A_207 {add = true, strides = array<i32>} : memref<81920xf32, #tpu.memory_space<vmem>>, vector<16xf32>,
        %parallel_loop3A_212 = arith.constant 16 : i32
        %parallel_loop3A_213 = arith.muli %parallel_loop3A_91, %parallel_loop3A_212 : i32
        %parallel_loop3A_214 = arith.constant 1 : i32
        %parallel_loop3A_215 = arith.addi %parallel_loop3A_213, %parallel_loop3A_214 : i32
        %parallel_loop3A_216 = arith.constant 0 : i32
        %parallel_loop3A_217 = arith.addi %mul3A_11, %parallel_loop3A_216 : i32
        %parallel_loop3A_218 = arith.index_cast %parallel_loop3A_215 : i32 to index
        %parallel_loop3A_219 = arith.index_cast %parallel_loop3A_217 : i32 to index
        %parallel_loop3A_220 = tpu.vector_load %arg7[%parallel_loop3A_218, %parallel_loop3A_219] {strides = array<i32>} : memref<128x128xf32, #tpu.memory_space<vmem>>, vector<16xf32>,
        %parallel_loop3A_221 = arith.constant 0 : i32
        %parallel_loop3A_222 = arith.addi %parallel_loop3A_103, %parallel_loop3A_221 : i32
        %parallel_loop3A_223 = arith.index_cast %parallel_loop3A_222 : i32 to index
        %parallel_loop3A_224 = tpu.vector_load %arg9[%parallel_loop3A_223] {strides = array<i32>} : memref<81920xf32, #tpu.memory_space<vmem>>, vector<16xf32>,
        tpu.vector_store %arg9[%parallel_loop3A_223], %parallel_loop3A_220 {add = true, strides = array<i32>} : memref<81920xf32, #tpu.memory_space<vmem>>, vector<16xf32>,
        %parallel_loop3A_225 = arith.constant 16 : i32
        %parallel_loop3A_226 = arith.muli %parallel_loop3A_91, %parallel_loop3A_225 : i32
        %parallel_loop3A_227 = arith.constant 1 : i32
        %parallel_loop3A_228 = arith.addi %parallel_loop3A_226, %parallel_loop3A_227 : i32
        %parallel_loop3A_229 = arith.constant 16 : i32
        %parallel_loop3A_230 = arith.addi %mul3A_11, %parallel_loop3A_229 : i32
        %parallel_loop3A_231 = arith.index_cast %parallel_loop3A_228 : i32 to index
        %parallel_loop3A_232 = arith.index_cast %parallel_loop3A_230 : i32 to index
        %parallel_loop3A_233 = tpu.vector_load %arg7[%parallel_loop3A_231, %parallel_loop3A_232] {strides = array<i32>} : memref<128x128xf32, #tpu.memory_space<vmem>>, vector<16xf32>,
        %parallel_loop3A_234 = arith.constant 16 : i32
        %parallel_loop3A_235 = arith.addi %parallel_loop3A_103, %parallel_loop3A_234 : i32
        %parallel_loop3A_236 = arith.index_cast %parallel_loop3A_235 : i32 to index
        %parallel_loop3A_237 = tpu.vector_load %arg9[%parallel_loop3A_236] {strides = array<i32>} : memref<81920xf32, #tpu.memory_space<vmem>>, vector<16xf32>,
        tpu.vector_store %arg9[%parallel_loop3A_236], %parallel_loop3A_233 {add = true, strides = array<i32>} : memref<81920xf32, #tpu.memory_space<vmem>>, vector<16xf32>,
        %parallel_loop3A_238 = arith.constant 16 : i32
        %parallel_loop3A_239 = arith.muli %parallel_loop3A_91, %parallel_loop3A_238 : i32
        %parallel_loop3A_240 = arith.constant 1 : i32
        %parallel_loop3A_241 = arith.addi %parallel_loop3A_239, %parallel_loop3A_240 : i32
        %parallel_loop3A_242 = arith.constant 32 : i32
        %parallel_loop3A_243 = arith.addi %mul3A_11, %parallel_loop3A_242 : i32
        %parallel_loop3A_244 = arith.index_cast %parallel_loop3A_241 : i32 to index
        %parallel_loop3A_245 = arith.index_cast %parallel_loop3A_243 : i32 to index
        %parallel_loop3A_246 = tpu.vector_load %arg7[%parallel_loop3A_244, %parallel_loop3A_245] {strides = array<i32>} : memref<128x128xf32, #tpu.memory_space<vmem>>, vector<16xf32>,
        %parallel_loop3A_247 = arith.constant 32 : i32
        %parallel_loop3A_248 = arith.addi %parallel_loop3A_103, %parallel_loop3A_247 : i32
        %parallel_loop3A_249 = arith.index_cast %parallel_loop3A_248 : i32 to index
        %parallel_loop3A_250 = tpu.vector_load %arg9[%parallel_loop3A_249] {strides = array<i32>} : memref<81920xf32, #tpu.memory_space<vmem>>, vector<16xf32>,
        tpu.vector_store %arg9[%parallel_loop3A_249], %parallel_loop3A_246 {add = true, strides = array<i32>} : memref<81920xf32, #tpu.memory_space<vmem>>, vector<16xf32>,
        %parallel_loop3A_251 = arith.constant 16 : i32
        %parallel_loop3A_252 = arith.muli %parallel_loop3A_91, %parallel_loop3A_251 : i32
        %parallel_loop3A_253 = arith.constant 1 : i32
        %parallel_loop3A_254 = arith.addi %parallel_loop3A_252, %parallel_loop3A_253 : i32
        %parallel_loop3A_255 = arith.constant 48 : i32
        %parallel_loop3A_256 = arith.addi %mul3A_11, %parallel_loop3A_255 : i32
        %parallel_loop3A_257 = arith.index_cast %parallel_loop3A_254 : i32 to index
        %parallel_loop3A_258 = arith.index_cast %parallel_loop3A_256 : i32 to index
        %parallel_loop3A_259 = tpu.vector_load %arg7[%parallel_loop3A_257, %parallel_loop3A_258] {strides = array<i32>} : memref<128x128xf32, #tpu.memory_space<vmem>>, vector<16xf32>,
        %parallel_loop3A_260 = arith.constant 48 : i32
        %parallel_loop3A_261 = arith.addi %parallel_loop3A_103, %parallel_loop3A_260 : i32
        %parallel_loop3A_262 = arith.index_cast %parallel_loop3A_261 : i32 to index
        %parallel_loop3A_263 = tpu.vector_load %arg9[%parallel_loop3A_262] {strides = array<i32>} : memref<81920xf32, #tpu.memory_space<vmem>>, vector<16xf32>,
        tpu.vector_store %arg9[%parallel_loop3A_262], %parallel_loop3A_259 {add = true, strides = array<i32>} : memref<81920xf32, #tpu.memory_space<vmem>>, vector<16xf32>,
        %parallel_loop3A_264 = arith.constant 16 : i32
        %parallel_loop3A_265 = arith.muli %parallel_loop3A_91, %parallel_loop3A_264 : i32
        %parallel_loop3A_266 = arith.constant 2 : i32
        %parallel_loop3A_267 = arith.addi %parallel_loop3A_265, %parallel_loop3A_266 : i32
        %parallel_loop3A_268 = arith.constant 0 : i32
        %parallel_loop3A_269 = arith.addi %mul3A_11, %parallel_loop3A_268 : i32
        %parallel_loop3A_270 = arith.index_cast %parallel_loop3A_267 : i32 to index
        %parallel_loop3A_271 = arith.index_cast %parallel_loop3A_269 : i32 to index
        %parallel_loop3A_272 = tpu.vector_load %arg7[%parallel_loop3A_270, %parallel_loop3A_271] {strides = array<i32>} : memref<128x128xf32, #tpu.memory_space<vmem>>, vector<16xf32>,
        %parallel_loop3A_273 = arith.constant 0 : i32
        %parallel_loop3A_274 = arith.addi %parallel_loop3A_107, %parallel_loop3A_273 : i32
        %parallel_loop3A_275 = arith.index_cast %parallel_loop3A_274 : i32 to index
        %parallel_loop3A_276 = tpu.vector_load %arg9[%parallel_loop3A_275] {strides = array<i32>} : memref<81920xf32, #tpu.memory_space<vmem>>, vector<16xf32>,
        tpu.vector_store %arg9[%parallel_loop3A_275], %parallel_loop3A_272 {add = true, strides = array<i32>} : memref<81920xf32, #tpu.memory_space<vmem>>, vector<16xf32>,
        %parallel_loop3A_277 = arith.constant 16 : i32
        %parallel_loop3A_278 = arith.muli %parallel_loop3A_91, %parallel_loop3A_277 : i32
        %parallel_loop3A_279 = arith.constant 2 : i32
        %parallel_loop3A_280 = arith.addi %parallel_loop3A_278, %parallel_loop3A_279 : i32
        %parallel_loop3A_281 = arith.constant 16 : i32
        %parallel_loop3A_282 = arith.addi %mul3A_11, %parallel_loop3A_281 : i32
        %parallel_loop3A_283 = arith.index_cast %parallel_loop3A_280 : i32 to index
        %parallel_loop3A_284 = arith.index_cast %parallel_loop3A_282 : i32 to index
        %parallel_loop3A_285 = tpu.vector_load %arg7[%parallel_loop3A_283, %parallel_loop3A_284] {strides = array<i32>} : memref<128x128xf32, #tpu.memory_space<vmem>>, vector<16xf32>,
        %parallel_loop3A_286 = arith.constant 16 : i32
        %parallel_loop3A_287 = arith.addi %parallel_loop3A_107, %parallel_loop3A_286 : i32
        %parallel_loop3A_288 = arith.index_cast %parallel_loop3A_287 : i32 to index
        %parallel_loop3A_289 = tpu.vector_load %arg9[%parallel_loop3A_288] {strides = array<i32>} : memref<81920xf32, #tpu.memory_space<vmem>>, vector<16xf32>,
        tpu.vector_store %arg9[%parallel_loop3A_288], %parallel_loop3A_285 {add = true, strides = array<i32>} : memref<81920xf32, #tpu.memory_space<vmem>>, vector<16xf32>,
        %parallel_loop3A_290 = arith.constant 16 : i32
        %parallel_loop3A_291 = arith.muli %parallel_loop3A_91, %parallel_loop3A_290 : i32
        %parallel_loop3A_292 = arith.constant 2 : i32
        %parallel_loop3A_293 = arith.addi %parallel_loop3A_291, %parallel_loop3A_292 : i32
        %parallel_loop3A_294 = arith.constant 32 : i32
        %parallel_loop3A_295 = arith.addi %mul3A_11, %parallel_loop3A_294 : i32
        %parallel_loop3A_296 = arith.index_cast %parallel_loop3A_293 : i32 to index
        %parallel_loop3A_297 = arith.index_cast %parallel_loop3A_295 : i32 to index
        %parallel_loop3A_298 = tpu.vector_load %arg7[%parallel_loop3A_296, %parallel_loop3A_297] {strides = array<i32>} : memref<128x128xf32, #tpu.memory_space<vmem>>, vector<16xf32>,
        %parallel_loop3A_299 = arith.constant 32 : i32
        %parallel_loop3A_300 = arith.addi %parallel_loop3A_107, %parallel_loop3A_299 : i32
        %parallel_loop3A_301 = arith.index_cast %parallel_loop3A_300 : i32 to index
        %parallel_loop3A_302 = tpu.vector_load %arg9[%parallel_loop3A_301] {strides = array<i32>} : memref<81920xf32, #tpu.memory_space<vmem>>, vector<16xf32>,
        tpu.vector_store %arg9[%parallel_loop3A_301], %parallel_loop3A_298 {add = true, strides = array<i32>} : memref<81920xf32, #tpu.memory_space<vmem>>, vector<16xf32>,
        %parallel_loop3A_303 = arith.constant 16 : i32
        %parallel_loop3A_304 = arith.muli %parallel_loop3A_91, %parallel_loop3A_303 : i32
        %parallel_loop3A_305 = arith.constant 2 : i32
        %parallel_loop3A_306 = arith.addi %parallel_loop3A_304, %parallel_loop3A_305 : i32
        %parallel_loop3A_307 = arith.constant 48 : i32
        %parallel_loop3A_308 = arith.addi %mul3A_11, %parallel_loop3A_307 : i32
        %parallel_loop3A_309 = arith.index_cast %parallel_loop3A_306 : i32 to index
        %parallel_loop3A_310 = arith.index_cast %parallel_loop3A_308 : i32 to index
        %parallel_loop3A_311 = tpu.vector_load %arg7[%parallel_loop3A_309, %parallel_loop3A_310] {strides = array<i32>} : memref<128x128xf32, #tpu.memory_space<vmem>>, vector<16xf32>,
        %parallel_loop3A_312 = arith.constant 48 : i32
        %parallel_loop3A_313 = arith.addi %parallel_loop3A_107, %parallel_loop3A_312 : i32
        %parallel_loop3A_314 = arith.index_cast %parallel_loop3A_313 : i32 to index
        %parallel_loop3A_315 = tpu.vector_load %arg9[%parallel_loop3A_314] {strides = array<i32>} : memref<81920xf32, #tpu.memory_space<vmem>>, vector<16xf32>,
        tpu.vector_store %arg9[%parallel_loop3A_314], %parallel_loop3A_311 {add = true, strides = array<i32>} : memref<81920xf32, #tpu.memory_space<vmem>>, vector<16xf32>,
        %parallel_loop3A_316 = arith.constant 16 : i32
        %parallel_loop3A_317 = arith.muli %parallel_loop3A_91, %parallel_loop3A_316 : i32
        %parallel_loop3A_318 = arith.constant 3 : i32
        %parallel_loop3A_319 = arith.addi %parallel_loop3A_317, %parallel_loop3A_318 : i32
        %parallel_loop3A_320 = arith.constant 0 : i32
        %parallel_loop3A_321 = arith.addi %mul3A_11, %parallel_loop3A_320 : i32
        %parallel_loop3A_322 = arith.index_cast %parallel_loop3A_319 : i32 to index
        %parallel_loop3A_323 = arith.index_cast %parallel_loop3A_321 : i32 to index
        %parallel_loop3A_324 = tpu.vector_load %arg7[%parallel_loop3A_322, %parallel_loop3A_323] {strides = array<i32>} : memref<128x128xf32, #tpu.memory_space<vmem>>, vector<16xf32>,
        %parallel_loop3A_325 = arith.constant 0 : i32
        %parallel_loop3A_326 = arith.addi %parallel_loop3A_111, %parallel_loop3A_325 : i32
        %parallel_loop3A_327 = arith.index_cast %parallel_loop3A_326 : i32 to index
        %parallel_loop3A_328 = tpu.vector_load %arg9[%parallel_loop3A_327] {strides = array<i32>} : memref<81920xf32, #tpu.memory_space<vmem>>, vector<16xf32>,
        tpu.vector_store %arg9[%parallel_loop3A_327], %parallel_loop3A_324 {add = true, strides = array<i32>} : memref<81920xf32, #tpu.memory_space<vmem>>, vector<16xf32>,
        %parallel_loop3A_329 = arith.constant 16 : i32
        %parallel_loop3A_330 = arith.muli %parallel_loop3A_91, %parallel_loop3A_329 : i32
        %parallel_loop3A_331 = arith.constant 3 : i32
        %parallel_loop3A_332 = arith.addi %parallel_loop3A_330, %parallel_loop3A_331 : i32
        %parallel_loop3A_333 = arith.constant 16 : i32
        %parallel_loop3A_334 = arith.addi %mul3A_11, %parallel_loop3A_333 : i32
        %parallel_loop3A_335 = arith.index_cast %parallel_loop3A_332 : i32 to index
        %parallel_loop3A_336 = arith.index_cast %parallel_loop3A_334 : i32 to index
        %parallel_loop3A_337 = tpu.vector_load %arg7[%parallel_loop3A_335, %parallel_loop3A_336] {strides = array<i32>} : memref<128x128xf32, #tpu.memory_space<vmem>>, vector<16xf32>,
        %parallel_loop3A_338 = arith.constant 16 : i32
        %parallel_loop3A_339 = arith.addi %parallel_loop3A_111, %parallel_loop3A_338 : i32
        %parallel_loop3A_340 = arith.index_cast %parallel_loop3A_339 : i32 to index
        %parallel_loop3A_341 = tpu.vector_load %arg9[%parallel_loop3A_340] {strides = array<i32>} : memref<81920xf32, #tpu.memory_space<vmem>>, vector<16xf32>,
        tpu.vector_store %arg9[%parallel_loop3A_340], %parallel_loop3A_337 {add = true, strides = array<i32>} : memref<81920xf32, #tpu.memory_space<vmem>>, vector<16xf32>,
        %parallel_loop3A_342 = arith.constant 16 : i32
        %parallel_loop3A_343 = arith.muli %parallel_loop3A_91, %parallel_loop3A_342 : i32
        %parallel_loop3A_344 = arith.constant 3 : i32
        %parallel_loop3A_345 = arith.addi %parallel_loop3A_343, %parallel_loop3A_344 : i32
        %parallel_loop3A_346 = arith.constant 32 : i32
        %parallel_loop3A_347 = arith.addi %mul3A_11, %parallel_loop3A_346 : i32
        %parallel_loop3A_348 = arith.index_cast %parallel_loop3A_345 : i32 to index
        %parallel_loop3A_349 = arith.index_cast %parallel_loop3A_347 : i32 to index
        %parallel_loop3A_350 = tpu.vector_load %arg7[%parallel_loop3A_348, %parallel_loop3A_349] {strides = array<i32>} : memref<128x128xf32, #tpu.memory_space<vmem>>, vector<16xf32>,
        %parallel_loop3A_351 = arith.constant 32 : i32
        %parallel_loop3A_352 = arith.addi %parallel_loop3A_111, %parallel_loop3A_351 : i32
        %parallel_loop3A_353 = arith.index_cast %parallel_loop3A_352 : i32 to index
        %parallel_loop3A_354 = tpu.vector_load %arg9[%parallel_loop3A_353] {strides = array<i32>} : memref<81920xf32, #tpu.memory_space<vmem>>, vector<16xf32>,
        tpu.vector_store %arg9[%parallel_loop3A_353], %parallel_loop3A_350 {add = true, strides = array<i32>} : memref<81920xf32, #tpu.memory_space<vmem>>, vector<16xf32>,
        %parallel_loop3A_355 = arith.constant 16 : i32
        %parallel_loop3A_356 = arith.muli %parallel_loop3A_91, %parallel_loop3A_355 : i32
        %parallel_loop3A_357 = arith.constant 3 : i32
        %parallel_loop3A_358 = arith.addi %parallel_loop3A_356, %parallel_loop3A_357 : i32
        %parallel_loop3A_359 = arith.constant 48 : i32
        %parallel_loop3A_360 = arith.addi %mul3A_11, %parallel_loop3A_359 : i32
        %parallel_loop3A_361 = arith.index_cast %parallel_loop3A_358 : i32 to index
        %parallel_loop3A_362 = arith.index_cast %parallel_loop3A_360 : i32 to index
        %parallel_loop3A_363 = tpu.vector_load %arg7[%parallel_loop3A_361, %parallel_loop3A_362] {strides = array<i32>} : memref<128x128xf32, #tpu.memory_space<vmem>>, vector<16xf32>,
        %parallel_loop3A_364 = arith.constant 48 : i32
        %parallel_loop3A_365 = arith.addi %parallel_loop3A_111, %parallel_loop3A_364 : i32
        %parallel_loop3A_366 = arith.index_cast %parallel_loop3A_365 : i32 to index
        %parallel_loop3A_367 = tpu.vector_load %arg9[%parallel_loop3A_366] {strides = array<i32>} : memref<81920xf32, #tpu.memory_space<vmem>>, vector<16xf32>,
        tpu.vector_store %arg9[%parallel_loop3A_366], %parallel_loop3A_363 {add = true, strides = array<i32>} : memref<81920xf32, #tpu.memory_space<vmem>>, vector<16xf32>,
        %parallel_loop3A_368 = arith.constant 16 : i32
        %parallel_loop3A_369 = arith.muli %parallel_loop3A_91, %parallel_loop3A_368 : i32
        %parallel_loop3A_370 = arith.constant 4 : i32
        %parallel_loop3A_371 = arith.addi %parallel_loop3A_369, %parallel_loop3A_370 : i32
        %parallel_loop3A_372 = arith.constant 0 : i32
        %parallel_loop3A_373 = arith.addi %mul3A_11, %parallel_loop3A_372 : i32
        %parallel_loop3A_374 = arith.index_cast %parallel_loop3A_371 : i32 to index
        %parallel_loop3A_375 = arith.index_cast %parallel_loop3A_373 : i32 to index
        %parallel_loop3A_376 = tpu.vector_load %arg7[%parallel_loop3A_374, %parallel_loop3A_375] {strides = array<i32>} : memref<128x128xf32, #tpu.memory_space<vmem>>, vector<16xf32>,
        %parallel_loop3A_377 = arith.constant 0 : i32
        %parallel_loop3A_378 = arith.addi %parallel_loop3A_115, %parallel_loop3A_377 : i32
        %parallel_loop3A_379 = arith.index_cast %parallel_loop3A_378 : i32 to index
        %parallel_loop3A_380 = tpu.vector_load %arg9[%parallel_loop3A_379] {strides = array<i32>} : memref<81920xf32, #tpu.memory_space<vmem>>, vector<16xf32>,
        tpu.vector_store %arg9[%parallel_loop3A_379], %parallel_loop3A_376 {add = true, strides = array<i32>} : memref<81920xf32, #tpu.memory_space<vmem>>, vector<16xf32>,
        %parallel_loop3A_381 = arith.constant 16 : i32
        %parallel_loop3A_382 = arith.muli %parallel_loop3A_91, %parallel_loop3A_381 : i32
        %parallel_loop3A_383 = arith.constant 4 : i32
        %parallel_loop3A_384 = arith.addi %parallel_loop3A_382, %parallel_loop3A_383 : i32
        %parallel_loop3A_385 = arith.constant 16 : i32
        %parallel_loop3A_386 = arith.addi %mul3A_11, %parallel_loop3A_385 : i32
        %parallel_loop3A_387 = arith.index_cast %parallel_loop3A_384 : i32 to index
        %parallel_loop3A_388 = arith.index_cast %parallel_loop3A_386 : i32 to index
        %parallel_loop3A_389 = tpu.vector_load %arg7[%parallel_loop3A_387, %parallel_loop3A_388] {strides = array<i32>} : memref<128x128xf32, #tpu.memory_space<vmem>>, vector<16xf32>,
        %parallel_loop3A_390 = arith.constant 16 : i32
        %parallel_loop3A_391 = arith.addi %parallel_loop3A_115, %parallel_loop3A_390 : i32
        %parallel_loop3A_392 = arith.index_cast %parallel_loop3A_391 : i32 to index
        %parallel_loop3A_393 = tpu.vector_load %arg9[%parallel_loop3A_392] {strides = array<i32>} : memref<81920xf32, #tpu.memory_space<vmem>>, vector<16xf32>,
        tpu.vector_store %arg9[%parallel_loop3A_392], %parallel_loop3A_389 {add = true, strides = array<i32>} : memref<81920xf32, #tpu.memory_space<vmem>>, vector<16xf32>,
        %parallel_loop3A_394 = arith.constant 16 : i32
        %parallel_loop3A_395 = arith.muli %parallel_loop3A_91, %parallel_loop3A_394 : i32
        %parallel_loop3A_396 = arith.constant 4 : i32
        %parallel_loop3A_397 = arith.addi %parallel_loop3A_395, %parallel_loop3A_396 : i32
        %parallel_loop3A_398 = arith.constant 32 : i32
        %parallel_loop3A_399 = arith.addi %mul3A_11, %parallel_loop3A_398 : i32
        %parallel_loop3A_400 = arith.index_cast %parallel_loop3A_397 : i32 to index
        %parallel_loop3A_401 = arith.index_cast %parallel_loop3A_399 : i32 to index
        %parallel_loop3A_402 = tpu.vector_load %arg7[%parallel_loop3A_400, %parallel_loop3A_401] {strides = array<i32>} : memref<128x128xf32, #tpu.memory_space<vmem>>, vector<16xf32>,
        %parallel_loop3A_403 = arith.constant 32 : i32
        %parallel_loop3A_404 = arith.addi %parallel_loop3A_115, %parallel_loop3A_403 : i32
        %parallel_loop3A_405 = arith.index_cast %parallel_loop3A_404 : i32 to index
        %parallel_loop3A_406 = tpu.vector_load %arg9[%parallel_loop3A_405] {strides = array<i32>} : memref<81920xf32, #tpu.memory_space<vmem>>, vector<16xf32>,
        tpu.vector_store %arg9[%parallel_loop3A_405], %parallel_loop3A_402 {add = true, strides = array<i32>} : memref<81920xf32, #tpu.memory_space<vmem>>, vector<16xf32>,
        %parallel_loop3A_407 = arith.constant 16 : i32
        %parallel_loop3A_408 = arith.muli %parallel_loop3A_91, %parallel_loop3A_407 : i32
        %parallel_loop3A_409 = arith.constant 4 : i32
        %parallel_loop3A_410 = arith.addi %parallel_loop3A_408, %parallel_loop3A_409 : i32
        %parallel_loop3A_411 = arith.constant 48 : i32
        %parallel_loop3A_412 = arith.addi %mul3A_11, %parallel_loop3A_411 : i32
        %parallel_loop3A_413 = arith.index_cast %parallel_loop3A_410 : i32 to index
        %parallel_loop3A_414 = arith.index_cast %parallel_loop3A_412 : i32 to index
        %parallel_loop3A_415 = tpu.vector_load %arg7[%parallel_loop3A_413, %parallel_loop3A_414] {strides = array<i32>} : memref<128x128xf32, #tpu.memory_space<vmem>>, vector<16xf32>,
        %parallel_loop3A_416 = arith.constant 48 : i32
        %parallel_loop3A_417 = arith.addi %parallel_loop3A_115, %parallel_loop3A_416 : i32
        %parallel_loop3A_418 = arith.index_cast %parallel_loop3A_417 : i32 to index
        %parallel_loop3A_419 = tpu.vector_load %arg9[%parallel_loop3A_418] {strides = array<i32>} : memref<81920xf32, #tpu.memory_space<vmem>>, vector<16xf32>,
        tpu.vector_store %arg9[%parallel_loop3A_418], %parallel_loop3A_415 {add = true, strides = array<i32>} : memref<81920xf32, #tpu.memory_space<vmem>>, vector<16xf32>,
        %parallel_loop3A_420 = arith.constant 16 : i32
        %parallel_loop3A_421 = arith.muli %parallel_loop3A_91, %parallel_loop3A_420 : i32
        %parallel_loop3A_422 = arith.constant 5 : i32
        %parallel_loop3A_423 = arith.addi %parallel_loop3A_421, %parallel_loop3A_422 : i32
        %parallel_loop3A_424 = arith.constant 0 : i32
        %parallel_loop3A_425 = arith.addi %mul3A_11, %parallel_loop3A_424 : i32
        %parallel_loop3A_426 = arith.index_cast %parallel_loop3A_423 : i32 to index
        %parallel_loop3A_427 = arith.index_cast %parallel_loop3A_425 : i32 to index
        %parallel_loop3A_428 = tpu.vector_load %arg7[%parallel_loop3A_426, %parallel_loop3A_427] {strides = array<i32>} : memref<128x128xf32, #tpu.memory_space<vmem>>, vector<16xf32>,
        %parallel_loop3A_429 = arith.constant 0 : i32
        %parallel_loop3A_430 = arith.addi %parallel_loop3A_119, %parallel_loop3A_429 : i32
        %parallel_loop3A_431 = arith.index_cast %parallel_loop3A_430 : i32 to index
        %parallel_loop3A_432 = tpu.vector_load %arg9[%parallel_loop3A_431] {strides = array<i32>} : memref<81920xf32, #tpu.memory_space<vmem>>, vector<16xf32>,
        tpu.vector_store %arg9[%parallel_loop3A_431], %parallel_loop3A_428 {add = true, strides = array<i32>} : memref<81920xf32, #tpu.memory_space<vmem>>, vector<16xf32>,
        %parallel_loop3A_433 = arith.constant 16 : i32
        %parallel_loop3A_434 = arith.muli %parallel_loop3A_91, %parallel_loop3A_433 : i32
        %parallel_loop3A_435 = arith.constant 5 : i32
        %parallel_loop3A_436 = arith.addi %parallel_loop3A_434, %parallel_loop3A_435 : i32
        %parallel_loop3A_437 = arith.constant 16 : i32
        %parallel_loop3A_438 = arith.addi %mul3A_11, %parallel_loop3A_437 : i32
        %parallel_loop3A_439 = arith.index_cast %parallel_loop3A_436 : i32 to index
        %parallel_loop3A_440 = arith.index_cast %parallel_loop3A_438 : i32 to index
        %parallel_loop3A_441 = tpu.vector_load %arg7[%parallel_loop3A_439, %parallel_loop3A_440] {strides = array<i32>} : memref<128x128xf32, #tpu.memory_space<vmem>>, vector<16xf32>,
        %parallel_loop3A_442 = arith.constant 16 : i32
        %parallel_loop3A_443 = arith.addi %parallel_loop3A_119, %parallel_loop3A_442 : i32
        %parallel_loop3A_444 = arith.index_cast %parallel_loop3A_443 : i32 to index
        %parallel_loop3A_445 = tpu.vector_load %arg9[%parallel_loop3A_444] {strides = array<i32>} : memref<81920xf32, #tpu.memory_space<vmem>>, vector<16xf32>,
        tpu.vector_store %arg9[%parallel_loop3A_444], %parallel_loop3A_441 {add = true, strides = array<i32>} : memref<81920xf32, #tpu.memory_space<vmem>>, vector<16xf32>,
        %parallel_loop3A_446 = arith.constant 16 : i32
        %parallel_loop3A_447 = arith.muli %parallel_loop3A_91, %parallel_loop3A_446 : i32
        %parallel_loop3A_448 = arith.constant 5 : i32
        %parallel_loop3A_449 = arith.addi %parallel_loop3A_447, %parallel_loop3A_448 : i32
        %parallel_loop3A_450 = arith.constant 32 : i32
        %parallel_loop3A_451 = arith.addi %mul3A_11, %parallel_loop3A_450 : i32
        %parallel_loop3A_452 = arith.index_cast %parallel_loop3A_449 : i32 to index
        %parallel_loop3A_453 = arith.index_cast %parallel_loop3A_451 : i32 to index
        %parallel_loop3A_454 = tpu.vector_load %arg7[%parallel_loop3A_452, %parallel_loop3A_453] {strides = array<i32>} : memref<128x128xf32, #tpu.memory_space<vmem>>, vector<16xf32>,
        %parallel_loop3A_455 = arith.constant 32 : i32
        %parallel_loop3A_456 = arith.addi %parallel_loop3A_119, %parallel_loop3A_455 : i32
        %parallel_loop3A_457 = arith.index_cast %parallel_loop3A_456 : i32 to index
        %parallel_loop3A_458 = tpu.vector_load %arg9[%parallel_loop3A_457] {strides = array<i32>} : memref<81920xf32, #tpu.memory_space<vmem>>, vector<16xf32>,
        tpu.vector_store %arg9[%parallel_loop3A_457], %parallel_loop3A_454 {add = true, strides = array<i32>} : memref<81920xf32, #tpu.memory_space<vmem>>, vector<16xf32>,
        %parallel_loop3A_459 = arith.constant 16 : i32
        %parallel_loop3A_460 = arith.muli %parallel_loop3A_91, %parallel_loop3A_459 : i32
        %parallel_loop3A_461 = arith.constant 5 : i32
        %parallel_loop3A_462 = arith.addi %parallel_loop3A_460, %parallel_loop3A_461 : i32
        %parallel_loop3A_463 = arith.constant 48 : i32
        %parallel_loop3A_464 = arith.addi %mul3A_11, %parallel_loop3A_463 : i32
        %parallel_loop3A_465 = arith.index_cast %parallel_loop3A_462 : i32 to index
        %parallel_loop3A_466 = arith.index_cast %parallel_loop3A_464 : i32 to index
        %parallel_loop3A_467 = tpu.vector_load %arg7[%parallel_loop3A_465, %parallel_loop3A_466] {strides = array<i32>} : memref<128x128xf32, #tpu.memory_space<vmem>>, vector<16xf32>,
        %parallel_loop3A_468 = arith.constant 48 : i32
        %parallel_loop3A_469 = arith.addi %parallel_loop3A_119, %parallel_loop3A_468 : i32
        %parallel_loop3A_470 = arith.index_cast %parallel_loop3A_469 : i32 to index
        %parallel_loop3A_471 = tpu.vector_load %arg9[%parallel_loop3A_470] {strides = array<i32>} : memref<81920xf32, #tpu.memory_space<vmem>>, vector<16xf32>,
        tpu.vector_store %arg9[%parallel_loop3A_470], %parallel_loop3A_467 {add = true, strides = array<i32>} : memref<81920xf32, #tpu.memory_space<vmem>>, vector<16xf32>,
        %parallel_loop3A_472 = arith.constant 16 : i32
        %parallel_loop3A_473 = arith.muli %parallel_loop3A_91, %parallel_loop3A_472 : i32
        %parallel_loop3A_474 = arith.constant 6 : i32
        %parallel_loop3A_475 = arith.addi %parallel_loop3A_473, %parallel_loop3A_474 : i32
        %parallel_loop3A_476 = arith.constant 0 : i32
        %parallel_loop3A_477 = arith.addi %mul3A_11, %parallel_loop3A_476 : i32
        %parallel_loop3A_478 = arith.index_cast %parallel_loop3A_475 : i32 to index
        %parallel_loop3A_479 = arith.index_cast %parallel_loop3A_477 : i32 to index
        %parallel_loop3A_480 = tpu.vector_load %arg7[%parallel_loop3A_478, %parallel_loop3A_479] {strides = array<i32>} : memref<128x128xf32, #tpu.memory_space<vmem>>, vector<16xf32>,
        %parallel_loop3A_481 = arith.constant 0 : i32
        %parallel_loop3A_482 = arith.addi %parallel_loop3A_123, %parallel_loop3A_481 : i32
        %parallel_loop3A_483 = arith.index_cast %parallel_loop3A_482 : i32 to index
        %parallel_loop3A_484 = tpu.vector_load %arg9[%parallel_loop3A_483] {strides = array<i32>} : memref<81920xf32, #tpu.memory_space<vmem>>, vector<16xf32>,
        tpu.vector_store %arg9[%parallel_loop3A_483], %parallel_loop3A_480 {add = true, strides = array<i32>} : memref<81920xf32, #tpu.memory_space<vmem>>, vector<16xf32>,
        %parallel_loop3A_485 = arith.constant 16 : i32
        %parallel_loop3A_486 = arith.muli %parallel_loop3A_91, %parallel_loop3A_485 : i32
        %parallel_loop3A_487 = arith.constant 6 : i32
        %parallel_loop3A_488 = arith.addi %parallel_loop3A_486, %parallel_loop3A_487 : i32
        %parallel_loop3A_489 = arith.constant 16 : i32
        %parallel_loop3A_490 = arith.addi %mul3A_11, %parallel_loop3A_489 : i32
        %parallel_loop3A_491 = arith.index_cast %parallel_loop3A_488 : i32 to index
        %parallel_loop3A_492 = arith.index_cast %parallel_loop3A_490 : i32 to index
        %parallel_loop3A_493 = tpu.vector_load %arg7[%parallel_loop3A_491, %parallel_loop3A_492] {strides = array<i32>} : memref<128x128xf32, #tpu.memory_space<vmem>>, vector<16xf32>,
        %parallel_loop3A_494 = arith.constant 16 : i32
        %parallel_loop3A_495 = arith.addi %parallel_loop3A_123, %parallel_loop3A_494 : i32
        %parallel_loop3A_496 = arith.index_cast %parallel_loop3A_495 : i32 to index
        %parallel_loop3A_497 = tpu.vector_load %arg9[%parallel_loop3A_496] {strides = array<i32>} : memref<81920xf32, #tpu.memory_space<vmem>>, vector<16xf32>,
        tpu.vector_store %arg9[%parallel_loop3A_496], %parallel_loop3A_493 {add = true, strides = array<i32>} : memref<81920xf32, #tpu.memory_space<vmem>>, vector<16xf32>,
        %parallel_loop3A_498 = arith.constant 16 : i32
        %parallel_loop3A_499 = arith.muli %parallel_loop3A_91, %parallel_loop3A_498 : i32
        %parallel_loop3A_500 = arith.constant 6 : i32
        %parallel_loop3A_501 = arith.addi %parallel_loop3A_499, %parallel_loop3A_500 : i32
        %parallel_loop3A_502 = arith.constant 32 : i32
        %parallel_loop3A_503 = arith.addi %mul3A_11, %parallel_loop3A_502 : i32
        %parallel_loop3A_504 = arith.index_cast %parallel_loop3A_501 : i32 to index
        %parallel_loop3A_505 = arith.index_cast %parallel_loop3A_503 : i32 to index
        %parallel_loop3A_506 = tpu.vector_load %arg7[%parallel_loop3A_504, %parallel_loop3A_505] {strides = array<i32>} : memref<128x128xf32, #tpu.memory_space<vmem>>, vector<16xf32>,
        %parallel_loop3A_507 = arith.constant 32 : i32
        %parallel_loop3A_508 = arith.addi %parallel_loop3A_123, %parallel_loop3A_507 : i32
        %parallel_loop3A_509 = arith.index_cast %parallel_loop3A_508 : i32 to index
        %parallel_loop3A_510 = tpu.vector_load %arg9[%parallel_loop3A_509] {strides = array<i32>} : memref<81920xf32, #tpu.memory_space<vmem>>, vector<16xf32>,
        tpu.vector_store %arg9[%parallel_loop3A_509], %parallel_loop3A_506 {add = true, strides = array<i32>} : memref<81920xf32, #tpu.memory_space<vmem>>, vector<16xf32>,
        %parallel_loop3A_511 = arith.constant 16 : i32
        %parallel_loop3A_512 = arith.muli %parallel_loop3A_91, %parallel_loop3A_511 : i32
        %parallel_loop3A_513 = arith.constant 6 : i32
        %parallel_loop3A_514 = arith.addi %parallel_loop3A_512, %parallel_loop3A_513 : i32
        %parallel_loop3A_515 = arith.constant 48 : i32
        %parallel_loop3A_516 = arith.addi %mul3A_11, %parallel_loop3A_515 : i32
        %parallel_loop3A_517 = arith.index_cast %parallel_loop3A_514 : i32 to index
        %parallel_loop3A_518 = arith.index_cast %parallel_loop3A_516 : i32 to index
        %parallel_loop3A_519 = tpu.vector_load %arg7[%parallel_loop3A_517, %parallel_loop3A_518] {strides = array<i32>} : memref<128x128xf32, #tpu.memory_space<vmem>>, vector<16xf32>,
        %parallel_loop3A_520 = arith.constant 48 : i32
        %parallel_loop3A_521 = arith.addi %parallel_loop3A_123, %parallel_loop3A_520 : i32
        %parallel_loop3A_522 = arith.index_cast %parallel_loop3A_521 : i32 to index
        %parallel_loop3A_523 = tpu.vector_load %arg9[%parallel_loop3A_522] {strides = array<i32>} : memref<81920xf32, #tpu.memory_space<vmem>>, vector<16xf32>,
        tpu.vector_store %arg9[%parallel_loop3A_522], %parallel_loop3A_519 {add = true, strides = array<i32>} : memref<81920xf32, #tpu.memory_space<vmem>>, vector<16xf32>,
        %parallel_loop3A_524 = arith.constant 16 : i32
        %parallel_loop3A_525 = arith.muli %parallel_loop3A_91, %parallel_loop3A_524 : i32
        %parallel_loop3A_526 = arith.constant 7 : i32
        %parallel_loop3A_527 = arith.addi %parallel_loop3A_525, %parallel_loop3A_526 : i32
        %parallel_loop3A_528 = arith.constant 0 : i32
        %parallel_loop3A_529 = arith.addi %mul3A_11, %parallel_loop3A_528 : i32
        %parallel_loop3A_530 = arith.index_cast %parallel_loop3A_527 : i32 to index
        %parallel_loop3A_531 = arith.index_cast %parallel_loop3A_529 : i32 to index
        %parallel_loop3A_532 = tpu.vector_load %arg7[%parallel_loop3A_530, %parallel_loop3A_531] {strides = array<i32>} : memref<128x128xf32, #tpu.memory_space<vmem>>, vector<16xf32>,
        %parallel_loop3A_533 = arith.constant 0 : i32
        %parallel_loop3A_534 = arith.addi %parallel_loop3A_127, %parallel_loop3A_533 : i32
        %parallel_loop3A_535 = arith.index_cast %parallel_loop3A_534 : i32 to index
        %parallel_loop3A_536 = tpu.vector_load %arg9[%parallel_loop3A_535] {strides = array<i32>} : memref<81920xf32, #tpu.memory_space<vmem>>, vector<16xf32>,
        tpu.vector_store %arg9[%parallel_loop3A_535], %parallel_loop3A_532 {add = true, strides = array<i32>} : memref<81920xf32, #tpu.memory_space<vmem>>, vector<16xf32>,
        %parallel_loop3A_537 = arith.constant 16 : i32
        %parallel_loop3A_538 = arith.muli %parallel_loop3A_91, %parallel_loop3A_537 : i32
        %parallel_loop3A_539 = arith.constant 7 : i32
        %parallel_loop3A_540 = arith.addi %parallel_loop3A_538, %parallel_loop3A_539 : i32
        %parallel_loop3A_541 = arith.constant 16 : i32
        %parallel_loop3A_542 = arith.addi %mul3A_11, %parallel_loop3A_541 : i32
        %parallel_loop3A_543 = arith.index_cast %parallel_loop3A_540 : i32 to index
        %parallel_loop3A_544 = arith.index_cast %parallel_loop3A_542 : i32 to index
        %parallel_loop3A_545 = tpu.vector_load %arg7[%parallel_loop3A_543, %parallel_loop3A_544] {strides = array<i32>} : memref<128x128xf32, #tpu.memory_space<vmem>>, vector<16xf32>,
        %parallel_loop3A_546 = arith.constant 16 : i32
        %parallel_loop3A_547 = arith.addi %parallel_loop3A_127, %parallel_loop3A_546 : i32
        %parallel_loop3A_548 = arith.index_cast %parallel_loop3A_547 : i32 to index
        %parallel_loop3A_549 = tpu.vector_load %arg9[%parallel_loop3A_548] {strides = array<i32>} : memref<81920xf32, #tpu.memory_space<vmem>>, vector<16xf32>,
        tpu.vector_store %arg9[%parallel_loop3A_548], %parallel_loop3A_545 {add = true, strides = array<i32>} : memref<81920xf32, #tpu.memory_space<vmem>>, vector<16xf32>,
        %parallel_loop3A_550 = arith.constant 16 : i32
        %parallel_loop3A_551 = arith.muli %parallel_loop3A_91, %parallel_loop3A_550 : i32
        %parallel_loop3A_552 = arith.constant 7 : i32
        %parallel_loop3A_553 = arith.addi %parallel_loop3A_551, %parallel_loop3A_552 : i32
        %parallel_loop3A_554 = arith.constant 32 : i32
        %parallel_loop3A_555 = arith.addi %mul3A_11, %parallel_loop3A_554 : i32
        %parallel_loop3A_556 = arith.index_cast %parallel_loop3A_553 : i32 to index
        %parallel_loop3A_557 = arith.index_cast %parallel_loop3A_555 : i32 to index
        %parallel_loop3A_558 = tpu.vector_load %arg7[%parallel_loop3A_556, %parallel_loop3A_557] {strides = array<i32>} : memref<128x128xf32, #tpu.memory_space<vmem>>, vector<16xf32>,
        %parallel_loop3A_559 = arith.constant 32 : i32
        %parallel_loop3A_560 = arith.addi %parallel_loop3A_127, %parallel_loop3A_559 : i32
        %parallel_loop3A_561 = arith.index_cast %parallel_loop3A_560 : i32 to index
        %parallel_loop3A_562 = tpu.vector_load %arg9[%parallel_loop3A_561] {strides = array<i32>} : memref<81920xf32, #tpu.memory_space<vmem>>, vector<16xf32>,
        tpu.vector_store %arg9[%parallel_loop3A_561], %parallel_loop3A_558 {add = true, strides = array<i32>} : memref<81920xf32, #tpu.memory_space<vmem>>, vector<16xf32>,
        %parallel_loop3A_563 = arith.constant 16 : i32
        %parallel_loop3A_564 = arith.muli %parallel_loop3A_91, %parallel_loop3A_563 : i32
        %parallel_loop3A_565 = arith.constant 7 : i32
        %parallel_loop3A_566 = arith.addi %parallel_loop3A_564, %parallel_loop3A_565 : i32
        %parallel_loop3A_567 = arith.constant 48 : i32
        %parallel_loop3A_568 = arith.addi %mul3A_11, %parallel_loop3A_567 : i32
        %parallel_loop3A_569 = arith.index_cast %parallel_loop3A_566 : i32 to index
        %parallel_loop3A_570 = arith.index_cast %parallel_loop3A_568 : i32 to index
        %parallel_loop3A_571 = tpu.vector_load %arg7[%parallel_loop3A_569, %parallel_loop3A_570] {strides = array<i32>} : memref<128x128xf32, #tpu.memory_space<vmem>>, vector<16xf32>,
        %parallel_loop3A_572 = arith.constant 48 : i32
        %parallel_loop3A_573 = arith.addi %parallel_loop3A_127, %parallel_loop3A_572 : i32
        %parallel_loop3A_574 = arith.index_cast %parallel_loop3A_573 : i32 to index
        %parallel_loop3A_575 = tpu.vector_load %arg9[%parallel_loop3A_574] {strides = array<i32>} : memref<81920xf32, #tpu.memory_space<vmem>>, vector<16xf32>,
        tpu.vector_store %arg9[%parallel_loop3A_574], %parallel_loop3A_571 {add = true, strides = array<i32>} : memref<81920xf32, #tpu.memory_space<vmem>>, vector<16xf32>,
        %parallel_loop3A_576 = arith.constant 16 : i32
        %parallel_loop3A_577 = arith.muli %parallel_loop3A_91, %parallel_loop3A_576 : i32
        %parallel_loop3A_578 = arith.constant 8 : i32
        %parallel_loop3A_579 = arith.addi %parallel_loop3A_577, %parallel_loop3A_578 : i32
        %parallel_loop3A_580 = arith.constant 0 : i32
        %parallel_loop3A_581 = arith.addi %mul3A_11, %parallel_loop3A_580 : i32
        %parallel_loop3A_582 = arith.index_cast %parallel_loop3A_579 : i32 to index
        %parallel_loop3A_583 = arith.index_cast %parallel_loop3A_581 : i32 to index
        %parallel_loop3A_584 = tpu.vector_load %arg7[%parallel_loop3A_582, %parallel_loop3A_583] {strides = array<i32>} : memref<128x128xf32, #tpu.memory_space<vmem>>, vector<16xf32>,
        %parallel_loop3A_585 = arith.constant 0 : i32
        %parallel_loop3A_586 = arith.addi %parallel_loop3A_131, %parallel_loop3A_585 : i32
        %parallel_loop3A_587 = arith.index_cast %parallel_loop3A_586 : i32 to index
        %parallel_loop3A_588 = tpu.vector_load %arg9[%parallel_loop3A_587] {strides = array<i32>} : memref<81920xf32, #tpu.memory_space<vmem>>, vector<16xf32>,
        tpu.vector_store %arg9[%parallel_loop3A_587], %parallel_loop3A_584 {add = true, strides = array<i32>} : memref<81920xf32, #tpu.memory_space<vmem>>, vector<16xf32>,
        %parallel_loop3A_589 = arith.constant 16 : i32
        %parallel_loop3A_590 = arith.muli %parallel_loop3A_91, %parallel_loop3A_589 : i32
        %parallel_loop3A_591 = arith.constant 8 : i32
        %parallel_loop3A_592 = arith.addi %parallel_loop3A_590, %parallel_loop3A_591 : i32
        %parallel_loop3A_593 = arith.constant 16 : i32
        %parallel_loop3A_594 = arith.addi %mul3A_11, %parallel_loop3A_593 : i32
        %parallel_loop3A_595 = arith.index_cast %parallel_loop3A_592 : i32 to index
        %parallel_loop3A_596 = arith.index_cast %parallel_loop3A_594 : i32 to index
        %parallel_loop3A_597 = tpu.vector_load %arg7[%parallel_loop3A_595, %parallel_loop3A_596] {strides = array<i32>} : memref<128x128xf32, #tpu.memory_space<vmem>>, vector<16xf32>,
        %parallel_loop3A_598 = arith.constant 16 : i32
        %parallel_loop3A_599 = arith.addi %parallel_loop3A_131, %parallel_loop3A_598 : i32
        %parallel_loop3A_600 = arith.index_cast %parallel_loop3A_599 : i32 to index
        %parallel_loop3A_601 = tpu.vector_load %arg9[%parallel_loop3A_600] {strides = array<i32>} : memref<81920xf32, #tpu.memory_space<vmem>>, vector<16xf32>,
        tpu.vector_store %arg9[%parallel_loop3A_600], %parallel_loop3A_597 {add = true, strides = array<i32>} : memref<81920xf32, #tpu.memory_space<vmem>>, vector<16xf32>,
        %parallel_loop3A_602 = arith.constant 16 : i32
        %parallel_loop3A_603 = arith.muli %parallel_loop3A_91, %parallel_loop3A_602 : i32
        %parallel_loop3A_604 = arith.constant 8 : i32
        %parallel_loop3A_605 = arith.addi %parallel_loop3A_603, %parallel_loop3A_604 : i32
        %parallel_loop3A_606 = arith.constant 32 : i32
        %parallel_loop3A_607 = arith.addi %mul3A_11, %parallel_loop3A_606 : i32
        %parallel_loop3A_608 = arith.index_cast %parallel_loop3A_605 : i32 to index
        %parallel_loop3A_609 = arith.index_cast %parallel_loop3A_607 : i32 to index
        %parallel_loop3A_610 = tpu.vector_load %arg7[%parallel_loop3A_608, %parallel_loop3A_609] {strides = array<i32>} : memref<128x128xf32, #tpu.memory_space<vmem>>, vector<16xf32>,
        %parallel_loop3A_611 = arith.constant 32 : i32
        %parallel_loop3A_612 = arith.addi %parallel_loop3A_131, %parallel_loop3A_611 : i32
        %parallel_loop3A_613 = arith.index_cast %parallel_loop3A_612 : i32 to index
        %parallel_loop3A_614 = tpu.vector_load %arg9[%parallel_loop3A_613] {strides = array<i32>} : memref<81920xf32, #tpu.memory_space<vmem>>, vector<16xf32>,
        tpu.vector_store %arg9[%parallel_loop3A_613], %parallel_loop3A_610 {add = true, strides = array<i32>} : memref<81920xf32, #tpu.memory_space<vmem>>, vector<16xf32>,
        %parallel_loop3A_615 = arith.constant 16 : i32
        %parallel_loop3A_616 = arith.muli %parallel_loop3A_91, %parallel_loop3A_615 : i32
        %parallel_loop3A_617 = arith.constant 8 : i32
        %parallel_loop3A_618 = arith.addi %parallel_loop3A_616, %parallel_loop3A_617 : i32
        %parallel_loop3A_619 = arith.constant 48 : i32
        %parallel_loop3A_620 = arith.addi %mul3A_11, %parallel_loop3A_619 : i32
        %parallel_loop3A_621 = arith.index_cast %parallel_loop3A_618 : i32 to index
        %parallel_loop3A_622 = arith.index_cast %parallel_loop3A_620 : i32 to index
        %parallel_loop3A_623 = tpu.vector_load %arg7[%parallel_loop3A_621, %parallel_loop3A_622] {strides = array<i32>} : memref<128x128xf32, #tpu.memory_space<vmem>>, vector<16xf32>,
        %parallel_loop3A_624 = arith.constant 48 : i32
        %parallel_loop3A_625 = arith.addi %parallel_loop3A_131, %parallel_loop3A_624 : i32
        %parallel_loop3A_626 = arith.index_cast %parallel_loop3A_625 : i32 to index
        %parallel_loop3A_627 = tpu.vector_load %arg9[%parallel_loop3A_626] {strides = array<i32>} : memref<81920xf32, #tpu.memory_space<vmem>>, vector<16xf32>,
        tpu.vector_store %arg9[%parallel_loop3A_626], %parallel_loop3A_623 {add = true, strides = array<i32>} : memref<81920xf32, #tpu.memory_space<vmem>>, vector<16xf32>,
        %parallel_loop3A_628 = arith.constant 16 : i32
        %parallel_loop3A_629 = arith.muli %parallel_loop3A_91, %parallel_loop3A_628 : i32
        %parallel_loop3A_630 = arith.constant 9 : i32
        %parallel_loop3A_631 = arith.addi %parallel_loop3A_629, %parallel_loop3A_630 : i32
        %parallel_loop3A_632 = arith.constant 0 : i32
        %parallel_loop3A_633 = arith.addi %mul3A_11, %parallel_loop3A_632 : i32
        %parallel_loop3A_634 = arith.index_cast %parallel_loop3A_631 : i32 to index
        %parallel_loop3A_635 = arith.index_cast %parallel_loop3A_633 : i32 to index
        %parallel_loop3A_636 = tpu.vector_load %arg7[%parallel_loop3A_634, %parallel_loop3A_635] {strides = array<i32>} : memref<128x128xf32, #tpu.memory_space<vmem>>, vector<16xf32>,
        %parallel_loop3A_637 = arith.constant 0 : i32
        %parallel_loop3A_638 = arith.addi %parallel_loop3A_135, %parallel_loop3A_637 : i32
        %parallel_loop3A_639 = arith.index_cast %parallel_loop3A_638 : i32 to index
        %parallel_loop3A_640 = tpu.vector_load %arg9[%parallel_loop3A_639] {strides = array<i32>} : memref<81920xf32, #tpu.memory_space<vmem>>, vector<16xf32>,
        tpu.vector_store %arg9[%parallel_loop3A_639], %parallel_loop3A_636 {add = true, strides = array<i32>} : memref<81920xf32, #tpu.memory_space<vmem>>, vector<16xf32>,
        %parallel_loop3A_641 = arith.constant 16 : i32
        %parallel_loop3A_642 = arith.muli %parallel_loop3A_91, %parallel_loop3A_641 : i32
        %parallel_loop3A_643 = arith.constant 9 : i32
        %parallel_loop3A_644 = arith.addi %parallel_loop3A_642, %parallel_loop3A_643 : i32
        %parallel_loop3A_645 = arith.constant 16 : i32
        %parallel_loop3A_646 = arith.addi %mul3A_11, %parallel_loop3A_645 : i32
        %parallel_loop3A_647 = arith.index_cast %parallel_loop3A_644 : i32 to index
        %parallel_loop3A_648 = arith.index_cast %parallel_loop3A_646 : i32 to index
        %parallel_loop3A_649 = tpu.vector_load %arg7[%parallel_loop3A_647, %parallel_loop3A_648] {strides = array<i32>} : memref<128x128xf32, #tpu.memory_space<vmem>>, vector<16xf32>,
        %parallel_loop3A_650 = arith.constant 16 : i32
        %parallel_loop3A_651 = arith.addi %parallel_loop3A_135, %parallel_loop3A_650 : i32
        %parallel_loop3A_652 = arith.index_cast %parallel_loop3A_651 : i32 to index
        %parallel_loop3A_653 = tpu.vector_load %arg9[%parallel_loop3A_652] {strides = array<i32>} : memref<81920xf32, #tpu.memory_space<vmem>>, vector<16xf32>,
        tpu.vector_store %arg9[%parallel_loop3A_652], %parallel_loop3A_649 {add = true, strides = array<i32>} : memref<81920xf32, #tpu.memory_space<vmem>>, vector<16xf32>,
        %parallel_loop3A_654 = arith.constant 16 : i32
        %parallel_loop3A_655 = arith.muli %parallel_loop3A_91, %parallel_loop3A_654 : i32
        %parallel_loop3A_656 = arith.constant 9 : i32
        %parallel_loop3A_657 = arith.addi %parallel_loop3A_655, %parallel_loop3A_656 : i32
        %parallel_loop3A_658 = arith.constant 32 : i32
        %parallel_loop3A_659 = arith.addi %mul3A_11, %parallel_loop3A_658 : i32
        %parallel_loop3A_660 = arith.index_cast %parallel_loop3A_657 : i32 to index
        %parallel_loop3A_661 = arith.index_cast %parallel_loop3A_659 : i32 to index
        %parallel_loop3A_662 = tpu.vector_load %arg7[%parallel_loop3A_660, %parallel_loop3A_661] {strides = array<i32>} : memref<128x128xf32, #tpu.memory_space<vmem>>, vector<16xf32>,
        %parallel_loop3A_663 = arith.constant 32 : i32
        %parallel_loop3A_664 = arith.addi %parallel_loop3A_135, %parallel_loop3A_663 : i32
        %parallel_loop3A_665 = arith.index_cast %parallel_loop3A_664 : i32 to index
        %parallel_loop3A_666 = tpu.vector_load %arg9[%parallel_loop3A_665] {strides = array<i32>} : memref<81920xf32, #tpu.memory_space<vmem>>, vector<16xf32>,
        tpu.vector_store %arg9[%parallel_loop3A_665], %parallel_loop3A_662 {add = true, strides = array<i32>} : memref<81920xf32, #tpu.memory_space<vmem>>, vector<16xf32>,
        %parallel_loop3A_667 = arith.constant 16 : i32
        %parallel_loop3A_668 = arith.muli %parallel_loop3A_91, %parallel_loop3A_667 : i32
        %parallel_loop3A_669 = arith.constant 9 : i32
        %parallel_loop3A_670 = arith.addi %parallel_loop3A_668, %parallel_loop3A_669 : i32
        %parallel_loop3A_671 = arith.constant 48 : i32
        %parallel_loop3A_672 = arith.addi %mul3A_11, %parallel_loop3A_671 : i32
        %parallel_loop3A_673 = arith.index_cast %parallel_loop3A_670 : i32 to index
        %parallel_loop3A_674 = arith.index_cast %parallel_loop3A_672 : i32 to index
        %parallel_loop3A_675 = tpu.vector_load %arg7[%parallel_loop3A_673, %parallel_loop3A_674] {strides = array<i32>} : memref<128x128xf32, #tpu.memory_space<vmem>>, vector<16xf32>,
        %parallel_loop3A_676 = arith.constant 48 : i32
        %parallel_loop3A_677 = arith.addi %parallel_loop3A_135, %parallel_loop3A_676 : i32
        %parallel_loop3A_678 = arith.index_cast %parallel_loop3A_677 : i32 to index
        %parallel_loop3A_679 = tpu.vector_load %arg9[%parallel_loop3A_678] {strides = array<i32>} : memref<81920xf32, #tpu.memory_space<vmem>>, vector<16xf32>,
        tpu.vector_store %arg9[%parallel_loop3A_678], %parallel_loop3A_675 {add = true, strides = array<i32>} : memref<81920xf32, #tpu.memory_space<vmem>>, vector<16xf32>,
        %parallel_loop3A_680 = arith.constant 16 : i32
        %parallel_loop3A_681 = arith.muli %parallel_loop3A_91, %parallel_loop3A_680 : i32
        %parallel_loop3A_682 = arith.constant 10 : i32
        %parallel_loop3A_683 = arith.addi %parallel_loop3A_681, %parallel_loop3A_682 : i32
        %parallel_loop3A_684 = arith.constant 0 : i32
        %parallel_loop3A_685 = arith.addi %mul3A_11, %parallel_loop3A_684 : i32
        %parallel_loop3A_686 = arith.index_cast %parallel_loop3A_683 : i32 to index
        %parallel_loop3A_687 = arith.index_cast %parallel_loop3A_685 : i32 to index
        %parallel_loop3A_688 = tpu.vector_load %arg7[%parallel_loop3A_686, %parallel_loop3A_687] {strides = array<i32>} : memref<128x128xf32, #tpu.memory_space<vmem>>, vector<16xf32>,
        %parallel_loop3A_689 = arith.constant 0 : i32
        %parallel_loop3A_690 = arith.addi %parallel_loop3A_139, %parallel_loop3A_689 : i32
        %parallel_loop3A_691 = arith.index_cast %parallel_loop3A_690 : i32 to index
        %parallel_loop3A_692 = tpu.vector_load %arg9[%parallel_loop3A_691] {strides = array<i32>} : memref<81920xf32, #tpu.memory_space<vmem>>, vector<16xf32>,
        tpu.vector_store %arg9[%parallel_loop3A_691], %parallel_loop3A_688 {add = true, strides = array<i32>} : memref<81920xf32, #tpu.memory_space<vmem>>, vector<16xf32>,
        %parallel_loop3A_693 = arith.constant 16 : i32
        %parallel_loop3A_694 = arith.muli %parallel_loop3A_91, %parallel_loop3A_693 : i32
        %parallel_loop3A_695 = arith.constant 10 : i32
        %parallel_loop3A_696 = arith.addi %parallel_loop3A_694, %parallel_loop3A_695 : i32
        %parallel_loop3A_697 = arith.constant 16 : i32
        %parallel_loop3A_698 = arith.addi %mul3A_11, %parallel_loop3A_697 : i32
        %parallel_loop3A_699 = arith.index_cast %parallel_loop3A_696 : i32 to index
        %parallel_loop3A_700 = arith.index_cast %parallel_loop3A_698 : i32 to index
        %parallel_loop3A_701 = tpu.vector_load %arg7[%parallel_loop3A_699, %parallel_loop3A_700] {strides = array<i32>} : memref<128x128xf32, #tpu.memory_space<vmem>>, vector<16xf32>,
        %parallel_loop3A_702 = arith.constant 16 : i32
        %parallel_loop3A_703 = arith.addi %parallel_loop3A_139, %parallel_loop3A_702 : i32
        %parallel_loop3A_704 = arith.index_cast %parallel_loop3A_703 : i32 to index
        %parallel_loop3A_705 = tpu.vector_load %arg9[%parallel_loop3A_704] {strides = array<i32>} : memref<81920xf32, #tpu.memory_space<vmem>>, vector<16xf32>,
        tpu.vector_store %arg9[%parallel_loop3A_704], %parallel_loop3A_701 {add = true, strides = array<i32>} : memref<81920xf32, #tpu.memory_space<vmem>>, vector<16xf32>,
        %parallel_loop3A_706 = arith.constant 16 : i32
        %parallel_loop3A_707 = arith.muli %parallel_loop3A_91, %parallel_loop3A_706 : i32
        %parallel_loop3A_708 = arith.constant 10 : i32
        %parallel_loop3A_709 = arith.addi %parallel_loop3A_707, %parallel_loop3A_708 : i32
        %parallel_loop3A_710 = arith.constant 32 : i32
        %parallel_loop3A_711 = arith.addi %mul3A_11, %parallel_loop3A_710 : i32
        %parallel_loop3A_712 = arith.index_cast %parallel_loop3A_709 : i32 to index
        %parallel_loop3A_713 = arith.index_cast %parallel_loop3A_711 : i32 to index
        %parallel_loop3A_714 = tpu.vector_load %arg7[%parallel_loop3A_712, %parallel_loop3A_713] {strides = array<i32>} : memref<128x128xf32, #tpu.memory_space<vmem>>, vector<16xf32>,
        %parallel_loop3A_715 = arith.constant 32 : i32
        %parallel_loop3A_716 = arith.addi %parallel_loop3A_139, %parallel_loop3A_715 : i32
        %parallel_loop3A_717 = arith.index_cast %parallel_loop3A_716 : i32 to index
        %parallel_loop3A_718 = tpu.vector_load %arg9[%parallel_loop3A_717] {strides = array<i32>} : memref<81920xf32, #tpu.memory_space<vmem>>, vector<16xf32>,
        tpu.vector_store %arg9[%parallel_loop3A_717], %parallel_loop3A_714 {add = true, strides = array<i32>} : memref<81920xf32, #tpu.memory_space<vmem>>, vector<16xf32>,
        %parallel_loop3A_719 = arith.constant 16 : i32
        %parallel_loop3A_720 = arith.muli %parallel_loop3A_91, %parallel_loop3A_719 : i32
        %parallel_loop3A_721 = arith.constant 10 : i32
        %parallel_loop3A_722 = arith.addi %parallel_loop3A_720, %parallel_loop3A_721 : i32
        %parallel_loop3A_723 = arith.constant 48 : i32
        %parallel_loop3A_724 = arith.addi %mul3A_11, %parallel_loop3A_723 : i32
        %parallel_loop3A_725 = arith.index_cast %parallel_loop3A_722 : i32 to index
        %parallel_loop3A_726 = arith.index_cast %parallel_loop3A_724 : i32 to index
        %parallel_loop3A_727 = tpu.vector_load %arg7[%parallel_loop3A_725, %parallel_loop3A_726] {strides = array<i32>} : memref<128x128xf32, #tpu.memory_space<vmem>>, vector<16xf32>,
        %parallel_loop3A_728 = arith.constant 48 : i32
        %parallel_loop3A_729 = arith.addi %parallel_loop3A_139, %parallel_loop3A_728 : i32
        %parallel_loop3A_730 = arith.index_cast %parallel_loop3A_729 : i32 to index
        %parallel_loop3A_731 = tpu.vector_load %arg9[%parallel_loop3A_730] {strides = array<i32>} : memref<81920xf32, #tpu.memory_space<vmem>>, vector<16xf32>,
        tpu.vector_store %arg9[%parallel_loop3A_730], %parallel_loop3A_727 {add = true, strides = array<i32>} : memref<81920xf32, #tpu.memory_space<vmem>>, vector<16xf32>,
        %parallel_loop3A_732 = arith.constant 16 : i32
        %parallel_loop3A_733 = arith.muli %parallel_loop3A_91, %parallel_loop3A_732 : i32
        %parallel_loop3A_734 = arith.constant 11 : i32
        %parallel_loop3A_735 = arith.addi %parallel_loop3A_733, %parallel_loop3A_734 : i32
        %parallel_loop3A_736 = arith.constant 0 : i32
        %parallel_loop3A_737 = arith.addi %mul3A_11, %parallel_loop3A_736 : i32
        %parallel_loop3A_738 = arith.index_cast %parallel_loop3A_735 : i32 to index
        %parallel_loop3A_739 = arith.index_cast %parallel_loop3A_737 : i32 to index
        %parallel_loop3A_740 = tpu.vector_load %arg7[%parallel_loop3A_738, %parallel_loop3A_739] {strides = array<i32>} : memref<128x128xf32, #tpu.memory_space<vmem>>, vector<16xf32>,
        %parallel_loop3A_741 = arith.constant 0 : i32
        %parallel_loop3A_742 = arith.addi %parallel_loop3A_143, %parallel_loop3A_741 : i32
        %parallel_loop3A_743 = arith.index_cast %parallel_loop3A_742 : i32 to index
        %parallel_loop3A_744 = tpu.vector_load %arg9[%parallel_loop3A_743] {strides = array<i32>} : memref<81920xf32, #tpu.memory_space<vmem>>, vector<16xf32>,
        tpu.vector_store %arg9[%parallel_loop3A_743], %parallel_loop3A_740 {add = true, strides = array<i32>} : memref<81920xf32, #tpu.memory_space<vmem>>, vector<16xf32>,
        %parallel_loop3A_745 = arith.constant 16 : i32
        %parallel_loop3A_746 = arith.muli %parallel_loop3A_91, %parallel_loop3A_745 : i32
        %parallel_loop3A_747 = arith.constant 11 : i32
        %parallel_loop3A_748 = arith.addi %parallel_loop3A_746, %parallel_loop3A_747 : i32
        %parallel_loop3A_749 = arith.constant 16 : i32
        %parallel_loop3A_750 = arith.addi %mul3A_11, %parallel_loop3A_749 : i32
        %parallel_loop3A_751 = arith.index_cast %parallel_loop3A_748 : i32 to index
        %parallel_loop3A_752 = arith.index_cast %parallel_loop3A_750 : i32 to index
        %parallel_loop3A_753 = tpu.vector_load %arg7[%parallel_loop3A_751, %parallel_loop3A_752] {strides = array<i32>} : memref<128x128xf32, #tpu.memory_space<vmem>>, vector<16xf32>,
        %parallel_loop3A_754 = arith.constant 16 : i32
        %parallel_loop3A_755 = arith.addi %parallel_loop3A_143, %parallel_loop3A_754 : i32
        %parallel_loop3A_756 = arith.index_cast %parallel_loop3A_755 : i32 to index
        %parallel_loop3A_757 = tpu.vector_load %arg9[%parallel_loop3A_756] {strides = array<i32>} : memref<81920xf32, #tpu.memory_space<vmem>>, vector<16xf32>,
        tpu.vector_store %arg9[%parallel_loop3A_756], %parallel_loop3A_753 {add = true, strides = array<i32>} : memref<81920xf32, #tpu.memory_space<vmem>>, vector<16xf32>,
        %parallel_loop3A_758 = arith.constant 16 : i32
        %parallel_loop3A_759 = arith.muli %parallel_loop3A_91, %parallel_loop3A_758 : i32
        %parallel_loop3A_760 = arith.constant 11 : i32
        %parallel_loop3A_761 = arith.addi %parallel_loop3A_759, %parallel_loop3A_760 : i32
        %parallel_loop3A_762 = arith.constant 32 : i32
        %parallel_loop3A_763 = arith.addi %mul3A_11, %parallel_loop3A_762 : i32
        %parallel_loop3A_764 = arith.index_cast %parallel_loop3A_761 : i32 to index
        %parallel_loop3A_765 = arith.index_cast %parallel_loop3A_763 : i32 to index
        %parallel_loop3A_766 = tpu.vector_load %arg7[%parallel_loop3A_764, %parallel_loop3A_765] {strides = array<i32>} : memref<128x128xf32, #tpu.memory_space<vmem>>, vector<16xf32>,
        %parallel_loop3A_767 = arith.constant 32 : i32
        %parallel_loop3A_768 = arith.addi %parallel_loop3A_143, %parallel_loop3A_767 : i32
        %parallel_loop3A_769 = arith.index_cast %parallel_loop3A_768 : i32 to index
        %parallel_loop3A_770 = tpu.vector_load %arg9[%parallel_loop3A_769] {strides = array<i32>} : memref<81920xf32, #tpu.memory_space<vmem>>, vector<16xf32>,
        tpu.vector_store %arg9[%parallel_loop3A_769], %parallel_loop3A_766 {add = true, strides = array<i32>} : memref<81920xf32, #tpu.memory_space<vmem>>, vector<16xf32>,
        %parallel_loop3A_771 = arith.constant 16 : i32
        %parallel_loop3A_772 = arith.muli %parallel_loop3A_91, %parallel_loop3A_771 : i32
        %parallel_loop3A_773 = arith.constant 11 : i32
        %parallel_loop3A_774 = arith.addi %parallel_loop3A_772, %parallel_loop3A_773 : i32
        %parallel_loop3A_775 = arith.constant 48 : i32
        %parallel_loop3A_776 = arith.addi %mul3A_11, %parallel_loop3A_775 : i32
        %parallel_loop3A_777 = arith.index_cast %parallel_loop3A_774 : i32 to index
        %parallel_loop3A_778 = arith.index_cast %parallel_loop3A_776 : i32 to index
        %parallel_loop3A_779 = tpu.vector_load %arg7[%parallel_loop3A_777, %parallel_loop3A_778] {strides = array<i32>} : memref<128x128xf32, #tpu.memory_space<vmem>>, vector<16xf32>,
        %parallel_loop3A_780 = arith.constant 48 : i32
        %parallel_loop3A_781 = arith.addi %parallel_loop3A_143, %parallel_loop3A_780 : i32
        %parallel_loop3A_782 = arith.index_cast %parallel_loop3A_781 : i32 to index
        %parallel_loop3A_783 = tpu.vector_load %arg9[%parallel_loop3A_782] {strides = array<i32>} : memref<81920xf32, #tpu.memory_space<vmem>>, vector<16xf32>,
        tpu.vector_store %arg9[%parallel_loop3A_782], %parallel_loop3A_779 {add = true, strides = array<i32>} : memref<81920xf32, #tpu.memory_space<vmem>>, vector<16xf32>,
        %parallel_loop3A_784 = arith.constant 16 : i32
        %parallel_loop3A_785 = arith.muli %parallel_loop3A_91, %parallel_loop3A_784 : i32
        %parallel_loop3A_786 = arith.constant 12 : i32
        %parallel_loop3A_787 = arith.addi %parallel_loop3A_785, %parallel_loop3A_786 : i32
        %parallel_loop3A_788 = arith.constant 0 : i32
        %parallel_loop3A_789 = arith.addi %mul3A_11, %parallel_loop3A_788 : i32
        %parallel_loop3A_790 = arith.index_cast %parallel_loop3A_787 : i32 to index
        %parallel_loop3A_791 = arith.index_cast %parallel_loop3A_789 : i32 to index
        %parallel_loop3A_792 = tpu.vector_load %arg7[%parallel_loop3A_790, %parallel_loop3A_791] {strides = array<i32>} : memref<128x128xf32, #tpu.memory_space<vmem>>, vector<16xf32>,
        %parallel_loop3A_793 = arith.constant 0 : i32
        %parallel_loop3A_794 = arith.addi %parallel_loop3A_147, %parallel_loop3A_793 : i32
        %parallel_loop3A_795 = arith.index_cast %parallel_loop3A_794 : i32 to index
        %parallel_loop3A_796 = tpu.vector_load %arg9[%parallel_loop3A_795] {strides = array<i32>} : memref<81920xf32, #tpu.memory_space<vmem>>, vector<16xf32>,
        tpu.vector_store %arg9[%parallel_loop3A_795], %parallel_loop3A_792 {add = true, strides = array<i32>} : memref<81920xf32, #tpu.memory_space<vmem>>, vector<16xf32>,
        %parallel_loop3A_797 = arith.constant 16 : i32
        %parallel_loop3A_798 = arith.muli %parallel_loop3A_91, %parallel_loop3A_797 : i32
        %parallel_loop3A_799 = arith.constant 12 : i32
        %parallel_loop3A_800 = arith.addi %parallel_loop3A_798, %parallel_loop3A_799 : i32
        %parallel_loop3A_801 = arith.constant 16 : i32
        %parallel_loop3A_802 = arith.addi %mul3A_11, %parallel_loop3A_801 : i32
        %parallel_loop3A_803 = arith.index_cast %parallel_loop3A_800 : i32 to index
        %parallel_loop3A_804 = arith.index_cast %parallel_loop3A_802 : i32 to index
        %parallel_loop3A_805 = tpu.vector_load %arg7[%parallel_loop3A_803, %parallel_loop3A_804] {strides = array<i32>} : memref<128x128xf32, #tpu.memory_space<vmem>>, vector<16xf32>,
        %parallel_loop3A_806 = arith.constant 16 : i32
        %parallel_loop3A_807 = arith.addi %parallel_loop3A_147, %parallel_loop3A_806 : i32
        %parallel_loop3A_808 = arith.index_cast %parallel_loop3A_807 : i32 to index
        %parallel_loop3A_809 = tpu.vector_load %arg9[%parallel_loop3A_808] {strides = array<i32>} : memref<81920xf32, #tpu.memory_space<vmem>>, vector<16xf32>,
        tpu.vector_store %arg9[%parallel_loop3A_808], %parallel_loop3A_805 {add = true, strides = array<i32>} : memref<81920xf32, #tpu.memory_space<vmem>>, vector<16xf32>,
        %parallel_loop3A_810 = arith.constant 16 : i32
        %parallel_loop3A_811 = arith.muli %parallel_loop3A_91, %parallel_loop3A_810 : i32
        %parallel_loop3A_812 = arith.constant 12 : i32
        %parallel_loop3A_813 = arith.addi %parallel_loop3A_811, %parallel_loop3A_812 : i32
        %parallel_loop3A_814 = arith.constant 32 : i32
        %parallel_loop3A_815 = arith.addi %mul3A_11, %parallel_loop3A_814 : i32
        %parallel_loop3A_816 = arith.index_cast %parallel_loop3A_813 : i32 to index
        %parallel_loop3A_817 = arith.index_cast %parallel_loop3A_815 : i32 to index
        %parallel_loop3A_818 = tpu.vector_load %arg7[%parallel_loop3A_816, %parallel_loop3A_817] {strides = array<i32>} : memref<128x128xf32, #tpu.memory_space<vmem>>, vector<16xf32>,
        %parallel_loop3A_819 = arith.constant 32 : i32
        %parallel_loop3A_820 = arith.addi %parallel_loop3A_147, %parallel_loop3A_819 : i32
        %parallel_loop3A_821 = arith.index_cast %parallel_loop3A_820 : i32 to index
        %parallel_loop3A_822 = tpu.vector_load %arg9[%parallel_loop3A_821] {strides = array<i32>} : memref<81920xf32, #tpu.memory_space<vmem>>, vector<16xf32>,
        tpu.vector_store %arg9[%parallel_loop3A_821], %parallel_loop3A_818 {add = true, strides = array<i32>} : memref<81920xf32, #tpu.memory_space<vmem>>, vector<16xf32>,
        %parallel_loop3A_823 = arith.constant 16 : i32
        %parallel_loop3A_824 = arith.muli %parallel_loop3A_91, %parallel_loop3A_823 : i32
        %parallel_loop3A_825 = arith.constant 12 : i32
        %parallel_loop3A_826 = arith.addi %parallel_loop3A_824, %parallel_loop3A_825 : i32
        %parallel_loop3A_827 = arith.constant 48 : i32
        %parallel_loop3A_828 = arith.addi %mul3A_11, %parallel_loop3A_827 : i32
        %parallel_loop3A_829 = arith.index_cast %parallel_loop3A_826 : i32 to index
        %parallel_loop3A_830 = arith.index_cast %parallel_loop3A_828 : i32 to index
        %parallel_loop3A_831 = tpu.vector_load %arg7[%parallel_loop3A_829, %parallel_loop3A_830] {strides = array<i32>} : memref<128x128xf32, #tpu.memory_space<vmem>>, vector<16xf32>,
        %parallel_loop3A_832 = arith.constant 48 : i32
        %parallel_loop3A_833 = arith.addi %parallel_loop3A_147, %parallel_loop3A_832 : i32
        %parallel_loop3A_834 = arith.index_cast %parallel_loop3A_833 : i32 to index
        %parallel_loop3A_835 = tpu.vector_load %arg9[%parallel_loop3A_834] {strides = array<i32>} : memref<81920xf32, #tpu.memory_space<vmem>>, vector<16xf32>,
        tpu.vector_store %arg9[%parallel_loop3A_834], %parallel_loop3A_831 {add = true, strides = array<i32>} : memref<81920xf32, #tpu.memory_space<vmem>>, vector<16xf32>,
        %parallel_loop3A_836 = arith.constant 16 : i32
        %parallel_loop3A_837 = arith.muli %parallel_loop3A_91, %parallel_loop3A_836 : i32
        %parallel_loop3A_838 = arith.constant 13 : i32
        %parallel_loop3A_839 = arith.addi %parallel_loop3A_837, %parallel_loop3A_838 : i32
        %parallel_loop3A_840 = arith.constant 0 : i32
        %parallel_loop3A_841 = arith.addi %mul3A_11, %parallel_loop3A_840 : i32
        %parallel_loop3A_842 = arith.index_cast %parallel_loop3A_839 : i32 to index
        %parallel_loop3A_843 = arith.index_cast %parallel_loop3A_841 : i32 to index
        %parallel_loop3A_844 = tpu.vector_load %arg7[%parallel_loop3A_842, %parallel_loop3A_843] {strides = array<i32>} : memref<128x128xf32, #tpu.memory_space<vmem>>, vector<16xf32>,
        %parallel_loop3A_845 = arith.constant 0 : i32
        %parallel_loop3A_846 = arith.addi %parallel_loop3A_151, %parallel_loop3A_845 : i32
        %parallel_loop3A_847 = arith.index_cast %parallel_loop3A_846 : i32 to index
        %parallel_loop3A_848 = tpu.vector_load %arg9[%parallel_loop3A_847] {strides = array<i32>} : memref<81920xf32, #tpu.memory_space<vmem>>, vector<16xf32>,
        tpu.vector_store %arg9[%parallel_loop3A_847], %parallel_loop3A_844 {add = true, strides = array<i32>} : memref<81920xf32, #tpu.memory_space<vmem>>, vector<16xf32>,
        %parallel_loop3A_849 = arith.constant 16 : i32
        %parallel_loop3A_850 = arith.muli %parallel_loop3A_91, %parallel_loop3A_849 : i32
        %parallel_loop3A_851 = arith.constant 13 : i32
        %parallel_loop3A_852 = arith.addi %parallel_loop3A_850, %parallel_loop3A_851 : i32
        %parallel_loop3A_853 = arith.constant 16 : i32
        %parallel_loop3A_854 = arith.addi %mul3A_11, %parallel_loop3A_853 : i32
        %parallel_loop3A_855 = arith.index_cast %parallel_loop3A_852 : i32 to index
        %parallel_loop3A_856 = arith.index_cast %parallel_loop3A_854 : i32 to index
        %parallel_loop3A_857 = tpu.vector_load %arg7[%parallel_loop3A_855, %parallel_loop3A_856] {strides = array<i32>} : memref<128x128xf32, #tpu.memory_space<vmem>>, vector<16xf32>,
        %parallel_loop3A_858 = arith.constant 16 : i32
        %parallel_loop3A_859 = arith.addi %parallel_loop3A_151, %parallel_loop3A_858 : i32
        %parallel_loop3A_860 = arith.index_cast %parallel_loop3A_859 : i32 to index
        %parallel_loop3A_861 = tpu.vector_load %arg9[%parallel_loop3A_860] {strides = array<i32>} : memref<81920xf32, #tpu.memory_space<vmem>>, vector<16xf32>,
        tpu.vector_store %arg9[%parallel_loop3A_860], %parallel_loop3A_857 {add = true, strides = array<i32>} : memref<81920xf32, #tpu.memory_space<vmem>>, vector<16xf32>,
        %parallel_loop3A_862 = arith.constant 16 : i32
        %parallel_loop3A_863 = arith.muli %parallel_loop3A_91, %parallel_loop3A_862 : i32
        %parallel_loop3A_864 = arith.constant 13 : i32
        %parallel_loop3A_865 = arith.addi %parallel_loop3A_863, %parallel_loop3A_864 : i32
        %parallel_loop3A_866 = arith.constant 32 : i32
        %parallel_loop3A_867 = arith.addi %mul3A_11, %parallel_loop3A_866 : i32
        %parallel_loop3A_868 = arith.index_cast %parallel_loop3A_865 : i32 to index
        %parallel_loop3A_869 = arith.index_cast %parallel_loop3A_867 : i32 to index
        %parallel_loop3A_870 = tpu.vector_load %arg7[%parallel_loop3A_868, %parallel_loop3A_869] {strides = array<i32>} : memref<128x128xf32, #tpu.memory_space<vmem>>, vector<16xf32>,
        %parallel_loop3A_871 = arith.constant 32 : i32
        %parallel_loop3A_872 = arith.addi %parallel_loop3A_151, %parallel_loop3A_871 : i32
        %parallel_loop3A_873 = arith.index_cast %parallel_loop3A_872 : i32 to index
        %parallel_loop3A_874 = tpu.vector_load %arg9[%parallel_loop3A_873] {strides = array<i32>} : memref<81920xf32, #tpu.memory_space<vmem>>, vector<16xf32>,
        tpu.vector_store %arg9[%parallel_loop3A_873], %parallel_loop3A_870 {add = true, strides = array<i32>} : memref<81920xf32, #tpu.memory_space<vmem>>, vector<16xf32>,
        %parallel_loop3A_875 = arith.constant 16 : i32
        %parallel_loop3A_876 = arith.muli %parallel_loop3A_91, %parallel_loop3A_875 : i32
        %parallel_loop3A_877 = arith.constant 13 : i32
        %parallel_loop3A_878 = arith.addi %parallel_loop3A_876, %parallel_loop3A_877 : i32
        %parallel_loop3A_879 = arith.constant 48 : i32
        %parallel_loop3A_880 = arith.addi %mul3A_11, %parallel_loop3A_879 : i32
        %parallel_loop3A_881 = arith.index_cast %parallel_loop3A_878 : i32 to index
        %parallel_loop3A_882 = arith.index_cast %parallel_loop3A_880 : i32 to index
        %parallel_loop3A_883 = tpu.vector_load %arg7[%parallel_loop3A_881, %parallel_loop3A_882] {strides = array<i32>} : memref<128x128xf32, #tpu.memory_space<vmem>>, vector<16xf32>,
        %parallel_loop3A_884 = arith.constant 48 : i32
        %parallel_loop3A_885 = arith.addi %parallel_loop3A_151, %parallel_loop3A_884 : i32
        %parallel_loop3A_886 = arith.index_cast %parallel_loop3A_885 : i32 to index
        %parallel_loop3A_887 = tpu.vector_load %arg9[%parallel_loop3A_886] {strides = array<i32>} : memref<81920xf32, #tpu.memory_space<vmem>>, vector<16xf32>,
        tpu.vector_store %arg9[%parallel_loop3A_886], %parallel_loop3A_883 {add = true, strides = array<i32>} : memref<81920xf32, #tpu.memory_space<vmem>>, vector<16xf32>,
        %parallel_loop3A_888 = arith.constant 16 : i32
        %parallel_loop3A_889 = arith.muli %parallel_loop3A_91, %parallel_loop3A_888 : i32
        %parallel_loop3A_890 = arith.constant 14 : i32
        %parallel_loop3A_891 = arith.addi %parallel_loop3A_889, %parallel_loop3A_890 : i32
        %parallel_loop3A_892 = arith.constant 0 : i32
        %parallel_loop3A_893 = arith.addi %mul3A_11, %parallel_loop3A_892 : i32
        %parallel_loop3A_894 = arith.index_cast %parallel_loop3A_891 : i32 to index
        %parallel_loop3A_895 = arith.index_cast %parallel_loop3A_893 : i32 to index
        %parallel_loop3A_896 = tpu.vector_load %arg7[%parallel_loop3A_894, %parallel_loop3A_895] {strides = array<i32>} : memref<128x128xf32, #tpu.memory_space<vmem>>, vector<16xf32>,
        %parallel_loop3A_897 = arith.constant 0 : i32
        %parallel_loop3A_898 = arith.addi %parallel_loop3A_155, %parallel_loop3A_897 : i32
        %parallel_loop3A_899 = arith.index_cast %parallel_loop3A_898 : i32 to index
        %parallel_loop3A_900 = tpu.vector_load %arg9[%parallel_loop3A_899] {strides = array<i32>} : memref<81920xf32, #tpu.memory_space<vmem>>, vector<16xf32>,
        tpu.vector_store %arg9[%parallel_loop3A_899], %parallel_loop3A_896 {add = true, strides = array<i32>} : memref<81920xf32, #tpu.memory_space<vmem>>, vector<16xf32>,
        %parallel_loop3A_901 = arith.constant 16 : i32
        %parallel_loop3A_902 = arith.muli %parallel_loop3A_91, %parallel_loop3A_901 : i32
        %parallel_loop3A_903 = arith.constant 14 : i32
        %parallel_loop3A_904 = arith.addi %parallel_loop3A_902, %parallel_loop3A_903 : i32
        %parallel_loop3A_905 = arith.constant 16 : i32
        %parallel_loop3A_906 = arith.addi %mul3A_11, %parallel_loop3A_905 : i32
        %parallel_loop3A_907 = arith.index_cast %parallel_loop3A_904 : i32 to index
        %parallel_loop3A_908 = arith.index_cast %parallel_loop3A_906 : i32 to index
        %parallel_loop3A_909 = tpu.vector_load %arg7[%parallel_loop3A_907, %parallel_loop3A_908] {strides = array<i32>} : memref<128x128xf32, #tpu.memory_space<vmem>>, vector<16xf32>,
        %parallel_loop3A_910 = arith.constant 16 : i32
        %parallel_loop3A_911 = arith.addi %parallel_loop3A_155, %parallel_loop3A_910 : i32
        %parallel_loop3A_912 = arith.index_cast %parallel_loop3A_911 : i32 to index
        %parallel_loop3A_913 = tpu.vector_load %arg9[%parallel_loop3A_912] {strides = array<i32>} : memref<81920xf32, #tpu.memory_space<vmem>>, vector<16xf32>,
        tpu.vector_store %arg9[%parallel_loop3A_912], %parallel_loop3A_909 {add = true, strides = array<i32>} : memref<81920xf32, #tpu.memory_space<vmem>>, vector<16xf32>,
        %parallel_loop3A_914 = arith.constant 16 : i32
        %parallel_loop3A_915 = arith.muli %parallel_loop3A_91, %parallel_loop3A_914 : i32
        %parallel_loop3A_916 = arith.constant 14 : i32
        %parallel_loop3A_917 = arith.addi %parallel_loop3A_915, %parallel_loop3A_916 : i32
        %parallel_loop3A_918 = arith.constant 32 : i32
        %parallel_loop3A_919 = arith.addi %mul3A_11, %parallel_loop3A_918 : i32
        %parallel_loop3A_920 = arith.index_cast %parallel_loop3A_917 : i32 to index
        %parallel_loop3A_921 = arith.index_cast %parallel_loop3A_919 : i32 to index
        %parallel_loop3A_922 = tpu.vector_load %arg7[%parallel_loop3A_920, %parallel_loop3A_921] {strides = array<i32>} : memref<128x128xf32, #tpu.memory_space<vmem>>, vector<16xf32>,
        %parallel_loop3A_923 = arith.constant 32 : i32
        %parallel_loop3A_924 = arith.addi %parallel_loop3A_155, %parallel_loop3A_923 : i32
        %parallel_loop3A_925 = arith.index_cast %parallel_loop3A_924 : i32 to index
        %parallel_loop3A_926 = tpu.vector_load %arg9[%parallel_loop3A_925] {strides = array<i32>} : memref<81920xf32, #tpu.memory_space<vmem>>, vector<16xf32>,
        tpu.vector_store %arg9[%parallel_loop3A_925], %parallel_loop3A_922 {add = true, strides = array<i32>} : memref<81920xf32, #tpu.memory_space<vmem>>, vector<16xf32>,
        %parallel_loop3A_927 = arith.constant 16 : i32
        %parallel_loop3A_928 = arith.muli %parallel_loop3A_91, %parallel_loop3A_927 : i32
        %parallel_loop3A_929 = arith.constant 14 : i32
        %parallel_loop3A_930 = arith.addi %parallel_loop3A_928, %parallel_loop3A_929 : i32
        %parallel_loop3A_931 = arith.constant 48 : i32
        %parallel_loop3A_932 = arith.addi %mul3A_11, %parallel_loop3A_931 : i32
        %parallel_loop3A_933 = arith.index_cast %parallel_loop3A_930 : i32 to index
        %parallel_loop3A_934 = arith.index_cast %parallel_loop3A_932 : i32 to index
        %parallel_loop3A_935 = tpu.vector_load %arg7[%parallel_loop3A_933, %parallel_loop3A_934] {strides = array<i32>} : memref<128x128xf32, #tpu.memory_space<vmem>>, vector<16xf32>,
        %parallel_loop3A_936 = arith.constant 48 : i32
        %parallel_loop3A_937 = arith.addi %parallel_loop3A_155, %parallel_loop3A_936 : i32
        %parallel_loop3A_938 = arith.index_cast %parallel_loop3A_937 : i32 to index
        %parallel_loop3A_939 = tpu.vector_load %arg9[%parallel_loop3A_938] {strides = array<i32>} : memref<81920xf32, #tpu.memory_space<vmem>>, vector<16xf32>,
        tpu.vector_store %arg9[%parallel_loop3A_938], %parallel_loop3A_935 {add = true, strides = array<i32>} : memref<81920xf32, #tpu.memory_space<vmem>>, vector<16xf32>,
        %parallel_loop3A_940 = arith.constant 16 : i32
        %parallel_loop3A_941 = arith.muli %parallel_loop3A_91, %parallel_loop3A_940 : i32
        %parallel_loop3A_942 = arith.constant 15 : i32
        %parallel_loop3A_943 = arith.addi %parallel_loop3A_941, %parallel_loop3A_942 : i32
        %parallel_loop3A_944 = arith.constant 0 : i32
        %parallel_loop3A_945 = arith.addi %mul3A_11, %parallel_loop3A_944 : i32
        %parallel_loop3A_946 = arith.index_cast %parallel_loop3A_943 : i32 to index
        %parallel_loop3A_947 = arith.index_cast %parallel_loop3A_945 : i32 to index
        %parallel_loop3A_948 = tpu.vector_load %arg7[%parallel_loop3A_946, %parallel_loop3A_947] {strides = array<i32>} : memref<128x128xf32, #tpu.memory_space<vmem>>, vector<16xf32>,
        %parallel_loop3A_949 = arith.constant 0 : i32
        %parallel_loop3A_950 = arith.addi %parallel_loop3A_159, %parallel_loop3A_949 : i32
        %parallel_loop3A_951 = arith.index_cast %parallel_loop3A_950 : i32 to index
        %parallel_loop3A_952 = tpu.vector_load %arg9[%parallel_loop3A_951] {strides = array<i32>} : memref<81920xf32, #tpu.memory_space<vmem>>, vector<16xf32>,
        tpu.vector_store %arg9[%parallel_loop3A_951], %parallel_loop3A_948 {add = true, strides = array<i32>} : memref<81920xf32, #tpu.memory_space<vmem>>, vector<16xf32>,
        %parallel_loop3A_953 = arith.constant 16 : i32
        %parallel_loop3A_954 = arith.muli %parallel_loop3A_91, %parallel_loop3A_953 : i32
        %parallel_loop3A_955 = arith.constant 15 : i32
        %parallel_loop3A_956 = arith.addi %parallel_loop3A_954, %parallel_loop3A_955 : i32
        %parallel_loop3A_957 = arith.constant 16 : i32
        %parallel_loop3A_958 = arith.addi %mul3A_11, %parallel_loop3A_957 : i32
        %parallel_loop3A_959 = arith.index_cast %parallel_loop3A_956 : i32 to index
        %parallel_loop3A_960 = arith.index_cast %parallel_loop3A_958 : i32 to index
        %parallel_loop3A_961 = tpu.vector_load %arg7[%parallel_loop3A_959, %parallel_loop3A_960] {strides = array<i32>} : memref<128x128xf32, #tpu.memory_space<vmem>>, vector<16xf32>,
        %parallel_loop3A_962 = arith.constant 16 : i32
        %parallel_loop3A_963 = arith.addi %parallel_loop3A_159, %parallel_loop3A_962 : i32
        %parallel_loop3A_964 = arith.index_cast %parallel_loop3A_963 : i32 to index
        %parallel_loop3A_965 = tpu.vector_load %arg9[%parallel_loop3A_964] {strides = array<i32>} : memref<81920xf32, #tpu.memory_space<vmem>>, vector<16xf32>,
        tpu.vector_store %arg9[%parallel_loop3A_964], %parallel_loop3A_961 {add = true, strides = array<i32>} : memref<81920xf32, #tpu.memory_space<vmem>>, vector<16xf32>,
        %parallel_loop3A_966 = arith.constant 16 : i32
        %parallel_loop3A_967 = arith.muli %parallel_loop3A_91, %parallel_loop3A_966 : i32
        %parallel_loop3A_968 = arith.constant 15 : i32
        %parallel_loop3A_969 = arith.addi %parallel_loop3A_967, %parallel_loop3A_968 : i32
        %parallel_loop3A_970 = arith.constant 32 : i32
        %parallel_loop3A_971 = arith.addi %mul3A_11, %parallel_loop3A_970 : i32
        %parallel_loop3A_972 = arith.index_cast %parallel_loop3A_969 : i32 to index
        %parallel_loop3A_973 = arith.index_cast %parallel_loop3A_971 : i32 to index
        %parallel_loop3A_974 = tpu.vector_load %arg7[%parallel_loop3A_972, %parallel_loop3A_973] {strides = array<i32>} : memref<128x128xf32, #tpu.memory_space<vmem>>, vector<16xf32>,
        %parallel_loop3A_975 = arith.constant 32 : i32
        %parallel_loop3A_976 = arith.addi %parallel_loop3A_159, %parallel_loop3A_975 : i32
        %parallel_loop3A_977 = arith.index_cast %parallel_loop3A_976 : i32 to index
        %parallel_loop3A_978 = tpu.vector_load %arg9[%parallel_loop3A_977] {strides = array<i32>} : memref<81920xf32, #tpu.memory_space<vmem>>, vector<16xf32>,
        tpu.vector_store %arg9[%parallel_loop3A_977], %parallel_loop3A_974 {add = true, strides = array<i32>} : memref<81920xf32, #tpu.memory_space<vmem>>, vector<16xf32>,
        %parallel_loop3A_979 = arith.constant 16 : i32
        %parallel_loop3A_980 = arith.muli %parallel_loop3A_91, %parallel_loop3A_979 : i32
        %parallel_loop3A_981 = arith.constant 15 : i32
        %parallel_loop3A_982 = arith.addi %parallel_loop3A_980, %parallel_loop3A_981 : i32
        %parallel_loop3A_983 = arith.constant 48 : i32
        %parallel_loop3A_984 = arith.addi %mul3A_11, %parallel_loop3A_983 : i32
        %parallel_loop3A_985 = arith.index_cast %parallel_loop3A_982 : i32 to index
        %parallel_loop3A_986 = arith.index_cast %parallel_loop3A_984 : i32 to index
        %parallel_loop3A_987 = tpu.vector_load %arg7[%parallel_loop3A_985, %parallel_loop3A_986] {strides = array<i32>} : memref<128x128xf32, #tpu.memory_space<vmem>>, vector<16xf32>,
        %parallel_loop3A_988 = arith.constant 48 : i32
        %parallel_loop3A_989 = arith.addi %parallel_loop3A_159, %parallel_loop3A_988 : i32
        %parallel_loop3A_990 = arith.index_cast %parallel_loop3A_989 : i32 to index
        %parallel_loop3A_991 = tpu.vector_load %arg9[%parallel_loop3A_990] {strides = array<i32>} : memref<81920xf32, #tpu.memory_space<vmem>>, vector<16xf32>,
        tpu.vector_store %arg9[%parallel_loop3A_990], %parallel_loop3A_987 {add = true, strides = array<i32>} : memref<81920xf32, #tpu.memory_space<vmem>>, vector<16xf32>,
      } {sc.loop_unroll_factor = 1 : i64, sc.parallel_access}
      %scan3A_90 = arith.constant 0 : i32
      scf.yield %scan3A_90 : i32
    }
    %scan3A_54 = arith.constant 64 : i32
    "tpu.region"() ({
      %run_scoped3A = tpu.sem_alloc : memref<!tpu.dma_semaphore, #tpu.memory_space<semaphore_mem>>
      %dma_start3A_55 = arith.constant 0 : i32
      %dma_start3A_56 = tpu.memref_slice %arg4[%add3A, %dma_start3A_55] : memref<32x81920xf32, #tpu.memory_space<hbm>> -> memref<1x81920xf32, #tpu.memory_space<hbm>>
      %dma_start3A_57 = tpu.memref_squeeze %dma_start3A_56 : memref<1x81920xf32, #tpu.memory_space<hbm>> -> memref<81920xf32, #tpu.memory_space<hbm>>
      %dma_start3A_58 = arith.constant 0 : i32
      %dma_start3A_59 = tpu.memref_slice %arg4[%add3A, %dma_start3A_58] : memref<32x81920xf32, #tpu.memory_space<hbm>> -> memref<1x81920xf32, #tpu.memory_space<hbm>>
      %dma_start3A_60 = tpu.memref_squeeze %dma_start3A_59 : memref<1x81920xf32, #tpu.memory_space<hbm>> -> memref<81920xf32, #tpu.memory_space<hbm>>
      tpu.enqueue_dma source(%arg9 : memref<81920xf32, #tpu.memory_space<vmem>>) target(%dma_start3A_60 : memref<81920xf32, #tpu.memory_space<hbm>>) target_semaphore(%run_scoped3A : memref<!tpu.dma_semaphore, #tpu.memory_space<semaphore_mem>>)
      %dma_wait3A = arith.constant 0 : i32
      %dma_wait3A_61 = tpu.memref_slice %arg4[%add3A, %dma_wait3A] : memref<32x81920xf32, #tpu.memory_space<hbm>> -> memref<1x81920xf32, #tpu.memory_space<hbm>>
      %dma_wait3A_62 = tpu.memref_squeeze %dma_wait3A_61 : memref<1x81920xf32, #tpu.memory_space<hbm>> -> memref<81920xf32, #tpu.memory_space<hbm>>
      %dma_wait3A_63 = arith.constant 0 : i32
      %dma_wait3A_64 = tpu.memref_slice %arg4[%add3A, %dma_wait3A_63] : memref<32x81920xf32, #tpu.memory_space<hbm>> -> memref<1x81920xf32, #tpu.memory_space<hbm>>
      %dma_wait3A_65 = tpu.memref_squeeze %dma_wait3A_64 : memref<1x81920xf32, #tpu.memory_space<hbm>> -> memref<81920xf32, #tpu.memory_space<hbm>>
      tpu.wait_dma2 semaphore(%run_scoped3A : memref<!tpu.dma_semaphore, #tpu.memory_space<semaphore_mem>>) src(%arg9 : memref<81920xf32, #tpu.memory_space<vmem>>) dst(%dma_wait3A_65 : memref<81920xf32, #tpu.memory_space<hbm>>)
      tpu.yield
    }) : () -> ()
    return
  }
}

#map = affine_map<(d0, d1) -> (0, 0)>
#map1 = affine_map<(d0, d1) -> (0)>
module attributes {stable_mosaic.version = 14 : i64} {
  func.func @_dists_body(%arg0: i32, %arg1: i32, %arg2: memref<16384x2048xf32, #tpu.memory_space<hbm>>, %arg3: memref<16384xi32, #tpu.memory_space<hbm>>, %arg4: memref<1280x2048xf32, #tpu.memory_space<hbm>>, %arg5: memref<16384xf32, #tpu.memory_space<hbm>>, %arg6: memref<16x2048xf32, #tpu.memory_space<vmem>>, %arg7: memref<16x2048xf32, #tpu.memory_space<vmem>>, %arg8: memref<16xi32, #tpu.memory_space<vmem>>, %arg9: memref<16xi32, #tpu.memory_space<vmem>>, %arg10: memref<16x2048xf32, #tpu.memory_space<vmem>>, %arg11: memref<512xf32, #tpu.memory_space<vmem>>, %arg12: memref<!tpu.dma_semaphore, #tpu.memory_space<semaphore_mem>>, %arg13: memref<!tpu.dma_semaphore, #tpu.memory_space<semaphore_mem>>, %arg14: memref<!tpu.dma_semaphore, #tpu.memory_space<semaphore_mem>>, %arg15: memref<!tpu.dma_semaphore, #tpu.memory_space<semaphore_mem>>, %arg16: memref<!tpu.dma_semaphore, #tpu.memory_space<semaphore_mem>>) attributes {dimension_semantics = [#tpu.dimension_semantics<core_parallel>, #tpu.dimension_semantics<subcore_parallel>], iteration_bounds = array<i64: 2, 16>, scalar_prefetch = 0 : i64, scratch_operands = 11 : i64, tpu.core_type = #tpu.core_type<sc_vector_subcore>, window_params = [{transform_indices = #map}, {transform_indices = #map1}, {transform_indices = #map}, {transform_indices = #map1}]} {
    %mul3A = arith.constant 2 : i32
    %mul3A_0 = arith.muli %arg1, %mul3A : i32
    %add3A = arith.addi %mul3A_0, %arg0 : i32
    %iota3A = tpu.iota {dimensions = array<i32: 0>} : vector<16xi32>
    %mul3A_1 = arith.constant 512 : i32
    %mul3A_2 = arith.muli %add3A, %mul3A_1 : i32
    %add3A_3 = arith.constant 0 : i32
    %add3A_4 = arith.addi %mul3A_2, %add3A_3 : i32
    %dma_start3A = arith.constant 0 : i32
    %dma_start3A_5 = tpu.memref_slice %arg2[%add3A_4, %dma_start3A] : memref<16384x2048xf32, #tpu.memory_space<hbm>> -> memref<16x2048xf32, #tpu.memory_space<hbm>>
    %dma_start3A_6 = arith.constant 0 : i32
    %dma_start3A_7 = tpu.memref_slice %arg2[%add3A_4, %dma_start3A_6] : memref<16384x2048xf32, #tpu.memory_space<hbm>> -> memref<16x2048xf32, #tpu.memory_space<hbm>>
    tpu.enqueue_dma source(%dma_start3A_7 : memref<16x2048xf32, #tpu.memory_space<hbm>>) target(%arg6 : memref<16x2048xf32, #tpu.memory_space<vmem>>) target_semaphore(%arg12 : memref<!tpu.dma_semaphore, #tpu.memory_space<semaphore_mem>>)
    %dma_start3A_8 = tpu.memref_slice %arg3[%add3A_4] : memref<16384xi32, #tpu.memory_space<hbm>> -> memref<16xi32, #tpu.memory_space<hbm>>
    %dma_start3A_9 = tpu.memref_slice %arg3[%add3A_4] : memref<16384xi32, #tpu.memory_space<hbm>> -> memref<16xi32, #tpu.memory_space<hbm>>
    tpu.enqueue_dma source(%dma_start3A_9 : memref<16xi32, #tpu.memory_space<hbm>>) target(%arg8 : memref<16xi32, #tpu.memory_space<vmem>>) target_semaphore(%arg14 : memref<!tpu.dma_semaphore, #tpu.memory_space<semaphore_mem>>)
    %scan3A = arith.constant 0 : i32
    %scan3A_10 = arith.constant 0 : i32
    %scan3A_11 = arith.constant 16 : i32
    %scan3A_12 = arith.addi %scan3A_10, %scan3A_11 : i32
    %scan3A_13 = arith.constant 1 : i32
    %scan3A_14 = scf.for %scan3A_18 = %scan3A_10 to %scan3A_12 step %scan3A_13 iter_args(%scan3A_19 = %scan3A) -> (i32)  : i32 {
      %mul3A_20 = arith.constant 2 : i32
      %mul3A_21 = arith.muli %mul3A_20, %scan3A_18 : i32
      %dma_wait3A = arith.constant 0 : i32
      %dma_wait3A_22 = arith.constant 0 : i32
      %dma_wait3A_23 = tpu.memref_slice %arg2[%dma_wait3A, %dma_wait3A_22] : memref<16384x2048xf32, #tpu.memory_space<hbm>> -> memref<16x2048xf32, #tpu.memory_space<hbm>>
      %dma_wait3A_24 = arith.constant 0 : i32
      %dma_wait3A_25 = arith.constant 0 : i32
      %dma_wait3A_26 = tpu.memref_slice %arg2[%dma_wait3A_24, %dma_wait3A_25] : memref<16384x2048xf32, #tpu.memory_space<hbm>> -> memref<16x2048xf32, #tpu.memory_space<hbm>>
      tpu.wait_dma2 semaphore(%arg12 : memref<!tpu.dma_semaphore, #tpu.memory_space<semaphore_mem>>) src(%dma_wait3A_26 : memref<16x2048xf32, #tpu.memory_space<hbm>>) dst(%arg6 : memref<16x2048xf32, #tpu.memory_space<vmem>>)
      %dma_wait3A_27 = arith.constant 0 : i32
      %dma_wait3A_28 = tpu.memref_slice %arg3[%dma_wait3A_27] : memref<16384xi32, #tpu.memory_space<hbm>> -> memref<16xi32, #tpu.memory_space<hbm>>
      %dma_wait3A_29 = arith.constant 0 : i32
      %dma_wait3A_30 = tpu.memref_slice %arg3[%dma_wait3A_29] : memref<16384xi32, #tpu.memory_space<hbm>> -> memref<16xi32, #tpu.memory_space<hbm>>
      tpu.wait_dma2 semaphore(%arg14 : memref<!tpu.dma_semaphore, #tpu.memory_space<semaphore_mem>>) src(%dma_wait3A_30 : memref<16xi32, #tpu.memory_space<hbm>>) dst(%arg8 : memref<16xi32, #tpu.memory_space<vmem>>)
      %add3A_31 = arith.constant 1 : i32
      %add3A_32 = arith.addi %mul3A_21, %add3A_31 : i32
      %mul3A_33 = arith.constant 512 : i32
      %mul3A_34 = arith.muli %add3A, %mul3A_33 : i32
      %mul3A_35 = arith.constant 16 : i32
      %mul3A_36 = arith.muli %add3A_32, %mul3A_35 : i32
      %add3A_37 = arith.addi %mul3A_34, %mul3A_36 : i32
      %dma_start3A_38 = arith.constant 0 : i32
      %dma_start3A_39 = tpu.memref_slice %arg2[%add3A_37, %dma_start3A_38] : memref<16384x2048xf32, #tpu.memory_space<hbm>> -> memref<16x2048xf32, #tpu.memory_space<hbm>>
      %dma_start3A_40 = arith.constant 0 : i32
      %dma_start3A_41 = tpu.memref_slice %arg2[%add3A_37, %dma_start3A_40] : memref<16384x2048xf32, #tpu.memory_space<hbm>> -> memref<16x2048xf32, #tpu.memory_space<hbm>>
      tpu.enqueue_dma source(%dma_start3A_41 : memref<16x2048xf32, #tpu.memory_space<hbm>>) target(%arg7 : memref<16x2048xf32, #tpu.memory_space<vmem>>) target_semaphore(%arg13 : memref<!tpu.dma_semaphore, #tpu.memory_space<semaphore_mem>>)
      %dma_start3A_42 = tpu.memref_slice %arg3[%add3A_37] : memref<16384xi32, #tpu.memory_space<hbm>> -> memref<16xi32, #tpu.memory_space<hbm>>
      %dma_start3A_43 = tpu.memref_slice %arg3[%add3A_37] : memref<16384xi32, #tpu.memory_space<hbm>> -> memref<16xi32, #tpu.memory_space<hbm>>
      tpu.enqueue_dma source(%dma_start3A_43 : memref<16xi32, #tpu.memory_space<hbm>>) target(%arg9 : memref<16xi32, #tpu.memory_space<vmem>>) target_semaphore(%arg15 : memref<!tpu.dma_semaphore, #tpu.memory_space<semaphore_mem>>)
      %dma_start3A_44 = arith.constant 0 : i32
      %dma_start3A_45 = arith.constant 0 : i32
      %dma_start3A_46 = tpu.memref_slice %arg4[%dma_start3A_44, %dma_start3A_45] : memref<1280x2048xf32, #tpu.memory_space<hbm>> -> memref<1280x2048xf32, #tpu.memory_space<hbm>>
      tpu.enqueue_indirect_dma source(%dma_start3A_46 : memref<1280x2048xf32, #tpu.memory_space<hbm>>) target(%arg10 : memref<16x2048xf32, #tpu.memory_space<vmem>>) offsets(%arg8 : memref<16xi32, #tpu.memory_space<vmem>>) semaphore(%arg16 : memref<!tpu.dma_semaphore, #tpu.memory_space<semaphore_mem>>)
      %dma_wait3A_47 = arith.constant 0 : i32
      %dma_wait3A_48 = arith.constant 0 : i32
      %dma_wait3A_49 = tpu.memref_slice %arg4[%dma_wait3A_47, %dma_wait3A_48] : memref<1280x2048xf32, #tpu.memory_space<hbm>> -> memref<1280x2048xf32, #tpu.memory_space<hbm>>
      tpu.wait_indirect_dma semaphore(%arg16 : memref<!tpu.dma_semaphore, #tpu.memory_space<semaphore_mem>>) src(%dma_wait3A_49 : memref<1280x2048xf32, #tpu.memory_space<hbm>>) dst(%arg10 : memref<16x2048xf32, #tpu.memory_space<vmem>>)
      %broadcast_in_dim3A = arith.constant 0.000000e+00 : f32
      %broadcast_in_dim3A_50 = vector.broadcast %broadcast_in_dim3A : f32 to vector<16xf32>
      %parallel_loop3A = arith.constant 0 : i32
      %parallel_loop3A_51 = arith.constant 16 : i32
      %parallel_loop3A_52 = arith.constant 1 : i32
      %parallel_loop3A_53 = scf.for %parallel_loop3A_88 = %parallel_loop3A to %parallel_loop3A_51 step %parallel_loop3A_52 iter_args(%parallel_loop3A_89 = %broadcast_in_dim3A_50) -> (vector<16xf32>)  : i32 {
        %parallel_loop3A_90 = arith.constant 0.000000e+00 : f32
        %parallel_loop3A_91 = vector.broadcast %parallel_loop3A_90 : f32 to vector<16xf32>
        %parallel_loop3A_92 = arith.constant 0 : i32
        %parallel_loop3A_93 = arith.constant 32 : i32
        %parallel_loop3A_94 = arith.addi %parallel_loop3A_92, %parallel_loop3A_93 : i32
        %parallel_loop3A_95 = arith.constant 1 : i32
        %parallel_loop3A_96 = scf.for %scan3A_106 = %parallel_loop3A_92 to %parallel_loop3A_94 step %parallel_loop3A_95 iter_args(%scan3A_107 = %parallel_loop3A_91) -> (vector<16xf32>)  : i32 {
          %parallel_loop3A_108 = arith.constant 64 : i32
          %parallel_loop3A_109 = arith.muli %scan3A_106, %parallel_loop3A_108 : i32
          %parallel_loop3A_110 = arith.constant 0 : i32
          %parallel_loop3A_111 = arith.addi %parallel_loop3A_109, %parallel_loop3A_110 : i32
          %parallel_loop3A_112 = arith.index_cast %parallel_loop3A_88 : i32 to index
          %parallel_loop3A_113 = arith.index_cast %parallel_loop3A_111 : i32 to index
          %parallel_loop3A_114 = tpu.vector_load %arg6[%parallel_loop3A_112, %parallel_loop3A_113] {strides = array<i32>} : memref<16x2048xf32, #tpu.memory_space<vmem>>, vector<16xf32>,
          %parallel_loop3A_115 = arith.index_cast %parallel_loop3A_88 : i32 to index
          %parallel_loop3A_116 = arith.index_cast %parallel_loop3A_111 : i32 to index
          %parallel_loop3A_117 = tpu.vector_load %arg10[%parallel_loop3A_115, %parallel_loop3A_116] {strides = array<i32>} : memref<16x2048xf32, #tpu.memory_space<vmem>>, vector<16xf32>,
          %parallel_loop3A_118 = arith.subf %parallel_loop3A_114, %parallel_loop3A_117 : vector<16xf32>
          %parallel_loop3A_119 = arith.mulf %parallel_loop3A_118, %parallel_loop3A_118 : vector<16xf32>
          %parallel_loop3A_120 = arith.addf %scan3A_107, %parallel_loop3A_119 : vector<16xf32>
          %parallel_loop3A_121 = arith.constant 64 : i32
          %parallel_loop3A_122 = arith.muli %scan3A_106, %parallel_loop3A_121 : i32
          %parallel_loop3A_123 = arith.constant 16 : i32
          %parallel_loop3A_124 = arith.addi %parallel_loop3A_122, %parallel_loop3A_123 : i32
          %parallel_loop3A_125 = arith.index_cast %parallel_loop3A_88 : i32 to index
          %parallel_loop3A_126 = arith.index_cast %parallel_loop3A_124 : i32 to index
          %parallel_loop3A_127 = tpu.vector_load %arg6[%parallel_loop3A_125, %parallel_loop3A_126] {strides = array<i32>} : memref<16x2048xf32, #tpu.memory_space<vmem>>, vector<16xf32>,
          %parallel_loop3A_128 = arith.index_cast %parallel_loop3A_88 : i32 to index
          %parallel_loop3A_129 = arith.index_cast %parallel_loop3A_124 : i32 to index
          %parallel_loop3A_130 = tpu.vector_load %arg10[%parallel_loop3A_128, %parallel_loop3A_129] {strides = array<i32>} : memref<16x2048xf32, #tpu.memory_space<vmem>>, vector<16xf32>,
          %parallel_loop3A_131 = arith.subf %parallel_loop3A_127, %parallel_loop3A_130 : vector<16xf32>
          %parallel_loop3A_132 = arith.mulf %parallel_loop3A_131, %parallel_loop3A_131 : vector<16xf32>
          %parallel_loop3A_133 = arith.addf %parallel_loop3A_120, %parallel_loop3A_132 : vector<16xf32>
          %parallel_loop3A_134 = arith.constant 64 : i32
          %parallel_loop3A_135 = arith.muli %scan3A_106, %parallel_loop3A_134 : i32
          %parallel_loop3A_136 = arith.constant 32 : i32
          %parallel_loop3A_137 = arith.addi %parallel_loop3A_135, %parallel_loop3A_136 : i32
          %parallel_loop3A_138 = arith.index_cast %parallel_loop3A_88 : i32 to index
          %parallel_loop3A_139 = arith.index_cast %parallel_loop3A_137 : i32 to index
          %parallel_loop3A_140 = tpu.vector_load %arg6[%parallel_loop3A_138, %parallel_loop3A_139] {strides = array<i32>} : memref<16x2048xf32, #tpu.memory_space<vmem>>, vector<16xf32>,
          %parallel_loop3A_141 = arith.index_cast %parallel_loop3A_88 : i32 to index
          %parallel_loop3A_142 = arith.index_cast %parallel_loop3A_137 : i32 to index
          %parallel_loop3A_143 = tpu.vector_load %arg10[%parallel_loop3A_141, %parallel_loop3A_142] {strides = array<i32>} : memref<16x2048xf32, #tpu.memory_space<vmem>>, vector<16xf32>,
          %parallel_loop3A_144 = arith.subf %parallel_loop3A_140, %parallel_loop3A_143 : vector<16xf32>
          %parallel_loop3A_145 = arith.mulf %parallel_loop3A_144, %parallel_loop3A_144 : vector<16xf32>
          %parallel_loop3A_146 = arith.addf %parallel_loop3A_133, %parallel_loop3A_145 : vector<16xf32>
          %parallel_loop3A_147 = arith.constant 64 : i32
          %parallel_loop3A_148 = arith.muli %scan3A_106, %parallel_loop3A_147 : i32
          %parallel_loop3A_149 = arith.constant 48 : i32
          %parallel_loop3A_150 = arith.addi %parallel_loop3A_148, %parallel_loop3A_149 : i32
          %parallel_loop3A_151 = arith.index_cast %parallel_loop3A_88 : i32 to index
          %parallel_loop3A_152 = arith.index_cast %parallel_loop3A_150 : i32 to index
          %parallel_loop3A_153 = tpu.vector_load %arg6[%parallel_loop3A_151, %parallel_loop3A_152] {strides = array<i32>} : memref<16x2048xf32, #tpu.memory_space<vmem>>, vector<16xf32>,
          %parallel_loop3A_154 = arith.index_cast %parallel_loop3A_88 : i32 to index
          %parallel_loop3A_155 = arith.index_cast %parallel_loop3A_150 : i32 to index
          %parallel_loop3A_156 = tpu.vector_load %arg10[%parallel_loop3A_154, %parallel_loop3A_155] {strides = array<i32>} : memref<16x2048xf32, #tpu.memory_space<vmem>>, vector<16xf32>,
          %parallel_loop3A_157 = arith.subf %parallel_loop3A_153, %parallel_loop3A_156 : vector<16xf32>
          %parallel_loop3A_158 = arith.mulf %parallel_loop3A_157, %parallel_loop3A_157 : vector<16xf32>
          %parallel_loop3A_159 = arith.addf %parallel_loop3A_146, %parallel_loop3A_158 : vector<16xf32>
          scf.yield %parallel_loop3A_159 : vector<16xf32>
        }
        %parallel_loop3A_97 = arith.constant 32 : i32
        %parallel_loop3A_98 = vector.broadcast %parallel_loop3A_88 : i32 to vector<16xi32>
        %parallel_loop3A_99 = arith.cmpi eq, %iota3A, %parallel_loop3A_98 : vector<16xi32>
        %parallel_loop3A_100 = arith.constant true
        %parallel_loop3A_101 = vector.broadcast %parallel_loop3A_100 : i1 to vector<16xi1>
        %parallel_loop3A_102 = tpu.scan <sum>, %parallel_loop3A_96 masked %parallel_loop3A_101 : vector<16xf32>, vector<16xi1> -> vector<16xf32>
        %parallel_loop3A_103 = vector.extract %parallel_loop3A_102[15] : f32 from vector<16xf32>
        %parallel_loop3A_104 = vector.broadcast %parallel_loop3A_103 : f32 to vector<16xf32>
        %parallel_loop3A_105 = arith.select %parallel_loop3A_99, %parallel_loop3A_104, %parallel_loop3A_89 : vector<16xi1>, vector<16xf32>
        scf.yield %parallel_loop3A_105 : vector<16xf32>
      } {sc.loop_unroll_factor = 1 : i64, sc.parallel_access}
      %mul3A_54 = arith.constant 16 : i32
      %mul3A_55 = arith.muli %mul3A_21, %mul3A_54 : i32
      %swap3A = arith.index_cast %mul3A_55 : i32 to index
      %swap3A_56 = tpu.vector_load %arg11[%swap3A] {strides = array<i32>} : memref<512xf32, #tpu.memory_space<vmem>>, vector<16xf32>,
      tpu.vector_store %arg11[%swap3A], %parallel_loop3A_53 {strides = array<i32>} : memref<512xf32, #tpu.memory_space<vmem>>, vector<16xf32>,
      %dma_wait3A_57 = arith.constant 0 : i32
      %dma_wait3A_58 = arith.constant 0 : i32
      %dma_wait3A_59 = tpu.memref_slice %arg2[%dma_wait3A_57, %dma_wait3A_58] : memref<16384x2048xf32, #tpu.memory_space<hbm>> -> memref<16x2048xf32, #tpu.memory_space<hbm>>
      %dma_wait3A_60 = arith.constant 0 : i32
      %dma_wait3A_61 = arith.constant 0 : i32
      %dma_wait3A_62 = tpu.memref_slice %arg2[%dma_wait3A_60, %dma_wait3A_61] : memref<16384x2048xf32, #tpu.memory_space<hbm>> -> memref<16x2048xf32, #tpu.memory_space<hbm>>
      tpu.wait_dma2 semaphore(%arg13 : memref<!tpu.dma_semaphore, #tpu.memory_space<semaphore_mem>>) src(%dma_wait3A_62 : memref<16x2048xf32, #tpu.memory_space<hbm>>) dst(%arg7 : memref<16x2048xf32, #tpu.memory_space<vmem>>)
      %dma_wait3A_63 = arith.constant 0 : i32
      %dma_wait3A_64 = tpu.memref_slice %arg3[%dma_wait3A_63] : memref<16384xi32, #tpu.memory_space<hbm>> -> memref<16xi32, #tpu.memory_space<hbm>>
      %dma_wait3A_65 = arith.constant 0 : i32
      %dma_wait3A_66 = tpu.memref_slice %arg3[%dma_wait3A_65] : memref<16384xi32, #tpu.memory_space<hbm>> -> memref<16xi32, #tpu.memory_space<hbm>>
      tpu.wait_dma2 semaphore(%arg15 : memref<!tpu.dma_semaphore, #tpu.memory_space<semaphore_mem>>) src(%dma_wait3A_66 : memref<16xi32, #tpu.memory_space<hbm>>) dst(%arg9 : memref<16xi32, #tpu.memory_space<vmem>>)
      %lt3A = arith.constant 15 : i32
      %lt3A_67 = arith.cmpi slt, %scan3A_18, %lt3A : i32
      %convert_element_type3A = arith.extui %lt3A_67 : i1 to i32
      %cond3A = arith.constant 0 : i32
      %cond3A_68 = arith.cmpi ne, %convert_element_type3A, %cond3A : i32
      scf.if %cond3A_68 {
        %add3A_88 = arith.constant 2 : i32
        %add3A_89 = arith.addi %mul3A_21, %add3A_88 : i32
        %mul3A_90 = arith.constant 512 : i32
        %mul3A_91 = arith.muli %add3A, %mul3A_90 : i32
        %mul3A_92 = arith.constant 16 : i32
        %mul3A_93 = arith.muli %add3A_89, %mul3A_92 : i32
        %add3A_94 = arith.addi %mul3A_91, %mul3A_93 : i32
        %dma_start3A_95 = arith.constant 0 : i32
        %dma_start3A_96 = tpu.memref_slice %arg2[%add3A_94, %dma_start3A_95] : memref<16384x2048xf32, #tpu.memory_space<hbm>> -> memref<16x2048xf32, #tpu.memory_space<hbm>>
        %dma_start3A_97 = arith.constant 0 : i32
        %dma_start3A_98 = tpu.memref_slice %arg2[%add3A_94, %dma_start3A_97] : memref<16384x2048xf32, #tpu.memory_space<hbm>> -> memref<16x2048xf32, #tpu.memory_space<hbm>>
        tpu.enqueue_dma source(%dma_start3A_98 : memref<16x2048xf32, #tpu.memory_space<hbm>>) target(%arg6 : memref<16x2048xf32, #tpu.memory_space<vmem>>) target_semaphore(%arg12 : memref<!tpu.dma_semaphore, #tpu.memory_space<semaphore_mem>>)
        %dma_start3A_99 = tpu.memref_slice %arg3[%add3A_94] : memref<16384xi32, #tpu.memory_space<hbm>> -> memref<16xi32, #tpu.memory_space<hbm>>
        %dma_start3A_100 = tpu.memref_slice %arg3[%add3A_94] : memref<16384xi32, #tpu.memory_space<hbm>> -> memref<16xi32, #tpu.memory_space<hbm>>
        tpu.enqueue_dma source(%dma_start3A_100 : memref<16xi32, #tpu.memory_space<hbm>>) target(%arg8 : memref<16xi32, #tpu.memory_space<vmem>>) target_semaphore(%arg14 : memref<!tpu.dma_semaphore, #tpu.memory_space<semaphore_mem>>)
      } else {
      }
      %add3A_69 = arith.constant 1 : i32
      %add3A_70 = arith.addi %mul3A_21, %add3A_69 : i32
      %dma_start3A_71 = arith.constant 0 : i32
      %dma_start3A_72 = arith.constant 0 : i32
      %dma_start3A_73 = tpu.memref_slice %arg4[%dma_start3A_71, %dma_start3A_72] : memref<1280x2048xf32, #tpu.memory_space<hbm>> -> memref<1280x2048xf32, #tpu.memory_space<hbm>>
      tpu.enqueue_indirect_dma source(%dma_start3A_73 : memref<1280x2048xf32, #tpu.memory_space<hbm>>) target(%arg10 : memref<16x2048xf32, #tpu.memory_space<vmem>>) offsets(%arg9 : memref<16xi32, #tpu.memory_space<vmem>>) semaphore(%arg16 : memref<!tpu.dma_semaphore, #tpu.memory_space<semaphore_mem>>)
      %dma_wait3A_74 = arith.constant 0 : i32
      %dma_wait3A_75 = arith.constant 0 : i32
      %dma_wait3A_76 = tpu.memref_slice %arg4[%dma_wait3A_74, %dma_wait3A_75] : memref<1280x2048xf32, #tpu.memory_space<hbm>> -> memref<1280x2048xf32, #tpu.memory_space<hbm>>
      tpu.wait_indirect_dma semaphore(%arg16 : memref<!tpu.dma_semaphore, #tpu.memory_space<semaphore_mem>>) src(%dma_wait3A_76 : memref<1280x2048xf32, #tpu.memory_space<hbm>>) dst(%arg10 : memref<16x2048xf32, #tpu.memory_space<vmem>>)
      %broadcast_in_dim3A_77 = arith.constant 0.000000e+00 : f32
      %broadcast_in_dim3A_78 = vector.broadcast %broadcast_in_dim3A_77 : f32 to vector<16xf32>
      %parallel_loop3A_79 = arith.constant 0 : i32
      %parallel_loop3A_80 = arith.constant 16 : i32
      %parallel_loop3A_81 = arith.constant 1 : i32
      %parallel_loop3A_82 = scf.for %parallel_loop3A_88 = %parallel_loop3A_79 to %parallel_loop3A_80 step %parallel_loop3A_81 iter_args(%parallel_loop3A_89 = %broadcast_in_dim3A_78) -> (vector<16xf32>)  : i32 {
        %parallel_loop3A_90 = arith.constant 0.000000e+00 : f32
        %parallel_loop3A_91 = vector.broadcast %parallel_loop3A_90 : f32 to vector<16xf32>
        %parallel_loop3A_92 = arith.constant 0 : i32
        %parallel_loop3A_93 = arith.constant 32 : i32
        %parallel_loop3A_94 = arith.addi %parallel_loop3A_92, %parallel_loop3A_93 : i32
        %parallel_loop3A_95 = arith.constant 1 : i32
        %parallel_loop3A_96 = scf.for %scan3A_106 = %parallel_loop3A_92 to %parallel_loop3A_94 step %parallel_loop3A_95 iter_args(%scan3A_107 = %parallel_loop3A_91) -> (vector<16xf32>)  : i32 {
          %parallel_loop3A_108 = arith.constant 64 : i32
          %parallel_loop3A_109 = arith.muli %scan3A_106, %parallel_loop3A_108 : i32
          %parallel_loop3A_110 = arith.constant 0 : i32
          %parallel_loop3A_111 = arith.addi %parallel_loop3A_109, %parallel_loop3A_110 : i32
          %parallel_loop3A_112 = arith.index_cast %parallel_loop3A_88 : i32 to index
          %parallel_loop3A_113 = arith.index_cast %parallel_loop3A_111 : i32 to index
          %parallel_loop3A_114 = tpu.vector_load %arg7[%parallel_loop3A_112, %parallel_loop3A_113] {strides = array<i32>} : memref<16x2048xf32, #tpu.memory_space<vmem>>, vector<16xf32>,
          %parallel_loop3A_115 = arith.index_cast %parallel_loop3A_88 : i32 to index
          %parallel_loop3A_116 = arith.index_cast %parallel_loop3A_111 : i32 to index
          %parallel_loop3A_117 = tpu.vector_load %arg10[%parallel_loop3A_115, %parallel_loop3A_116] {strides = array<i32>} : memref<16x2048xf32, #tpu.memory_space<vmem>>, vector<16xf32>,
          %parallel_loop3A_118 = arith.subf %parallel_loop3A_114, %parallel_loop3A_117 : vector<16xf32>
          %parallel_loop3A_119 = arith.mulf %parallel_loop3A_118, %parallel_loop3A_118 : vector<16xf32>
          %parallel_loop3A_120 = arith.addf %scan3A_107, %parallel_loop3A_119 : vector<16xf32>
          %parallel_loop3A_121 = arith.constant 64 : i32
          %parallel_loop3A_122 = arith.muli %scan3A_106, %parallel_loop3A_121 : i32
          %parallel_loop3A_123 = arith.constant 16 : i32
          %parallel_loop3A_124 = arith.addi %parallel_loop3A_122, %parallel_loop3A_123 : i32
          %parallel_loop3A_125 = arith.index_cast %parallel_loop3A_88 : i32 to index
          %parallel_loop3A_126 = arith.index_cast %parallel_loop3A_124 : i32 to index
          %parallel_loop3A_127 = tpu.vector_load %arg7[%parallel_loop3A_125, %parallel_loop3A_126] {strides = array<i32>} : memref<16x2048xf32, #tpu.memory_space<vmem>>, vector<16xf32>,
          %parallel_loop3A_128 = arith.index_cast %parallel_loop3A_88 : i32 to index
          %parallel_loop3A_129 = arith.index_cast %parallel_loop3A_124 : i32 to index
          %parallel_loop3A_130 = tpu.vector_load %arg10[%parallel_loop3A_128, %parallel_loop3A_129] {strides = array<i32>} : memref<16x2048xf32, #tpu.memory_space<vmem>>, vector<16xf32>,
          %parallel_loop3A_131 = arith.subf %parallel_loop3A_127, %parallel_loop3A_130 : vector<16xf32>
          %parallel_loop3A_132 = arith.mulf %parallel_loop3A_131, %parallel_loop3A_131 : vector<16xf32>
          %parallel_loop3A_133 = arith.addf %parallel_loop3A_120, %parallel_loop3A_132 : vector<16xf32>
          %parallel_loop3A_134 = arith.constant 64 : i32
          %parallel_loop3A_135 = arith.muli %scan3A_106, %parallel_loop3A_134 : i32
          %parallel_loop3A_136 = arith.constant 32 : i32
          %parallel_loop3A_137 = arith.addi %parallel_loop3A_135, %parallel_loop3A_136 : i32
          %parallel_loop3A_138 = arith.index_cast %parallel_loop3A_88 : i32 to index
          %parallel_loop3A_139 = arith.index_cast %parallel_loop3A_137 : i32 to index
          %parallel_loop3A_140 = tpu.vector_load %arg7[%parallel_loop3A_138, %parallel_loop3A_139] {strides = array<i32>} : memref<16x2048xf32, #tpu.memory_space<vmem>>, vector<16xf32>,
          %parallel_loop3A_141 = arith.index_cast %parallel_loop3A_88 : i32 to index
          %parallel_loop3A_142 = arith.index_cast %parallel_loop3A_137 : i32 to index
          %parallel_loop3A_143 = tpu.vector_load %arg10[%parallel_loop3A_141, %parallel_loop3A_142] {strides = array<i32>} : memref<16x2048xf32, #tpu.memory_space<vmem>>, vector<16xf32>,
          %parallel_loop3A_144 = arith.subf %parallel_loop3A_140, %parallel_loop3A_143 : vector<16xf32>
          %parallel_loop3A_145 = arith.mulf %parallel_loop3A_144, %parallel_loop3A_144 : vector<16xf32>
          %parallel_loop3A_146 = arith.addf %parallel_loop3A_133, %parallel_loop3A_145 : vector<16xf32>
          %parallel_loop3A_147 = arith.constant 64 : i32
          %parallel_loop3A_148 = arith.muli %scan3A_106, %parallel_loop3A_147 : i32
          %parallel_loop3A_149 = arith.constant 48 : i32
          %parallel_loop3A_150 = arith.addi %parallel_loop3A_148, %parallel_loop3A_149 : i32
          %parallel_loop3A_151 = arith.index_cast %parallel_loop3A_88 : i32 to index
          %parallel_loop3A_152 = arith.index_cast %parallel_loop3A_150 : i32 to index
          %parallel_loop3A_153 = tpu.vector_load %arg7[%parallel_loop3A_151, %parallel_loop3A_152] {strides = array<i32>} : memref<16x2048xf32, #tpu.memory_space<vmem>>, vector<16xf32>,
          %parallel_loop3A_154 = arith.index_cast %parallel_loop3A_88 : i32 to index
          %parallel_loop3A_155 = arith.index_cast %parallel_loop3A_150 : i32 to index
          %parallel_loop3A_156 = tpu.vector_load %arg10[%parallel_loop3A_154, %parallel_loop3A_155] {strides = array<i32>} : memref<16x2048xf32, #tpu.memory_space<vmem>>, vector<16xf32>,
          %parallel_loop3A_157 = arith.subf %parallel_loop3A_153, %parallel_loop3A_156 : vector<16xf32>
          %parallel_loop3A_158 = arith.mulf %parallel_loop3A_157, %parallel_loop3A_157 : vector<16xf32>
          %parallel_loop3A_159 = arith.addf %parallel_loop3A_146, %parallel_loop3A_158 : vector<16xf32>
          scf.yield %parallel_loop3A_159 : vector<16xf32>
        }
        %parallel_loop3A_97 = arith.constant 32 : i32
        %parallel_loop3A_98 = vector.broadcast %parallel_loop3A_88 : i32 to vector<16xi32>
        %parallel_loop3A_99 = arith.cmpi eq, %iota3A, %parallel_loop3A_98 : vector<16xi32>
        %parallel_loop3A_100 = arith.constant true
        %parallel_loop3A_101 = vector.broadcast %parallel_loop3A_100 : i1 to vector<16xi1>
        %parallel_loop3A_102 = tpu.scan <sum>, %parallel_loop3A_96 masked %parallel_loop3A_101 : vector<16xf32>, vector<16xi1> -> vector<16xf32>
        %parallel_loop3A_103 = vector.extract %parallel_loop3A_102[15] : f32 from vector<16xf32>
        %parallel_loop3A_104 = vector.broadcast %parallel_loop3A_103 : f32 to vector<16xf32>
        %parallel_loop3A_105 = arith.select %parallel_loop3A_99, %parallel_loop3A_104, %parallel_loop3A_89 : vector<16xi1>, vector<16xf32>
        scf.yield %parallel_loop3A_105 : vector<16xf32>
      } {sc.loop_unroll_factor = 1 : i64, sc.parallel_access}
      %mul3A_83 = arith.constant 16 : i32
      %mul3A_84 = arith.muli %add3A_70, %mul3A_83 : i32
      %swap3A_85 = arith.index_cast %mul3A_84 : i32 to index
      %swap3A_86 = tpu.vector_load %arg11[%swap3A_85] {strides = array<i32>} : memref<512xf32, #tpu.memory_space<vmem>>, vector<16xf32>,
      tpu.vector_store %arg11[%swap3A_85], %parallel_loop3A_82 {strides = array<i32>} : memref<512xf32, #tpu.memory_space<vmem>>, vector<16xf32>,
      %scan3A_87 = arith.constant 0 : i32
      scf.yield %scan3A_87 : i32
    }
    %scan3A_15 = arith.constant 16 : i32
    %mul3A_16 = arith.constant 512 : i32
    %mul3A_17 = arith.muli %add3A, %mul3A_16 : i32
    "tpu.region"() ({
      %run_scoped3A = tpu.sem_alloc : memref<!tpu.dma_semaphore, #tpu.memory_space<semaphore_mem>>
      %dma_start3A_18 = tpu.memref_slice %arg5[%mul3A_17] : memref<16384xf32, #tpu.memory_space<hbm>> -> memref<512xf32, #tpu.memory_space<hbm>>
      %dma_start3A_19 = tpu.memref_slice %arg5[%mul3A_17] : memref<16384xf32, #tpu.memory_space<hbm>> -> memref<512xf32, #tpu.memory_space<hbm>>
      tpu.enqueue_dma source(%arg11 : memref<512xf32, #tpu.memory_space<vmem>>) target(%dma_start3A_19 : memref<512xf32, #tpu.memory_space<hbm>>) target_semaphore(%run_scoped3A : memref<!tpu.dma_semaphore, #tpu.memory_space<semaphore_mem>>)
      %dma_wait3A = tpu.memref_slice %arg5[%mul3A_17] : memref<16384xf32, #tpu.memory_space<hbm>> -> memref<512xf32, #tpu.memory_space<hbm>>
      %dma_wait3A_20 = tpu.memref_slice %arg5[%mul3A_17] : memref<16384xf32, #tpu.memory_space<hbm>> -> memref<512xf32, #tpu.memory_space<hbm>>
      tpu.wait_dma2 semaphore(%run_scoped3A : memref<!tpu.dma_semaphore, #tpu.memory_space<semaphore_mem>>) src(%arg11 : memref<512xf32, #tpu.memory_space<vmem>>) dst(%dma_wait3A_20 : memref<512xf32, #tpu.memory_space<hbm>>)
      tpu.yield
    }) : () -> ()
    return
  }
}

#map = affine_map<(d0, d1) -> (0, 0)>
module attributes {stable_mosaic.version = 14 : i64} {
  func.func @_protos_body(%arg0: i32, %arg1: i32, %arg2: memref<16384x2048xf32, #tpu.memory_space<hbm>>, %arg3: memref<1280x128xi32, #tpu.memory_space<hbm>>, %arg4: memref<1280x128xf32, #tpu.memory_space<hbm>>, %arg5: memref<1280x2048xf32, #tpu.memory_space<hbm>>, %arg6: memref<40x128xi32, #tpu.memory_space<vmem>>, %arg7: memref<40x128xf32, #tpu.memory_space<vmem>>, %arg8: memref<8x2048xf32, #tpu.memory_space<vmem>>, %arg9: memref<8x2048xf32, #tpu.memory_space<vmem>>, %arg10: memref<40x2048xf32, #tpu.memory_space<vmem>>, %arg11: memref<!tpu.dma_semaphore, #tpu.memory_space<semaphore_mem>>, %arg12: memref<!tpu.dma_semaphore, #tpu.memory_space<semaphore_mem>>) attributes {dimension_semantics = [#tpu.dimension_semantics<core_parallel>, #tpu.dimension_semantics<subcore_parallel>], iteration_bounds = array<i64: 2, 16>, scalar_prefetch = 0 : i64, scratch_operands = 7 : i64, tpu.core_type = #tpu.core_type<sc_vector_subcore>, window_params = [{transform_indices = #map}, {transform_indices = #map}, {transform_indices = #map}, {transform_indices = #map}]} {
    %mul3A = arith.constant 2 : i32
    %mul3A_0 = arith.muli %arg1, %mul3A : i32
    %add3A = arith.addi %mul3A_0, %arg0 : i32
    %mul3A_1 = arith.constant 40 : i32
    %mul3A_2 = arith.muli %add3A, %mul3A_1 : i32
    "tpu.region"() ({
      %run_scoped3A = tpu.sem_alloc : memref<!tpu.dma_semaphore, #tpu.memory_space<semaphore_mem>>
      %dma_start3A_15 = arith.constant 0 : i32
      %dma_start3A_16 = tpu.memref_slice %arg3[%mul3A_2, %dma_start3A_15] : memref<1280x128xi32, #tpu.memory_space<hbm>> -> memref<40x128xi32, #tpu.memory_space<hbm>>
      %dma_start3A_17 = arith.constant 0 : i32
      %dma_start3A_18 = tpu.memref_slice %arg3[%mul3A_2, %dma_start3A_17] : memref<1280x128xi32, #tpu.memory_space<hbm>> -> memref<40x128xi32, #tpu.memory_space<hbm>>
      tpu.enqueue_dma source(%dma_start3A_18 : memref<40x128xi32, #tpu.memory_space<hbm>>) target(%arg6 : memref<40x128xi32, #tpu.memory_space<vmem>>) target_semaphore(%run_scoped3A : memref<!tpu.dma_semaphore, #tpu.memory_space<semaphore_mem>>)
      %dma_wait3A = arith.constant 0 : i32
      %dma_wait3A_19 = tpu.memref_slice %arg3[%mul3A_2, %dma_wait3A] : memref<1280x128xi32, #tpu.memory_space<hbm>> -> memref<40x128xi32, #tpu.memory_space<hbm>>
      %dma_wait3A_20 = arith.constant 0 : i32
      %dma_wait3A_21 = tpu.memref_slice %arg3[%mul3A_2, %dma_wait3A_20] : memref<1280x128xi32, #tpu.memory_space<hbm>> -> memref<40x128xi32, #tpu.memory_space<hbm>>
      tpu.wait_dma2 semaphore(%run_scoped3A : memref<!tpu.dma_semaphore, #tpu.memory_space<semaphore_mem>>) src(%dma_wait3A_21 : memref<40x128xi32, #tpu.memory_space<hbm>>) dst(%arg6 : memref<40x128xi32, #tpu.memory_space<vmem>>)
      tpu.yield
    }) : () -> ()
    "tpu.region"() ({
      %run_scoped3A = tpu.sem_alloc : memref<!tpu.dma_semaphore, #tpu.memory_space<semaphore_mem>>
      %dma_start3A_15 = arith.constant 0 : i32
      %dma_start3A_16 = tpu.memref_slice %arg4[%mul3A_2, %dma_start3A_15] : memref<1280x128xf32, #tpu.memory_space<hbm>> -> memref<40x128xf32, #tpu.memory_space<hbm>>
      %dma_start3A_17 = arith.constant 0 : i32
      %dma_start3A_18 = tpu.memref_slice %arg4[%mul3A_2, %dma_start3A_17] : memref<1280x128xf32, #tpu.memory_space<hbm>> -> memref<40x128xf32, #tpu.memory_space<hbm>>
      tpu.enqueue_dma source(%dma_start3A_18 : memref<40x128xf32, #tpu.memory_space<hbm>>) target(%arg7 : memref<40x128xf32, #tpu.memory_space<vmem>>) target_semaphore(%run_scoped3A : memref<!tpu.dma_semaphore, #tpu.memory_space<semaphore_mem>>)
      %dma_wait3A = arith.constant 0 : i32
      %dma_wait3A_19 = tpu.memref_slice %arg4[%mul3A_2, %dma_wait3A] : memref<1280x128xf32, #tpu.memory_space<hbm>> -> memref<40x128xf32, #tpu.memory_space<hbm>>
      %dma_wait3A_20 = arith.constant 0 : i32
      %dma_wait3A_21 = tpu.memref_slice %arg4[%mul3A_2, %dma_wait3A_20] : memref<1280x128xf32, #tpu.memory_space<hbm>> -> memref<40x128xf32, #tpu.memory_space<hbm>>
      tpu.wait_dma2 semaphore(%run_scoped3A : memref<!tpu.dma_semaphore, #tpu.memory_space<semaphore_mem>>) src(%dma_wait3A_21 : memref<40x128xf32, #tpu.memory_space<hbm>>) dst(%arg7 : memref<40x128xf32, #tpu.memory_space<vmem>>)
      tpu.yield
    }) : () -> ()
    %dma_start3A = arith.constant 0 : i32
    %dma_start3A_3 = arith.constant 0 : i32
    %dma_start3A_4 = tpu.memref_slice %arg6[%dma_start3A, %dma_start3A_3] : memref<40x128xi32, #tpu.memory_space<vmem>> -> memref<1x8xi32, #tpu.memory_space<vmem>>
    %dma_start3A_5 = tpu.memref_squeeze %dma_start3A_4 : memref<1x8xi32, #tpu.memory_space<vmem>> -> memref<8xi32, #tpu.memory_space<vmem>>
    %dma_start3A_6 = arith.constant 0 : i32
    %dma_start3A_7 = arith.constant 0 : i32
    %dma_start3A_8 = tpu.memref_slice %arg2[%dma_start3A_6, %dma_start3A_7] : memref<16384x2048xf32, #tpu.memory_space<hbm>> -> memref<16384x2048xf32, #tpu.memory_space<hbm>>
    tpu.enqueue_indirect_dma source(%dma_start3A_8 : memref<16384x2048xf32, #tpu.memory_space<hbm>>) target(%arg8 : memref<8x2048xf32, #tpu.memory_space<vmem>>) offsets(%dma_start3A_5 : memref<8xi32, #tpu.memory_space<vmem>>) semaphore(%arg11 : memref<!tpu.dma_semaphore, #tpu.memory_space<semaphore_mem>>)
    %scan3A = arith.constant 0 : i32
    %scan3A_9 = arith.constant 0 : i32
    %scan3A_10 = arith.constant 20 : i32
    %scan3A_11 = arith.addi %scan3A_9, %scan3A_10 : i32
    %scan3A_12 = arith.constant 1 : i32
    %scan3A_13 = scf.for %scan3A_15 = %scan3A_9 to %scan3A_11 step %scan3A_12 iter_args(%scan3A_16 = %scan3A) -> (i32)  : i32 {
      %mul3A_17 = arith.constant 2 : i32
      %mul3A_18 = arith.muli %mul3A_17, %scan3A_15 : i32
      %dma_wait3A = arith.constant 0 : i32
      %dma_wait3A_19 = arith.constant 0 : i32
      %dma_wait3A_20 = tpu.memref_slice %arg2[%dma_wait3A, %dma_wait3A_19] : memref<16384x2048xf32, #tpu.memory_space<hbm>> -> memref<8x2048xf32, #tpu.memory_space<hbm>>
      %dma_wait3A_21 = arith.constant 0 : i32
      %dma_wait3A_22 = arith.constant 0 : i32
      %dma_wait3A_23 = tpu.memref_slice %arg2[%dma_wait3A_21, %dma_wait3A_22] : memref<16384x2048xf32, #tpu.memory_space<hbm>> -> memref<8x2048xf32, #tpu.memory_space<hbm>>
      tpu.wait_dma2 semaphore(%arg11 : memref<!tpu.dma_semaphore, #tpu.memory_space<semaphore_mem>>) src(%dma_wait3A_23 : memref<8x2048xf32, #tpu.memory_space<hbm>>) dst(%arg8 : memref<8x2048xf32, #tpu.memory_space<vmem>>)
      %add3A_24 = arith.constant 1 : i32
      %add3A_25 = arith.addi %mul3A_18, %add3A_24 : i32
      %dma_start3A_26 = arith.constant 0 : i32
      %dma_start3A_27 = tpu.memref_slice %arg6[%add3A_25, %dma_start3A_26] : memref<40x128xi32, #tpu.memory_space<vmem>> -> memref<1x8xi32, #tpu.memory_space<vmem>>
      %dma_start3A_28 = tpu.memref_squeeze %dma_start3A_27 : memref<1x8xi32, #tpu.memory_space<vmem>> -> memref<8xi32, #tpu.memory_space<vmem>>
      %dma_start3A_29 = arith.constant 0 : i32
      %dma_start3A_30 = arith.constant 0 : i32
      %dma_start3A_31 = tpu.memref_slice %arg2[%dma_start3A_29, %dma_start3A_30] : memref<16384x2048xf32, #tpu.memory_space<hbm>> -> memref<16384x2048xf32, #tpu.memory_space<hbm>>
      tpu.enqueue_indirect_dma source(%dma_start3A_31 : memref<16384x2048xf32, #tpu.memory_space<hbm>>) target(%arg9 : memref<8x2048xf32, #tpu.memory_space<vmem>>) offsets(%dma_start3A_28 : memref<8xi32, #tpu.memory_space<vmem>>) semaphore(%arg12 : memref<!tpu.dma_semaphore, #tpu.memory_space<semaphore_mem>>)
      %get3A = arith.index_cast %mul3A_18 : i32 to index
      %get3A_32 = arith.constant 0 : index
      %get3A_33 = tpu.vector_load %arg7[%get3A, %get3A_32] {strides = array<i32>} : memref<40x128xf32, #tpu.memory_space<vmem>>, vector<16xf32>,
      %slice3A = vector.extract_strided_slice %get3A_33 {offsets = [0], sizes = [1], strides = [1]} : vector<16xf32> to vector<1xf32>
      %squeeze3A = vector.extract %slice3A[0] : f32 from vector<1xf32>
      %slice3A_34 = vector.extract_strided_slice %get3A_33 {offsets = [1], sizes = [1], strides = [1]} : vector<16xf32> to vector<1xf32>
      %squeeze3A_35 = vector.extract %slice3A_34[0] : f32 from vector<1xf32>
      %slice3A_36 = vector.extract_strided_slice %get3A_33 {offsets = [2], sizes = [1], strides = [1]} : vector<16xf32> to vector<1xf32>
      %squeeze3A_37 = vector.extract %slice3A_36[0] : f32 from vector<1xf32>
      %slice3A_38 = vector.extract_strided_slice %get3A_33 {offsets = [3], sizes = [1], strides = [1]} : vector<16xf32> to vector<1xf32>
      %squeeze3A_39 = vector.extract %slice3A_38[0] : f32 from vector<1xf32>
      %slice3A_40 = vector.extract_strided_slice %get3A_33 {offsets = [4], sizes = [1], strides = [1]} : vector<16xf32> to vector<1xf32>
      %squeeze3A_41 = vector.extract %slice3A_40[0] : f32 from vector<1xf32>
      %parallel_loop3A = arith.constant 0 : i32
      %parallel_loop3A_42 = arith.constant 128 : i32
      %parallel_loop3A_43 = arith.constant 1 : i32
      scf.for %parallel_loop3A_71 = %parallel_loop3A to %parallel_loop3A_42 step %parallel_loop3A_43  : i32 {
        %parallel_loop3A_72 = arith.constant 16 : i32
        %parallel_loop3A_73 = arith.muli %parallel_loop3A_71, %parallel_loop3A_72 : i32
        %parallel_loop3A_74 = arith.constant 0 : i32
        %parallel_loop3A_75 = arith.index_cast %parallel_loop3A_74 : i32 to index
        %parallel_loop3A_76 = arith.index_cast %parallel_loop3A_73 : i32 to index
        %parallel_loop3A_77 = tpu.vector_load %arg8[%parallel_loop3A_75, %parallel_loop3A_76] {strides = array<i32>} : memref<8x2048xf32, #tpu.memory_space<vmem>>, vector<16xf32>,
        %parallel_loop3A_78 = vector.broadcast %squeeze3A : f32 to vector<16xf32>
        %parallel_loop3A_79 = arith.mulf %parallel_loop3A_77, %parallel_loop3A_78 : vector<16xf32>
        %parallel_loop3A_80 = arith.constant 1 : i32
        %parallel_loop3A_81 = arith.index_cast %parallel_loop3A_80 : i32 to index
        %parallel_loop3A_82 = arith.index_cast %parallel_loop3A_73 : i32 to index
        %parallel_loop3A_83 = tpu.vector_load %arg8[%parallel_loop3A_81, %parallel_loop3A_82] {strides = array<i32>} : memref<8x2048xf32, #tpu.memory_space<vmem>>, vector<16xf32>,
        %parallel_loop3A_84 = vector.broadcast %squeeze3A_35 : f32 to vector<16xf32>
        %parallel_loop3A_85 = arith.mulf %parallel_loop3A_83, %parallel_loop3A_84 : vector<16xf32>
        %parallel_loop3A_86 = arith.addf %parallel_loop3A_79, %parallel_loop3A_85 : vector<16xf32>
        %parallel_loop3A_87 = arith.constant 2 : i32
        %parallel_loop3A_88 = arith.index_cast %parallel_loop3A_87 : i32 to index
        %parallel_loop3A_89 = arith.index_cast %parallel_loop3A_73 : i32 to index
        %parallel_loop3A_90 = tpu.vector_load %arg8[%parallel_loop3A_88, %parallel_loop3A_89] {strides = array<i32>} : memref<8x2048xf32, #tpu.memory_space<vmem>>, vector<16xf32>,
        %parallel_loop3A_91 = vector.broadcast %squeeze3A_37 : f32 to vector<16xf32>
        %parallel_loop3A_92 = arith.mulf %parallel_loop3A_90, %parallel_loop3A_91 : vector<16xf32>
        %parallel_loop3A_93 = arith.addf %parallel_loop3A_86, %parallel_loop3A_92 : vector<16xf32>
        %parallel_loop3A_94 = arith.constant 3 : i32
        %parallel_loop3A_95 = arith.index_cast %parallel_loop3A_94 : i32 to index
        %parallel_loop3A_96 = arith.index_cast %parallel_loop3A_73 : i32 to index
        %parallel_loop3A_97 = tpu.vector_load %arg8[%parallel_loop3A_95, %parallel_loop3A_96] {strides = array<i32>} : memref<8x2048xf32, #tpu.memory_space<vmem>>, vector<16xf32>,
        %parallel_loop3A_98 = vector.broadcast %squeeze3A_39 : f32 to vector<16xf32>
        %parallel_loop3A_99 = arith.mulf %parallel_loop3A_97, %parallel_loop3A_98 : vector<16xf32>
        %parallel_loop3A_100 = arith.addf %parallel_loop3A_93, %parallel_loop3A_99 : vector<16xf32>
        %parallel_loop3A_101 = arith.constant 4 : i32
        %parallel_loop3A_102 = arith.index_cast %parallel_loop3A_101 : i32 to index
        %parallel_loop3A_103 = arith.index_cast %parallel_loop3A_73 : i32 to index
        %parallel_loop3A_104 = tpu.vector_load %arg8[%parallel_loop3A_102, %parallel_loop3A_103] {strides = array<i32>} : memref<8x2048xf32, #tpu.memory_space<vmem>>, vector<16xf32>,
        %parallel_loop3A_105 = vector.broadcast %squeeze3A_41 : f32 to vector<16xf32>
        %parallel_loop3A_106 = arith.mulf %parallel_loop3A_104, %parallel_loop3A_105 : vector<16xf32>
        %parallel_loop3A_107 = arith.addf %parallel_loop3A_100, %parallel_loop3A_106 : vector<16xf32>
        %parallel_loop3A_108 = arith.index_cast %mul3A_18 : i32 to index
        %parallel_loop3A_109 = arith.index_cast %parallel_loop3A_73 : i32 to index
        %parallel_loop3A_110 = tpu.vector_load %arg10[%parallel_loop3A_108, %parallel_loop3A_109] {strides = array<i32>} : memref<40x2048xf32, #tpu.memory_space<vmem>>, vector<16xf32>,
        tpu.vector_store %arg10[%parallel_loop3A_108, %parallel_loop3A_109], %parallel_loop3A_107 {strides = array<i32>} : memref<40x2048xf32, #tpu.memory_space<vmem>>, vector<16xf32>,
      } {sc.loop_unroll_factor = 1 : i64, sc.parallel_access}
      %dma_wait3A_44 = arith.constant 0 : i32
      %dma_wait3A_45 = arith.constant 0 : i32
      %dma_wait3A_46 = tpu.memref_slice %arg2[%dma_wait3A_44, %dma_wait3A_45] : memref<16384x2048xf32, #tpu.memory_space<hbm>> -> memref<8x2048xf32, #tpu.memory_space<hbm>>
      %dma_wait3A_47 = arith.constant 0 : i32
      %dma_wait3A_48 = arith.constant 0 : i32
      %dma_wait3A_49 = tpu.memref_slice %arg2[%dma_wait3A_47, %dma_wait3A_48] : memref<16384x2048xf32, #tpu.memory_space<hbm>> -> memref<8x2048xf32, #tpu.memory_space<hbm>>
      tpu.wait_dma2 semaphore(%arg12 : memref<!tpu.dma_semaphore, #tpu.memory_space<semaphore_mem>>) src(%dma_wait3A_49 : memref<8x2048xf32, #tpu.memory_space<hbm>>) dst(%arg9 : memref<8x2048xf32, #tpu.memory_space<vmem>>)
      %lt3A = arith.constant 19 : i32
      %lt3A_50 = arith.cmpi slt, %scan3A_15, %lt3A : i32
      %convert_element_type3A = arith.extui %lt3A_50 : i1 to i32
      %cond3A = arith.constant 0 : i32
      %cond3A_51 = arith.cmpi ne, %convert_element_type3A, %cond3A : i32
      scf.if %cond3A_51 {
        %add3A_71 = arith.constant 2 : i32
        %add3A_72 = arith.addi %mul3A_18, %add3A_71 : i32
        %dma_start3A_73 = arith.constant 0 : i32
        %dma_start3A_74 = tpu.memref_slice %arg6[%add3A_72, %dma_start3A_73] : memref<40x128xi32, #tpu.memory_space<vmem>> -> memref<1x8xi32, #tpu.memory_space<vmem>>
        %dma_start3A_75 = tpu.memref_squeeze %dma_start3A_74 : memref<1x8xi32, #tpu.memory_space<vmem>> -> memref<8xi32, #tpu.memory_space<vmem>>
        %dma_start3A_76 = arith.constant 0 : i32
        %dma_start3A_77 = arith.constant 0 : i32
        %dma_start3A_78 = tpu.memref_slice %arg2[%dma_start3A_76, %dma_start3A_77] : memref<16384x2048xf32, #tpu.memory_space<hbm>> -> memref<16384x2048xf32, #tpu.memory_space<hbm>>
        tpu.enqueue_indirect_dma source(%dma_start3A_78 : memref<16384x2048xf32, #tpu.memory_space<hbm>>) target(%arg8 : memref<8x2048xf32, #tpu.memory_space<vmem>>) offsets(%dma_start3A_75 : memref<8xi32, #tpu.memory_space<vmem>>) semaphore(%arg11 : memref<!tpu.dma_semaphore, #tpu.memory_space<semaphore_mem>>)
      } else {
      }
      %add3A_52 = arith.constant 1 : i32
      %add3A_53 = arith.addi %mul3A_18, %add3A_52 : i32
      %get3A_54 = arith.index_cast %add3A_53 : i32 to index
      %get3A_55 = arith.constant 0 : index
      %get3A_56 = tpu.vector_load %arg7[%get3A_54, %get3A_55] {strides = array<i32>} : memref<40x128xf32, #tpu.memory_space<vmem>>, vector<16xf32>,
      %slice3A_57 = vector.extract_strided_slice %get3A_56 {offsets = [0], sizes = [1], strides = [1]} : vector<16xf32> to vector<1xf32>
      %squeeze3A_58 = vector.extract %slice3A_57[0] : f32 from vector<1xf32>
      %slice3A_59 = vector.extract_strided_slice %get3A_56 {offsets = [1], sizes = [1], strides = [1]} : vector<16xf32> to vector<1xf32>
      %squeeze3A_60 = vector.extract %slice3A_59[0] : f32 from vector<1xf32>
      %slice3A_61 = vector.extract_strided_slice %get3A_56 {offsets = [2], sizes = [1], strides = [1]} : vector<16xf32> to vector<1xf32>
      %squeeze3A_62 = vector.extract %slice3A_61[0] : f32 from vector<1xf32>
      %slice3A_63 = vector.extract_strided_slice %get3A_56 {offsets = [3], sizes = [1], strides = [1]} : vector<16xf32> to vector<1xf32>
      %squeeze3A_64 = vector.extract %slice3A_63[0] : f32 from vector<1xf32>
      %slice3A_65 = vector.extract_strided_slice %get3A_56 {offsets = [4], sizes = [1], strides = [1]} : vector<16xf32> to vector<1xf32>
      %squeeze3A_66 = vector.extract %slice3A_65[0] : f32 from vector<1xf32>
      %parallel_loop3A_67 = arith.constant 0 : i32
      %parallel_loop3A_68 = arith.constant 128 : i32
      %parallel_loop3A_69 = arith.constant 1 : i32
      scf.for %parallel_loop3A_71 = %parallel_loop3A_67 to %parallel_loop3A_68 step %parallel_loop3A_69  : i32 {
        %parallel_loop3A_72 = arith.constant 16 : i32
        %parallel_loop3A_73 = arith.muli %parallel_loop3A_71, %parallel_loop3A_72 : i32
        %parallel_loop3A_74 = arith.constant 0 : i32
        %parallel_loop3A_75 = arith.index_cast %parallel_loop3A_74 : i32 to index
        %parallel_loop3A_76 = arith.index_cast %parallel_loop3A_73 : i32 to index
        %parallel_loop3A_77 = tpu.vector_load %arg9[%parallel_loop3A_75, %parallel_loop3A_76] {strides = array<i32>} : memref<8x2048xf32, #tpu.memory_space<vmem>>, vector<16xf32>,
        %parallel_loop3A_78 = vector.broadcast %squeeze3A_58 : f32 to vector<16xf32>
        %parallel_loop3A_79 = arith.mulf %parallel_loop3A_77, %parallel_loop3A_78 : vector<16xf32>
        %parallel_loop3A_80 = arith.constant 1 : i32
        %parallel_loop3A_81 = arith.index_cast %parallel_loop3A_80 : i32 to index
        %parallel_loop3A_82 = arith.index_cast %parallel_loop3A_73 : i32 to index
        %parallel_loop3A_83 = tpu.vector_load %arg9[%parallel_loop3A_81, %parallel_loop3A_82] {strides = array<i32>} : memref<8x2048xf32, #tpu.memory_space<vmem>>, vector<16xf32>,
        %parallel_loop3A_84 = vector.broadcast %squeeze3A_60 : f32 to vector<16xf32>
        %parallel_loop3A_85 = arith.mulf %parallel_loop3A_83, %parallel_loop3A_84 : vector<16xf32>
        %parallel_loop3A_86 = arith.addf %parallel_loop3A_79, %parallel_loop3A_85 : vector<16xf32>
        %parallel_loop3A_87 = arith.constant 2 : i32
        %parallel_loop3A_88 = arith.index_cast %parallel_loop3A_87 : i32 to index
        %parallel_loop3A_89 = arith.index_cast %parallel_loop3A_73 : i32 to index
        %parallel_loop3A_90 = tpu.vector_load %arg9[%parallel_loop3A_88, %parallel_loop3A_89] {strides = array<i32>} : memref<8x2048xf32, #tpu.memory_space<vmem>>, vector<16xf32>,
        %parallel_loop3A_91 = vector.broadcast %squeeze3A_62 : f32 to vector<16xf32>
        %parallel_loop3A_92 = arith.mulf %parallel_loop3A_90, %parallel_loop3A_91 : vector<16xf32>
        %parallel_loop3A_93 = arith.addf %parallel_loop3A_86, %parallel_loop3A_92 : vector<16xf32>
        %parallel_loop3A_94 = arith.constant 3 : i32
        %parallel_loop3A_95 = arith.index_cast %parallel_loop3A_94 : i32 to index
        %parallel_loop3A_96 = arith.index_cast %parallel_loop3A_73 : i32 to index
        %parallel_loop3A_97 = tpu.vector_load %arg9[%parallel_loop3A_95, %parallel_loop3A_96] {strides = array<i32>} : memref<8x2048xf32, #tpu.memory_space<vmem>>, vector<16xf32>,
        %parallel_loop3A_98 = vector.broadcast %squeeze3A_64 : f32 to vector<16xf32>
        %parallel_loop3A_99 = arith.mulf %parallel_loop3A_97, %parallel_loop3A_98 : vector<16xf32>
        %parallel_loop3A_100 = arith.addf %parallel_loop3A_93, %parallel_loop3A_99 : vector<16xf32>
        %parallel_loop3A_101 = arith.constant 4 : i32
        %parallel_loop3A_102 = arith.index_cast %parallel_loop3A_101 : i32 to index
        %parallel_loop3A_103 = arith.index_cast %parallel_loop3A_73 : i32 to index
        %parallel_loop3A_104 = tpu.vector_load %arg9[%parallel_loop3A_102, %parallel_loop3A_103] {strides = array<i32>} : memref<8x2048xf32, #tpu.memory_space<vmem>>, vector<16xf32>,
        %parallel_loop3A_105 = vector.broadcast %squeeze3A_66 : f32 to vector<16xf32>
        %parallel_loop3A_106 = arith.mulf %parallel_loop3A_104, %parallel_loop3A_105 : vector<16xf32>
        %parallel_loop3A_107 = arith.addf %parallel_loop3A_100, %parallel_loop3A_106 : vector<16xf32>
        %parallel_loop3A_108 = arith.index_cast %add3A_53 : i32 to index
        %parallel_loop3A_109 = arith.index_cast %parallel_loop3A_73 : i32 to index
        %parallel_loop3A_110 = tpu.vector_load %arg10[%parallel_loop3A_108, %parallel_loop3A_109] {strides = array<i32>} : memref<40x2048xf32, #tpu.memory_space<vmem>>, vector<16xf32>,
        tpu.vector_store %arg10[%parallel_loop3A_108, %parallel_loop3A_109], %parallel_loop3A_107 {strides = array<i32>} : memref<40x2048xf32, #tpu.memory_space<vmem>>, vector<16xf32>,
      } {sc.loop_unroll_factor = 1 : i64, sc.parallel_access}
      %scan3A_70 = arith.constant 0 : i32
      scf.yield %scan3A_70 : i32
    }
    %scan3A_14 = arith.constant 20 : i32
    "tpu.region"() ({
      %run_scoped3A = tpu.sem_alloc : memref<!tpu.dma_semaphore, #tpu.memory_space<semaphore_mem>>
      %dma_start3A_15 = arith.constant 0 : i32
      %dma_start3A_16 = tpu.memref_slice %arg5[%mul3A_2, %dma_start3A_15] : memref<1280x2048xf32, #tpu.memory_space<hbm>> -> memref<40x2048xf32, #tpu.memory_space<hbm>>
      %dma_start3A_17 = arith.constant 0 : i32
      %dma_start3A_18 = tpu.memref_slice %arg5[%mul3A_2, %dma_start3A_17] : memref<1280x2048xf32, #tpu.memory_space<hbm>> -> memref<40x2048xf32, #tpu.memory_space<hbm>>
      tpu.enqueue_dma source(%arg10 : memref<40x2048xf32, #tpu.memory_space<vmem>>) target(%dma_start3A_18 : memref<40x2048xf32, #tpu.memory_space<hbm>>) target_semaphore(%run_scoped3A : memref<!tpu.dma_semaphore, #tpu.memory_space<semaphore_mem>>)
      %dma_wait3A = arith.constant 0 : i32
      %dma_wait3A_19 = tpu.memref_slice %arg5[%mul3A_2, %dma_wait3A] : memref<1280x2048xf32, #tpu.memory_space<hbm>> -> memref<40x2048xf32, #tpu.memory_space<hbm>>
      %dma_wait3A_20 = arith.constant 0 : i32
      %dma_wait3A_21 = tpu.memref_slice %arg5[%mul3A_2, %dma_wait3A_20] : memref<1280x2048xf32, #tpu.memory_space<hbm>> -> memref<40x2048xf32, #tpu.memory_space<hbm>>
      tpu.wait_dma2 semaphore(%run_scoped3A : memref<!tpu.dma_semaphore, #tpu.memory_space<semaphore_mem>>) src(%arg10 : memref<40x2048xf32, #tpu.memory_space<vmem>>) dst(%dma_wait3A_21 : memref<40x2048xf32, #tpu.memory_space<hbm>>)
      tpu.yield
    }) : () -> ()
    return
  }
}

module attributes {stable_mosaic.version = 14 : i64} {
  func.func @_means_body(%arg0: i32, %arg1: memref<8x2048xi32, #tpu.memory_space<vmem>>, %arg2: memref<8x2048xf32, #tpu.memory_space<vmem>>, %arg3: memref<8x2048xf32, #tpu.memory_space<vmem>>) attributes {dimension_semantics = [#tpu.dimension_semantics<arbitrary>], iteration_bounds = array<i64: 160>, scalar_prefetch = 0 : i64, scratch_operands = 0 : i64, tpu.core_type = #tpu.core_type<tc>, window_params = [{pipeline_mode = #tpu.pipeline_mode<synchronous>, transform_indices = @transform_0, window_bounds = array<i64: 8, 2048>}, {transform_indices = @transform_1, window_bounds = array<i64: 8, 2048>}, {transform_indices = @transform_2, window_bounds = array<i64: 8, 2048>}]} {
    %get3A = arith.constant 0 : index
    %get3A_0 = arith.constant 0 : index
    %get3A_1 = vector.load %arg1[%get3A, %get3A_0] : memref<8x2048xi32, #tpu.memory_space<vmem>>, vector<8x2048xi32>
    %mul3A = arith.constant 8 : i32
    %mul3A_2 = arith.muli %arg0, %mul3A : i32
    %add3A = arith.constant 0 : i32
    %add3A_3 = arith.addi %mul3A_2, %add3A : i32
    %eq3A = vector.broadcast %add3A_3 : i32 to vector<8x2048xi32>
    %eq3A_4 = arith.cmpi eq, %get3A_1, %eq3A : vector<8x2048xi32>
    %jit3A = arith.constant 1 : i32
    %jit3A_5 = arith.constant 0 : i32
    %broadcast_in_dim3A = vector.broadcast %jit3A : i32 to vector<8x2048xi32>
    %broadcast_in_dim3A_6 = vector.broadcast %jit3A_5 : i32 to vector<8x2048xi32>
    %select_n3A = arith.select %eq3A_4, %broadcast_in_dim3A, %broadcast_in_dim3A_6 : vector<8x2048xi1>, vector<8x2048xi32>
    %reduce_sum3A = vector.shape_cast %select_n3A : vector<8x2048xi32> to vector<1x8x2048xi32>
    %reduce_sum3A_7 = arith.constant dense<0> : vector<1xi32>
    %reduce_sum3A_8 = vector.multi_reduction <add>, %reduce_sum3A, %reduce_sum3A_7 [1, 2] : vector<1x8x2048xi32> to vector<1xi32>
    %reduce_sum3A_9 = vector.shape_cast %reduce_sum3A_8 : vector<1xi32> to vector<1x1x1xi32>
    %reduce_sum3A_10 = vector.extract %reduce_sum3A_9[0, 0, 0] : i32 from vector<1x1x1xi32>
    %max3A = arith.constant 1 : i32
    %max3A_11 = arith.maxsi %reduce_sum3A_10, %max3A : i32
    %convert_element_type3A = arith.sitofp %max3A_11 : i32 to f32
    %get3A_12 = arith.constant 0 : index
    %get3A_13 = arith.constant 0 : index
    %get3A_14 = vector.load %arg2[%get3A_12, %get3A_13] : memref<8x2048xf32, #tpu.memory_space<vmem>>, vector<1x2048xf32>
    %div3A = vector.broadcast %convert_element_type3A : f32 to vector<1x2048xf32>
    %div3A_15 = arith.divf %get3A_14, %div3A : vector<1x2048xf32>
    %swap3A = arith.constant 0 : index
    %swap3A_16 = arith.constant 0 : index
    %swap3A_17 = vector.load %arg3[%swap3A, %swap3A_16] : memref<8x2048xf32, #tpu.memory_space<vmem>>, vector<1x2048xf32>
    tpu.vector_store %arg3[%swap3A, %swap3A_16], %div3A_15 {strides = array<i32>} : memref<8x2048xf32, #tpu.memory_space<vmem>>, vector<1x2048xf32>,
    %mul3A_18 = arith.constant 8 : i32
    %mul3A_19 = arith.muli %arg0, %mul3A_18 : i32
    %add3A_20 = arith.constant 1 : i32
    %add3A_21 = arith.addi %mul3A_19, %add3A_20 : i32
    %eq3A_22 = vector.broadcast %add3A_21 : i32 to vector<8x2048xi32>
    %eq3A_23 = arith.cmpi eq, %get3A_1, %eq3A_22 : vector<8x2048xi32>
    %jit3A_24 = arith.constant 1 : i32
    %jit3A_25 = arith.constant 0 : i32
    %broadcast_in_dim3A_26 = vector.broadcast %jit3A_24 : i32 to vector<8x2048xi32>
    %broadcast_in_dim3A_27 = vector.broadcast %jit3A_25 : i32 to vector<8x2048xi32>
    %select_n3A_28 = arith.select %eq3A_23, %broadcast_in_dim3A_26, %broadcast_in_dim3A_27 : vector<8x2048xi1>, vector<8x2048xi32>
    %reduce_sum3A_29 = vector.shape_cast %select_n3A_28 : vector<8x2048xi32> to vector<1x8x2048xi32>
    %reduce_sum3A_30 = arith.constant dense<0> : vector<1xi32>
    %reduce_sum3A_31 = vector.multi_reduction <add>, %reduce_sum3A_29, %reduce_sum3A_30 [1, 2] : vector<1x8x2048xi32> to vector<1xi32>
    %reduce_sum3A_32 = vector.shape_cast %reduce_sum3A_31 : vector<1xi32> to vector<1x1x1xi32>
    %reduce_sum3A_33 = vector.extract %reduce_sum3A_32[0, 0, 0] : i32 from vector<1x1x1xi32>
    %max3A_34 = arith.constant 1 : i32
    %max3A_35 = arith.maxsi %reduce_sum3A_33, %max3A_34 : i32
    %convert_element_type3A_36 = arith.sitofp %max3A_35 : i32 to f32
    %get3A_37 = arith.constant 1 : index
    %get3A_38 = arith.constant 0 : index
    %get3A_39 = vector.load %arg2[%get3A_37, %get3A_38] : memref<8x2048xf32, #tpu.memory_space<vmem>>, vector<1x2048xf32>
    %div3A_40 = vector.broadcast %convert_element_type3A_36 : f32 to vector<1x2048xf32>
    %div3A_41 = arith.divf %get3A_39, %div3A_40 : vector<1x2048xf32>
    %swap3A_42 = arith.constant 1 : index
    %swap3A_43 = arith.constant 0 : index
    %swap3A_44 = vector.load %arg3[%swap3A_42, %swap3A_43] : memref<8x2048xf32, #tpu.memory_space<vmem>>, vector<1x2048xf32>
    tpu.vector_store %arg3[%swap3A_42, %swap3A_43], %div3A_41 {strides = array<i32>} : memref<8x2048xf32, #tpu.memory_space<vmem>>, vector<1x2048xf32>,
    %mul3A_45 = arith.constant 8 : i32
    %mul3A_46 = arith.muli %arg0, %mul3A_45 : i32
    %add3A_47 = arith.constant 2 : i32
    %add3A_48 = arith.addi %mul3A_46, %add3A_47 : i32
    %eq3A_49 = vector.broadcast %add3A_48 : i32 to vector<8x2048xi32>
    %eq3A_50 = arith.cmpi eq, %get3A_1, %eq3A_49 : vector<8x2048xi32>
    %jit3A_51 = arith.constant 1 : i32
    %jit3A_52 = arith.constant 0 : i32
    %broadcast_in_dim3A_53 = vector.broadcast %jit3A_51 : i32 to vector<8x2048xi32>
    %broadcast_in_dim3A_54 = vector.broadcast %jit3A_52 : i32 to vector<8x2048xi32>
    %select_n3A_55 = arith.select %eq3A_50, %broadcast_in_dim3A_53, %broadcast_in_dim3A_54 : vector<8x2048xi1>, vector<8x2048xi32>
    %reduce_sum3A_56 = vector.shape_cast %select_n3A_55 : vector<8x2048xi32> to vector<1x8x2048xi32>
    %reduce_sum3A_57 = arith.constant dense<0> : vector<1xi32>
    %reduce_sum3A_58 = vector.multi_reduction <add>, %reduce_sum3A_56, %reduce_sum3A_57 [1, 2] : vector<1x8x2048xi32> to vector<1xi32>
    %reduce_sum3A_59 = vector.shape_cast %reduce_sum3A_58 : vector<1xi32> to vector<1x1x1xi32>
    %reduce_sum3A_60 = vector.extract %reduce_sum3A_59[0, 0, 0] : i32 from vector<1x1x1xi32>
    %max3A_61 = arith.constant 1 : i32
    %max3A_62 = arith.maxsi %reduce_sum3A_60, %max3A_61 : i32
    %convert_element_type3A_63 = arith.sitofp %max3A_62 : i32 to f32
    %get3A_64 = arith.constant 2 : index
    %get3A_65 = arith.constant 0 : index
    %get3A_66 = vector.load %arg2[%get3A_64, %get3A_65] : memref<8x2048xf32, #tpu.memory_space<vmem>>, vector<1x2048xf32>
    %div3A_67 = vector.broadcast %convert_element_type3A_63 : f32 to vector<1x2048xf32>
    %div3A_68 = arith.divf %get3A_66, %div3A_67 : vector<1x2048xf32>
    %swap3A_69 = arith.constant 2 : index
    %swap3A_70 = arith.constant 0 : index
    %swap3A_71 = vector.load %arg3[%swap3A_69, %swap3A_70] : memref<8x2048xf32, #tpu.memory_space<vmem>>, vector<1x2048xf32>
    tpu.vector_store %arg3[%swap3A_69, %swap3A_70], %div3A_68 {strides = array<i32>} : memref<8x2048xf32, #tpu.memory_space<vmem>>, vector<1x2048xf32>,
    %mul3A_72 = arith.constant 8 : i32
    %mul3A_73 = arith.muli %arg0, %mul3A_72 : i32
    %add3A_74 = arith.constant 3 : i32
    %add3A_75 = arith.addi %mul3A_73, %add3A_74 : i32
    %eq3A_76 = vector.broadcast %add3A_75 : i32 to vector<8x2048xi32>
    %eq3A_77 = arith.cmpi eq, %get3A_1, %eq3A_76 : vector<8x2048xi32>
    %jit3A_78 = arith.constant 1 : i32
    %jit3A_79 = arith.constant 0 : i32
    %broadcast_in_dim3A_80 = vector.broadcast %jit3A_78 : i32 to vector<8x2048xi32>
    %broadcast_in_dim3A_81 = vector.broadcast %jit3A_79 : i32 to vector<8x2048xi32>
    %select_n3A_82 = arith.select %eq3A_77, %broadcast_in_dim3A_80, %broadcast_in_dim3A_81 : vector<8x2048xi1>, vector<8x2048xi32>
    %reduce_sum3A_83 = vector.shape_cast %select_n3A_82 : vector<8x2048xi32> to vector<1x8x2048xi32>
    %reduce_sum3A_84 = arith.constant dense<0> : vector<1xi32>
    %reduce_sum3A_85 = vector.multi_reduction <add>, %reduce_sum3A_83, %reduce_sum3A_84 [1, 2] : vector<1x8x2048xi32> to vector<1xi32>
    %reduce_sum3A_86 = vector.shape_cast %reduce_sum3A_85 : vector<1xi32> to vector<1x1x1xi32>
    %reduce_sum3A_87 = vector.extract %reduce_sum3A_86[0, 0, 0] : i32 from vector<1x1x1xi32>
    %max3A_88 = arith.constant 1 : i32
    %max3A_89 = arith.maxsi %reduce_sum3A_87, %max3A_88 : i32
    %convert_element_type3A_90 = arith.sitofp %max3A_89 : i32 to f32
    %get3A_91 = arith.constant 3 : index
    %get3A_92 = arith.constant 0 : index
    %get3A_93 = vector.load %arg2[%get3A_91, %get3A_92] : memref<8x2048xf32, #tpu.memory_space<vmem>>, vector<1x2048xf32>
    %div3A_94 = vector.broadcast %convert_element_type3A_90 : f32 to vector<1x2048xf32>
    %div3A_95 = arith.divf %get3A_93, %div3A_94 : vector<1x2048xf32>
    %swap3A_96 = arith.constant 3 : index
    %swap3A_97 = arith.constant 0 : index
    %swap3A_98 = vector.load %arg3[%swap3A_96, %swap3A_97] : memref<8x2048xf32, #tpu.memory_space<vmem>>, vector<1x2048xf32>
    tpu.vector_store %arg3[%swap3A_96, %swap3A_97], %div3A_95 {strides = array<i32>} : memref<8x2048xf32, #tpu.memory_space<vmem>>, vector<1x2048xf32>,
    %mul3A_99 = arith.constant 8 : i32
    %mul3A_100 = arith.muli %arg0, %mul3A_99 : i32
    %add3A_101 = arith.constant 4 : i32
    %add3A_102 = arith.addi %mul3A_100, %add3A_101 : i32
    %eq3A_103 = vector.broadcast %add3A_102 : i32 to vector<8x2048xi32>
    %eq3A_104 = arith.cmpi eq, %get3A_1, %eq3A_103 : vector<8x2048xi32>
    %jit3A_105 = arith.constant 1 : i32
    %jit3A_106 = arith.constant 0 : i32
    %broadcast_in_dim3A_107 = vector.broadcast %jit3A_105 : i32 to vector<8x2048xi32>
    %broadcast_in_dim3A_108 = vector.broadcast %jit3A_106 : i32 to vector<8x2048xi32>
    %select_n3A_109 = arith.select %eq3A_104, %broadcast_in_dim3A_107, %broadcast_in_dim3A_108 : vector<8x2048xi1>, vector<8x2048xi32>
    %reduce_sum3A_110 = vector.shape_cast %select_n3A_109 : vector<8x2048xi32> to vector<1x8x2048xi32>
    %reduce_sum3A_111 = arith.constant dense<0> : vector<1xi32>
    %reduce_sum3A_112 = vector.multi_reduction <add>, %reduce_sum3A_110, %reduce_sum3A_111 [1, 2] : vector<1x8x2048xi32> to vector<1xi32>
    %reduce_sum3A_113 = vector.shape_cast %reduce_sum3A_112 : vector<1xi32> to vector<1x1x1xi32>
    %reduce_sum3A_114 = vector.extract %reduce_sum3A_113[0, 0, 0] : i32 from vector<1x1x1xi32>
    %max3A_115 = arith.constant 1 : i32
    %max3A_116 = arith.maxsi %reduce_sum3A_114, %max3A_115 : i32
    %convert_element_type3A_117 = arith.sitofp %max3A_116 : i32 to f32
    %get3A_118 = arith.constant 4 : index
    %get3A_119 = arith.constant 0 : index
    %get3A_120 = vector.load %arg2[%get3A_118, %get3A_119] : memref<8x2048xf32, #tpu.memory_space<vmem>>, vector<1x2048xf32>
    %div3A_121 = vector.broadcast %convert_element_type3A_117 : f32 to vector<1x2048xf32>
    %div3A_122 = arith.divf %get3A_120, %div3A_121 : vector<1x2048xf32>
    %swap3A_123 = arith.constant 4 : index
    %swap3A_124 = arith.constant 0 : index
    %swap3A_125 = vector.load %arg3[%swap3A_123, %swap3A_124] : memref<8x2048xf32, #tpu.memory_space<vmem>>, vector<1x2048xf32>
    tpu.vector_store %arg3[%swap3A_123, %swap3A_124], %div3A_122 {strides = array<i32>} : memref<8x2048xf32, #tpu.memory_space<vmem>>, vector<1x2048xf32>,
    %mul3A_126 = arith.constant 8 : i32
    %mul3A_127 = arith.muli %arg0, %mul3A_126 : i32
    %add3A_128 = arith.constant 5 : i32
    %add3A_129 = arith.addi %mul3A_127, %add3A_128 : i32
    %eq3A_130 = vector.broadcast %add3A_129 : i32 to vector<8x2048xi32>
    %eq3A_131 = arith.cmpi eq, %get3A_1, %eq3A_130 : vector<8x2048xi32>
    %jit3A_132 = arith.constant 1 : i32
    %jit3A_133 = arith.constant 0 : i32
    %broadcast_in_dim3A_134 = vector.broadcast %jit3A_132 : i32 to vector<8x2048xi32>
    %broadcast_in_dim3A_135 = vector.broadcast %jit3A_133 : i32 to vector<8x2048xi32>
    %select_n3A_136 = arith.select %eq3A_131, %broadcast_in_dim3A_134, %broadcast_in_dim3A_135 : vector<8x2048xi1>, vector<8x2048xi32>
    %reduce_sum3A_137 = vector.shape_cast %select_n3A_136 : vector<8x2048xi32> to vector<1x8x2048xi32>
    %reduce_sum3A_138 = arith.constant dense<0> : vector<1xi32>
    %reduce_sum3A_139 = vector.multi_reduction <add>, %reduce_sum3A_137, %reduce_sum3A_138 [1, 2] : vector<1x8x2048xi32> to vector<1xi32>
    %reduce_sum3A_140 = vector.shape_cast %reduce_sum3A_139 : vector<1xi32> to vector<1x1x1xi32>
    %reduce_sum3A_141 = vector.extract %reduce_sum3A_140[0, 0, 0] : i32 from vector<1x1x1xi32>
    %max3A_142 = arith.constant 1 : i32
    %max3A_143 = arith.maxsi %reduce_sum3A_141, %max3A_142 : i32
    %convert_element_type3A_144 = arith.sitofp %max3A_143 : i32 to f32
    %get3A_145 = arith.constant 5 : index
    %get3A_146 = arith.constant 0 : index
    %get3A_147 = vector.load %arg2[%get3A_145, %get3A_146] : memref<8x2048xf32, #tpu.memory_space<vmem>>, vector<1x2048xf32>
    %div3A_148 = vector.broadcast %convert_element_type3A_144 : f32 to vector<1x2048xf32>
    %div3A_149 = arith.divf %get3A_147, %div3A_148 : vector<1x2048xf32>
    %swap3A_150 = arith.constant 5 : index
    %swap3A_151 = arith.constant 0 : index
    %swap3A_152 = vector.load %arg3[%swap3A_150, %swap3A_151] : memref<8x2048xf32, #tpu.memory_space<vmem>>, vector<1x2048xf32>
    tpu.vector_store %arg3[%swap3A_150, %swap3A_151], %div3A_149 {strides = array<i32>} : memref<8x2048xf32, #tpu.memory_space<vmem>>, vector<1x2048xf32>,
    %mul3A_153 = arith.constant 8 : i32
    %mul3A_154 = arith.muli %arg0, %mul3A_153 : i32
    %add3A_155 = arith.constant 6 : i32
    %add3A_156 = arith.addi %mul3A_154, %add3A_155 : i32
    %eq3A_157 = vector.broadcast %add3A_156 : i32 to vector<8x2048xi32>
    %eq3A_158 = arith.cmpi eq, %get3A_1, %eq3A_157 : vector<8x2048xi32>
    %jit3A_159 = arith.constant 1 : i32
    %jit3A_160 = arith.constant 0 : i32
    %broadcast_in_dim3A_161 = vector.broadcast %jit3A_159 : i32 to vector<8x2048xi32>
    %broadcast_in_dim3A_162 = vector.broadcast %jit3A_160 : i32 to vector<8x2048xi32>
    %select_n3A_163 = arith.select %eq3A_158, %broadcast_in_dim3A_161, %broadcast_in_dim3A_162 : vector<8x2048xi1>, vector<8x2048xi32>
    %reduce_sum3A_164 = vector.shape_cast %select_n3A_163 : vector<8x2048xi32> to vector<1x8x2048xi32>
    %reduce_sum3A_165 = arith.constant dense<0> : vector<1xi32>
    %reduce_sum3A_166 = vector.multi_reduction <add>, %reduce_sum3A_164, %reduce_sum3A_165 [1, 2] : vector<1x8x2048xi32> to vector<1xi32>
    %reduce_sum3A_167 = vector.shape_cast %reduce_sum3A_166 : vector<1xi32> to vector<1x1x1xi32>
    %reduce_sum3A_168 = vector.extract %reduce_sum3A_167[0, 0, 0] : i32 from vector<1x1x1xi32>
    %max3A_169 = arith.constant 1 : i32
    %max3A_170 = arith.maxsi %reduce_sum3A_168, %max3A_169 : i32
    %convert_element_type3A_171 = arith.sitofp %max3A_170 : i32 to f32
    %get3A_172 = arith.constant 6 : index
    %get3A_173 = arith.constant 0 : index
    %get3A_174 = vector.load %arg2[%get3A_172, %get3A_173] : memref<8x2048xf32, #tpu.memory_space<vmem>>, vector<1x2048xf32>
    %div3A_175 = vector.broadcast %convert_element_type3A_171 : f32 to vector<1x2048xf32>
    %div3A_176 = arith.divf %get3A_174, %div3A_175 : vector<1x2048xf32>
    %swap3A_177 = arith.constant 6 : index
    %swap3A_178 = arith.constant 0 : index
    %swap3A_179 = vector.load %arg3[%swap3A_177, %swap3A_178] : memref<8x2048xf32, #tpu.memory_space<vmem>>, vector<1x2048xf32>
    tpu.vector_store %arg3[%swap3A_177, %swap3A_178], %div3A_176 {strides = array<i32>} : memref<8x2048xf32, #tpu.memory_space<vmem>>, vector<1x2048xf32>,
    %mul3A_180 = arith.constant 8 : i32
    %mul3A_181 = arith.muli %arg0, %mul3A_180 : i32
    %add3A_182 = arith.constant 7 : i32
    %add3A_183 = arith.addi %mul3A_181, %add3A_182 : i32
    %eq3A_184 = vector.broadcast %add3A_183 : i32 to vector<8x2048xi32>
    %eq3A_185 = arith.cmpi eq, %get3A_1, %eq3A_184 : vector<8x2048xi32>
    %jit3A_186 = arith.constant 1 : i32
    %jit3A_187 = arith.constant 0 : i32
    %broadcast_in_dim3A_188 = vector.broadcast %jit3A_186 : i32 to vector<8x2048xi32>
    %broadcast_in_dim3A_189 = vector.broadcast %jit3A_187 : i32 to vector<8x2048xi32>
    %select_n3A_190 = arith.select %eq3A_185, %broadcast_in_dim3A_188, %broadcast_in_dim3A_189 : vector<8x2048xi1>, vector<8x2048xi32>
    %reduce_sum3A_191 = vector.shape_cast %select_n3A_190 : vector<8x2048xi32> to vector<1x8x2048xi32>
    %reduce_sum3A_192 = arith.constant dense<0> : vector<1xi32>
    %reduce_sum3A_193 = vector.multi_reduction <add>, %reduce_sum3A_191, %reduce_sum3A_192 [1, 2] : vector<1x8x2048xi32> to vector<1xi32>
    %reduce_sum3A_194 = vector.shape_cast %reduce_sum3A_193 : vector<1xi32> to vector<1x1x1xi32>
    %reduce_sum3A_195 = vector.extract %reduce_sum3A_194[0, 0, 0] : i32 from vector<1x1x1xi32>
    %max3A_196 = arith.constant 1 : i32
    %max3A_197 = arith.maxsi %reduce_sum3A_195, %max3A_196 : i32
    %convert_element_type3A_198 = arith.sitofp %max3A_197 : i32 to f32
    %get3A_199 = arith.constant 7 : index
    %get3A_200 = arith.constant 0 : index
    %get3A_201 = vector.load %arg2[%get3A_199, %get3A_200] : memref<8x2048xf32, #tpu.memory_space<vmem>>, vector<1x2048xf32>
    %div3A_202 = vector.broadcast %convert_element_type3A_198 : f32 to vector<1x2048xf32>
    %div3A_203 = arith.divf %get3A_201, %div3A_202 : vector<1x2048xf32>
    %swap3A_204 = arith.constant 7 : index
    %swap3A_205 = arith.constant 0 : index
    %swap3A_206 = vector.load %arg3[%swap3A_204, %swap3A_205] : memref<8x2048xf32, #tpu.memory_space<vmem>>, vector<1x2048xf32>
    tpu.vector_store %arg3[%swap3A_204, %swap3A_205], %div3A_203 {strides = array<i32>} : memref<8x2048xf32, #tpu.memory_space<vmem>>, vector<1x2048xf32>,
    return
  }
  func.func @transform_0(%arg0: i32) -> (i32, i32) {
    %c0_i32 = arith.constant 0 : i32
    %c0_i32_0 = arith.constant 0 : i32
    %c0_i32_1 = arith.constant 0 : i32
    return %c0_i32, %c0_i32_0 : i32, i32
  }
  func.func @transform_1(%arg0: i32) -> (i32, i32) {
    %c0_i32 = arith.constant 0 : i32
    %c0_i32_0 = arith.constant 0 : i32
    return %arg0, %c0_i32 : i32, i32
  }
  func.func @transform_2(%arg0: i32) -> (i32, i32) {
    %c0_i32 = arith.constant 0 : i32
    %c0_i32_0 = arith.constant 0 : i32
    return %arg0, %c0_i32 : i32, i32
  }
}

module attributes {stable_mosaic.version = 14 : i64} {
  func.func @_topk_body(%arg0: i32, %arg1: memref<1x16384xi32, #tpu.memory_space<vmem>>, %arg2: memref<1x16384xf32, #tpu.memory_space<vmem>>, %arg3: memref<128x128xi32, #tpu.memory_space<vmem>>, %arg4: memref<128x128xf32, #tpu.memory_space<vmem>>) attributes {dimension_semantics = [#tpu.dimension_semantics<arbitrary>], iteration_bounds = array<i64: 10>, scalar_prefetch = 0 : i64, scratch_operands = 0 : i64, tpu.core_type = #tpu.core_type<tc>, window_params = [{pipeline_mode = #tpu.pipeline_mode<synchronous>, transform_indices = @transform_0, window_bounds = array<i64: 1, 16384>}, {pipeline_mode = #tpu.pipeline_mode<synchronous>, transform_indices = @transform_1, window_bounds = array<i64: 1, 16384>}, {transform_indices = @transform_2, window_bounds = array<i64: 128, 128>}, {transform_indices = @transform_3, window_bounds = array<i64: 128, 128>}]} {
    %get3A = arith.constant 0 : index
    %get3A_0 = arith.constant 0 : index
    %get3A_1 = vector.load %arg1[%get3A, %get3A_0] : memref<1x16384xi32, #tpu.memory_space<vmem>>, vector<1x16384xi32>
    %get3A_2 = arith.constant 0 : index
    %get3A_3 = arith.constant 0 : index
    %get3A_4 = vector.load %arg2[%get3A_2, %get3A_3] : memref<1x16384xf32, #tpu.memory_space<vmem>>, vector<1x16384xf32>
    %add3A = arith.constant 9.99999996E-13 : f32
    %add3A_5 = vector.broadcast %add3A : f32 to vector<1x16384xf32>
    %add3A_6 = arith.addf %get3A_4, %add3A_5 : vector<1x16384xf32>
    %sqrt3A = math.sqrt %add3A_6 : vector<1x16384xf32>
    %mul3A = arith.constant 128 : i32
    %mul3A_7 = arith.muli %arg0, %mul3A : i32
    %iota3A = tpu.iota {dimensions = array<i32: 0>} : vector<128x1xi32>
    %add3A_8 = vector.broadcast %mul3A_7 : i32 to vector<128x1xi32>
    %add3A_9 = arith.addi %add3A_8, %iota3A : vector<128x1xi32>
    %eq3A = vector.broadcast %get3A_1 : vector<1x16384xi32> to vector<128x16384xi32>
    %eq3A_10 = vector.broadcast %add3A_9 : vector<128x1xi32> to vector<128x16384xi32>
    %eq3A_11 = arith.cmpi eq, %eq3A, %eq3A_10 : vector<128x16384xi32>
    %convert_element_type3A = arith.extui %eq3A_11 : vector<128x16384xi1> to vector<128x16384xi32>
    %reduce_sum3A = arith.constant dense<0> : vector<128xi32>
    %reduce_sum3A_12 = vector.multi_reduction <add>, %convert_element_type3A, %reduce_sum3A [1] : vector<128x16384xi32> to vector<128xi32>
    %broadcast_in_dim3A = vector.shape_cast %reduce_sum3A_12 : vector<128xi32> to vector<128x1xi32>
    %max3A = arith.constant 1 : i32
    %max3A_13 = vector.broadcast %max3A : i32 to vector<128x1xi32>
    %max3A_14 = arith.maxsi %broadcast_in_dim3A, %max3A_13 : vector<128x1xi32>
    %convert_element_type3A_15 = arith.sitofp %max3A_14 : vector<128x1xi32> to vector<128x1xf32>
    %jit3A = arith.constant 0x7F800000 : f32
    %broadcast_in_dim3A_16 = vector.shape_cast %sqrt3A : vector<1x16384xf32> to vector<1x16384xf32>
    %broadcast_in_dim3A_17 = vector.broadcast %broadcast_in_dim3A_16 : vector<1x16384xf32> to vector<128x16384xf32>
    %broadcast_in_dim3A_18 = vector.broadcast %jit3A : f32 to vector<128x16384xf32>
    %select_n3A = arith.select %eq3A_11, %broadcast_in_dim3A_17, %broadcast_in_dim3A_18 : vector<128x16384xi1>, vector<128x16384xf32>
    %iota3A_19 = tpu.iota {dimensions = array<i32: 1>} : vector<128x16384xi32>
    %iota3A_20 = tpu.iota {dimensions = array<i32: 1>} : vector<128x128xi32>
    %broadcast_in_dim3A_21 = arith.constant 0.000000e+00 : f32
    %broadcast_in_dim3A_22 = vector.broadcast %broadcast_in_dim3A_21 : f32 to vector<128x128xf32>
    %reduce_min3A = arith.constant dense<0x7F800000> : vector<128xf32>
    %reduce_min3A_23 = vector.multi_reduction <minimumf>, %select_n3A, %reduce_min3A [1] : vector<128x16384xf32> to vector<128xf32>
    %broadcast_in_dim3A_24 = vector.shape_cast %reduce_min3A_23 : vector<128xf32> to vector<128x1xf32>
    %eq3A_25 = vector.broadcast %broadcast_in_dim3A_24 : vector<128x1xf32> to vector<128x16384xf32>
    %eq3A_26 = arith.cmpf oeq, %select_n3A, %eq3A_25 : vector<128x16384xf32>
    %jit3A_27 = arith.constant 16384 : i32
    %broadcast_in_dim3A_28 = vector.broadcast %jit3A_27 : i32 to vector<128x16384xi32>
    %select_n3A_29 = arith.select %eq3A_26, %iota3A_19, %broadcast_in_dim3A_28 : vector<128x16384xi1>, vector<128x16384xi32>
    %reduce_min3A_30 = arith.constant dense<2147483647> : vector<128xi32>
    %reduce_min3A_31 = vector.multi_reduction <minsi>, %select_n3A_29, %reduce_min3A_30 [1] : vector<128x16384xi32> to vector<128xi32>
    %broadcast_in_dim3A_32 = vector.shape_cast %reduce_min3A_31 : vector<128xi32> to vector<128x1xi32>
    %ge3A = arith.constant 5 : i32
    %ge3A_33 = vector.broadcast %ge3A : i32 to vector<128x1xi32>
    %ge3A_34 = arith.cmpi sge, %broadcast_in_dim3A, %ge3A_33 : vector<128x1xi32>
    %gt3A = arith.constant 0 : i32
    %gt3A_35 = vector.broadcast %gt3A : i32 to vector<128x1xi32>
    %gt3A_36 = arith.cmpi sgt, %broadcast_in_dim3A, %gt3A_35 : vector<128x1xi32>
    %div3A = arith.constant 1.000000e+00 : f32
    %div3A_37 = vector.broadcast %div3A : f32 to vector<128x1xf32>
    %div3A_38 = arith.divf %div3A_37, %convert_element_type3A_15 : vector<128x1xf32>
    %jit3A_39 = arith.constant 0.000000e+00 : f32
    %broadcast_in_dim3A_40 = vector.broadcast %jit3A_39 : f32 to vector<128x1xf32>
    %select_n3A_41 = arith.select %gt3A_36, %div3A_38, %broadcast_in_dim3A_40 : vector<128x1xi1>, vector<128x1xf32>
    %jit3A_42 = arith.constant 2.000000e-01 : f32
    %broadcast_in_dim3A_43 = vector.broadcast %jit3A_42 : f32 to vector<128x1xf32>
    %select_n3A_44 = arith.select %ge3A_34, %broadcast_in_dim3A_43, %select_n3A_41 : vector<128x1xi1>, vector<128x1xf32>
    %broadcast_in_dim3A_45 = vector.shape_cast %broadcast_in_dim3A_32 : vector<128x1xi32> to vector<128x1xi32>
    %broadcast_in_dim3A_46 = vector.broadcast %broadcast_in_dim3A_45 : vector<128x1xi32> to vector<128x128xi32>
    %eq3A_47 = arith.constant 0 : i32
    %eq3A_48 = vector.broadcast %eq3A_47 : i32 to vector<128x128xi32>
    %eq3A_49 = arith.cmpi eq, %iota3A_20, %eq3A_48 : vector<128x128xi32>
    %broadcast_in_dim3A_50 = vector.shape_cast %select_n3A_44 : vector<128x1xf32> to vector<128x1xf32>
    %broadcast_in_dim3A_51 = vector.broadcast %broadcast_in_dim3A_50 : vector<128x1xf32> to vector<128x128xf32>
    %select_n3A_52 = arith.select %eq3A_49, %broadcast_in_dim3A_51, %broadcast_in_dim3A_22 : vector<128x128xi1>, vector<128x128xf32>
    %eq3A_53 = vector.broadcast %broadcast_in_dim3A_32 : vector<128x1xi32> to vector<128x16384xi32>
    %eq3A_54 = arith.cmpi eq, %iota3A_19, %eq3A_53 : vector<128x16384xi32>
    %jit3A_55 = arith.constant 0x7F800000 : f32
    %broadcast_in_dim3A_56 = vector.broadcast %jit3A_55 : f32 to vector<128x16384xf32>
    %select_n3A_57 = arith.select %eq3A_54, %broadcast_in_dim3A_56, %select_n3A : vector<128x16384xi1>, vector<128x16384xf32>
    %reduce_min3A_58 = arith.constant dense<0x7F800000> : vector<128xf32>
    %reduce_min3A_59 = vector.multi_reduction <minimumf>, %select_n3A_57, %reduce_min3A_58 [1] : vector<128x16384xf32> to vector<128xf32>
    %broadcast_in_dim3A_60 = vector.shape_cast %reduce_min3A_59 : vector<128xf32> to vector<128x1xf32>
    %eq3A_61 = vector.broadcast %broadcast_in_dim3A_60 : vector<128x1xf32> to vector<128x16384xf32>
    %eq3A_62 = arith.cmpf oeq, %select_n3A_57, %eq3A_61 : vector<128x16384xf32>
    %jit3A_63 = arith.constant 16384 : i32
    %broadcast_in_dim3A_64 = vector.broadcast %jit3A_63 : i32 to vector<128x16384xi32>
    %select_n3A_65 = arith.select %eq3A_62, %iota3A_19, %broadcast_in_dim3A_64 : vector<128x16384xi1>, vector<128x16384xi32>
    %reduce_min3A_66 = arith.constant dense<2147483647> : vector<128xi32>
    %reduce_min3A_67 = vector.multi_reduction <minsi>, %select_n3A_65, %reduce_min3A_66 [1] : vector<128x16384xi32> to vector<128xi32>
    %broadcast_in_dim3A_68 = vector.shape_cast %reduce_min3A_67 : vector<128xi32> to vector<128x1xi32>
    %ge3A_69 = arith.constant 5 : i32
    %ge3A_70 = vector.broadcast %ge3A_69 : i32 to vector<128x1xi32>
    %ge3A_71 = arith.cmpi sge, %broadcast_in_dim3A, %ge3A_70 : vector<128x1xi32>
    %gt3A_72 = arith.constant 1 : i32
    %gt3A_73 = vector.broadcast %gt3A_72 : i32 to vector<128x1xi32>
    %gt3A_74 = arith.cmpi sgt, %broadcast_in_dim3A, %gt3A_73 : vector<128x1xi32>
    %div3A_75 = arith.constant 1.000000e+00 : f32
    %div3A_76 = vector.broadcast %div3A_75 : f32 to vector<128x1xf32>
    %div3A_77 = arith.divf %div3A_76, %convert_element_type3A_15 : vector<128x1xf32>
    %jit3A_78 = arith.constant 0.000000e+00 : f32
    %broadcast_in_dim3A_79 = vector.broadcast %jit3A_78 : f32 to vector<128x1xf32>
    %select_n3A_80 = arith.select %gt3A_74, %div3A_77, %broadcast_in_dim3A_79 : vector<128x1xi1>, vector<128x1xf32>
    %jit3A_81 = arith.constant 2.000000e-01 : f32
    %broadcast_in_dim3A_82 = vector.broadcast %jit3A_81 : f32 to vector<128x1xf32>
    %select_n3A_83 = arith.select %ge3A_71, %broadcast_in_dim3A_82, %select_n3A_80 : vector<128x1xi1>, vector<128x1xf32>
    %eq3A_84 = arith.constant 1 : i32
    %eq3A_85 = vector.broadcast %eq3A_84 : i32 to vector<128x128xi32>
    %eq3A_86 = arith.cmpi eq, %iota3A_20, %eq3A_85 : vector<128x128xi32>
    %broadcast_in_dim3A_87 = vector.shape_cast %broadcast_in_dim3A_68 : vector<128x1xi32> to vector<128x1xi32>
    %broadcast_in_dim3A_88 = vector.broadcast %broadcast_in_dim3A_87 : vector<128x1xi32> to vector<128x128xi32>
    %select_n3A_89 = arith.select %eq3A_86, %broadcast_in_dim3A_88, %broadcast_in_dim3A_46 : vector<128x128xi1>, vector<128x128xi32>
    %eq3A_90 = arith.constant 1 : i32
    %eq3A_91 = vector.broadcast %eq3A_90 : i32 to vector<128x128xi32>
    %eq3A_92 = arith.cmpi eq, %iota3A_20, %eq3A_91 : vector<128x128xi32>
    %broadcast_in_dim3A_93 = vector.shape_cast %select_n3A_83 : vector<128x1xf32> to vector<128x1xf32>
    %broadcast_in_dim3A_94 = vector.broadcast %broadcast_in_dim3A_93 : vector<128x1xf32> to vector<128x128xf32>
    %select_n3A_95 = arith.select %eq3A_92, %broadcast_in_dim3A_94, %select_n3A_52 : vector<128x128xi1>, vector<128x128xf32>
    %eq3A_96 = vector.broadcast %broadcast_in_dim3A_68 : vector<128x1xi32> to vector<128x16384xi32>
    %eq3A_97 = arith.cmpi eq, %iota3A_19, %eq3A_96 : vector<128x16384xi32>
    %jit3A_98 = arith.constant 0x7F800000 : f32
    %broadcast_in_dim3A_99 = vector.broadcast %jit3A_98 : f32 to vector<128x16384xf32>
    %select_n3A_100 = arith.select %eq3A_97, %broadcast_in_dim3A_99, %select_n3A_57 : vector<128x16384xi1>, vector<128x16384xf32>
    %reduce_min3A_101 = arith.constant dense<0x7F800000> : vector<128xf32>
    %reduce_min3A_102 = vector.multi_reduction <minimumf>, %select_n3A_100, %reduce_min3A_101 [1] : vector<128x16384xf32> to vector<128xf32>
    %broadcast_in_dim3A_103 = vector.shape_cast %reduce_min3A_102 : vector<128xf32> to vector<128x1xf32>
    %eq3A_104 = vector.broadcast %broadcast_in_dim3A_103 : vector<128x1xf32> to vector<128x16384xf32>
    %eq3A_105 = arith.cmpf oeq, %select_n3A_100, %eq3A_104 : vector<128x16384xf32>
    %jit3A_106 = arith.constant 16384 : i32
    %broadcast_in_dim3A_107 = vector.broadcast %jit3A_106 : i32 to vector<128x16384xi32>
    %select_n3A_108 = arith.select %eq3A_105, %iota3A_19, %broadcast_in_dim3A_107 : vector<128x16384xi1>, vector<128x16384xi32>
    %reduce_min3A_109 = arith.constant dense<2147483647> : vector<128xi32>
    %reduce_min3A_110 = vector.multi_reduction <minsi>, %select_n3A_108, %reduce_min3A_109 [1] : vector<128x16384xi32> to vector<128xi32>
    %broadcast_in_dim3A_111 = vector.shape_cast %reduce_min3A_110 : vector<128xi32> to vector<128x1xi32>
    %ge3A_112 = arith.constant 5 : i32
    %ge3A_113 = vector.broadcast %ge3A_112 : i32 to vector<128x1xi32>
    %ge3A_114 = arith.cmpi sge, %broadcast_in_dim3A, %ge3A_113 : vector<128x1xi32>
    %gt3A_115 = arith.constant 2 : i32
    %gt3A_116 = vector.broadcast %gt3A_115 : i32 to vector<128x1xi32>
    %gt3A_117 = arith.cmpi sgt, %broadcast_in_dim3A, %gt3A_116 : vector<128x1xi32>
    %div3A_118 = arith.constant 1.000000e+00 : f32
    %div3A_119 = vector.broadcast %div3A_118 : f32 to vector<128x1xf32>
    %div3A_120 = arith.divf %div3A_119, %convert_element_type3A_15 : vector<128x1xf32>
    %jit3A_121 = arith.constant 0.000000e+00 : f32
    %broadcast_in_dim3A_122 = vector.broadcast %jit3A_121 : f32 to vector<128x1xf32>
    %select_n3A_123 = arith.select %gt3A_117, %div3A_120, %broadcast_in_dim3A_122 : vector<128x1xi1>, vector<128x1xf32>
    %jit3A_124 = arith.constant 2.000000e-01 : f32
    %broadcast_in_dim3A_125 = vector.broadcast %jit3A_124 : f32 to vector<128x1xf32>
    %select_n3A_126 = arith.select %ge3A_114, %broadcast_in_dim3A_125, %select_n3A_123 : vector<128x1xi1>, vector<128x1xf32>
    %eq3A_127 = arith.constant 2 : i32
    %eq3A_128 = vector.broadcast %eq3A_127 : i32 to vector<128x128xi32>
    %eq3A_129 = arith.cmpi eq, %iota3A_20, %eq3A_128 : vector<128x128xi32>
    %broadcast_in_dim3A_130 = vector.shape_cast %broadcast_in_dim3A_111 : vector<128x1xi32> to vector<128x1xi32>
    %broadcast_in_dim3A_131 = vector.broadcast %broadcast_in_dim3A_130 : vector<128x1xi32> to vector<128x128xi32>
    %select_n3A_132 = arith.select %eq3A_129, %broadcast_in_dim3A_131, %select_n3A_89 : vector<128x128xi1>, vector<128x128xi32>
    %eq3A_133 = arith.constant 2 : i32
    %eq3A_134 = vector.broadcast %eq3A_133 : i32 to vector<128x128xi32>
    %eq3A_135 = arith.cmpi eq, %iota3A_20, %eq3A_134 : vector<128x128xi32>
    %broadcast_in_dim3A_136 = vector.shape_cast %select_n3A_126 : vector<128x1xf32> to vector<128x1xf32>
    %broadcast_in_dim3A_137 = vector.broadcast %broadcast_in_dim3A_136 : vector<128x1xf32> to vector<128x128xf32>
    %select_n3A_138 = arith.select %eq3A_135, %broadcast_in_dim3A_137, %select_n3A_95 : vector<128x128xi1>, vector<128x128xf32>
    %eq3A_139 = vector.broadcast %broadcast_in_dim3A_111 : vector<128x1xi32> to vector<128x16384xi32>
    %eq3A_140 = arith.cmpi eq, %iota3A_19, %eq3A_139 : vector<128x16384xi32>
    %jit3A_141 = arith.constant 0x7F800000 : f32
    %broadcast_in_dim3A_142 = vector.broadcast %jit3A_141 : f32 to vector<128x16384xf32>
    %select_n3A_143 = arith.select %eq3A_140, %broadcast_in_dim3A_142, %select_n3A_100 : vector<128x16384xi1>, vector<128x16384xf32>
    %reduce_min3A_144 = arith.constant dense<0x7F800000> : vector<128xf32>
    %reduce_min3A_145 = vector.multi_reduction <minimumf>, %select_n3A_143, %reduce_min3A_144 [1] : vector<128x16384xf32> to vector<128xf32>
    %broadcast_in_dim3A_146 = vector.shape_cast %reduce_min3A_145 : vector<128xf32> to vector<128x1xf32>
    %eq3A_147 = vector.broadcast %broadcast_in_dim3A_146 : vector<128x1xf32> to vector<128x16384xf32>
    %eq3A_148 = arith.cmpf oeq, %select_n3A_143, %eq3A_147 : vector<128x16384xf32>
    %jit3A_149 = arith.constant 16384 : i32
    %broadcast_in_dim3A_150 = vector.broadcast %jit3A_149 : i32 to vector<128x16384xi32>
    %select_n3A_151 = arith.select %eq3A_148, %iota3A_19, %broadcast_in_dim3A_150 : vector<128x16384xi1>, vector<128x16384xi32>
    %reduce_min3A_152 = arith.constant dense<2147483647> : vector<128xi32>
    %reduce_min3A_153 = vector.multi_reduction <minsi>, %select_n3A_151, %reduce_min3A_152 [1] : vector<128x16384xi32> to vector<128xi32>
    %broadcast_in_dim3A_154 = vector.shape_cast %reduce_min3A_153 : vector<128xi32> to vector<128x1xi32>
    %ge3A_155 = arith.constant 5 : i32
    %ge3A_156 = vector.broadcast %ge3A_155 : i32 to vector<128x1xi32>
    %ge3A_157 = arith.cmpi sge, %broadcast_in_dim3A, %ge3A_156 : vector<128x1xi32>
    %gt3A_158 = arith.constant 3 : i32
    %gt3A_159 = vector.broadcast %gt3A_158 : i32 to vector<128x1xi32>
    %gt3A_160 = arith.cmpi sgt, %broadcast_in_dim3A, %gt3A_159 : vector<128x1xi32>
    %div3A_161 = arith.constant 1.000000e+00 : f32
    %div3A_162 = vector.broadcast %div3A_161 : f32 to vector<128x1xf32>
    %div3A_163 = arith.divf %div3A_162, %convert_element_type3A_15 : vector<128x1xf32>
    %jit3A_164 = arith.constant 0.000000e+00 : f32
    %broadcast_in_dim3A_165 = vector.broadcast %jit3A_164 : f32 to vector<128x1xf32>
    %select_n3A_166 = arith.select %gt3A_160, %div3A_163, %broadcast_in_dim3A_165 : vector<128x1xi1>, vector<128x1xf32>
    %jit3A_167 = arith.constant 2.000000e-01 : f32
    %broadcast_in_dim3A_168 = vector.broadcast %jit3A_167 : f32 to vector<128x1xf32>
    %select_n3A_169 = arith.select %ge3A_157, %broadcast_in_dim3A_168, %select_n3A_166 : vector<128x1xi1>, vector<128x1xf32>
    %eq3A_170 = arith.constant 3 : i32
    %eq3A_171 = vector.broadcast %eq3A_170 : i32 to vector<128x128xi32>
    %eq3A_172 = arith.cmpi eq, %iota3A_20, %eq3A_171 : vector<128x128xi32>
    %broadcast_in_dim3A_173 = vector.shape_cast %broadcast_in_dim3A_154 : vector<128x1xi32> to vector<128x1xi32>
    %broadcast_in_dim3A_174 = vector.broadcast %broadcast_in_dim3A_173 : vector<128x1xi32> to vector<128x128xi32>
    %select_n3A_175 = arith.select %eq3A_172, %broadcast_in_dim3A_174, %select_n3A_132 : vector<128x128xi1>, vector<128x128xi32>
    %eq3A_176 = arith.constant 3 : i32
    %eq3A_177 = vector.broadcast %eq3A_176 : i32 to vector<128x128xi32>
    %eq3A_178 = arith.cmpi eq, %iota3A_20, %eq3A_177 : vector<128x128xi32>
    %broadcast_in_dim3A_179 = vector.shape_cast %select_n3A_169 : vector<128x1xf32> to vector<128x1xf32>
    %broadcast_in_dim3A_180 = vector.broadcast %broadcast_in_dim3A_179 : vector<128x1xf32> to vector<128x128xf32>
    %select_n3A_181 = arith.select %eq3A_178, %broadcast_in_dim3A_180, %select_n3A_138 : vector<128x128xi1>, vector<128x128xf32>
    %eq3A_182 = vector.broadcast %broadcast_in_dim3A_154 : vector<128x1xi32> to vector<128x16384xi32>
    %eq3A_183 = arith.cmpi eq, %iota3A_19, %eq3A_182 : vector<128x16384xi32>
    %jit3A_184 = arith.constant 0x7F800000 : f32
    %broadcast_in_dim3A_185 = vector.broadcast %jit3A_184 : f32 to vector<128x16384xf32>
    %select_n3A_186 = arith.select %eq3A_183, %broadcast_in_dim3A_185, %select_n3A_143 : vector<128x16384xi1>, vector<128x16384xf32>
    %reduce_min3A_187 = arith.constant dense<0x7F800000> : vector<128xf32>
    %reduce_min3A_188 = vector.multi_reduction <minimumf>, %select_n3A_186, %reduce_min3A_187 [1] : vector<128x16384xf32> to vector<128xf32>
    %broadcast_in_dim3A_189 = vector.shape_cast %reduce_min3A_188 : vector<128xf32> to vector<128x1xf32>
    %eq3A_190 = vector.broadcast %broadcast_in_dim3A_189 : vector<128x1xf32> to vector<128x16384xf32>
    %eq3A_191 = arith.cmpf oeq, %select_n3A_186, %eq3A_190 : vector<128x16384xf32>
    %jit3A_192 = arith.constant 16384 : i32
    %broadcast_in_dim3A_193 = vector.broadcast %jit3A_192 : i32 to vector<128x16384xi32>
    %select_n3A_194 = arith.select %eq3A_191, %iota3A_19, %broadcast_in_dim3A_193 : vector<128x16384xi1>, vector<128x16384xi32>
    %reduce_min3A_195 = arith.constant dense<2147483647> : vector<128xi32>
    %reduce_min3A_196 = vector.multi_reduction <minsi>, %select_n3A_194, %reduce_min3A_195 [1] : vector<128x16384xi32> to vector<128xi32>
    %broadcast_in_dim3A_197 = vector.shape_cast %reduce_min3A_196 : vector<128xi32> to vector<128x1xi32>
    %ge3A_198 = arith.constant 5 : i32
    %ge3A_199 = vector.broadcast %ge3A_198 : i32 to vector<128x1xi32>
    %ge3A_200 = arith.cmpi sge, %broadcast_in_dim3A, %ge3A_199 : vector<128x1xi32>
    %gt3A_201 = arith.constant 4 : i32
    %gt3A_202 = vector.broadcast %gt3A_201 : i32 to vector<128x1xi32>
    %gt3A_203 = arith.cmpi sgt, %broadcast_in_dim3A, %gt3A_202 : vector<128x1xi32>
    %div3A_204 = arith.constant 1.000000e+00 : f32
    %div3A_205 = vector.broadcast %div3A_204 : f32 to vector<128x1xf32>
    %div3A_206 = arith.divf %div3A_205, %convert_element_type3A_15 : vector<128x1xf32>
    %jit3A_207 = arith.constant 0.000000e+00 : f32
    %broadcast_in_dim3A_208 = vector.broadcast %jit3A_207 : f32 to vector<128x1xf32>
    %select_n3A_209 = arith.select %gt3A_203, %div3A_206, %broadcast_in_dim3A_208 : vector<128x1xi1>, vector<128x1xf32>
    %jit3A_210 = arith.constant 2.000000e-01 : f32
    %broadcast_in_dim3A_211 = vector.broadcast %jit3A_210 : f32 to vector<128x1xf32>
    %select_n3A_212 = arith.select %ge3A_200, %broadcast_in_dim3A_211, %select_n3A_209 : vector<128x1xi1>, vector<128x1xf32>
    %eq3A_213 = arith.constant 4 : i32
    %eq3A_214 = vector.broadcast %eq3A_213 : i32 to vector<128x128xi32>
    %eq3A_215 = arith.cmpi eq, %iota3A_20, %eq3A_214 : vector<128x128xi32>
    %broadcast_in_dim3A_216 = vector.shape_cast %broadcast_in_dim3A_197 : vector<128x1xi32> to vector<128x1xi32>
    %broadcast_in_dim3A_217 = vector.broadcast %broadcast_in_dim3A_216 : vector<128x1xi32> to vector<128x128xi32>
    %select_n3A_218 = arith.select %eq3A_215, %broadcast_in_dim3A_217, %select_n3A_175 : vector<128x128xi1>, vector<128x128xi32>
    %eq3A_219 = arith.constant 4 : i32
    %eq3A_220 = vector.broadcast %eq3A_219 : i32 to vector<128x128xi32>
    %eq3A_221 = arith.cmpi eq, %iota3A_20, %eq3A_220 : vector<128x128xi32>
    %broadcast_in_dim3A_222 = vector.shape_cast %select_n3A_212 : vector<128x1xf32> to vector<128x1xf32>
    %broadcast_in_dim3A_223 = vector.broadcast %broadcast_in_dim3A_222 : vector<128x1xf32> to vector<128x128xf32>
    %select_n3A_224 = arith.select %eq3A_221, %broadcast_in_dim3A_223, %select_n3A_181 : vector<128x128xi1>, vector<128x128xf32>
    %swap3A = arith.constant 0 : index
    %swap3A_225 = arith.constant 0 : index
    %swap3A_226 = vector.load %arg3[%swap3A, %swap3A_225] : memref<128x128xi32, #tpu.memory_space<vmem>>, vector<128x128xi32>
    tpu.vector_store %arg3[%swap3A, %swap3A_225], %select_n3A_218 {strides = array<i32>} : memref<128x128xi32, #tpu.memory_space<vmem>>, vector<128x128xi32>,
    %swap3A_227 = arith.constant 0 : index
    %swap3A_228 = arith.constant 0 : index
    %swap3A_229 = vector.load %arg4[%swap3A_227, %swap3A_228] : memref<128x128xf32, #tpu.memory_space<vmem>>, vector<128x128xf32>
    tpu.vector_store %arg4[%swap3A_227, %swap3A_228], %select_n3A_224 {strides = array<i32>} : memref<128x128xf32, #tpu.memory_space<vmem>>, vector<128x128xf32>,
    return
  }
  func.func @transform_0(%arg0: i32) -> (i32, i32) {
    %c0_i32 = arith.constant 0 : i32
    %c0_i32_0 = arith.constant 0 : i32
    %c0_i32_1 = arith.constant 0 : i32
    return %c0_i32, %c0_i32_0 : i32, i32
  }
  func.func @transform_1(%arg0: i32) -> (i32, i32) {
    %c0_i32 = arith.constant 0 : i32
    %c0_i32_0 = arith.constant 0 : i32
    %c0_i32_1 = arith.constant 0 : i32
    return %c0_i32, %c0_i32_0 : i32, i32
  }
  func.func @transform_2(%arg0: i32) -> (i32, i32) {
    %c0_i32 = arith.constant 0 : i32
    %c0_i32_0 = arith.constant 0 : i32
    return %arg0, %c0_i32 : i32, i32
  }
  func.func @transform_3(%arg0: i32) -> (i32, i32) {
    %c0_i32 = arith.constant 0 : i32
    %c0_i32_0 = arith.constant 0 : i32
    return %arg0, %c0_i32 : i32, i32
  }
}

</mosaic_0001>

<sc_bundles>
// kernel: kernel.10.cloned.1.call-start
scs
__scs_entry_jumppad:
0x0: {  	(pc) =	sbr.rel $0x88, $3  }
0x1: {  	(tag) =	ssettag $0x0;
	lr =	simm.s32 $0x1  }
0x2: {  	[smem:$0x3F9F] =	sst lr;
	_ =	strace $0xD0000000  }
0x3: {  	_ = 	snop  }
0x4: {  	_ = 	snop  }
0x5: {  	_ = 	snop  }
0x6: {  	_ = 	snop  }
0x7: {  	_ = 	snop  }
__scs_overlays_trampoline_lowered:
0x8: {  	[smem:$0x3FAE] =	sst s0  }
0x9: {  	[smem:$0x3FAF] =	sst s1  }
0xa: {  	[smem:$0x3FB0] =	sst s2  }
0xb: {  	[smem:$0x3FB1] =	sst s3  }
0xc: {  	[smem:$0x3FB2] =	sst s4  }
0xd: {  	[smem:$0x3FB3] =	sst s5  }
0xe: {  	[smem:$0x3FB4] =	sst s6  }
0xf: {  	[smem:$0x3FB5] =	sst s7  }
0x10: {  	[smem:$0x3FB6] =	sst s8  }
0x11: {  	[smem:$0x3FB7] =	sst s9;
	s0 =	simm.s32 @!p0 $0x0  }
0x12: {  	s1 =	sld [smem:$0x3F9D];
	s0 =	simm.s32 @p0 $0x1  }
0x13: {  	[smem:$0x3FB8] =	sst s0;
	s0 =	simm.s32 @!p1 $0x0  }
0x14: {  	s2 =	sld [smem:$0x3F9C];
	s0 =	simm.s32 @p1 $0x1  }
0x15: {  	[smem:$0x3FB9] =	sst s0;
	s0 =	simm.s32 @!p2 $0x0  }
0x16: {  	s3 =	sld [smem:$0x3FDB];
	s0 =	simm.s32 @p2 $0x1  }
0x17: {  	s4 =	simm.s32 $0x1BF5;
	[smem:$0x3FBB] =	sst s0  }
0x18: {  	s0 =	sld [smem:$0x3F9E];
	_ =	swait.ge [sflag:s4], $0x0  }
0x19: {  	s7 =	sld [smem:$0x3F9F]  }
0x1a: {  	s8 =	sadd.s32 $0xFFFFE003, lr  }
0x1b: {  	s9 =	sadd.s32 $0xFFFFFEF7, lr;
	s5 =	simm.s32 $0xFFFFFFFF;
	p2 =	slt.u32 s8, $0xFFFFF086  }
0x1c: {  	p1 =	slt.u32 s9, $0xF7A;
	s5 =	simm.s32 @!p2 $0x0  }
0x1d: {  	s5 =	simm.s32 @p1 $0x1;
	p0 =	seq.s32 s7, s2  }
0x1e: {  	s7 =	smul.u32 @!p0 $0xF7A, s2;
	p2 =	seq.s32 @!p0 s5, $0x0  }
0x1f: {  	s9 =	smul.u32 $0xF7A, s1;
	s8 =	simm.s32 @!p0 $0x1BF5;
	p2 =	por !p2, p0  }
0x20: {  	[sflag:s8] =	ssyncset.s32 @!p0 $0xFFFFF086;
	s6 =	sadd.s32 @!p0 s3, s7;
	s7 =	simm.s32 @!p0 $0x108  }
0x21: {  	s3 =	sadd.s32 s3, s9;
	s6 =	sadd.s32 @!p0 $0x88, s6;
	s7 =	simm.s32 @p2 $0x1082  }
0x22: {  	[simem:s7], [sflag:s8] =	dma.local @!p0 [hbm:s6], $0xF7A  }
0x23: {  	s9 =	sor.u32 $0xD0000000, s2;
	s6 =	simm.s32 $0x108;
	_ =	swait.ge @!p0 [sflag:s8], $0x0  }
0x24: {  	s3 =	sadd.s32 $0x88, s3;
	s6 =	simm.s32 @!p1 $0x1082;
	[sflag:s4] =	ssyncset.s32 $0xFFFFF086  }
0x25: {  	[simem:s6], [sflag:s4] =	dma.local [hbm:s3], $0xF7A  }
0x26: {  	[smem:$0x3F9F] =	sst s1;
	(tag) =	ssettag s2;
	_ =	strace s9  }
0x27: {  	s1 =	sld [smem:$0x3FAF]  }
0x28: {  	s2 =	sld [smem:$0x3FB0]  }
0x29: {  	s4 =	sld [smem:$0x3FB2]  }
0x2a: {  	p0 =	seq.s32 s5, $0x0;
	s5 =	sld [smem:$0x3FB3]  }
0x2b: {  	s6 =	sld [smem:$0x3FB4]  }
0x2c: {  	s7 =	sld [smem:$0x3FB5]  }
0x2d: {  	s3 =	simm.s32 $0x108;
	s8 =	sld [smem:$0x3FB6]  }
0x2e: {  	s3 =	simm.s32 @!p0 $0x1082;
	s9 =	sld [smem:$0x3FB7]  }
0x2f: {  	lr =	sadd.s32 s0, s3;
	s0 =	sld [smem:$0x3FAE]  }
0x30: {  	s3 =	sld [smem:$0x3FB1]  }
0x31: {  	[smem:$0x3FBA] =	sst s10  }
0x32: {  	s10 =	sld [smem:$0x3FB8];
	_ =	sdelay $0x3  }
0x33: {  	p0 =	seq.s32 s10, $0x1;
	s10 =	sld [smem:$0x3FBA];
	_ =	sdelay $0x3  }
0x34: {  	[smem:$0x3FBA] =	sst s10  }
0x35: {  	s10 =	sld [smem:$0x3FB9];
	_ =	sdelay $0x3  }
0x36: {  	p1 =	seq.s32 s10, $0x1;
	s10 =	sld [smem:$0x3FBA];
	_ =	sdelay $0x3  }
0x37: {  	[smem:$0x3FBA] =	sst s10  }
0x38: {  	s10 =	sld [smem:$0x3FBB]  }
0x39: {  	_ = 	snop;
	(pc) =	sbr.ind lr, $3  }
0x3a: {  	_ = 	snop  }
0x3b: {  	_ = 	snop  }
0x3c: {  	p2 =	seq.s32 s10, $0x1;
	s10 =	sld [smem:$0x3FBA]  }
0x3d: {  	_ =	shalt  }
0x3e: {  	_ =	shalt  }
0x3f: {  	_ =	shalt  }
0x40: {  	_ =	shalt  }
0x41: {  	_ =	shalt  }
0x42: {  	_ =	shalt  }
0x43: {  	_ =	shalt  }
0x44: {  	_ =	shalt  }
0x45: {  	_ =	shalt  }
0x46: {  	_ =	shalt  }
0x47: {  	_ =	shalt  }
0x48: {  	_ =	shalt  }
0x49: {  	_ =	shalt  }
0x4a: {  	_ =	shalt  }
0x4b: {  	_ =	shalt  }
0x4c: {  	_ =	shalt  }
0x4d: {  	_ =	shalt  }
0x4e: {  	_ =	shalt  }
0x4f: {  	_ =	shalt  }
0x50: {  	_ =	shalt  }
0x51: {  	_ =	shalt  }
0x52: {  	_ =	shalt  }
0x53: {  	_ =	shalt  }
0x54: {  	_ =	shalt  }
0x55: {  	_ =	shalt  }
0x56: {  	_ =	shalt  }
0x57: {  	_ =	shalt  }
0x58: {  	_ =	shalt  }
0x59: {  	_ =	shalt  }
0x5a: {  	_ =	shalt  }
0x5b: {  	_ =	shalt  }
0x5c: {  	_ =	shalt  }
0x5d: {  	_ =	shalt  }
0x5e: {  	_ =	shalt  }
0x5f: {  	_ =	shalt  }
0x60: {  	_ =	shalt  }
0x61: {  	_ =	shalt  }
0x62: {  	_ =	shalt  }
0x63: {  	_ =	shalt  }
0x64: {  	_ =	shalt  }
0x65: {  	_ =	shalt  }
0x66: {  	_ =	shalt  }
0x67: {  	_ =	shalt  }
0x68: {  	_ =	shalt  }
0x69: {  	_ =	shalt  }
0x6a: {  	_ =	shalt  }
0x6b: {  	_ =	shalt  }
0x6c: {  	_ =	shalt  }
0x6d: {  	_ =	shalt  }
0x6e: {  	_ =	shalt  }
0x6f: {  	_ =	shalt  }
0x70: {  	_ =	shalt  }
0x71: {  	_ =	shalt  }
0x72: {  	_ =	shalt  }
0x73: {  	_ =	shalt  }
0x74: {  	_ =	shalt  }
0x75: {  	_ =	shalt  }
0x76: {  	_ =	shalt  }
0x77: {  	_ =	shalt  }
0x78: {  	_ =	shalt  }
0x79: {  	_ =	shalt  }
0x7a: {  	_ =	shalt  }
0x7b: {  	_ =	shalt  }
0x7c: {  	_ =	shalt  }
0x7d: {  	_ =	shalt  }
0x7e: {  	_ =	shalt  }
0x7f: {  	_ =	shalt  }
0x80: {  	_ =	shalt  }
0x81: {  	_ =	shalt  }
0x82: {  	_ =	shalt  }
0x83: {  	_ =	shalt  }
0x84: {  	_ =	shalt  }
0x85: {  	_ =	shalt  }
0x86: {  	_ =	shalt  }
0x87: {  	_ =	shalt  }
.Lfunc_end0:
.L_simem_size_0:
called_computation.1_lowered:
.L_overlay_start_0:
0x88: {  	s2 =	sld [smem:$0x3FD9]  }
0x89: {  	s3 =	sld [smem:$0x3FFE];
	_ =	sdelay $0x1  }
0x8a: {  	s1 =	srdreg.scid  }
0x8b: {  	s0 =	sand.u32 $0x1, s1  }
0x8c: {  	s17 =	sshll.u32 s0, $0xA;
	s2 =	sadd.s32 s3, s2  }
0x8d: {  	s2 =	sadd.s32 s2, s17  }
0x8e: {  	[smem:$0x3FC6] =	sst s2  }
0x8f: {  	_ = 	snop  }
0x90: {  	s2 =	sld [smem:$0x3FC9]  }
0x91: {  	s18 =	sld [smem:$0x3FC8]  }
0x92: {  	s4 =	sld [smem:$0x3FD0];
	(tm) =	ssettm $0x1  }
0x93: {  	s5 =	sld [smem:$0x3FFB];
	_ =	sdelay $0x3  }
0x94: {  	_ =	strace s5  }
0x95: {  	s5 =	sld [smem:$0x3FFC];
	_ =	sdelay $0x3  }
0x96: {  	_ =	strace s5  }
0x97: {  	s5 =	sld [smem:$0x3FFD];
	_ =	sdelay $0x3  }
0x98: {  	_ =	strace s5  }
0x99: {  	_ =	strace $0x8FFFFFFF  }
0x9a: {  	s19 =	sld [smem:$0x3FDB];
	_ =	sdelay $0x1  }
0x9b: {  	s6 =	simm.s32 $_scs_section_size  }
0x9c: {  	s7 =	simm.s32 $_size__tile_overlayer_lowered;
	s8 =	simm.s32 $_tile_overlayer_lowered  }
0x9d: {  	s22 =	simm.s32 $0x1BFF;
	s21 =	sshll.u32 s8, $0x1;
	s5 =	sadd.s32 s6, s19  }
0x9e: {  	s9 =	simm.s32 $0x0;
	s20 =	sshll.u32 s7, $0x1;
	s7 =	sadd.s32 s21, s5  }
0x9f: {  	[timem:s9], [sflag:s22] =	dma.local [hbm:s7], s20  }
0xa0: {  	_ =	swait.ge [sflag:s22], s20  }
0xa1: {  	s6 =	ssub.s32 $0x0, s20;
	[sflag:s22] =	ssyncset.done $0x0  }
0xa2: {  	[sflag:s22] =	ssyncadd.s32 s6;
	_ =	sdelay $0x1  }
0xa3: {  	s23 =	simm.s32 $0x1B8B  }
0xa4: {  	_ =	swait.ge [sflag:s23], $0x1  }
0xa5: {  	[sflag:s23] =	ssyncset.done $0x0  }
0xa6: {  	s25 =	simm.s32 $0x1B8E;
	s24 =	sld [smem:$0x3FFE];
	[sflag:s23] =	ssyncadd.s32 $0xFFFFFFFF  }
0xa7: {  	s26 =	simm.s32 $execute0_lowered;
	[smem:$0x3FD2] =	sst s25  }
0xa8: {  	s7 =	sshll.u32 s26, $0x1;
	_ =	strace $0x80000049;
	[dreg:$0x1] =	wrdreg $0xFFFFFFFF  }
0xa9: {  	s28 =	simm.s32 $_size_execute0_lowered;
	s5 =	sadd.s32 s5, s7;
	[dreg:$0x0] =	wrdreg $0x0  }
0xaa: {  	s7 =	sshll.u32 s28, $0x1;
	[dreg:$0x2] =	wrdreg s5  }
0xab: {  	[dreg:$0x3] =	wrdreg s7  }
0xac: {  	[dreg:$0x4] =	wrdreg $0xC0  }
0xad: {  	_ =	task [dreg:s9], $0x5FFFF  }
0xae: {  	[dreg:$0x1] =	wrdreg $0xFFFFFFFF  }
0xaf: {  	[dreg:$0x0] =	wrdreg $0x60  }
0xb0: {  	[dreg:$0x2] =	wrdreg s2  }
0xb1: {  	[dreg:$0x3] =	wrdreg s18  }
0xb2: {  	[dreg:$0x4] =	wrdreg s24  }
0xb3: {  	[dreg:$0x5] =	wrdreg s4  }
0xb4: {  	[dreg:$0x6] =	wrdreg $0x9  }
0xb5: {  	_ =	task.clear_ibuf [dreg:s9], $0x7FFFF;
	_ =	strace $0x90000049  }
0xb6: {  	s29 =	simm.s32 $0x9;
	_ =	strace $0x8000004B  }
0xb7: {  	_ =	swait.ge [sflag:s29], $0x1  }
0xb8: {  	[sflag:s29] =	ssyncadd.s32 $0xFFFFFFFF  }
0xb9: {  	_ =	strace $0x9000004B  }
0xba: {  	_ =	sfence  }
0xbb: {  	s30 =	sld [smem:$0x0];
	_ =	sdelay $0x2  }
0xbc: {  	s31 =	sshll.u32 s1, $0xD;
	s1 =	sshrl.u32 s1, $0x2  }
0xbd: {  	s3 =	sand.u32 $0x4000, s31;
	s1 =	sadd.s32 s1, s30  }
0xbe: {  	s0 =	sor.u32 s3, s0;
	s1 =	sshll.u32 s1, $0x11  }
0xbf: {  	s0 =	sor.u32 s1, s0  }
0xc0: {  	s0 =	sadd.s32 $0x8F2B, s0  }
0xc1: {  	[sflag:s0] =	ssyncadd.remote.s32 $0x1  }
0xc2: {  	_ =	sfence.sel $0xFFFF  }
0xc3: {  	[dreg:$0x0] =	wrdreg $0xFFFFFFFF;
	(pc) =	sbr.abs _section_cstart, $3  }
0xc4: {  	[dreg:$0x1] =	wrdreg $0xFFFFFFFF  }
0xc5: {  	_ =	task.clear_ibuf [dreg:s9], $0x2FFFF;
	_ =	strace $0x9FFFFFFF  }
0xc6: {  	(tm) =	ssettm $0x7FFFFFFF  }
0xc7: {  	_ =	shalt  }
tec
execute0_lowered:
.L_overlay_start_1:
0x0: {  	(tag) =	ssettag $0x1  }
0x1: {  	s31 =	rddreg [dreg:$0x0]  }
0x2: {  	s7 =	rddreg [dreg:$0x1]  }
0x3: {  	s0 =	rddreg [dreg:$0x2]  }
0x4: {  	s1 =	rddreg [dreg:$0x3];
	s16 =	simm.s32 $0x0;
	s2 =	srdreg.scid  }
0x5: {  	s4 =	stileid.u32;
	s20 =	simm.s32 $0x1;
	s21 =	simm.s32 $0x3  }
0x6: {  	s17 =	simm.s32 $0x16100;
	s18 =	simm.s32 $0x16900;
	s22 =	simm.s32 $0x17900  }
0x7: {  	s23 =	simm.s32 $0x5;
	[smem:$0x7FF] =	sst s16;
	s2 =	sand.u32 $0x1, s2  }
0x8: {  	s4 =	sshll.u32 s4, $0xA;
	s5 =	sadd.s32 $0x1A00, s0;
	s9 =	sadd.s32 $0x1B00, s0  }
0x9: {  	s10 =	sadd.s32 $0x1C00, s0;
	s11 =	sadd.s32 $0x1D00, s0;
	s12 =	sadd.s32 $0x1E00, s0  }
0xa: {  	s13 =	sadd.s32 $0x1F00, s0;
	s14 =	sadd.s32 $0x2000, s0;
	s3 =	ssub.s32 $0x2, s2  }
0xb: {  	s15 =	sadd.s32 $0x2100, s0;
	s2 =	sshll.u32 s2, $0x9;
	s6 =	sshrl.u32 s3, $0x1  }
0xc: {  	_ =	strace $0x8000004A;
	s8 =	sor.u32 s2, s4;
	s24 =	ssub.s32 s3, s6  }
0xd: {  	s25 =	sshll.u32 s8, $0x8;
	[dreg:$0x5] =	wrdreg s8;
	s28 =	sor.u32 $0x20, s8  }
0xe: {  	s4 =	sshrl.u32 s8, $0x3;
	s3 =	sadd.s32 s31, s25;
	[dreg:$0x8] =	wrdreg s28  }
0xf: {  	s2 =	simm.s32 $0x4;
	s26 =	sadd.s32 s7, s4;
	[dreg:$0x6] =	wrdreg s3  }
0x10: {  	v0 =	vlaneseq.u32;
	s8 =	simm.s32 $0x15900;
	s29 =	sadd.s32 s1, s4;
	[dreg:$0x7] =	wrdreg s26  }
0x11: {  	vm0 =	vmmov $0xffff;
	v2 =	vshrl.u32 v0, $0x3;
	s6 =	simm.s32 $0x0;
	s30 =	smax.u32 s24, $0x1;
	[dreg:$0x9] =	wrdreg s29  }
0x12: {  	v1 =	vand.u32 $0x7, v0;
	v3 =	vor.u32 $0x8, v0;
	v2 =	vmul.u32 $0x8, v2;
	s4 =	simm.s32 $0x17100;
	s1 =	simm.s32 $0x2;
	[dreg:$0xa] =	wrdreg s30  }
.LBB2_1:
0x13: {  	[dreg:$0xb] =	wrdreg s6  }
0x14: {  	s0 =	rddreg [dreg:$0x6]  }
0x15: {  	[tilespmem:s16], [sflag:$0x1] =	stream.linear.gather [hbm4b:s0+s16], $0x8000, $0x38;
	[tilespmem:$0x18300] =	vst v63  }
0x16: {  	s30 =	rddreg [dreg:$0x7];
	s3 =	simm.s32 $0x10000;
	s6 =	simm.s32 $0x0  }
0x17: {  	[tilespmem:s3], [sflag:$0x3] =	stream.linear.gather [hbm4b:s30+s16], $0x10, $0x38;
	[tilespmem:$0x18300] =	vst v63  }
.LBB2_2:
0x18: {  	_ =	swait.ge [sflag:s20], $0x8000  }
0x19: {  	[sflag:s20] =	ssyncset.done $0x0  }
0x1a: {  	[sflag:s20] =	ssyncadd.s32 $0xFFFF8000  }
0x1b: {  	s24 =	sshll.u32 s6, $0x5;
	_ =	swait.ge [sflag:s21], $0x10  }
0x1c: {  	s16 =	sor.u32 $0x10, s24;
	s0 =	rddreg [dreg:$0x5]  }
0x1d: {  	s0 =	sor.u32 s0, s16  }
0x1e: {  	s25 =	simm.s32 $0x0;
	[sflag:s21] =	ssyncset.done $0x0;
	s3 =	sshll.u32 s0, $0x8  }
0x1f: {  	s19 =	simm.s32 $0x8000;
	[sflag:s21] =	ssyncadd.s32 $0xFFFFFFF0;
	s3 =	sadd.s32 s31, s3  }
0x20: {  	[tilespmem:s19], [sflag:$0x2] =	stream.linear.gather [hbm4b:s3+s25], $0x8000, $0x38;
	[tilespmem:$0x18300] =	vst v63  }
0x21: {  	s0 =	sshrl.u32 s0, $0x3;
	s19 =	rddreg [dreg:$0x1]  }
0x22: {  	s26 =	simm.s32 $0x10080;
	s0 =	sadd.s32 s19, s0  }
0x23: {  	[tilespmem:s26], [sflag:$0x4] =	stream.linear.gather [hbm4b:s0+s25], $0x10, $0x38;
	[tilespmem:$0x18300] =	vst v63  }
0x24: {  	v4 =	vld [tilespmem:$0x10000];
	_ =	sdelay $0x4  }
0x25: {  	v5 =	vshll.u32 v4, $0x4  }
0x26: {  	v4 =	vand.u32 $0x7, v4;
	v5 =	vand.u32 $0xFFFFFF80, v5  }
0x27: {  	v4 =	vor.u32 v4, v5  }
0x28: {  	v5 =	vperm.xlane v4, v1;
	_ =	sdelay $0x1  }
0x29: {  	v5 =	vadd.s32 v2, v5;
	_ =	sdelay $0x3  }
0x2a: {  	s28 =	simm.s32 $0x10100  }
0x2b: {  	[tilespmem:s28], [sflag:$0x5] =	stream.indirect_vreg.gather [hbm4b:s5+s25], $0x80, v5, vm0, $0xb8;
	[tilespmem:$0x18300] =	vst v63  }
0x2c: {  	s29 =	simm.s32 $0x10900  }
0x2d: {  	[tilespmem:s29], [sflag:$0x5] =	stream.indirect_vreg.gather [hbm4b:s9+s25], $0x80, v5, vm0, $0xb8;
	[tilespmem:$0x18300] =	vst v63  }
0x2e: {  	s30 =	simm.s32 $0x11100  }
0x2f: {  	[tilespmem:s30], [sflag:$0x5] =	stream.indirect_vreg.gather [hbm4b:s10+s25], $0x80, v5, vm0, $0xb8;
	[tilespmem:$0x18300] =	vst v63  }
0x30: {  	s7 =	smov.u32 s31;
	s31 =	simm.s32 $0x11900  }
0x31: {  	[tilespmem:s31], [sflag:$0x5] =	stream.indirect_vreg.gather [hbm4b:s11+s25], $0x80, v5, vm0, $0xb8;
	[tilespmem:$0x18300] =	vst v63  }
0x32: {  	s3 =	simm.s32 $0x12100  }
0x33: {  	[tilespmem:s3], [sflag:$0x5] =	stream.indirect_vreg.gather [hbm4b:s12+s25], $0x80, v5, vm0, $0xb8;
	[tilespmem:$0x18300] =	vst v63  }
0x34: {  	s19 =	simm.s32 $0x12900;
	v4 =	vperm.xlane v4, v3  }
0x35: {  	[tilespmem:s19], [sflag:$0x5] =	stream.indirect_vreg.gather [hbm4b:s13+s25], $0x80, v5, vm0, $0xb8;
	[tilespmem:$0x18300] =	vst v63  }
0x36: {  	s26 =	simm.s32 $0x13100;
	v4 =	vadd.s32 v2, v4  }
0x37: {  	[tilespmem:s26], [sflag:$0x5] =	stream.indirect_vreg.gather [hbm4b:s14+s25], $0x80, v5, vm0, $0xb8;
	[tilespmem:$0x18300] =	vst v63  }
0x38: {  	s28 =	simm.s32 $0x13900  }
0x39: {  	[tilespmem:s28], [sflag:$0x5] =	stream.indirect_vreg.gather [hbm4b:s15+s25], $0x80, v5, vm0, $0xb8;
	[tilespmem:$0x18300] =	vst v63  }
0x3a: {  	s29 =	simm.s32 $0x14100  }
0x3b: {  	[tilespmem:s29], [sflag:$0x5] =	stream.indirect_vreg.gather [hbm4b:s5+s25], $0x80, v4, vm0, $0xb8;
	[tilespmem:$0x18300] =	vst v63  }
0x3c: {  	s30 =	simm.s32 $0x14900  }
0x3d: {  	[tilespmem:s30], [sflag:$0x5] =	stream.indirect_vreg.gather [hbm4b:s9+s25], $0x80, v4, vm0, $0xb8;
	[tilespmem:$0x18300] =	vst v63  }
0x3e: {  	s31 =	simm.s32 $0x15100  }
0x3f: {  	[tilespmem:s31], [sflag:$0x5] =	stream.indirect_vreg.gather [hbm4b:s10+s25], $0x80, v4, vm0, $0xb8;
	[tilespmem:$0x18300] =	vst v63  }
0x40: {  	_ = 	snop  }
0x41: {  	[tilespmem:s8], [sflag:$0x5] =	stream.indirect_vreg.gather [hbm4b:s11+s25], $0x80, v4, vm0, $0xb8;
	[tilespmem:$0x18300] =	vst v63  }
0x42: {  	_ = 	snop  }
0x43: {  	[tilespmem:s17], [sflag:$0x5] =	stream.indirect_vreg.gather [hbm4b:s12+s25], $0x80, v4, vm0, $0xb8;
	[tilespmem:$0x18300] =	vst v63  }
0x44: {  	_ = 	snop  }
0x45: {  	[tilespmem:s18], [sflag:$0x5] =	stream.indirect_vreg.gather [hbm4b:s13+s25], $0x80, v4, vm0, $0xb8;
	[tilespmem:$0x18300] =	vst v63  }
0x46: {  	_ = 	snop  }
0x47: {  	[tilespmem:s4], [sflag:$0x5] =	stream.indirect_vreg.gather [hbm4b:s14+s25], $0x80, v4, vm0, $0xb8;
	[tilespmem:$0x18300] =	vst v63  }
0x48: {  	_ = 	snop  }
0x49: {  	[tilespmem:s22], [sflag:$0x5] =	stream.indirect_vreg.gather [hbm4b:s15+s25], $0x80, v4, vm0, $0xb8;
	[tilespmem:$0x18300] =	vst v63  }
0x4a: {  	_ =	swait.ge [sflag:s23], $0x8000  }
0x4b: {  	[sflag:s23] =	ssyncset.done $0x0  }
0x4c: {  	s26 =	simm.s32 $0x0;
	v5 =	vimm.f32 $0.0e+00;
	v4 =	vimm.f32 $0.0e+00;
	[sflag:s23] =	ssyncadd.s32 $0xFFFF8000  }
.LBB2_3:
0x4d: {  	s0 =	sshll.u32 s26, $0xB;
	s3 =	sshll.u32 s26, $0x7  }
0x4e: {  	s0 =	sand.u32 $0x4000, s0;
	s3 =	sand.u32 $0x380, s3  }
0x4f: {  	s28 =	sor.u32 s0, s3;
	s3 =	sand.u32 $0x40, s25  }
0x50: {  	s19 =	sand.u32 $0x3C00, s25;
	s0 =	sor.u32 s3, s28  }
0x51: {  	s0 =	sor.u32 s19, s0  }
0x52: {  	v6 =	vld [tilespmem:s0+$0x0]  }
0x53: {  	v7 =	vld [tilespmem:s0+$0x10100]  }
0x54: {  	s3 =	sor.u32 $0x10, s0;
	v8 =	vld [tilespmem:s0+$0x10110]  }
0x55: {  	v9 =	vld [tilespmem:s3+$0x0]  }
0x56: {  	s19 =	simm.s32 $0x40;
	s29 =	sor.u32 $0x20, s0;
	v10 =	vld [tilespmem:s0+$0x10120]  }
0x57: {  	s30 =	simm.s32 $0x200;
	s3 =	sand.u32 $0x40, s19;
	v11 =	vld [tilespmem:s29+$0x0]  }
0x58: {  	v12 =	vld [tilespmem:s0+$0x10130];
	s29 =	sand.u32 $0x3C00, s30;
	s30 =	sor.u32 $0x30, s0;
	s3 =	sor.u32 s3, s28;
	v6 =	vsub.f32 v6, v7  }
0x59: {  	v13 =	vld [tilespmem:s30+$0x0];
	s19 =	sor.u32 s29, s3  }
0x5a: {  	v14 =	vld [tilespmem:s19+$0x0];
	v8 =	vsub.f32 v9, v8;
	v6 =	vmul.f32 v6, v6  }
0x5b: {  	v9 =	vld [tilespmem:s19+$0x10100]  }
0x5c: {  	s3 =	sor.u32 $0x10, s19;
	v7 =	vld [tilespmem:s19+$0x10110];
	v10 =	vsub.f32 v11, v10;
	v16 =	vmul.f32 v8, v8;
	v15 =	vadd.f32 v6, v5  }
0x5d: {  	v8 =	vld [tilespmem:s3+$0x0]  }
0x5e: {  	s0 =	simm.s32 $0x80;
	v13 =	vsub.f32 v13, v12;
	s3 =	sor.u32 $0x20, s19;
	v63 =	vmul.f32 v10, v10;
	v6 =	vld [tilespmem:s19+$0x10120];
	v15 =	vadd.f32 v16, v15  }
0x5f: {  	s0 =	sand.u32 $0x40, s0;
	s30 =	simm.s32 $0xC0;
	s29 =	simm.s32 $0x400;
	v10 =	vld [tilespmem:s3+$0x0]  }
0x60: {  	s0 =	sor.u32 s0, s28;
	s31 =	sand.u32 $0x3C00, s29;
	s3 =	sor.u32 $0x30, s19;
	v13 =	vmul.f32 v13, v13;
	v11 =	vsub.f32 v14, v9;
	v9 =	vld [tilespmem:s19+$0x10130];
	v12 =	vadd.f32 v63, v15  }
.LBB2_4:
0x61: {  	p0 =	sne.s32 s30, $0x7C0;
	s19 =	sor.u32 s31, s0;
	v14 =	vld [tilespmem:s3+$0x0]  }
0x62: {  	v15 =	vld [tilespmem:s19+$0x0];
	v11 =	vmul.f32 v11, v11;
	v8 =	vsub.f32 v8, v7;
	v12 =	vadd.f32 v13, v12  }
0x63: {  	v13 =	vld [tilespmem:s19+$0x10100]  }
.Ltmp0:
0x64: {  	s0 =	sor.u32 $0x10, s19;
	v7 =	vld [tilespmem:s19+$0x10110];
	v11 =	vadd.f32 v11, v12;
	v12 =	vmul.f32 v8, v8;
	v10 =	vsub.f32 v10, v6;
	(pc) =	sbr.rel @p0 .LBB2_4-.Ltmp0, $4  }
0x65: {  	v8 =	vld [tilespmem:s0+$0x0]  }
0x66: {  	s29 =	sadd.s32 $0x200, s29;
	s0 =	sor.u32 $0x20, s19;
	v6 =	vld [tilespmem:s19+$0x10120];
	v12 =	vadd.f32 v12, v11;
	v16 =	vmul.f32 v10, v10;
	v14 =	vsub.f32 v14, v9  }
0x67: {  	s3 =	sand.u32 $0x40, s30;
	s31 =	sand.u32 $0x3C00, s29;
	v10 =	vld [tilespmem:s0+$0x0]  }
0x68: {  	s30 =	sadd.s32 $0x40, s30;
	s0 =	sor.u32 s3, s28;
	s3 =	sor.u32 $0x30, s19;
	v11 =	vsub.f32 v15, v13;
	v9 =	vld [tilespmem:s19+$0x10130];
	v12 =	vadd.f32 v16, v12;
	v13 =	vmul.f32 v14, v14  }
0x69: {  	s0 =	sor.u32 s31, s0;
	v14 =	vld [tilespmem:s3+$0x0]  }
0x6a: {  	v15 =	vld [tilespmem:s0+$0x0];
	v11 =	vmul.f32 v11, v11;
	v7 =	vsub.f32 v8, v7;
	v55 =	vadd.f32 v13, v12  }
0x6b: {  	v56 =	vld [tilespmem:s0+$0x10100]  }
0x6c: {  	s29 =	sor.u32 $0x10, s0;
	v57 =	vld [tilespmem:s0+$0x10110];
	v8 =	vadd.f32 v11, v55;
	v7 =	vmul.f32 v7, v7;
	v6 =	vsub.f32 v10, v6  }
0x6d: {  	v58 =	vld [tilespmem:s29+$0x0]  }
0x6e: {  	s30 =	sor.u32 $0x20, s0;
	v59 =	vld [tilespmem:s0+$0x10120];
	v7 =	vadd.f32 v7, v8;
	v6 =	vmul.f32 v6, v6;
	v60 =	vsub.f32 v14, v9  }
0x6f: {  	v61 =	vld [tilespmem:s30+$0x0]  }
0x70: {  	s31 =	sor.u32 $0x30, s0;
	v62 =	vld [tilespmem:s0+$0x10130];
	v12 =	vsub.f32 v15, v56;
	v6 =	vadd.f32 v6, v7;
	v7 =	vmul.f32 v60, v60  }
0x71: {  	v63 =	vld [tilespmem:s31+$0x0]  }
0x72: {  	v10 =	vsub.f32 v58, v57;
	v12 =	vmul.f32 v12, v12;
	v6 =	vadd.f32 v7, v6;
	_ =	sdelay $0x1  }
0x73: {  	v9 =	vsub.f32 v61, v59;
	v7 =	vmul.f32 v10, v10;
	v6 =	vadd.f32 v12, v6;
	_ =	sdelay $0x1  }
0x74: {  	v8 =	vsub.f32 v63, v62;
	v6 =	vadd.f32 v7, v6;
	v7 =	vmul.f32 v9, v9;
	_ =	sdelay $0x1  }
0x75: {  	v6 =	vadd.f32 v7, v6;
	v7 =	vmul.f32 v8, v8;
	_ =	sdelay $0x1  }
0x76: {  	v6 =	vadd.f32 v7, v6;
	_ =	sdelay $0x1  }
0x77: {  	(xrf2) =	vadd.scan.msk.f32 $0xffff, v6;
	_ =	sdelay $0x6  }
0x78: {  	v6 =	vmov s26;
	s26 =	sadd.s32 $0x1, s26  }
0x79: {  	p0 =	sne.s32 s26, $0x10  }
.Ltmp1:
0x7a: {  	_ = 	snop;
	(pc) =	sbr.rel @p0 .LBB2_3-.Ltmp1, $4  }
0x7b: {  	v7, _, _ =	vpop (xrf2)  }
0x7c: {  	v7 =	vbroadcast v7, $0xF  }
0x7d: {  	vm1 =	veq.s32 v6, v0  }
0x7e: {  	v4 =	vsel vm1, v7, v4  }
0x7f: {  	s0 =	sand.u32 $0x3FFFFFE0, s24  }
0x80: {  	[tilespmem:s0+$0x18100] =	vst v4  }
0x81: {  	_ =	swait.ge [sflag:s1], $0x8000  }
0x82: {  	[sflag:s1] =	ssyncset.done $0x0  }
0x83: {  	[sflag:s1] =	ssyncadd.s32 $0xFFFF8000  }
0x84: {  	_ =	swait.ge [sflag:s2], $0x10  }
0x85: {  	p0 =	seq.s32 s6, $0xF;
	s0 =	rddreg [dreg:$0x8]  }
0x86: {  	s0 =	sadd.s32 @!p0 s24, s0  }
0x87: {  	[sflag:s2] =	ssyncset.done $0x0;
	s3 =	sshll.u32 @!p0 s0, $0x8  }
0x88: {  	s19 =	simm.s32 @!p0 $0x0;
	[sflag:s2] =	ssyncadd.s32 $0xFFFFFFF0;
	s3 =	sadd.s32 @!p0 s7, s3  }
0x89: {  	[tilespmem:s19], [sflag:$0x1] =	stream.linear.gather @!p0 [hbm4b:s3+s19], $0x8000, $0x38;
	[tilespmem:$0x18300] =	vst v63  }
0x8a: {  	s0 =	sshrl.u32 @!p0 s0, $0x3;
	s3 =	rddreg [dreg:$0x1]  }
0x8b: {  	s0 =	sadd.s32 @!p0 s3, s0;
	s3 =	simm.s32 @!p0 $0x10000  }
0x8c: {  	[tilespmem:s3], [sflag:$0x3] =	stream.linear.gather @!p0 [hbm4b:s0+s19], $0x10, $0x38;
	[tilespmem:$0x18300] =	vst v63  }
0x8d: {  	v4 =	vld [tilespmem:$0x10080];
	_ =	sdelay $0x4  }
0x8e: {  	v5 =	vshll.u32 v4, $0x4  }
0x8f: {  	v4 =	vand.u32 $0x7, v4;
	v5 =	vand.u32 $0xFFFFFF80, v5  }
0x90: {  	v4 =	vor.u32 v4, v5  }
0x91: {  	v5 =	vperm.xlane v4, v1;
	_ =	sdelay $0x1  }
0x92: {  	v5 =	vadd.s32 v2, v5;
	_ =	sdelay $0x3  }
0x93: {  	s28 =	simm.s32 $0x10100;
	s24 =	simm.s32 $0x0  }
0x94: {  	[tilespmem:s28], [sflag:$0x5] =	stream.indirect_vreg.gather [hbm4b:s5+s24], $0x80, v5, vm0, $0xb8;
	[tilespmem:$0x18300] =	vst v63  }
0x95: {  	s29 =	simm.s32 $0x10900  }
0x96: {  	[tilespmem:s29], [sflag:$0x5] =	stream.indirect_vreg.gather [hbm4b:s9+s24], $0x80, v5, vm0, $0xb8;
	[tilespmem:$0x18300] =	vst v63  }
0x97: {  	s30 =	simm.s32 $0x11100  }
0x98: {  	[tilespmem:s30], [sflag:$0x5] =	stream.indirect_vreg.gather [hbm4b:s10+s24], $0x80, v5, vm0, $0xb8;
	[tilespmem:$0x18300] =	vst v63  }
0x99: {  	s3 =	simm.s32 $0x11900  }
0x9a: {  	[tilespmem:s3], [sflag:$0x5] =	stream.indirect_vreg.gather [hbm4b:s11+s24], $0x80, v5, vm0, $0xb8;
	[tilespmem:$0x18300] =	vst v63  }
0x9b: {  	s31 =	smov.u32 s7;
	s7 =	simm.s32 $0x12100  }
0x9c: {  	[tilespmem:s7], [sflag:$0x5] =	stream.indirect_vreg.gather [hbm4b:s12+s24], $0x80, v5, vm0, $0xb8;
	[tilespmem:$0x18300] =	vst v63  }
0x9d: {  	s19 =	simm.s32 $0x12900;
	v4 =	vperm.xlane v4, v3  }
0x9e: {  	[tilespmem:s19], [sflag:$0x5] =	stream.indirect_vreg.gather [hbm4b:s13+s24], $0x80, v5, vm0, $0xb8;
	[tilespmem:$0x18300] =	vst v63  }
0x9f: {  	s25 =	simm.s32 $0x13100;
	v4 =	vadd.s32 v2, v4  }
0xa0: {  	[tilespmem:s25], [sflag:$0x5] =	stream.indirect_vreg.gather [hbm4b:s14+s24], $0x80, v5, vm0, $0xb8;
	[tilespmem:$0x18300] =	vst v63  }
0xa1: {  	s26 =	simm.s32 $0x13900  }
0xa2: {  	[tilespmem:s26], [sflag:$0x5] =	stream.indirect_vreg.gather [hbm4b:s15+s24], $0x80, v5, vm0, $0xb8;
	[tilespmem:$0x18300] =	vst v63  }
0xa3: {  	s28 =	simm.s32 $0x14100  }
0xa4: {  	[tilespmem:s28], [sflag:$0x5] =	stream.indirect_vreg.gather [hbm4b:s5+s24], $0x80, v4, vm0, $0xb8;
	[tilespmem:$0x18300] =	vst v63  }
0xa5: {  	s29 =	simm.s32 $0x14900  }
0xa6: {  	[tilespmem:s29], [sflag:$0x5] =	stream.indirect_vreg.gather [hbm4b:s9+s24], $0x80, v4, vm0, $0xb8;
	[tilespmem:$0x18300] =	vst v63  }
0xa7: {  	s30 =	simm.s32 $0x15100  }
0xa8: {  	[tilespmem:s30], [sflag:$0x5] =	stream.indirect_vreg.gather [hbm4b:s10+s24], $0x80, v4, vm0, $0xb8;
	[tilespmem:$0x18300] =	vst v63  }
0xa9: {  	_ = 	snop  }
0xaa: {  	[tilespmem:s8], [sflag:$0x5] =	stream.indirect_vreg.gather [hbm4b:s11+s24], $0x80, v4, vm0, $0xb8;
	[tilespmem:$0x18300] =	vst v63  }
0xab: {  	_ = 	snop  }
0xac: {  	[tilespmem:s17], [sflag:$0x5] =	stream.indirect_vreg.gather [hbm4b:s12+s24], $0x80, v4, vm0, $0xb8;
	[tilespmem:$0x18300] =	vst v63  }
0xad: {  	_ = 	snop  }
0xae: {  	[tilespmem:s18], [sflag:$0x5] =	stream.indirect_vreg.gather [hbm4b:s13+s24], $0x80, v4, vm0, $0xb8;
	[tilespmem:$0x18300] =	vst v63  }
0xaf: {  	_ = 	snop  }
0xb0: {  	[tilespmem:s4], [sflag:$0x5] =	stream.indirect_vreg.gather [hbm4b:s14+s24], $0x80, v4, vm0, $0xb8;
	[tilespmem:$0x18300] =	vst v63  }
0xb1: {  	_ = 	snop  }
0xb2: {  	[tilespmem:s22], [sflag:$0x5] =	stream.indirect_vreg.gather [hbm4b:s15+s24], $0x80, v4, vm0, $0xb8;
	[tilespmem:$0x18300] =	vst v63  }
0xb3: {  	_ =	swait.ge [sflag:s23], $0x8000  }
0xb4: {  	[sflag:s23] =	ssyncset.done $0x0  }
0xb5: {  	s25 =	simm.s32 $0x0;
	v5 =	vimm.f32 $0.0e+00;
	v4 =	vimm.f32 $0.0e+00;
	[sflag:s23] =	ssyncadd.s32 $0xFFFF8000  }
.LBB2_7:
0xb6: {  	s0 =	sshll.u32 s25, $0xB;
	s3 =	sshll.u32 s25, $0x7  }
0xb7: {  	s0 =	sand.u32 $0x4000, s0;
	s3 =	sand.u32 $0x380, s3  }
0xb8: {  	s7 =	sand.u32 $0x40, s24;
	s26 =	sor.u32 s0, s3  }
0xb9: {  	s19 =	sand.u32 $0x3C00, s24;
	s0 =	sor.u32 s7, s26  }
0xba: {  	s0 =	sor.u32 s19, s0  }
0xbb: {  	v6 =	vld [tilespmem:s0+$0x8000]  }
0xbc: {  	v7 =	vld [tilespmem:s0+$0x10100]  }
0xbd: {  	s3 =	sor.u32 $0x8010, s0;
	v8 =	vld [tilespmem:s0+$0x10110]  }
0xbe: {  	v9 =	vld [tilespmem:s3+$0x0]  }
0xbf: {  	s7 =	simm.s32 $0x40;
	s19 =	sor.u32 $0x8020, s0;
	v10 =	vld [tilespmem:s0+$0x10120]  }
0xc0: {  	s28 =	simm.s32 $0x200;
	s3 =	sand.u32 $0x40, s7;
	v11 =	vld [tilespmem:s19+$0x0]  }
0xc1: {  	v12 =	vld [tilespmem:s0+$0x10130];
	s7 =	sand.u32 $0x3C00, s28;
	s28 =	sor.u32 $0x8030, s0;
	s3 =	sor.u32 s3, s26;
	v6 =	vsub.f32 v6, v7  }
0xc2: {  	v13 =	vld [tilespmem:s28+$0x0];
	s19 =	sor.u32 s7, s3  }
0xc3: {  	v14 =	vld [tilespmem:s19+$0x8000];
	v8 =	vsub.f32 v9, v8;
	v6 =	vmul.f32 v6, v6  }
0xc4: {  	v9 =	vld [tilespmem:s19+$0x10100]  }
0xc5: {  	s3 =	sor.u32 $0x8010, s19;
	v7 =	vld [tilespmem:s19+$0x10110];
	v10 =	vsub.f32 v11, v10;
	v16 =	vmul.f32 v8, v8;
	v15 =	vadd.f32 v6, v5  }
0xc6: {  	v8 =	vld [tilespmem:s3+$0x0]  }
0xc7: {  	s7 =	simm.s32 $0x80;
	v13 =	vsub.f32 v13, v12;
	s3 =	sor.u32 $0x8020, s19;
	v63 =	vmul.f32 v10, v10;
	v6 =	vld [tilespmem:s19+$0x10120];
	v15 =	vadd.f32 v16, v15  }
0xc8: {  	s29 =	simm.s32 $0xC0;
	s28 =	simm.s32 $0x400;
	s0 =	sand.u32 $0x40, s7;
	v10 =	vld [tilespmem:s3+$0x0]  }
0xc9: {  	s30 =	sand.u32 $0x3C00, s28;
	s0 =	sor.u32 s0, s26;
	s3 =	sor.u32 $0x8030, s19;
	v13 =	vmul.f32 v13, v13;
	v11 =	vsub.f32 v14, v9;
	v9 =	vld [tilespmem:s19+$0x10130];
	v12 =	vadd.f32 v63, v15  }
.LBB2_8:
0xca: {  	p0 =	sne.s32 s29, $0x7C0;
	s19 =	sor.u32 s30, s0;
	v14 =	vld [tilespmem:s3+$0x0]  }
0xcb: {  	v15 =	vld [tilespmem:s19+$0x8000];
	v11 =	vmul.f32 v11, v11;
	v8 =	vsub.f32 v8, v7;
	v12 =	vadd.f32 v13, v12  }
0xcc: {  	v13 =	vld [tilespmem:s19+$0x10100]  }
.Ltmp2:
0xcd: {  	s0 =	sor.u32 $0x8010, s19;
	v7 =	vld [tilespmem:s19+$0x10110];
	v11 =	vadd.f32 v11, v12;
	v12 =	vmul.f32 v8, v8;
	v10 =	vsub.f32 v10, v6;
	(pc) =	sbr.rel @p0 .LBB2_8-.Ltmp2, $4  }
0xce: {  	v8 =	vld [tilespmem:s0+$0x0]  }
0xcf: {  	s28 =	sadd.s32 $0x200, s28;
	s0 =	sor.u32 $0x8020, s19;
	v6 =	vld [tilespmem:s19+$0x10120];
	v12 =	vadd.f32 v12, v11;
	v16 =	vmul.f32 v10, v10;
	v14 =	vsub.f32 v14, v9  }
0xd0: {  	s3 =	sand.u32 $0x40, s29;
	s30 =	sand.u32 $0x3C00, s28;
	v10 =	vld [tilespmem:s0+$0x0]  }
0xd1: {  	s29 =	sadd.s32 $0x40, s29;
	s0 =	sor.u32 s3, s26;
	s3 =	sor.u32 $0x8030, s19;
	v11 =	vsub.f32 v15, v13;
	v9 =	vld [tilespmem:s19+$0x10130];
	v12 =	vadd.f32 v16, v12;
	v13 =	vmul.f32 v14, v14  }
0xd2: {  	s0 =	sor.u32 s30, s0;
	v14 =	vld [tilespmem:s3+$0x0]  }
0xd3: {  	v15 =	vld [tilespmem:s0+$0x8000];
	v11 =	vmul.f32 v11, v11;
	v7 =	vsub.f32 v8, v7;
	v55 =	vadd.f32 v13, v12  }
0xd4: {  	v56 =	vld [tilespmem:s0+$0x10100]  }
0xd5: {  	s28 =	sor.u32 $0x8010, s0;
	v57 =	vld [tilespmem:s0+$0x10110];
	v8 =	vadd.f32 v11, v55;
	v7 =	vmul.f32 v7, v7;
	v6 =	vsub.f32 v10, v6  }
0xd6: {  	v58 =	vld [tilespmem:s28+$0x0]  }
0xd7: {  	s29 =	sor.u32 $0x8020, s0;
	v59 =	vld [tilespmem:s0+$0x10120];
	v7 =	vadd.f32 v7, v8;
	v6 =	vmul.f32 v6, v6;
	v60 =	vsub.f32 v14, v9  }
0xd8: {  	v61 =	vld [tilespmem:s29+$0x0]  }
0xd9: {  	s30 =	sor.u32 $0x8030, s0;
	v62 =	vld [tilespmem:s0+$0x10130];
	v12 =	vsub.f32 v15, v56;
	v6 =	vadd.f32 v6, v7;
	v7 =	vmul.f32 v60, v60  }
0xda: {  	v63 =	vld [tilespmem:s30+$0x0]  }
0xdb: {  	v10 =	vsub.f32 v58, v57;
	v12 =	vmul.f32 v12, v12;
	v6 =	vadd.f32 v7, v6;
	_ =	sdelay $0x1  }
0xdc: {  	v9 =	vsub.f32 v61, v59;
	v7 =	vmul.f32 v10, v10;
	v6 =	vadd.f32 v12, v6;
	_ =	sdelay $0x1  }
0xdd: {  	v8 =	vsub.f32 v63, v62;
	v6 =	vadd.f32 v7, v6;
	v7 =	vmul.f32 v9, v9;
	_ =	sdelay $0x1  }
0xde: {  	v6 =	vadd.f32 v7, v6;
	v7 =	vmul.f32 v8, v8;
	_ =	sdelay $0x1  }
0xdf: {  	v6 =	vadd.f32 v7, v6;
	_ =	sdelay $0x1  }
0xe0: {  	(xrf2) =	vadd.scan.msk.f32 $0xffff, v6;
	_ =	sdelay $0x6  }
0xe1: {  	v6 =	vmov s25;
	s25 =	sadd.s32 $0x1, s25  }
0xe2: {  	p0 =	sne.s32 s25, $0x10  }
.Ltmp3:
0xe3: {  	_ = 	snop;
	(pc) =	sbr.rel @p0 .LBB2_7-.Ltmp3, $4  }
0xe4: {  	v7, _, _ =	vpop (xrf2)  }
0xe5: {  	v7 =	vbroadcast v7, $0xF  }
0xe6: {  	vm1 =	veq.s32 v6, v0  }
0xe7: {  	v4 =	vsel vm1, v7, v4  }
0xe8: {  	s6 =	sadd.s32 $0x1, s6  }
0xe9: {  	p0 =	sne.s32 s6, $0x10  }
.Ltmp4:
0xea: {  	_ = 	snop;
	(pc) =	sbr.rel @p0 .LBB2_2-.Ltmp4, $2  }
0xeb: {  	_ =	sdelay $0x2  }
0xec: {  	[tilespmem:s16+$0x18100] =	vst v4  }
0xed: {  	s16 =	simm.s32 $0x0  }
0xee: {  	s0 =	rddreg [dreg:$0x9];
	s3 =	simm.s32 $0x18100;
	s29 =	simm.s32 $0x6  }
0xef: {  	[hbm4b:s0+s16] =	stream.linear.scatter [tilespmem:s3], [sflag:$0x6], $0x200, $0x38;
	[tilespmem:$0x18300] =	vst v63  }
0xf0: {  	_ =	swait.ge [sflag:s29], $0x200  }
0xf1: {  	s6 =	rddreg [dreg:$0xb]  }
0xf2: {  	s30 =	rddreg [dreg:$0xa];
	s6 =	sadd.s32 $0x1, s6  }
0xf3: {  	p0 =	sne.s32 s6, s30  }
.Ltmp5:
0xf4: {  	_ = 	snop;
	(pc) =	sbr.rel @p0 .LBB2_1-.Ltmp5, $3  }
0xf5: {  	_ =	sdelay $0x1  }
0xf6: {  	[sflag:s29] =	ssyncset.done $0x0  }
0xf7: {  	[sflag:s29] =	ssyncadd.s32 $0xFFFFFE00  }
0xf8: {  	_ =	sfence.sel $0x180000  }
0xf9: {  	[bflag:$0x0] =	sbarrier.arrive $0xFFFF  }
0xfa: {  	_ =	strace $0x9000004A  }
0xfb: {  	s0 =	stileid.u32;
	[bflag:$0x2] =	sbarrier.arrive $0xFFFF  }
0xfc: {  	p0 =	sne.s32 s0, $0x0;
	s0 =	rddreg [dreg:$0x4]  }
0xfd: {  	s0 =	sadd.s32 @!p0 $0x100000, s0  }
0xfe: {  	[sflag:s0] =	ssyncadd.tile.s32 @!p0 $0x1;
	_ =	shalt  }
.Lfunc_end2:
_tile_overlayer_lowered:
.L_overlay_start_2:
0xff: {  	(tag) =	ssettag $0x2  }
0x100: {  	s0 =	rddreg [dreg:$0x0];
	s2 =	stileid.u32  }
0x101: {  	s1 =	rddreg [dreg:$0x1];
	p0 =	sne.s32 s2, $0x0  }
0x102: {  	s3 =	rddreg [dreg:$0x2];
	[bflag:$0x3] =	sbarrier.arrive $0xFFFF;
	s2 =	simm.s32 @!p0 $0x1C06  }
0x103: {  	[timem:s3], [sflag:s2] =	dma.local @!p0 [hbm:s0], s1  }
0x104: {  	s0 =	simm.s32 @!p0 $0x6  }
0x105: {  	_ =	swait.ge @!p0 [sflag:s0], s1  }
0x106: {  	s1 =	ssub.s32 @!p0 $0x0, s1;
	[sflag:s0] =	ssyncset.done @!p0 $0x0  }
0x107: {  	[sflag:s0] =	ssyncadd.s32 @!p0 s1  }
0x108: {  	[bflag:$0x3] =	sbarrier.arrive $0xFFFF  }
0x109: {  	_ =	shalt  }

// kernel: kernel.13.cloned.1.call-start
scs
__scs_entry_jumppad:
0x0: {  	(pc) =	sbr.rel $0x88, $3  }
0x1: {  	(tag) =	ssettag $0x0;
	lr =	simm.s32 $0x1  }
0x2: {  	[smem:$0x3F9F] =	sst lr;
	_ =	strace $0xD0000000  }
0x3: {  	_ = 	snop  }
0x4: {  	_ = 	snop  }
0x5: {  	_ = 	snop  }
0x6: {  	_ = 	snop  }
0x7: {  	_ = 	snop  }
__scs_overlays_trampoline_lowered:
0x8: {  	[smem:$0x3FAE] =	sst s0  }
0x9: {  	[smem:$0x3FAF] =	sst s1  }
0xa: {  	[smem:$0x3FB0] =	sst s2  }
0xb: {  	[smem:$0x3FB1] =	sst s3  }
0xc: {  	[smem:$0x3FB2] =	sst s4  }
0xd: {  	[smem:$0x3FB3] =	sst s5  }
0xe: {  	[smem:$0x3FB4] =	sst s6  }
0xf: {  	[smem:$0x3FB5] =	sst s7  }
0x10: {  	[smem:$0x3FB6] =	sst s8  }
0x11: {  	[smem:$0x3FB7] =	sst s9;
	s0 =	simm.s32 @!p0 $0x0  }
0x12: {  	s1 =	sld [smem:$0x3F9D];
	s0 =	simm.s32 @p0 $0x1  }
0x13: {  	[smem:$0x3FB8] =	sst s0;
	s0 =	simm.s32 @!p1 $0x0  }
0x14: {  	s2 =	sld [smem:$0x3F9C];
	s0 =	simm.s32 @p1 $0x1  }
0x15: {  	[smem:$0x3FB9] =	sst s0;
	s0 =	simm.s32 @!p2 $0x0  }
0x16: {  	s3 =	sld [smem:$0x3FDB];
	s0 =	simm.s32 @p2 $0x1  }
0x17: {  	s4 =	simm.s32 $0x1BF5;
	[smem:$0x3FBB] =	sst s0  }
0x18: {  	s0 =	sld [smem:$0x3F9E];
	_ =	swait.ge [sflag:s4], $0x0  }
0x19: {  	s7 =	sld [smem:$0x3F9F]  }
0x1a: {  	s8 =	sadd.s32 $0xFFFFE003, lr  }
0x1b: {  	s9 =	sadd.s32 $0xFFFFFEF7, lr;
	s5 =	simm.s32 $0xFFFFFFFF;
	p2 =	slt.u32 s8, $0xFFFFF086  }
0x1c: {  	p1 =	slt.u32 s9, $0xF7A;
	s5 =	simm.s32 @!p2 $0x0  }
0x1d: {  	s5 =	simm.s32 @p1 $0x1;
	p0 =	seq.s32 s7, s2  }
0x1e: {  	s7 =	smul.u32 @!p0 $0xF7A, s2;
	p2 =	seq.s32 @!p0 s5, $0x0  }
0x1f: {  	s9 =	smul.u32 $0xF7A, s1;
	s8 =	simm.s32 @!p0 $0x1BF5;
	p2 =	por !p2, p0  }
0x20: {  	[sflag:s8] =	ssyncset.s32 @!p0 $0xFFFFF086;
	s6 =	sadd.s32 @!p0 s3, s7;
	s7 =	simm.s32 @!p0 $0x108  }
0x21: {  	s3 =	sadd.s32 s3, s9;
	s6 =	sadd.s32 @!p0 $0x88, s6;
	s7 =	simm.s32 @p2 $0x1082  }
0x22: {  	[simem:s7], [sflag:s8] =	dma.local @!p0 [hbm:s6], $0xF7A  }
0x23: {  	s9 =	sor.u32 $0xD0000000, s2;
	s6 =	simm.s32 $0x108;
	_ =	swait.ge @!p0 [sflag:s8], $0x0  }
0x24: {  	s3 =	sadd.s32 $0x88, s3;
	s6 =	simm.s32 @!p1 $0x1082;
	[sflag:s4] =	ssyncset.s32 $0xFFFFF086  }
0x25: {  	[simem:s6], [sflag:s4] =	dma.local [hbm:s3], $0xF7A  }
0x26: {  	[smem:$0x3F9F] =	sst s1;
	(tag) =	ssettag s2;
	_ =	strace s9  }
0x27: {  	s1 =	sld [smem:$0x3FAF]  }
0x28: {  	s2 =	sld [smem:$0x3FB0]  }
0x29: {  	s4 =	sld [smem:$0x3FB2]  }
0x2a: {  	p0 =	seq.s32 s5, $0x0;
	s5 =	sld [smem:$0x3FB3]  }
0x2b: {  	s6 =	sld [smem:$0x3FB4]  }
0x2c: {  	s7 =	sld [smem:$0x3FB5]  }
0x2d: {  	s3 =	simm.s32 $0x108;
	s8 =	sld [smem:$0x3FB6]  }
0x2e: {  	s3 =	simm.s32 @!p0 $0x1082;
	s9 =	sld [smem:$0x3FB7]  }
0x2f: {  	lr =	sadd.s32 s0, s3;
	s0 =	sld [smem:$0x3FAE]  }
0x30: {  	s3 =	sld [smem:$0x3FB1]  }
0x31: {  	[smem:$0x3FBA] =	sst s10  }
0x32: {  	s10 =	sld [smem:$0x3FB8];
	_ =	sdelay $0x3  }
0x33: {  	p0 =	seq.s32 s10, $0x1;
	s10 =	sld [smem:$0x3FBA];
	_ =	sdelay $0x3  }
0x34: {  	[smem:$0x3FBA] =	sst s10  }
0x35: {  	s10 =	sld [smem:$0x3FB9];
	_ =	sdelay $0x3  }
0x36: {  	p1 =	seq.s32 s10, $0x1;
	s10 =	sld [smem:$0x3FBA];
	_ =	sdelay $0x3  }
0x37: {  	[smem:$0x3FBA] =	sst s10  }
0x38: {  	s10 =	sld [smem:$0x3FBB]  }
0x39: {  	_ = 	snop;
	(pc) =	sbr.ind lr, $3  }
0x3a: {  	_ = 	snop  }
0x3b: {  	_ = 	snop  }
0x3c: {  	p2 =	seq.s32 s10, $0x1;
	s10 =	sld [smem:$0x3FBA]  }
0x3d: {  	_ =	shalt  }
0x3e: {  	_ =	shalt  }
0x3f: {  	_ =	shalt  }
0x40: {  	_ =	shalt  }
0x41: {  	_ =	shalt  }
0x42: {  	_ =	shalt  }
0x43: {  	_ =	shalt  }
0x44: {  	_ =	shalt  }
0x45: {  	_ =	shalt  }
0x46: {  	_ =	shalt  }
0x47: {  	_ =	shalt  }
0x48: {  	_ =	shalt  }
0x49: {  	_ =	shalt  }
0x4a: {  	_ =	shalt  }
0x4b: {  	_ =	shalt  }
0x4c: {  	_ =	shalt  }
0x4d: {  	_ =	shalt  }
0x4e: {  	_ =	shalt  }
0x4f: {  	_ =	shalt  }
0x50: {  	_ =	shalt  }
0x51: {  	_ =	shalt  }
0x52: {  	_ =	shalt  }
0x53: {  	_ =	shalt  }
0x54: {  	_ =	shalt  }
0x55: {  	_ =	shalt  }
0x56: {  	_ =	shalt  }
0x57: {  	_ =	shalt  }
0x58: {  	_ =	shalt  }
0x59: {  	_ =	shalt  }
0x5a: {  	_ =	shalt  }
0x5b: {  	_ =	shalt  }
0x5c: {  	_ =	shalt  }
0x5d: {  	_ =	shalt  }
0x5e: {  	_ =	shalt  }
0x5f: {  	_ =	shalt  }
0x60: {  	_ =	shalt  }
0x61: {  	_ =	shalt  }
0x62: {  	_ =	shalt  }
0x63: {  	_ =	shalt  }
0x64: {  	_ =	shalt  }
0x65: {  	_ =	shalt  }
0x66: {  	_ =	shalt  }
0x67: {  	_ =	shalt  }
0x68: {  	_ =	shalt  }
0x69: {  	_ =	shalt  }
0x6a: {  	_ =	shalt  }
0x6b: {  	_ =	shalt  }
0x6c: {  	_ =	shalt  }
0x6d: {  	_ =	shalt  }
0x6e: {  	_ =	shalt  }
0x6f: {  	_ =	shalt  }
0x70: {  	_ =	shalt  }
0x71: {  	_ =	shalt  }
0x72: {  	_ =	shalt  }
0x73: {  	_ =	shalt  }
0x74: {  	_ =	shalt  }
0x75: {  	_ =	shalt  }
0x76: {  	_ =	shalt  }
0x77: {  	_ =	shalt  }
0x78: {  	_ =	shalt  }
0x79: {  	_ =	shalt  }
0x7a: {  	_ =	shalt  }
0x7b: {  	_ =	shalt  }
0x7c: {  	_ =	shalt  }
0x7d: {  	_ =	shalt  }
0x7e: {  	_ =	shalt  }
0x7f: {  	_ =	shalt  }
0x80: {  	_ =	shalt  }
0x81: {  	_ =	shalt  }
0x82: {  	_ =	shalt  }
0x83: {  	_ =	shalt  }
0x84: {  	_ =	shalt  }
0x85: {  	_ =	shalt  }
0x86: {  	_ =	shalt  }
0x87: {  	_ =	shalt  }
.Lfunc_end0:
.L_simem_size_0:
called_computation.2_lowered:
.L_overlay_start_0:
0x88: {  	s2 =	sld [smem:$0x3FD9]  }
0x89: {  	s3 =	sld [smem:$0x3FFE];
	_ =	sdelay $0x1  }
0x8a: {  	s1 =	srdreg.scid  }
0x8b: {  	s0 =	sand.u32 $0x1, s1  }
0x8c: {  	s17 =	sshll.u32 s0, $0xA;
	s2 =	sadd.s32 s3, s2  }
0x8d: {  	s2 =	sadd.s32 s2, s17  }
0x8e: {  	[smem:$0x3FC6] =	sst s2  }
0x8f: {  	_ = 	snop  }
0x90: {  	s2 =	sld [smem:$0x3FC9]  }
0x91: {  	s18 =	sld [smem:$0x3FD0];
	(tm) =	ssettm $0x1  }
0x92: {  	s4 =	sld [smem:$0x3FFB];
	_ =	sdelay $0x3  }
0x93: {  	_ =	strace s4  }
0x94: {  	s4 =	sld [smem:$0x3FFC];
	_ =	sdelay $0x3  }
0x95: {  	_ =	strace s4  }
0x96: {  	s4 =	sld [smem:$0x3FFD];
	_ =	sdelay $0x3  }
0x97: {  	_ =	strace s4  }
0x98: {  	_ =	strace $0x8FFFFFFF  }
0x99: {  	s19 =	sld [smem:$0x3FDB];
	_ =	sdelay $0x1  }
0x9a: {  	s5 =	simm.s32 $_scs_section_size  }
0x9b: {  	s6 =	simm.s32 $_size__tile_overlayer_lowered;
	s7 =	simm.s32 $_tile_overlayer_lowered  }
0x9c: {  	s22 =	simm.s32 $0x1BFF;
	s21 =	sshll.u32 s7, $0x1;
	s4 =	sadd.s32 s5, s19  }
0x9d: {  	s8 =	simm.s32 $0x0;
	s20 =	sshll.u32 s6, $0x1;
	s6 =	sadd.s32 s21, s4  }
0x9e: {  	[timem:s8], [sflag:s22] =	dma.local [hbm:s6], s20  }
0x9f: {  	_ =	swait.ge [sflag:s22], s20  }
0xa0: {  	s5 =	ssub.s32 $0x0, s20;
	[sflag:s22] =	ssyncset.done $0x0  }
0xa1: {  	[sflag:s22] =	ssyncadd.s32 s5;
	_ =	sdelay $0x1  }
0xa2: {  	s23 =	simm.s32 $0x1B8B  }
0xa3: {  	_ =	swait.ge [sflag:s23], $0x1  }
0xa4: {  	[sflag:s23] =	ssyncset.done $0x0  }
0xa5: {  	s25 =	simm.s32 $0x1B8E;
	s24 =	sld [smem:$0x3FFE];
	[sflag:s23] =	ssyncadd.s32 $0xFFFFFFFF  }
0xa6: {  	s26 =	simm.s32 $execute0_lowered;
	[smem:$0x3FD2] =	sst s25  }
0xa7: {  	s6 =	sshll.u32 s26, $0x1;
	_ =	strace $0x8000004C;
	[dreg:$0x1] =	wrdreg $0xFFFFFFFF  }
0xa8: {  	s28 =	simm.s32 $_size_execute0_lowered;
	s4 =	sadd.s32 s4, s6;
	[dreg:$0x0] =	wrdreg $0x0  }
0xa9: {  	s6 =	sshll.u32 s28, $0x1;
	[dreg:$0x2] =	wrdreg s4  }
0xaa: {  	[dreg:$0x3] =	wrdreg s6  }
0xab: {  	[dreg:$0x4] =	wrdreg $0xC0  }
0xac: {  	_ =	task [dreg:s8], $0x5FFFF  }
0xad: {  	[dreg:$0x1] =	wrdreg $0xFFFFFFFF  }
0xae: {  	[dreg:$0x0] =	wrdreg $0x60  }
0xaf: {  	[dreg:$0x2] =	wrdreg s2  }
0xb0: {  	[dreg:$0x3] =	wrdreg s18  }
0xb1: {  	[dreg:$0x4] =	wrdreg s24  }
0xb2: {  	[dreg:$0x5] =	wrdreg $0x9  }
0xb3: {  	_ =	task.clear_ibuf [dreg:s8], $0x6FFFF;
	_ =	strace $0x9000004C  }
0xb4: {  	s29 =	simm.s32 $0x9;
	_ =	strace $0x8000004E  }
0xb5: {  	_ =	swait.ge [sflag:s29], $0x1  }
0xb6: {  	[sflag:s29] =	ssyncadd.s32 $0xFFFFFFFF  }
0xb7: {  	_ =	strace $0x9000004E  }
0xb8: {  	_ =	sfence  }
0xb9: {  	s30 =	sld [smem:$0x0];
	_ =	sdelay $0x2  }
0xba: {  	s31 =	sshll.u32 s1, $0xD;
	s1 =	sshrl.u32 s1, $0x2  }
0xbb: {  	s3 =	sand.u32 $0x4000, s31;
	s1 =	sadd.s32 s1, s30  }
0xbc: {  	s0 =	sor.u32 s3, s0;
	s1 =	sshll.u32 s1, $0x11  }
0xbd: {  	s0 =	sor.u32 s1, s0  }
0xbe: {  	s0 =	sadd.s32 $0x8F2B, s0  }
0xbf: {  	[sflag:s0] =	ssyncadd.remote.s32 $0x1  }
0xc0: {  	_ =	sfence.sel $0xFFFF  }
0xc1: {  	[dreg:$0x0] =	wrdreg $0xFFFFFFFF;
	(pc) =	sbr.abs _section_cstart, $3  }
0xc2: {  	[dreg:$0x1] =	wrdreg $0xFFFFFFFF  }
0xc3: {  	_ =	task.clear_ibuf [dreg:s8], $0x2FFFF;
	_ =	strace $0x9FFFFFFF  }
0xc4: {  	(tm) =	ssettm $0x7FFFFFFF  }
0xc5: {  	_ =	shalt  }
tec
execute0_lowered:
.L_overlay_start_1:
0x0: {  	(tag) =	ssettag $0x1  }
0x1: {  	s1 =	rddreg [dreg:$0x0];
	s0 =	srdreg.scid  }
0x2: {  	s3 =	stileid.u32;
	s2 =	rddreg [dreg:$0x1]  }
0x3: {  	s4 =	rddreg [dreg:$0x2];
	s13 =	simm.s32 $0x0;
	s25 =	simm.s32 $0x1  }
0x4: {  	s29 =	simm.s32 $0x7800;
	s30 =	simm.s32 $0x8000;
	s31 =	simm.s32 $0x8800  }
0x5: {  	s16 =	simm.s32 $0xA000;
	s17 =	simm.s32 $0x2;
	s0 =	sand.u32 $0x1, s0  }
0x6: {  	s3 =	sshll.u32 s3, $0x1;
	[smem:$0x7FF] =	sst s13;
	s8 =	sadd.s32 $0x300, s1  }
0x7: {  	s9 =	sadd.s32 $0x400, s1;
	s10 =	sadd.s32 $0x500, s1;
	s3 =	sor.u32 s0, s3  }
0x8: {  	s11 =	sadd.s32 $0x600, s1;
	s0 =	ssub.s32 $0x2, s0;
	s5 =	smul.u32 $0x280, s3  }
0x9: {  	s12 =	sadd.s32 $0x700, s1;
	s3 =	smul.u32 $0x2800, s3;
	s6 =	sshrl.u32 s0, $0x1  }
0xa: {  	_ =	strace $0x8000004D;
	s0 =	ssub.s32 s0, s6;
	s6 =	sadd.s32 $0x100, s1  }
0xb: {  	s7 =	sadd.s32 s5, s4;
	s3 =	sadd.s32 s3, s4;
	s2 =	sadd.s32 s2, s5  }
0xc: {  	s0 =	smax.u32 s0, $0x1;
	s4 =	simm.s32 $0x3;
	[dreg:$0x4] =	wrdreg s2  }
0xd: {  	v0 =	vlaneseq.u32;
	s5 =	simm.s32 $0x0;
	s26 =	sadd.s32 $0x1A00, s7;
	[dreg:$0x7] =	wrdreg s0  }
0xe: {  	v1 =	vshrl.u32 v0, $0x3;
	s7 =	sadd.s32 $0x200, s1;
	s28 =	sadd.s32 $0x6A00, s3;
	[dreg:$0x5] =	wrdreg s26  }
0xf: {  	vm0 =	vmmov $0xffff;
	v0 =	vand.u32 $0x7, v0;
	v1 =	vmul.u32 $0x8, v1;
	s2 =	simm.s32 $0x9000;
	s0 =	simm.s32 $0x9800;
	[dreg:$0x6] =	wrdreg s28  }
.LBB2_1:
0x10: {  	[dreg:$0x8] =	wrdreg s5  }
0x11: {  	s3 =	rddreg [dreg:$0x4]  }
0x12: {  	[tilespmem:s13], [sflag:$0x3] =	stream.linear.gather [hbm4b:s3+s13], $0x1400, $0x38;
	[tilespmem:$0x1E800] =	vst v63  }
0x13: {  	_ =	swait.ge [sflag:s4], $0x1400  }
0x14: {  	[sflag:s4] =	ssyncset.done $0x0  }
0x15: {  	s18 =	simm.s32 $0x1400;
	s15 =	rddreg [dreg:$0x5];
	[sflag:s4] =	ssyncadd.s32 $0xFFFFEC00  }
0x16: {  	[tilespmem:s18], [sflag:$0x3] =	stream.linear.gather [hbm4b:s15+s13], $0x1400, $0x38;
	[tilespmem:$0x1E800] =	vst v63  }
0x17: {  	_ =	swait.ge [sflag:s4], $0x1400  }
0x18: {  	[sflag:s4] =	ssyncset.done $0x0  }
0x19: {  	[sflag:s4] =	ssyncadd.s32 $0xFFFFEC00  }
0x1a: {  	v2 =	vld.msk [tilespmem:$0x0], $0xff;
	_ =	sdelay $0x4  }
0x1b: {  	v3 =	vshll.u32 v2, $0x4  }
0x1c: {  	v2 =	vand.u32 $0x7, v2;
	v3 =	vand.u32 $0xFFFFFF80, v3  }
0x1d: {  	v2 =	vor.u32 v2, v3  }
0x1e: {  	v2 =	vperm.xlane v2, v0;
	_ =	sdelay $0x1  }
0x1f: {  	v2 =	vadd.s32 v1, v2;
	_ =	sdelay $0x3  }
0x20: {  	s19 =	simm.s32 $0x2800  }
0x21: {  	[tilespmem:s19], [sflag:$0x1] =	stream.indirect_vreg.gather [hbm4b:s1+s13], $0x80, v2, vm0, $0xb8;
	[tilespmem:$0x1E800] =	vst v63  }
0x22: {  	s20 =	simm.s32 $0x3000  }
0x23: {  	[tilespmem:s20], [sflag:$0x1] =	stream.indirect_vreg.gather [hbm4b:s6+s13], $0x80, v2, vm0, $0xb8;
	[tilespmem:$0x1E800] =	vst v63  }
0x24: {  	s21 =	simm.s32 $0x3800  }
0x25: {  	[tilespmem:s21], [sflag:$0x1] =	stream.indirect_vreg.gather [hbm4b:s7+s13], $0x80, v2, vm0, $0xb8;
	[tilespmem:$0x1E800] =	vst v63  }
0x26: {  	s22 =	simm.s32 $0x4000  }
0x27: {  	[tilespmem:s22], [sflag:$0x1] =	stream.indirect_vreg.gather [hbm4b:s8+s13], $0x80, v2, vm0, $0xb8;
	[tilespmem:$0x1E800] =	vst v63  }
0x28: {  	s23 =	simm.s32 $0x4800  }
0x29: {  	[tilespmem:s23], [sflag:$0x1] =	stream.indirect_vreg.gather [hbm4b:s9+s13], $0x80, v2, vm0, $0xb8;
	[tilespmem:$0x1E800] =	vst v63  }
0x2a: {  	s24 =	simm.s32 $0x5000  }
0x2b: {  	[tilespmem:s24], [sflag:$0x1] =	stream.indirect_vreg.gather [hbm4b:s10+s13], $0x80, v2, vm0, $0xb8;
	[tilespmem:$0x1E800] =	vst v63  }
0x2c: {  	s26 =	simm.s32 $0x5800  }
0x2d: {  	[tilespmem:s26], [sflag:$0x1] =	stream.indirect_vreg.gather [hbm4b:s11+s13], $0x80, v2, vm0, $0xb8;
	[tilespmem:$0x1E800] =	vst v63  }
0x2e: {  	s28 =	simm.s32 $0x6000;
	s20 =	simm.s32 $0x0  }
0x2f: {  	[tilespmem:s28], [sflag:$0x1] =	stream.indirect_vreg.gather [hbm4b:s12+s13], $0x80, v2, vm0, $0xb8;
	[tilespmem:$0x1E800] =	vst v63  }
.LBB2_2:
0x30: {  	_ =	swait.ge [sflag:s25], $0x4000  }
0x31: {  	s3 =	sshll.u32 s20, $0x8;
	[sflag:s25] =	ssyncset.done $0x0  }
0x32: {  	s21 =	sor.u32 $0x80, s3;
	[sflag:s25] =	ssyncadd.s32 $0xFFFFC000  }
0x33: {  	v2 =	vld.msk [tilespmem:s21+$0x0], $0xff;
	_ =	sdelay $0x4  }
0x34: {  	v3 =	vshll.u32 v2, $0x4  }
0x35: {  	v2 =	vand.u32 $0x7, v2;
	v3 =	vand.u32 $0xFFFFFF80, v3  }
0x36: {  	v2 =	vor.u32 v2, v3  }
0x37: {  	v2 =	vperm.xlane v2, v0;
	_ =	sdelay $0x1  }
0x38: {  	v2 =	vadd.s32 v1, v2;
	_ =	sdelay $0x3  }
0x39: {  	s4 =	simm.s32 $0x0;
	s5 =	simm.s32 $0x6800  }
0x3a: {  	[tilespmem:s5], [sflag:$0x2] =	stream.indirect_vreg.gather [hbm4b:s1+s4], $0x80, v2, vm0, $0xb8;
	[tilespmem:$0x1E800] =	vst v63  }
0x3b: {  	s19 =	simm.s32 $0x7000  }
0x3c: {  	[tilespmem:s19], [sflag:$0x2] =	stream.indirect_vreg.gather [hbm4b:s6+s4], $0x80, v2, vm0, $0xb8;
	[tilespmem:$0x1E800] =	vst v63  }
0x3d: {  	_ = 	snop  }
0x3e: {  	[tilespmem:s29], [sflag:$0x2] =	stream.indirect_vreg.gather [hbm4b:s7+s4], $0x80, v2, vm0, $0xb8;
	[tilespmem:$0x1E800] =	vst v63  }
0x3f: {  	_ = 	snop  }
0x40: {  	[tilespmem:s30], [sflag:$0x2] =	stream.indirect_vreg.gather [hbm4b:s8+s4], $0x80, v2, vm0, $0xb8;
	[tilespmem:$0x1E800] =	vst v63  }
0x41: {  	_ = 	snop  }
0x42: {  	[tilespmem:s31], [sflag:$0x2] =	stream.indirect_vreg.gather [hbm4b:s9+s4], $0x80, v2, vm0, $0xb8;
	[tilespmem:$0x1E800] =	vst v63  }
0x43: {  	_ = 	snop  }
0x44: {  	[tilespmem:s2], [sflag:$0x2] =	stream.indirect_vreg.gather [hbm4b:s10+s4], $0x80, v2, vm0, $0xb8;
	[tilespmem:$0x1E800] =	vst v63  }
0x45: {  	s23 =	sshll.u32 s20, $0xA  }
0x46: {  	[tilespmem:s0], [sflag:$0x2] =	stream.indirect_vreg.gather [hbm4b:s11+s4], $0x80, v2, vm0, $0xb8;
	[tilespmem:$0x1E800] =	vst v63  }
0x47: {  	s22 =	sshrl.u32 s23, $0x2;
	s15 =	sand.u32 $0x3C00, s4;
	s19 =	sand.u32 $0x70, s4  }
0x48: {  	[tilespmem:s16], [sflag:$0x2] =	stream.indirect_vreg.gather [hbm4b:s12+s4], $0x80, v2, vm0, $0xb8;
	[tilespmem:$0x1E800] =	vst v63  }
0x49: {  	s4 =	sor.u32 s19, s15;
	v6 =	vld [tilespmem:s22+$0x1400]  }
0x4a: {  	v5 =	vld [tilespmem:s4+$0x2800]  }
0x4b: {  	v7 =	vld [tilespmem:s4+$0x2880];
	_ =	sdelay $0x1  }
0x4c: {  	s24 =	simm.s32 $0x10;
	s13 =	simm.s32 $0x80;
	v8 =	vld [tilespmem:s4+$0x2900]  }
0x4d: {  	s24 =	sand.u32 $0x70, s24;
	s18 =	sand.u32 $0x3C00, s13;
	v9 =	vld [tilespmem:s4+$0x2A00];
	v2 =	vbroadcast v6, $0x0;
	v3 =	vbroadcast v6, $0x1  }
0x4e: {  	s13 =	sor.u32 s24, s18;
	v10 =	vld [tilespmem:s4+$0x2980];
	v4 =	vbroadcast v6, $0x2  }
0x4f: {  	v11 =	vld [tilespmem:s13+$0x2800];
	v12 =	vmul.f32 v5, v2;
	v7 =	vmul.f32 v7, v3  }
0x50: {  	v13 =	vld [tilespmem:s13+$0x2880]  }
0x51: {  	v5 =	vbroadcast v6, $0x3;
	v7 =	vadd.f32 v7, v12;
	v12 =	vmul.f32 v8, v4  }
0x52: {  	s26 =	sshll.u32 s20, $0xC;
	s28 =	simm.s32 $0x20;
	s14 =	simm.s32 $0x100;
	v14 =	vld [tilespmem:s13+$0x2900]  }
0x53: {  	s5 =	sand.u32 $0x3C00, s14;
	s22 =	sand.u32 $0x1C000, s26;
	s4 =	sand.u32 $0x70, s28;
	v6 =	vbroadcast v6, $0x4;
	v8 =	vld [tilespmem:s13+$0x2A00];
	v10 =	vmul.f32 v10, v5;
	v12 =	vadd.f32 v12, v7  }
0x54: {  	s3 =	sand.u32 $0x300, s3;
	s22 =	sadd.s32 $0xA800, s22;
	s14 =	sor.u32 s4, s5;
	v11 =	vmul.f32 v11, v2;
	v7 =	vld [tilespmem:s13+$0x2980]  }
0x55: {  	v13 =	vmul.f32 v13, v3;
	v15 =	vmul.f32 v9, v6;
	v9 =	vld [tilespmem:s14+$0x2800];
	s13 =	sor.u32 s3, s22;
	v12 =	vadd.f32 v10, v12  }
0x56: {  	s3 =	sadd.s32 s15, s13;
	v10 =	vld [tilespmem:s14+$0x2880]  }
0x57: {  	v14 =	vmul.f32 v14, v4;
	v13 =	vadd.f32 v13, v11;
	v11 =	vld [tilespmem:s14+$0x2900];
	s15 =	simm.s32 $0x30;
	s19 =	sadd.s32 s19, s3;
	s3 =	simm.s32 $0x180;
	v12 =	vadd.f32 v15, v12  }
.LBB2_3:
0x58: {  	s26 =	sand.u32 $0x3C00, s3  }
0x59: {  	v15 =	vld [tilespmem:s14+$0x2A00];
	v13 =	vadd.f32 v14, v13;
	v14 =	vmul.f32 v7, v5;
	[tilespmem:s19+$0x0] =	vst v12;
	s28 =	smov.u32 s4;
	s4 =	sand.u32 $0x70, s15;
	p0 =	sne.s32 s15, $0x7F0  }
.Ltmp0:
0x5a: {  	s15 =	sadd.s32 $0x10, s15;
	v8 =	vmul.f32 v8, v6;
	v7 =	vld [tilespmem:s14+$0x2980];
	s14 =	sor.u32 s4, s26;
	(pc) =	sbr.rel @p0 .LBB2_3-.Ltmp0, $4  }
0x5b: {  	v12 =	vmul.f32 v9, v2;
	v9 =	vld [tilespmem:s14+$0x2800];
	v16 =	vmul.f32 v10, v3;
	v17 =	vadd.f32 v14, v13  }
0x5c: {  	v10 =	vld [tilespmem:s14+$0x2880]  }
0x5d: {  	s19 =	sadd.s32 s18, s13;
	s18 =	smov.u32 s5;
	s5 =	smov.u32 s26;
	v13 =	vadd.f32 v16, v12;
	v14 =	vmul.f32 v11, v4;
	v12 =	vadd.f32 v8, v17  }
0x5e: {  	s3 =	sadd.s32 $0x80, s3;
	s19 =	sadd.s32 s24, s19;
	s24 =	smov.u32 s28;
	v11 =	vld [tilespmem:s14+$0x2900];
	v8 =	vmov v15  }
0x5f: {  	_ = 	snop  }
0x60: {  	v15 =	vld [tilespmem:s14+$0x2980]  }
0x61: {  	v2 =	vmul.f32 v9, v2;
	v3 =	vmul.f32 v10, v3  }
0x62: {  	v9 =	vld [tilespmem:s14+$0x2A00]  }
0x63: {  	v2 =	vadd.f32 v3, v2;
	v3 =	vmul.f32 v11, v4  }
0x64: {  	v7 =	vmul.f32 v7, v5;
	v4 =	vadd.f32 v14, v13  }
0x65: {  	v2 =	vadd.f32 v3, v2;
	v3 =	vmul.f32 v15, v5  }
0x66: {  	v5 =	vmul.f32 v8, v6;
	v4 =	vadd.f32 v7, v4  }
0x67: {  	v6 =	vmul.f32 v9, v6;
	v2 =	vadd.f32 v3, v2  }
0x68: {  	s3 =	sadd.s32 s18, s13;
	v3 =	vadd.f32 v5, v4  }
0x69: {  	[tilespmem:s19+$0x0] =	vst v12;
	s5 =	sadd.s32 s5, s13;
	s3 =	sadd.s32 s24, s3;
	v2 =	vadd.f32 v6, v2  }
0x6a: {  	s13 =	sadd.s32 s4, s5;
	[tilespmem:s3+$0x0] =	vst v3  }
0x6b: {  	[tilespmem:s13+$0x0] =	vst v2  }
0x6c: {  	_ =	swait.ge [sflag:s17], $0x4000  }
0x6d: {  	p0 =	seq.s32 s20, $0x13;
	[sflag:s17] =	ssyncset.done $0x0  }
0x6e: {  	s3 =	sshrl.u32 @!p0 s23, $0x2;
	[sflag:s17] =	ssyncadd.s32 $0xFFFFC000  }
0x6f: {  	v2 =	vld.msk @!p0 [tilespmem:s3+$0x100], $0xff;
	_ =	sdelay $0x4  }
0x70: {  	v3 =	vshll.u32 @!p0 v2, $0x4  }
0x71: {  	v4 =	vlaneseq.u32 @!p0;
	v2 =	vand.u32 @!p0 $0x7, v2;
	v3 =	vand.u32 @!p0 $0xFFFFFF80, v3  }
0x72: {  	v2 =	vor.u32 @!p0 v2, v3;
	v3 =	vand.u32 @!p0 $0x7, v4;
	v4 =	vshrl.u32 @!p0 v4, $0x3  }
0x73: {  	v2 =	vperm.xlane @!p0 v2, v3;
	v3 =	vmul.u32 @!p0 $0x8, v4;
	_ =	sdelay $0x1  }
0x74: {  	v2 =	vadd.s32 @!p0 v3, v2;
	_ =	sdelay $0x3  }
0x75: {  	vm1 =	vmmov @!p0 $0xffff;
	s4 =	simm.s32 @!p0 $0x2800;
	s3 =	simm.s32 @!p0 $0x0  }
0x76: {  	[tilespmem:s4], [sflag:$0x1] =	stream.indirect_vreg.gather @!p0 [hbm4b:s1+s3], $0x80, v2, vm1, $0xb8;
	[tilespmem:$0x1E800] =	vst v63  }
0x77: {  	s4 =	simm.s32 @!p0 $0x3000  }
0x78: {  	[tilespmem:s4], [sflag:$0x1] =	stream.indirect_vreg.gather @!p0 [hbm4b:s6+s3], $0x80, v2, vm1, $0xb8;
	[tilespmem:$0x1E800] =	vst v63  }
0x79: {  	s4 =	simm.s32 @!p0 $0x3800  }
0x7a: {  	[tilespmem:s4], [sflag:$0x1] =	stream.indirect_vreg.gather @!p0 [hbm4b:s7+s3], $0x80, v2, vm1, $0xb8;
	[tilespmem:$0x1E800] =	vst v63  }
0x7b: {  	s4 =	simm.s32 @!p0 $0x4000  }
0x7c: {  	[tilespmem:s4], [sflag:$0x1] =	stream.indirect_vreg.gather @!p0 [hbm4b:s8+s3], $0x80, v2, vm1, $0xb8;
	[tilespmem:$0x1E800] =	vst v63  }
0x7d: {  	s4 =	simm.s32 @!p0 $0x4800  }
0x7e: {  	[tilespmem:s4], [sflag:$0x1] =	stream.indirect_vreg.gather @!p0 [hbm4b:s9+s3], $0x80, v2, vm1, $0xb8;
	[tilespmem:$0x1E800] =	vst v63  }
0x7f: {  	s4 =	simm.s32 @!p0 $0x5000  }
0x80: {  	[tilespmem:s4], [sflag:$0x1] =	stream.indirect_vreg.gather @!p0 [hbm4b:s10+s3], $0x80, v2, vm1, $0xb8;
	[tilespmem:$0x1E800] =	vst v63  }
0x81: {  	s4 =	simm.s32 @!p0 $0x5800  }
0x82: {  	[tilespmem:s4], [sflag:$0x1] =	stream.indirect_vreg.gather @!p0 [hbm4b:s11+s3], $0x80, v2, vm1, $0xb8;
	[tilespmem:$0x1E800] =	vst v63  }
0x83: {  	s14 =	simm.s32 $0x0;
	s4 =	simm.s32 @!p0 $0x6000  }
0x84: {  	[tilespmem:s4], [sflag:$0x1] =	stream.indirect_vreg.gather @!p0 [hbm4b:s12+s3], $0x80, v2, vm1, $0xb8;
	[tilespmem:$0x1E800] =	vst v63  }
0x85: {  	s19 =	sand.u32 $0x70, s14;
	s3 =	sand.u32 $0x3C00, s14  }
0x86: {  	v6 =	vld [tilespmem:s21+$0x1400];
	s15 =	sor.u32 s19, s3  }
0x87: {  	v5 =	vld [tilespmem:s15+$0x6800]  }
0x88: {  	s24 =	simm.s32 $0x80;
	s23 =	simm.s32 $0x10;
	v7 =	vld [tilespmem:s15+$0x6880]  }
0x89: {  	s18 =	sand.u32 $0x70, s23;
	s23 =	sand.u32 $0x3C00, s24  }
0x8a: {  	s13 =	sor.u32 s18, s23;
	v8 =	vld [tilespmem:s15+$0x6900]  }
0x8b: {  	v12 =	vld [tilespmem:s13+$0x6800];
	v2 =	vbroadcast v6, $0x0;
	v3 =	vbroadcast v6, $0x1  }
0x8c: {  	v11 =	vld [tilespmem:s15+$0x6980];
	v4 =	vbroadcast v6, $0x2  }
0x8d: {  	v13 =	vld [tilespmem:s13+$0x6880];
	v9 =	vmul.f32 v5, v2;
	v7 =	vmul.f32 v7, v3  }
0x8e: {  	v10 =	vld [tilespmem:s15+$0x6A00]  }
0x8f: {  	v5 =	vbroadcast v6, $0x3;
	v8 =	vmul.f32 v8, v4;
	v7 =	vadd.f32 v7, v9  }
0x90: {  	s26 =	simm.s32 $0x20;
	s28 =	simm.s32 $0x100;
	v14 =	vld [tilespmem:s13+$0x6900]  }
0x91: {  	s5 =	sand.u32 $0x3C00, s28;
	s4 =	sand.u32 $0x70, s26;
	v6 =	vbroadcast v6, $0x4;
	v9 =	vld [tilespmem:s13+$0x6A00];
	v11 =	vmul.f32 v11, v5;
	v15 =	vadd.f32 v8, v7  }
0x92: {  	s14 =	sor.u32 s4, s5;
	s15 =	sand.u32 $0x380, s21;
	v12 =	vmul.f32 v12, v2;
	v7 =	vld [tilespmem:s13+$0x6980]  }
0x93: {  	v13 =	vmul.f32 v13, v3;
	v16 =	vmul.f32 v10, v6;
	v10 =	vld [tilespmem:s14+$0x6880];
	s13 =	sadd.s32 s15, s22;
	v11 =	vadd.f32 v11, v15  }
0x94: {  	v8 =	vld [tilespmem:s14+$0x6800];
	s3 =	sadd.s32 s3, s13  }
0x95: {  	s21 =	simm.s32 $0x180;
	v14 =	vmul.f32 v14, v4;
	v13 =	vadd.f32 v13, v12;
	s15 =	simm.s32 $0x30;
	s3 =	sadd.s32 s19, s3;
	v12 =	vadd.f32 v16, v11;
	v11 =	vld [tilespmem:s14+$0x6900]  }
.LBB2_5:
0x96: {  	s19 =	sand.u32 $0x3C00, s21  }
0x97: {  	v15 =	vld [tilespmem:s14+$0x6A00];
	v13 =	vadd.f32 v14, v13;
	v14 =	vmul.f32 v7, v5;
	[tilespmem:s3+$0x0] =	vst v12;
	s22 =	smov.u32 s4;
	s4 =	sand.u32 $0x70, s15;
	p0 =	sne.s32 s15, $0x7F0  }
.Ltmp1:
0x98: {  	s15 =	sadd.s32 $0x10, s15;
	v9 =	vmul.f32 v9, v6;
	v7 =	vld [tilespmem:s14+$0x6980];
	s14 =	sor.u32 s4, s19;
	(pc) =	sbr.rel @p0 .LBB2_5-.Ltmp1, $4  }
0x99: {  	v12 =	vmul.f32 v8, v2;
	v8 =	vld [tilespmem:s14+$0x6800];
	v16 =	vmul.f32 v10, v3;
	v17 =	vadd.f32 v14, v13  }
0x9a: {  	v10 =	vld [tilespmem:s14+$0x6880]  }
0x9b: {  	s3 =	sadd.s32 s23, s13;
	s23 =	smov.u32 s5;
	s5 =	smov.u32 s19;
	v13 =	vadd.f32 v16, v12;
	v14 =	vmul.f32 v11, v4;
	v12 =	vadd.f32 v9, v17  }
0x9c: {  	s21 =	sadd.s32 $0x80, s21;
	s3 =	sadd.s32 s18, s3;
	s18 =	smov.u32 s22;
	v11 =	vld [tilespmem:s14+$0x6900];
	v9 =	vmov v15  }
0x9d: {  	_ = 	snop  }
0x9e: {  	v15 =	vld [tilespmem:s14+$0x6980]  }
0x9f: {  	v2 =	vmul.f32 v8, v2;
	v3 =	vmul.f32 v10, v3  }
0xa0: {  	v60 =	vld [tilespmem:s14+$0x6A00]  }
0xa1: {  	v2 =	vadd.f32 v3, v2;
	v3 =	vmul.f32 v11, v4  }
0xa2: {  	v61 =	vadd.f32 v14, v13;
	v7 =	vmul.f32 v7, v5  }
0xa3: {  	s20 =	sadd.s32 $0x1, s20;
	v2 =	vadd.f32 v3, v2;
	v3 =	vmul.f32 v15, v5  }
0xa4: {  	v62 =	vmul.f32 v9, v6;
	p0 =	sne.s32 s20, $0x14;
	v4 =	vadd.f32 v7, v61  }
.Ltmp2:
0xa5: {  	v63 =	vmul.f32 v60, v6;
	v2 =	vadd.f32 v3, v2;
	(pc) =	sbr.rel @p0 .LBB2_2-.Ltmp2, $4  }
0xa6: {  	s24 =	sadd.s32 s23, s13;
	v3 =	vadd.f32 v62, v4  }
0xa7: {  	[tilespmem:s3+$0x0] =	vst v12;
	s5 =	sadd.s32 s5, s13;
	s26 =	sadd.s32 s18, s24;
	v2 =	vadd.f32 v63, v2  }
0xa8: {  	s28 =	sadd.s32 s4, s5;
	[tilespmem:s26+$0x0] =	vst v3  }
0xa9: {  	[tilespmem:s28+$0x0] =	vst v2  }
0xaa: {  	s13 =	simm.s32 $0x0;
	s3 =	rddreg [dreg:$0x6];
	s4 =	simm.s32 $0xA800  }
0xab: {  	[hbm4b:s3+s13] =	stream.linear.scatter [tilespmem:s4], [sflag:$0x3], $0x14000, $0x38;
	[tilespmem:$0x1E800] =	vst v63  }
0xac: {  	s4 =	simm.s32 $0x3  }
0xad: {  	_ =	swait.ge [sflag:s4], $0x14000  }
0xae: {  	s5 =	rddreg [dreg:$0x8]  }
0xaf: {  	s28 =	rddreg [dreg:$0x7];
	s5 =	sadd.s32 $0x1, s5  }
0xb0: {  	p0 =	sne.s32 s5, s28  }
.Ltmp3:
0xb1: {  	_ = 	snop;
	(pc) =	sbr.rel @p0 .LBB2_1-.Ltmp3, $3  }
0xb2: {  	_ =	sdelay $0x1  }
0xb3: {  	[sflag:s4] =	ssyncset.done $0x0  }
0xb4: {  	[sflag:s4] =	ssyncadd.s32 $0xFFFEC000  }
0xb5: {  	_ =	sfence.sel $0x180000  }
0xb6: {  	[bflag:$0x0] =	sbarrier.arrive $0xFFFF  }
0xb7: {  	_ =	strace $0x9000004D  }
0xb8: {  	s0 =	stileid.u32;
	[bflag:$0x2] =	sbarrier.arrive $0xFFFF  }
0xb9: {  	p0 =	sne.s32 s0, $0x0;
	s0 =	rddreg [dreg:$0x3]  }
0xba: {  	s0 =	sadd.s32 @!p0 $0x100000, s0  }
0xbb: {  	[sflag:s0] =	ssyncadd.tile.s32 @!p0 $0x1;
	_ =	shalt  }
.Lfunc_end2:
_tile_overlayer_lowered:
.L_overlay_start_2:
0xbc: {  	(tag) =	ssettag $0x2  }
0xbd: {  	s0 =	rddreg [dreg:$0x0];
	s2 =	stileid.u32  }
0xbe: {  	s1 =	rddreg [dreg:$0x1];
	p0 =	sne.s32 s2, $0x0  }
0xbf: {  	s3 =	rddreg [dreg:$0x2];
	[bflag:$0x3] =	sbarrier.arrive $0xFFFF;
	s2 =	simm.s32 @!p0 $0x1C03  }
0xc0: {  	[timem:s3], [sflag:s2] =	dma.local @!p0 [hbm:s0], s1  }
0xc1: {  	s0 =	simm.s32 @!p0 $0x3  }
0xc2: {  	_ =	swait.ge @!p0 [sflag:s0], s1  }
0xc3: {  	s1 =	ssub.s32 @!p0 $0x0, s1;
	[sflag:s0] =	ssyncset.done @!p0 $0x0  }
0xc4: {  	[sflag:s0] =	ssyncadd.s32 @!p0 s1  }
0xc5: {  	[bflag:$0x3] =	sbarrier.arrive $0xFFFF  }
0xc6: {  	_ =	shalt  }

// kernel: kernel.7.cloned.1.call-start
scs
__scs_entry_jumppad:
0x0: {  	(pc) =	sbr.rel $0x88, $3  }
0x1: {  	(tag) =	ssettag $0x0;
	lr =	simm.s32 $0x1  }
0x2: {  	[smem:$0x3F9F] =	sst lr;
	_ =	strace $0xD0000000  }
0x3: {  	_ = 	snop  }
0x4: {  	_ = 	snop  }
0x5: {  	_ = 	snop  }
0x6: {  	_ = 	snop  }
0x7: {  	_ = 	snop  }
__scs_overlays_trampoline_lowered:
0x8: {  	[smem:$0x3FAE] =	sst s0  }
0x9: {  	[smem:$0x3FAF] =	sst s1  }
0xa: {  	[smem:$0x3FB0] =	sst s2  }
0xb: {  	[smem:$0x3FB1] =	sst s3  }
0xc: {  	[smem:$0x3FB2] =	sst s4  }
0xd: {  	[smem:$0x3FB3] =	sst s5  }
0xe: {  	[smem:$0x3FB4] =	sst s6  }
0xf: {  	[smem:$0x3FB5] =	sst s7  }
0x10: {  	[smem:$0x3FB6] =	sst s8  }
0x11: {  	[smem:$0x3FB7] =	sst s9;
	s0 =	simm.s32 @!p0 $0x0  }
0x12: {  	s1 =	sld [smem:$0x3F9D];
	s0 =	simm.s32 @p0 $0x1  }
0x13: {  	[smem:$0x3FB8] =	sst s0;
	s0 =	simm.s32 @!p1 $0x0  }
0x14: {  	s2 =	sld [smem:$0x3F9C];
	s0 =	simm.s32 @p1 $0x1  }
0x15: {  	[smem:$0x3FB9] =	sst s0;
	s0 =	simm.s32 @!p2 $0x0  }
0x16: {  	s3 =	sld [smem:$0x3FDB];
	s0 =	simm.s32 @p2 $0x1  }
0x17: {  	s4 =	simm.s32 $0x1BF5;
	[smem:$0x3FBB] =	sst s0  }
0x18: {  	s0 =	sld [smem:$0x3F9E];
	_ =	swait.ge [sflag:s4], $0x0  }
0x19: {  	s7 =	sld [smem:$0x3F9F]  }
0x1a: {  	s8 =	sadd.s32 $0xFFFFE003, lr  }
0x1b: {  	s9 =	sadd.s32 $0xFFFFFEF7, lr;
	s5 =	simm.s32 $0xFFFFFFFF;
	p2 =	slt.u32 s8, $0xFFFFF086  }
0x1c: {  	p1 =	slt.u32 s9, $0xF7A;
	s5 =	simm.s32 @!p2 $0x0  }
0x1d: {  	s5 =	simm.s32 @p1 $0x1;
	p0 =	seq.s32 s7, s2  }
0x1e: {  	s7 =	smul.u32 @!p0 $0xF7A, s2;
	p2 =	seq.s32 @!p0 s5, $0x0  }
0x1f: {  	s9 =	smul.u32 $0xF7A, s1;
	s8 =	simm.s32 @!p0 $0x1BF5;
	p2 =	por !p2, p0  }
0x20: {  	[sflag:s8] =	ssyncset.s32 @!p0 $0xFFFFF086;
	s6 =	sadd.s32 @!p0 s3, s7;
	s7 =	simm.s32 @!p0 $0x108  }
0x21: {  	s3 =	sadd.s32 s3, s9;
	s6 =	sadd.s32 @!p0 $0x88, s6;
	s7 =	simm.s32 @p2 $0x1082  }
0x22: {  	[simem:s7], [sflag:s8] =	dma.local @!p0 [hbm:s6], $0xF7A  }
0x23: {  	s9 =	sor.u32 $0xD0000000, s2;
	s6 =	simm.s32 $0x108;
	_ =	swait.ge @!p0 [sflag:s8], $0x0  }
0x24: {  	s3 =	sadd.s32 $0x88, s3;
	s6 =	simm.s32 @!p1 $0x1082;
	[sflag:s4] =	ssyncset.s32 $0xFFFFF086  }
0x25: {  	[simem:s6], [sflag:s4] =	dma.local [hbm:s3], $0xF7A  }
0x26: {  	[smem:$0x3F9F] =	sst s1;
	(tag) =	ssettag s2;
	_ =	strace s9  }
0x27: {  	s1 =	sld [smem:$0x3FAF]  }
0x28: {  	s2 =	sld [smem:$0x3FB0]  }
0x29: {  	s4 =	sld [smem:$0x3FB2]  }
0x2a: {  	p0 =	seq.s32 s5, $0x0;
	s5 =	sld [smem:$0x3FB3]  }
0x2b: {  	s6 =	sld [smem:$0x3FB4]  }
0x2c: {  	s7 =	sld [smem:$0x3FB5]  }
0x2d: {  	s3 =	simm.s32 $0x108;
	s8 =	sld [smem:$0x3FB6]  }
0x2e: {  	s3 =	simm.s32 @!p0 $0x1082;
	s9 =	sld [smem:$0x3FB7]  }
0x2f: {  	lr =	sadd.s32 s0, s3;
	s0 =	sld [smem:$0x3FAE]  }
0x30: {  	s3 =	sld [smem:$0x3FB1]  }
0x31: {  	[smem:$0x3FBA] =	sst s10  }
0x32: {  	s10 =	sld [smem:$0x3FB8];
	_ =	sdelay $0x3  }
0x33: {  	p0 =	seq.s32 s10, $0x1;
	s10 =	sld [smem:$0x3FBA];
	_ =	sdelay $0x3  }
0x34: {  	[smem:$0x3FBA] =	sst s10  }
0x35: {  	s10 =	sld [smem:$0x3FB9];
	_ =	sdelay $0x3  }
0x36: {  	p1 =	seq.s32 s10, $0x1;
	s10 =	sld [smem:$0x3FBA];
	_ =	sdelay $0x3  }
0x37: {  	[smem:$0x3FBA] =	sst s10  }
0x38: {  	s10 =	sld [smem:$0x3FBB]  }
0x39: {  	_ = 	snop;
	(pc) =	sbr.ind lr, $3  }
0x3a: {  	_ = 	snop  }
0x3b: {  	_ = 	snop  }
0x3c: {  	p2 =	seq.s32 s10, $0x1;
	s10 =	sld [smem:$0x3FBA]  }
0x3d: {  	_ =	shalt  }
0x3e: {  	_ =	shalt  }
0x3f: {  	_ =	shalt  }
0x40: {  	_ =	shalt  }
0x41: {  	_ =	shalt  }
0x42: {  	_ =	shalt  }
0x43: {  	_ =	shalt  }
0x44: {  	_ =	shalt  }
0x45: {  	_ =	shalt  }
0x46: {  	_ =	shalt  }
0x47: {  	_ =	shalt  }
0x48: {  	_ =	shalt  }
0x49: {  	_ =	shalt  }
0x4a: {  	_ =	shalt  }
0x4b: {  	_ =	shalt  }
0x4c: {  	_ =	shalt  }
0x4d: {  	_ =	shalt  }
0x4e: {  	_ =	shalt  }
0x4f: {  	_ =	shalt  }
0x50: {  	_ =	shalt  }
0x51: {  	_ =	shalt  }
0x52: {  	_ =	shalt  }
0x53: {  	_ =	shalt  }
0x54: {  	_ =	shalt  }
0x55: {  	_ =	shalt  }
0x56: {  	_ =	shalt  }
0x57: {  	_ =	shalt  }
0x58: {  	_ =	shalt  }
0x59: {  	_ =	shalt  }
0x5a: {  	_ =	shalt  }
0x5b: {  	_ =	shalt  }
0x5c: {  	_ =	shalt  }
0x5d: {  	_ =	shalt  }
0x5e: {  	_ =	shalt  }
0x5f: {  	_ =	shalt  }
0x60: {  	_ =	shalt  }
0x61: {  	_ =	shalt  }
0x62: {  	_ =	shalt  }
0x63: {  	_ =	shalt  }
0x64: {  	_ =	shalt  }
0x65: {  	_ =	shalt  }
0x66: {  	_ =	shalt  }
0x67: {  	_ =	shalt  }
0x68: {  	_ =	shalt  }
0x69: {  	_ =	shalt  }
0x6a: {  	_ =	shalt  }
0x6b: {  	_ =	shalt  }
0x6c: {  	_ =	shalt  }
0x6d: {  	_ =	shalt  }
0x6e: {  	_ =	shalt  }
0x6f: {  	_ =	shalt  }
0x70: {  	_ =	shalt  }
0x71: {  	_ =	shalt  }
0x72: {  	_ =	shalt  }
0x73: {  	_ =	shalt  }
0x74: {  	_ =	shalt  }
0x75: {  	_ =	shalt  }
0x76: {  	_ =	shalt  }
0x77: {  	_ =	shalt  }
0x78: {  	_ =	shalt  }
0x79: {  	_ =	shalt  }
0x7a: {  	_ =	shalt  }
0x7b: {  	_ =	shalt  }
0x7c: {  	_ =	shalt  }
0x7d: {  	_ =	shalt  }
0x7e: {  	_ =	shalt  }
0x7f: {  	_ =	shalt  }
0x80: {  	_ =	shalt  }
0x81: {  	_ =	shalt  }
0x82: {  	_ =	shalt  }
0x83: {  	_ =	shalt  }
0x84: {  	_ =	shalt  }
0x85: {  	_ =	shalt  }
0x86: {  	_ =	shalt  }
0x87: {  	_ =	shalt  }
.Lfunc_end0:
.L_simem_size_0:
called_computation_lowered:
.L_overlay_start_0:
0x88: {  	s2 =	sld [smem:$0x3FD9]  }
0x89: {  	s3 =	sld [smem:$0x3FFE];
	_ =	sdelay $0x1  }
0x8a: {  	s1 =	srdreg.scid  }
0x8b: {  	s0 =	sand.u32 $0x1, s1  }
0x8c: {  	s17 =	sshll.u32 s0, $0xA;
	s2 =	sadd.s32 s3, s2  }
0x8d: {  	s2 =	sadd.s32 s2, s17  }
0x8e: {  	[smem:$0x3FC6] =	sst s2  }
0x8f: {  	_ = 	snop  }
0x90: {  	s2 =	sld [smem:$0x3FC9]  }
0x91: {  	s18 =	sld [smem:$0x3FC8];
	(tm) =	ssettm $0x1  }
0x92: {  	s4 =	sld [smem:$0x3FFB];
	_ =	sdelay $0x3  }
0x93: {  	_ =	strace s4  }
0x94: {  	s4 =	sld [smem:$0x3FFC];
	_ =	sdelay $0x3  }
0x95: {  	_ =	strace s4  }
0x96: {  	s4 =	sld [smem:$0x3FFD];
	_ =	sdelay $0x3  }
0x97: {  	_ =	strace s4  }
0x98: {  	_ =	strace $0x8FFFFFFF  }
0x99: {  	s19 =	sld [smem:$0x3FDB];
	_ =	sdelay $0x1  }
0x9a: {  	s5 =	simm.s32 $_scs_section_size  }
0x9b: {  	s6 =	simm.s32 $_size__tile_overlayer_lowered;
	s7 =	simm.s32 $_tile_overlayer_lowered  }
0x9c: {  	s22 =	simm.s32 $0x1BFF;
	s21 =	sshll.u32 s7, $0x1;
	s4 =	sadd.s32 s5, s19  }
0x9d: {  	s8 =	simm.s32 $0x0;
	s20 =	sshll.u32 s6, $0x1;
	s6 =	sadd.s32 s21, s4  }
0x9e: {  	[timem:s8], [sflag:s22] =	dma.local [hbm:s6], s20  }
0x9f: {  	_ =	swait.ge [sflag:s22], s20  }
0xa0: {  	s5 =	ssub.s32 $0x0, s20;
	[sflag:s22] =	ssyncset.done $0x0  }
0xa1: {  	[sflag:s22] =	ssyncadd.s32 s5;
	_ =	sdelay $0x1  }
0xa2: {  	s23 =	simm.s32 $0x1B8B  }
0xa3: {  	_ =	swait.ge [sflag:s23], $0x1  }
0xa4: {  	[sflag:s23] =	ssyncset.done $0x0  }
0xa5: {  	s25 =	simm.s32 $0x1B8E;
	s24 =	sld [smem:$0x3FFE];
	[sflag:s23] =	ssyncadd.s32 $0xFFFFFFFF  }
0xa6: {  	s26 =	simm.s32 $execute0_lowered;
	[smem:$0x3FD2] =	sst s25  }
0xa7: {  	s6 =	sshll.u32 s26, $0x1;
	_ =	strace $0x80000046;
	[dreg:$0x1] =	wrdreg $0xFFFFFFFF  }
0xa8: {  	s28 =	simm.s32 $_size_execute0_lowered;
	s4 =	sadd.s32 s4, s6;
	[dreg:$0x0] =	wrdreg $0x0  }
0xa9: {  	s6 =	sshll.u32 s28, $0x1;
	[dreg:$0x2] =	wrdreg s4  }
0xaa: {  	[dreg:$0x3] =	wrdreg s6  }
0xab: {  	[dreg:$0x4] =	wrdreg $0xC0  }
0xac: {  	_ =	task [dreg:s8], $0x5FFFF  }
0xad: {  	[dreg:$0x1] =	wrdreg $0xFFFFFFFF  }
0xae: {  	[dreg:$0x0] =	wrdreg $0x60  }
0xaf: {  	[dreg:$0x2] =	wrdreg s2  }
0xb0: {  	[dreg:$0x3] =	wrdreg s18  }
0xb1: {  	[dreg:$0x4] =	wrdreg s24  }
0xb2: {  	[dreg:$0x5] =	wrdreg $0x9  }
0xb3: {  	_ =	task.clear_ibuf [dreg:s8], $0x6FFFF;
	_ =	strace $0x90000046  }
0xb4: {  	s29 =	simm.s32 $0x9;
	_ =	strace $0x80000048  }
0xb5: {  	_ =	swait.ge [sflag:s29], $0x1  }
0xb6: {  	[sflag:s29] =	ssyncadd.s32 $0xFFFFFFFF  }
0xb7: {  	_ =	strace $0x90000048  }
0xb8: {  	_ =	sfence  }
0xb9: {  	s30 =	sld [smem:$0x0];
	_ =	sdelay $0x2  }
0xba: {  	s31 =	sshll.u32 s1, $0xD;
	s1 =	sshrl.u32 s1, $0x2  }
0xbb: {  	s3 =	sand.u32 $0x4000, s31;
	s1 =	sadd.s32 s1, s30  }
0xbc: {  	s0 =	sor.u32 s3, s0;
	s1 =	sshll.u32 s1, $0x11  }
0xbd: {  	s0 =	sor.u32 s1, s0  }
0xbe: {  	s0 =	sadd.s32 $0x8F2B, s0  }
0xbf: {  	[sflag:s0] =	ssyncadd.remote.s32 $0x1  }
0xc0: {  	_ =	sfence.sel $0xFFFF  }
0xc1: {  	[dreg:$0x0] =	wrdreg $0xFFFFFFFF;
	(pc) =	sbr.abs _section_cstart, $3  }
0xc2: {  	[dreg:$0x1] =	wrdreg $0xFFFFFFFF  }
0xc3: {  	_ =	task.clear_ibuf [dreg:s8], $0x2FFFF;
	_ =	strace $0x9FFFFFFF  }
0xc4: {  	(tm) =	ssettm $0x7FFFFFFF  }
0xc5: {  	_ =	shalt  }
tec
execute0_lowered:
.L_overlay_start_1:
0x0: {  	(tag) =	ssettag $0x1  }
0x1: {  	s1 =	rddreg [dreg:$0x0]  }
0x2: {  	s3 =	rddreg [dreg:$0x1];
	s0 =	srdreg.scid  }
0x3: {  	s8 =	stileid.u32;
	s2 =	rddreg [dreg:$0x2]  }
0x4: {  	s7 =	simm.s32 $0x1;
	s12 =	simm.s32 $0x400;
	s13 =	simm.s32 $0x4000  }
0x5: {  	s14 =	simm.s32 $0x2;
	s15 =	simm.s32 $0x4080;
	s16 =	simm.s32 $0x8080  }
0x6: {  	s17 =	simm.s32 $0x3;
	s18 =	simm.s32 $0x4;
	s21 =	simm.s32 $0x5  }
0x7: {  	s22 =	simm.s32 $0x0;
	s0 =	sand.u32 $0x1, s0;
	s4 =	sshll.u32 s8, $0x1  }
0x8: {  	s6 =	sshrl.u32 s8, $0x2;
	s5 =	sor.u32 s0, s4;
	p0 =	seq.s32 s0, $0x1  }
0x9: {  	s4 =	simm.s32 $0x0;
	s6 =	smul.u32 $0xA0000, s6;
	p1 =	seq.s32 s5, $0x0  }
0xa: {  	s29 =	ssub.s32 $0x2, s0;
	s0 =	sshll.u32 s0, $0x6;
	p0 =	por !p1, !p0  }
0xb: {  	s5 =	sshll.u32 s5, $0x7;
	[smem:$0x7FF] =	sst s4;
	p0 =	por !p0, !p0  }
0xc: {  	s30 =	sshrl.u32 s29, $0x1;
	s5 =	sand.u32 $0x380, s5;
	s7 =	simm.s32 @!p0 $0x0  }
0xd: {  	s10 =	sor.u32 $0x400, s0;
	s5 =	sor.u32 s6, s5;
	s26 =	ssub.s32 s8, s7  }
0xe: {  	s11 =	sor.u32 $0x4480, s0;
	s28 =	sshrl.u32 s5, $0x3;
	s5 =	sshll.u32 s26, $0xA  }
0xf: {  	_ =	strace $0x80000047;
	s9 =	ssub.s32 s29, s30;
	s31 =	sshrl.u32 s5, $0x3  }
0x10: {  	s6 =	simm.s32 $0x1;
	s2 =	sadd.s32 s28, s2;
	s7 =	sadd.s32 s1, s31  }
0x11: {  	v0 =	vimm.f32 $0.0e+00;
	s9 =	smax.u32 s9, $0x1;
	s8 =	sadd.s32 $0x1A00, s2;
	[dreg:$0x4] =	wrdreg s7  }
.LBB2_1:
0x12: {  	s0 =	simm.s32 $0x40;
	s2 =	simm.s32 $0x0  }
.LBB2_2:
0x13: {  	p0 =	sne.s32 s0, $0x4FFC0;
	[tilespmem:s2+$0x8100] =	vst v0;
	s2 =	smov.u32 s0;
	s0 =	sadd.s32 $0x40, s0  }
.Ltmp0:
0x14: {  	(pc) =	sbr.rel @p0 .LBB2_2-.Ltmp0, $2  }
0x15: {  	_ =	sdelay $0x2  }
0x16: {  	s2 =	sshra.s32 s2, $0x2  }
0x17: {  	[tilespmem:s2+$0x8100] =	vst v0;
	s0 =	rddreg [dreg:$0x4]  }
0x18: {  	[tilespmem:s22], [sflag:$0x1] =	stream.strided.gather [hbm4b:s0+s12], $0x4000, s13, s12, $0x38;
	[tilespmem:$0x1C100] =	vst v63  }
0x19: {  	s23 =	simm.s32 $0x0  }
0x1a: {  	[tilespmem:s13], [sflag:$0x2] =	stream.linear.gather [hbm4b:s3+s22], $0x80, $0x38;
	[tilespmem:$0x1C100] =	vst v63  }
.LBB2_4:
0x1b: {  	s24 =	sshll.u32 s23, $0x8;
	_ =	swait.ge [sflag:s6], $0x4000  }
0x1c: {  	[sflag:s6] =	ssyncset.done $0x0;
	s0 =	sor.u32 $0x80, s24  }
0x1d: {  	[sflag:s6] =	ssyncadd.s32 $0xFFFFC000;
	s2 =	sshll.u32 s0, $0xB  }
0x1e: {  	_ =	swait.ge [sflag:s14], $0x80;
	s2 =	sadd.s32 s5, s2  }
0x1f: {  	[sflag:s14] =	ssyncset.done $0x0;
	s2 =	sshrl.u32 s2, $0x3  }
0x20: {  	s0 =	sshrl.u32 s0, $0x3;
	[sflag:s14] =	ssyncadd.s32 $0xFFFFFF80;
	s2 =	sadd.s32 s1, s2  }
0x21: {  	[tilespmem:s15], [sflag:$0x3] =	stream.strided.gather [hbm4b:s2+s12], $0x4000, s13, s12, $0x38;
	[tilespmem:$0x1C100] =	vst v63  }
0x22: {  	s26 =	simm.s32 $0x0;
	s0 =	sadd.s32 s3, s0  }
0x23: {  	[tilespmem:s16], [sflag:$0x4] =	stream.linear.gather [hbm4b:s0+s22], $0x80, $0x38;
	[tilespmem:$0x1C100] =	vst v63  }
0x24: {  	v1 =	vld [tilespmem:s26+$0x4000];
	_ =	sdelay $0x4  }
0x25: {  	v1 =	vshll.u32 v1, $0x8  }
0x26: {  	v3 =	vshra.s32 v1, $0x2  }
0x27: {  	(v2sf) =	vpush v3, $0x0;
	_ =	sdelay $0xa  }
0x28: {  	v1 =	vld [tilespmem:s10+$0xFFFFFC00];
	_ =	sdelay $0x3  }
0x29: {  	s2 =	spop (v2sf)  }
0x2a: {  	[tilespmem:s2+$0x8100] =	vst.add.f32.msk $0xffff, v1  }
0x2b: {  	v1 =	vld [tilespmem:s10+$0xFFFFFC10];
	_ =	sdelay $0x4  }
0x2c: {  	[tilespmem:s2+$0x8110] =	vst.add.f32.msk $0xffff, v1  }
0x2d: {  	(v2sf) =	vpush v3, $0x5;
	v1 =	vld [tilespmem:s10+$0xFFFFFC20]  }
0x2e: {  	(v2sf) =	vpush v3, $0x1;
	_ =	sdelay $0x3  }
0x2f: {  	[tilespmem:s2+$0x8120] =	vst.add.f32.msk $0xffff, v1  }
0x30: {  	v1 =	vld [tilespmem:s10+$0xFFFFFC30];
	_ =	sdelay $0x4  }
0x31: {  	[tilespmem:s2+$0x8130] =	vst.add.f32.msk $0xffff, v1  }
0x32: {  	v1 =	vld [tilespmem:s10+$0xFFFFFC80];
	_ =	sdelay $0x2  }
0x33: {  	s0 =	spop (v2sf)  }
0x34: {  	s7 =	spop (v2sf)  }
0x35: {  	[tilespmem:s7+$0x8100] =	vst.add.f32.msk $0xffff, v1  }
0x36: {  	v1 =	vld [tilespmem:s10+$0xFFFFFC90];
	_ =	sdelay $0x4  }
0x37: {  	[tilespmem:s7+$0x8110] =	vst.add.f32.msk $0xffff, v1  }
0x38: {  	v1 =	vld [tilespmem:s10+$0xFFFFFCA0]  }
0x39: {  	(v2sf) =	vpush v3, $0x2;
	_ =	sdelay $0x3  }
0x3a: {  	[tilespmem:s7+$0x8120] =	vst.add.f32.msk $0xffff, v1  }
0x3b: {  	v1 =	vld [tilespmem:s10+$0xFFFFFCB0];
	_ =	sdelay $0x4  }
0x3c: {  	[tilespmem:s7+$0x8130] =	vst.add.f32.msk $0xffff, v1  }
0x3d: {  	v1 =	vld [tilespmem:s10+$0xFFFFFD00];
	_ =	sdelay $0x3  }
0x3e: {  	s19 =	spop (v2sf)  }
0x3f: {  	[tilespmem:s19+$0x8100] =	vst.add.f32.msk $0xffff, v1  }
0x40: {  	v1 =	vld [tilespmem:s10+$0xFFFFFD10];
	_ =	sdelay $0x4  }
0x41: {  	[tilespmem:s19+$0x8110] =	vst.add.f32.msk $0xffff, v1  }
0x42: {  	v1 =	vld [tilespmem:s10+$0xFFFFFD20]  }
0x43: {  	(v2sf) =	vpush v3, $0x3;
	_ =	sdelay $0x3  }
0x44: {  	[tilespmem:s19+$0x8120] =	vst.add.f32.msk $0xffff, v1  }
0x45: {  	v1 =	vld [tilespmem:s10+$0xFFFFFD30];
	_ =	sdelay $0x4  }
0x46: {  	[tilespmem:s19+$0x8130] =	vst.add.f32.msk $0xffff, v1  }
0x47: {  	v1 =	vld [tilespmem:s10+$0xFFFFFD80];
	_ =	sdelay $0x3  }
0x48: {  	s20 =	spop (v2sf)  }
0x49: {  	[tilespmem:s20+$0x8100] =	vst.add.f32.msk $0xffff, v1  }
0x4a: {  	v1 =	vld [tilespmem:s10+$0xFFFFFD90];
	_ =	sdelay $0x4  }
0x4b: {  	[tilespmem:s20+$0x8110] =	vst.add.f32.msk $0xffff, v1  }
0x4c: {  	v1 =	vld [tilespmem:s10+$0xFFFFFDA0]  }
0x4d: {  	(v2sf) =	vpush v3, $0x4;
	_ =	sdelay $0x3  }
0x4e: {  	[tilespmem:s20+$0x8120] =	vst.add.f32.msk $0xffff, v1  }
0x4f: {  	v1 =	vld [tilespmem:s10+$0xFFFFFDB0];
	_ =	sdelay $0x4  }
0x50: {  	[tilespmem:s20+$0x8130] =	vst.add.f32.msk $0xffff, v1  }
0x51: {  	v1 =	vld [tilespmem:s10+$0xFFFFFE00];
	_ =	sdelay $0x3  }
0x52: {  	s25 =	spop (v2sf)  }
0x53: {  	[tilespmem:s25+$0x8100] =	vst.add.f32.msk $0xffff, v1  }
0x54: {  	v1 =	vld [tilespmem:s10+$0xFFFFFE10];
	_ =	sdelay $0x4  }
0x55: {  	[tilespmem:s25+$0x8110] =	vst.add.f32.msk $0xffff, v1  }
0x56: {  	s19 =	simm.s32 $0x10;
	v1 =	vld [tilespmem:s10+$0xFFFFFE20]  }
0x57: {  	v2 =	vld [tilespmem:s19+$0x4000];
	_ =	sdelay $0x3  }
0x58: {  	[tilespmem:s25+$0x8120] =	vst.add.f32.msk $0xffff, v1  }
0x59: {  	v1 =	vshll.u32 v2, $0x8;
	v4 =	vld [tilespmem:s10+$0xFFFFFE30]  }
0x5a: {  	v1 =	vshra.s32 v1, $0x2  }
0x5b: {  	(v2sf) =	vpush v1, $0x0;
	_ =	sdelay $0x2  }
0x5c: {  	[tilespmem:s25+$0x8130] =	vst.add.f32.msk $0xffff, v4  }
0x5d: {  	v2 =	vld [tilespmem:s10+$0xFFFFFE80];
	_ =	sdelay $0x4  }
0x5e: {  	[tilespmem:s0+$0x8100] =	vst.add.f32.msk $0xffff, v2  }
0x5f: {  	s25 =	sadd.s32 $0x800, s10;
	v2 =	vld [tilespmem:s10+$0xFFFFFE90]  }
0x60: {  	v4 =	vld [tilespmem:s25+$0xFFFFFC00];
	_ =	sdelay $0x3  }
0x61: {  	s26 =	spop (v2sf);
	[tilespmem:s0+$0x8110] =	vst.add.f32.msk $0xffff, v2  }
0x62: {  	[tilespmem:s26+$0x8100] =	vst.add.f32.msk $0xffff, v4  }
0x63: {  	v2 =	vld [tilespmem:s10+$0xFFFFFEA0]  }
0x64: {  	v4 =	vld [tilespmem:s25+$0xFFFFFC10]  }
0x65: {  	(v2sf) =	vpush v1, $0x5  }
0x66: {  	(v2sf) =	vpush v3, $0x6;
	_ =	sdelay $0x1  }
0x67: {  	[tilespmem:s0+$0x8120] =	vst.add.f32.msk $0xffff, v2  }
0x68: {  	[tilespmem:s26+$0x8110] =	vst.add.f32.msk $0xffff, v4  }
0x69: {  	v2 =	vld [tilespmem:s10+$0xFFFFFEB0]  }
0x6a: {  	v4 =	vld [tilespmem:s25+$0xFFFFFC20];
	_ =	sdelay $0x2  }
0x6b: {  	(v2sf) =	vpush v1, $0x1  }
0x6c: {  	[tilespmem:s0+$0x8130] =	vst.add.f32.msk $0xffff, v2  }
0x6d: {  	[tilespmem:s26+$0x8120] =	vst.add.f32.msk $0xffff, v4  }
0x6e: {  	v2 =	vld [tilespmem:s10+$0xFFFFFF00]  }
0x6f: {  	v4 =	vld [tilespmem:s25+$0xFFFFFC30];
	_ =	sdelay $0x1  }
0x70: {  	s0 =	spop (v2sf)  }
0x71: {  	s7 =	spop (v2sf)  }
0x72: {  	[tilespmem:s7+$0x8100] =	vst.add.f32.msk $0xffff, v2  }
0x73: {  	[tilespmem:s26+$0x8130] =	vst.add.f32.msk $0xffff, v4  }
0x74: {  	v2 =	vld [tilespmem:s10+$0xFFFFFF10]  }
0x75: {  	v4 =	vld [tilespmem:s25+$0xFFFFFC80];
	_ =	sdelay $0x3  }
0x76: {  	s20 =	spop (v2sf);
	[tilespmem:s7+$0x8110] =	vst.add.f32.msk $0xffff, v2  }
0x77: {  	[tilespmem:s20+$0x8100] =	vst.add.f32.msk $0xffff, v4  }
0x78: {  	v2 =	vld [tilespmem:s10+$0xFFFFFF20]  }
0x79: {  	v4 =	vld [tilespmem:s25+$0xFFFFFC90];
	_ =	sdelay $0x1  }
0x7a: {  	(v2sf) =	vpush v3, $0x7;
	_ =	sdelay $0x1  }
0x7b: {  	[tilespmem:s7+$0x8120] =	vst.add.f32.msk $0xffff, v2  }
0x7c: {  	[tilespmem:s20+$0x8110] =	vst.add.f32.msk $0xffff, v4  }
0x7d: {  	v2 =	vld [tilespmem:s10+$0xFFFFFF30]  }
0x7e: {  	v4 =	vld [tilespmem:s25+$0xFFFFFCA0];
	_ =	sdelay $0x2  }
0x7f: {  	(v2sf) =	vpush v1, $0x2  }
0x80: {  	[tilespmem:s7+$0x8130] =	vst.add.f32.msk $0xffff, v2  }
0x81: {  	[tilespmem:s20+$0x8120] =	vst.add.f32.msk $0xffff, v4  }
0x82: {  	v2 =	vld [tilespmem:s10+$0xFFFFFF80]  }
0x83: {  	v4 =	vld [tilespmem:s25+$0xFFFFFCB0];
	_ =	sdelay $0x2  }
0x84: {  	s26 =	spop (v2sf)  }
0x85: {  	[tilespmem:s26+$0x8100] =	vst.add.f32.msk $0xffff, v2  }
0x86: {  	[tilespmem:s20+$0x8130] =	vst.add.f32.msk $0xffff, v4  }
0x87: {  	v2 =	vld [tilespmem:s10+$0xFFFFFF90]  }
0x88: {  	v4 =	vld [tilespmem:s25+$0xFFFFFD00];
	_ =	sdelay $0x3  }
0x89: {  	s7 =	spop (v2sf);
	[tilespmem:s26+$0x8110] =	vst.add.f32.msk $0xffff, v2  }
0x8a: {  	[tilespmem:s7+$0x8100] =	vst.add.f32.msk $0xffff, v4  }
0x8b: {  	v2 =	vld [tilespmem:s10+$0xFFFFFFA0]  }
0x8c: {  	v4 =	vld [tilespmem:s25+$0xFFFFFD10];
	_ =	sdelay $0x1  }
0x8d: {  	(v2sf) =	vpush v3, $0x8;
	_ =	sdelay $0x1  }
0x8e: {  	[tilespmem:s26+$0x8120] =	vst.add.f32.msk $0xffff, v2  }
0x8f: {  	[tilespmem:s7+$0x8110] =	vst.add.f32.msk $0xffff, v4  }
0x90: {  	v2 =	vld [tilespmem:s10+$0xFFFFFFB0]  }
0x91: {  	v4 =	vld [tilespmem:s25+$0xFFFFFD20];
	_ =	sdelay $0x2  }
0x92: {  	(v2sf) =	vpush v1, $0x3  }
0x93: {  	[tilespmem:s26+$0x8130] =	vst.add.f32.msk $0xffff, v2  }
0x94: {  	[tilespmem:s7+$0x8120] =	vst.add.f32.msk $0xffff, v4  }
0x95: {  	v2 =	vld [tilespmem:s10+$0x0]  }
0x96: {  	v4 =	vld [tilespmem:s25+$0xFFFFFD30];
	_ =	sdelay $0x2  }
0x97: {  	s20 =	spop (v2sf)  }
0x98: {  	[tilespmem:s20+$0x8100] =	vst.add.f32.msk $0xffff, v2  }
0x99: {  	[tilespmem:s7+$0x8130] =	vst.add.f32.msk $0xffff, v4  }
0x9a: {  	v2 =	vld [tilespmem:s10+$0x10]  }
0x9b: {  	v4 =	vld [tilespmem:s25+$0xFFFFFD80];
	_ =	sdelay $0x3  }
0x9c: {  	s26 =	spop (v2sf);
	[tilespmem:s20+$0x8110] =	vst.add.f32.msk $0xffff, v2  }
0x9d: {  	[tilespmem:s26+$0x8100] =	vst.add.f32.msk $0xffff, v4  }
0x9e: {  	v2 =	vld [tilespmem:s10+$0x20]  }
0x9f: {  	v4 =	vld [tilespmem:s25+$0xFFFFFD90];
	_ =	sdelay $0x1  }
0xa0: {  	(v2sf) =	vpush v3, $0x9;
	_ =	sdelay $0x1  }
0xa1: {  	[tilespmem:s20+$0x8120] =	vst.add.f32.msk $0xffff, v2  }
0xa2: {  	[tilespmem:s26+$0x8110] =	vst.add.f32.msk $0xffff, v4  }
0xa3: {  	v2 =	vld [tilespmem:s10+$0x30]  }
0xa4: {  	v4 =	vld [tilespmem:s25+$0xFFFFFDA0];
	_ =	sdelay $0x2  }
0xa5: {  	(v2sf) =	vpush v1, $0x4  }
0xa6: {  	[tilespmem:s20+$0x8130] =	vst.add.f32.msk $0xffff, v2  }
0xa7: {  	[tilespmem:s26+$0x8120] =	vst.add.f32.msk $0xffff, v4  }
0xa8: {  	v2 =	vld [tilespmem:s10+$0x80]  }
0xa9: {  	v4 =	vld [tilespmem:s25+$0xFFFFFDB0];
	_ =	sdelay $0x2  }
0xaa: {  	s7 =	spop (v2sf)  }
0xab: {  	[tilespmem:s7+$0x8100] =	vst.add.f32.msk $0xffff, v2  }
0xac: {  	[tilespmem:s26+$0x8130] =	vst.add.f32.msk $0xffff, v4  }
0xad: {  	v2 =	vld [tilespmem:s10+$0x90]  }
0xae: {  	v4 =	vld [tilespmem:s25+$0xFFFFFE00];
	_ =	sdelay $0x3  }
0xaf: {  	s26 =	spop (v2sf);
	[tilespmem:s7+$0x8110] =	vst.add.f32.msk $0xffff, v2  }
0xb0: {  	[tilespmem:s26+$0x8100] =	vst.add.f32.msk $0xffff, v4  }
0xb1: {  	v2 =	vld [tilespmem:s10+$0xA0]  }
0xb2: {  	v4 =	vld [tilespmem:s25+$0xFFFFFE10];
	_ =	sdelay $0x1  }
0xb3: {  	(v2sf) =	vpush v3, $0xA;
	_ =	sdelay $0x1  }
0xb4: {  	[tilespmem:s7+$0x8120] =	vst.add.f32.msk $0xffff, v2  }
0xb5: {  	[tilespmem:s26+$0x8110] =	vst.add.f32.msk $0xffff, v4  }
0xb6: {  	v2 =	vld [tilespmem:s10+$0xB0]  }
0xb7: {  	v4 =	vld [tilespmem:s25+$0xFFFFFE20];
	_ =	sdelay $0x1  }
0xb8: {  	s20 =	simm.s32 $0x20  }
0xb9: {  	v5 =	vld [tilespmem:s20+$0x4000]  }
0xba: {  	[tilespmem:s7+$0x8130] =	vst.add.f32.msk $0xffff, v2  }
0xbb: {  	[tilespmem:s26+$0x8120] =	vst.add.f32.msk $0xffff, v4  }
0xbc: {  	v6 =	vld [tilespmem:s10+$0x100]  }
0xbd: {  	v4 =	vld [tilespmem:s25+$0xFFFFFE30];
	_ =	sdelay $0x2  }
0xbe: {  	s7 =	spop (v2sf)  }
0xbf: {  	[tilespmem:s7+$0x8100] =	vst.add.f32.msk $0xffff, v6  }
0xc0: {  	v2 =	vshll.u32 v5, $0x8;
	[tilespmem:s26+$0x8130] =	vst.add.f32.msk $0xffff, v4  }
0xc1: {  	v2 =	vshra.s32 v2, $0x2;
	v5 =	vld [tilespmem:s10+$0x110]  }
0xc2: {  	(v2sf) =	vpush v2, $0x0;
	v4 =	vld [tilespmem:s25+$0xFFFFFE80];
	_ =	sdelay $0x3  }
0xc3: {  	[tilespmem:s7+$0x8110] =	vst.add.f32.msk $0xffff, v5  }
0xc4: {  	[tilespmem:s0+$0x8100] =	vst.add.f32.msk $0xffff, v4  }
0xc5: {  	v5 =	vld [tilespmem:s10+$0x120]  }
0xc6: {  	v4 =	vld [tilespmem:s25+$0xFFFFFE90]  }
0xc7: {  	(v2sf) =	vpush v2, $0x5  }
0xc8: {  	s29 =	sadd.s32 $0x800, s25;
	(v2sf) =	vpush v3, $0xB  }
0xc9: {  	v6 =	vld [tilespmem:s29+$0xFFFFFC00]  }
0xca: {  	[tilespmem:s7+$0x8120] =	vst.add.f32.msk $0xffff, v5  }
0xcb: {  	[tilespmem:s0+$0x8110] =	vst.add.f32.msk $0xffff, v4  }
0xcc: {  	v5 =	vld [tilespmem:s10+$0x130]  }
0xcd: {  	v4 =	vld [tilespmem:s25+$0xFFFFFEA0]  }
0xce: {  	s20 =	spop (v2sf)  }
0xcf: {  	[tilespmem:s20+$0x8100] =	vst.add.f32.msk $0xffff, v6  }
0xd0: {  	(v2sf) =	vpush v1, $0x6;
	v6 =	vld [tilespmem:s29+$0xFFFFFC10]  }
0xd1: {  	[tilespmem:s7+$0x8130] =	vst.add.f32.msk $0xffff, v5  }
0xd2: {  	[tilespmem:s0+$0x8120] =	vst.add.f32.msk $0xffff, v4  }
0xd3: {  	v5 =	vld [tilespmem:s10+$0x180]  }
0xd4: {  	v4 =	vld [tilespmem:s25+$0xFFFFFEB0];
	_ =	sdelay $0x1  }
0xd5: {  	s30 =	spop (v2sf);
	[tilespmem:s20+$0x8110] =	vst.add.f32.msk $0xffff, v6  }
0xd6: {  	s26 =	spop (v2sf);
	v6 =	vld [tilespmem:s29+$0xFFFFFC20]  }
0xd7: {  	[tilespmem:s26+$0x8100] =	vst.add.f32.msk $0xffff, v5  }
0xd8: {  	[tilespmem:s0+$0x8130] =	vst.add.f32.msk $0xffff, v4  }
0xd9: {  	v5 =	vld [tilespmem:s10+$0x190]  }
0xda: {  	(v2sf) =	vpush v2, $0x1;
	v4 =	vld [tilespmem:s25+$0xFFFFFF00];
	_ =	sdelay $0x1  }
0xdb: {  	[tilespmem:s20+$0x8120] =	vst.add.f32.msk $0xffff, v6  }
0xdc: {  	v6 =	vld [tilespmem:s29+$0xFFFFFC30]  }
0xdd: {  	s7 =	spop (v2sf);
	[tilespmem:s26+$0x8110] =	vst.add.f32.msk $0xffff, v5  }
0xde: {  	[tilespmem:s7+$0x8100] =	vst.add.f32.msk $0xffff, v4  }
0xdf: {  	v5 =	vld [tilespmem:s10+$0x1A0]  }
0xe0: {  	v4 =	vld [tilespmem:s25+$0xFFFFFF10];
	_ =	sdelay $0x1  }
0xe1: {  	(v2sf) =	vpush v3, $0xC;
	[tilespmem:s20+$0x8130] =	vst.add.f32.msk $0xffff, v6  }
0xe2: {  	v6 =	vld [tilespmem:s29+$0xFFFFFC80]  }
0xe3: {  	[tilespmem:s26+$0x8120] =	vst.add.f32.msk $0xffff, v5  }
0xe4: {  	[tilespmem:s7+$0x8110] =	vst.add.f32.msk $0xffff, v4  }
0xe5: {  	v5 =	vld [tilespmem:s10+$0x1B0]  }
0xe6: {  	v4 =	vld [tilespmem:s25+$0xFFFFFF20]  }
0xe7: {  	s20 =	spop (v2sf)  }
0xe8: {  	[tilespmem:s20+$0x8100] =	vst.add.f32.msk $0xffff, v6  }
0xe9: {  	(v2sf) =	vpush v1, $0x7;
	v6 =	vld [tilespmem:s29+$0xFFFFFC90]  }
0xea: {  	[tilespmem:s26+$0x8130] =	vst.add.f32.msk $0xffff, v5  }
0xeb: {  	[tilespmem:s7+$0x8120] =	vst.add.f32.msk $0xffff, v4  }
0xec: {  	v5 =	vld [tilespmem:s10+$0x200]  }
0xed: {  	v4 =	vld [tilespmem:s25+$0xFFFFFF30];
	_ =	sdelay $0x1  }
0xee: {  	[tilespmem:s20+$0x8110] =	vst.add.f32.msk $0xffff, v6  }
0xef: {  	s26 =	spop (v2sf);
	v6 =	vld [tilespmem:s29+$0xFFFFFCA0]  }
0xf0: {  	[tilespmem:s26+$0x8100] =	vst.add.f32.msk $0xffff, v5  }
0xf1: {  	[tilespmem:s7+$0x8130] =	vst.add.f32.msk $0xffff, v4  }
0xf2: {  	v5 =	vld [tilespmem:s10+$0x210]  }
0xf3: {  	(v2sf) =	vpush v2, $0x2;
	v4 =	vld [tilespmem:s25+$0xFFFFFF80];
	_ =	sdelay $0x1  }
0xf4: {  	[tilespmem:s20+$0x8120] =	vst.add.f32.msk $0xffff, v6  }
0xf5: {  	v6 =	vld [tilespmem:s29+$0xFFFFFCB0]  }
0xf6: {  	s7 =	spop (v2sf);
	[tilespmem:s26+$0x8110] =	vst.add.f32.msk $0xffff, v5  }
0xf7: {  	[tilespmem:s7+$0x8100] =	vst.add.f32.msk $0xffff, v4  }
0xf8: {  	v5 =	vld [tilespmem:s10+$0x220]  }
0xf9: {  	v4 =	vld [tilespmem:s25+$0xFFFFFF90];
	_ =	sdelay $0x1  }
0xfa: {  	(v2sf) =	vpush v3, $0xD;
	[tilespmem:s20+$0x8130] =	vst.add.f32.msk $0xffff, v6  }
0xfb: {  	v6 =	vld [tilespmem:s29+$0xFFFFFD00]  }
0xfc: {  	[tilespmem:s26+$0x8120] =	vst.add.f32.msk $0xffff, v5  }
0xfd: {  	[tilespmem:s7+$0x8110] =	vst.add.f32.msk $0xffff, v4  }
0xfe: {  	v5 =	vld [tilespmem:s10+$0x230]  }
0xff: {  	v4 =	vld [tilespmem:s25+$0xFFFFFFA0]  }
0x100: {  	s20 =	spop (v2sf)  }
0x101: {  	[tilespmem:s20+$0x8100] =	vst.add.f32.msk $0xffff, v6  }
0x102: {  	(v2sf) =	vpush v1, $0x8;
	v6 =	vld [tilespmem:s29+$0xFFFFFD10]  }
0x103: {  	[tilespmem:s26+$0x8130] =	vst.add.f32.msk $0xffff, v5  }
0x104: {  	[tilespmem:s7+$0x8120] =	vst.add.f32.msk $0xffff, v4  }
0x105: {  	v5 =	vld [tilespmem:s10+$0x280]  }
0x106: {  	v4 =	vld [tilespmem:s25+$0xFFFFFFB0];
	_ =	sdelay $0x1  }
0x107: {  	[tilespmem:s20+$0x8110] =	vst.add.f32.msk $0xffff, v6  }
0x108: {  	s26 =	spop (v2sf);
	v6 =	vld [tilespmem:s29+$0xFFFFFD20]  }
0x109: {  	[tilespmem:s26+$0x8100] =	vst.add.f32.msk $0xffff, v5  }
0x10a: {  	[tilespmem:s7+$0x8130] =	vst.add.f32.msk $0xffff, v4  }
0x10b: {  	v5 =	vld [tilespmem:s10+$0x290]  }
0x10c: {  	(v2sf) =	vpush v2, $0x3;
	v4 =	vld [tilespmem:s25+$0x0];
	_ =	sdelay $0x1  }
0x10d: {  	[tilespmem:s20+$0x8120] =	vst.add.f32.msk $0xffff, v6  }
0x10e: {  	v6 =	vld [tilespmem:s29+$0xFFFFFD30]  }
0x10f: {  	s7 =	spop (v2sf);
	[tilespmem:s26+$0x8110] =	vst.add.f32.msk $0xffff, v5  }
0x110: {  	[tilespmem:s7+$0x8100] =	vst.add.f32.msk $0xffff, v4  }
0x111: {  	v5 =	vld [tilespmem:s10+$0x2A0]  }
0x112: {  	v4 =	vld [tilespmem:s25+$0x10];
	_ =	sdelay $0x1  }
0x113: {  	(v2sf) =	vpush v3, $0xE;
	[tilespmem:s20+$0x8130] =	vst.add.f32.msk $0xffff, v6  }
0x114: {  	v6 =	vld [tilespmem:s29+$0xFFFFFD80]  }
0x115: {  	[tilespmem:s26+$0x8120] =	vst.add.f32.msk $0xffff, v5  }
0x116: {  	[tilespmem:s7+$0x8110] =	vst.add.f32.msk $0xffff, v4  }
0x117: {  	v5 =	vld [tilespmem:s10+$0x2B0]  }
0x118: {  	v4 =	vld [tilespmem:s25+$0x20]  }
0x119: {  	s20 =	spop (v2sf)  }
0x11a: {  	[tilespmem:s20+$0x8100] =	vst.add.f32.msk $0xffff, v6  }
0x11b: {  	(v2sf) =	vpush v1, $0x9;
	v6 =	vld [tilespmem:s29+$0xFFFFFD90]  }
0x11c: {  	[tilespmem:s26+$0x8130] =	vst.add.f32.msk $0xffff, v5  }
0x11d: {  	[tilespmem:s7+$0x8120] =	vst.add.f32.msk $0xffff, v4  }
0x11e: {  	v5 =	vld [tilespmem:s10+$0x300]  }
0x11f: {  	v4 =	vld [tilespmem:s25+$0x30];
	_ =	sdelay $0x1  }
0x120: {  	[tilespmem:s20+$0x8110] =	vst.add.f32.msk $0xffff, v6  }
0x121: {  	s26 =	spop (v2sf);
	v6 =	vld [tilespmem:s29+$0xFFFFFDA0]  }
0x122: {  	[tilespmem:s26+$0x8100] =	vst.add.f32.msk $0xffff, v5  }
0x123: {  	(v2sf) =	vpush v2, $0x4;
	[tilespmem:s7+$0x8130] =	vst.add.f32.msk $0xffff, v4  }
0x124: {  	v5 =	vld [tilespmem:s10+$0x310]  }
0x125: {  	v4 =	vld [tilespmem:s25+$0x80];
	_ =	sdelay $0x1  }
0x126: {  	[tilespmem:s20+$0x8120] =	vst.add.f32.msk $0xffff, v6  }
0x127: {  	v6 =	vld [tilespmem:s29+$0xFFFFFDB0]  }
0x128: {  	s0 =	spop (v2sf);
	[tilespmem:s26+$0x8110] =	vst.add.f32.msk $0xffff, v5  }
0x129: {  	[tilespmem:s0+$0x8100] =	vst.add.f32.msk $0xffff, v4  }
0x12a: {  	v5 =	vld [tilespmem:s10+$0x320]  }
0x12b: {  	v4 =	vld [tilespmem:s25+$0x90];
	_ =	sdelay $0x1  }
0x12c: {  	[tilespmem:s20+$0x8130] =	vst.add.f32.msk $0xffff, v6  }
0x12d: {  	v6 =	vld [tilespmem:s29+$0xFFFFFE00]  }
0x12e: {  	[tilespmem:s26+$0x8120] =	vst.add.f32.msk $0xffff, v5  }
0x12f: {  	[tilespmem:s0+$0x8110] =	vst.add.f32.msk $0xffff, v4  }
0x130: {  	s19 =	spop (v2sf);
	(v2sf) =	vpush v3, $0xF;
	v4 =	vld [tilespmem:s25+$0xA0]  }
0x131: {  	v5 =	vld [tilespmem:s10+$0x330]  }
0x132: {  	(v2sf) =	vpush v1, $0xA;
	[tilespmem:s19+$0x8100] =	vst.add.f32.msk $0xffff, v6  }
0x133: {  	v6 =	vld [tilespmem:s29+$0xFFFFFE10];
	_ =	sdelay $0x1  }
0x134: {  	[tilespmem:s0+$0x8120] =	vst.add.f32.msk $0xffff, v4  }
0x135: {  	[tilespmem:s26+$0x8130] =	vst.add.f32.msk $0xffff, v5  }
0x136: {  	v4 =	vld [tilespmem:s25+$0xB0]  }
0x137: {  	[tilespmem:s19+$0x8110] =	vst.add.f32.msk $0xffff, v6  }
0x138: {  	s31 =	simm.s32 $0xC0;
	s28 =	smov.u32 s10;
	s26 =	smov.u32 s29;
	v3 =	vld [tilespmem:s29+$0xFFFFFE20]  }
.LBB2_5:
0x139: {  	s2 =	sshra.s32 s31, $0x2;
	p0 =	sne.s32 s31, $0x1C0;
	s31 =	sadd.s32 $0x40, s31;
	v5 =	vld [tilespmem:s28+$0x380]  }
0x13a: {  	v6 =	vld [tilespmem:s2+$0x4000]  }
0x13b: {  	[tilespmem:s0+$0x8130] =	vst.add.f32.msk $0xffff, v4  }
0x13c: {  	v4 =	vld [tilespmem:s25+$0x100]  }
0x13d: {  	[tilespmem:s19+$0x8120] =	vst.add.f32.msk $0xffff, v3  }
0x13e: {  	v7 =	vld [tilespmem:s29+$0xFFFFFE30];
	s2 =	spop (v2sf)  }
0x13f: {  	v3 =	vshll.u32 v6, $0x8;
	[tilespmem:s2+$0x8100] =	vst.add.f32.msk $0xffff, v5  }
0x140: {  	v3 =	vshra.s32 v3, $0x2;
	s0 =	spop (v2sf);
	v5 =	vld [tilespmem:s28+$0x390]  }
0x141: {  	(v2sf) =	vpush v3, $0x0;
	[tilespmem:s0+$0x8100] =	vst.add.f32.msk $0xffff, v4  }
0x142: {  	(v2sf) =	vpush v3, $0x5;
	v4 =	vld [tilespmem:s25+$0x110]  }
0x143: {  	[tilespmem:s19+$0x8130] =	vst.add.f32.msk $0xffff, v7  }
0x144: {  	v6 =	vld [tilespmem:s29+$0xFFFFFE80]  }
0x145: {  	[tilespmem:s2+$0x8110] =	vst.add.f32.msk $0xffff, v5  }
0x146: {  	v5 =	vld [tilespmem:s28+$0x3A0]  }
0x147: {  	[tilespmem:s0+$0x8110] =	vst.add.f32.msk $0xffff, v4  }
0x148: {  	v4 =	vld [tilespmem:s25+$0x120]  }
0x149: {  	[tilespmem:s30+$0x8100] =	vst.add.f32.msk $0xffff, v6;
	(v2sf) =	vpush v1, $0xB  }
0x14a: {  	v6 =	vld [tilespmem:s29+$0xFFFFFE90]  }
0x14b: {  	s29 =	sadd.s32 $0x800, s29;
	[tilespmem:s2+$0x8120] =	vst.add.f32.msk $0xffff, v5  }
0x14c: {  	v5 =	vld [tilespmem:s29+$0xFFFFFC00]  }
0x14d: {  	[tilespmem:s0+$0x8120] =	vst.add.f32.msk $0xffff, v4  }
0x14e: {  	v4 =	vld [tilespmem:s25+$0x130]  }
0x14f: {  	[tilespmem:s30+$0x8110] =	vst.add.f32.msk $0xffff, v6  }
0x150: {  	s19 =	spop (v2sf);
	v6 =	vld [tilespmem:s26+$0xFFFFFEA0]  }
0x151: {  	[tilespmem:s19+$0x8100] =	vst.add.f32.msk $0xffff, v5;
	s20 =	spop (v2sf);
	(v2sf) =	vpush v2, $0x6  }
0x152: {  	v5 =	vld [tilespmem:s29+$0xFFFFFC10]  }
0x153: {  	[tilespmem:s0+$0x8130] =	vst.add.f32.msk $0xffff, v4  }
0x154: {  	v4 =	vld [tilespmem:s25+$0x180]  }
0x155: {  	[tilespmem:s30+$0x8120] =	vst.add.f32.msk $0xffff, v6  }
0x156: {  	v6 =	vld [tilespmem:s26+$0xFFFFFEB0]  }
0x157: {  	[tilespmem:s19+$0x8110] =	vst.add.f32.msk $0xffff, v5  }
0x158: {  	v5 =	vld [tilespmem:s29+$0xFFFFFC20];
	s0 =	spop (v2sf)  }
0x159: {  	(v2sf) =	vpush v3, $0x1;
	[tilespmem:s0+$0x8100] =	vst.add.f32.msk $0xffff, v4  }
0x15a: {  	v4 =	vld [tilespmem:s25+$0x190]  }
0x15b: {  	[tilespmem:s30+$0x8130] =	vst.add.f32.msk $0xffff, v6;
	s30 =	smov.u32 s20  }
0x15c: {  	v6 =	vld [tilespmem:s26+$0xFFFFFF00]  }
0x15d: {  	[tilespmem:s19+$0x8120] =	vst.add.f32.msk $0xffff, v5  }
0x15e: {  	v5 =	vld [tilespmem:s29+$0xFFFFFC30]  }
0x15f: {  	[tilespmem:s0+$0x8110] =	vst.add.f32.msk $0xffff, v4  }
0x160: {  	s20 =	spop (v2sf);
	v4 =	vld [tilespmem:s25+$0x1A0]  }
0x161: {  	[tilespmem:s20+$0x8100] =	vst.add.f32.msk $0xffff, v6;
	(v2sf) =	vpush v1, $0xC  }
0x162: {  	v6 =	vld [tilespmem:s26+$0xFFFFFF10]  }
0x163: {  	[tilespmem:s19+$0x8130] =	vst.add.f32.msk $0xffff, v5  }
0x164: {  	v5 =	vld [tilespmem:s29+$0xFFFFFC80]  }
0x165: {  	[tilespmem:s0+$0x8120] =	vst.add.f32.msk $0xffff, v4  }
0x166: {  	v4 =	vld [tilespmem:s25+$0x1B0]  }
0x167: {  	[tilespmem:s20+$0x8110] =	vst.add.f32.msk $0xffff, v6  }
0x168: {  	s19 =	spop (v2sf);
	v6 =	vld [tilespmem:s26+$0xFFFFFF20]  }
0x169: {  	[tilespmem:s19+$0x8100] =	vst.add.f32.msk $0xffff, v5;
	(v2sf) =	vpush v2, $0x7  }
0x16a: {  	v5 =	vld [tilespmem:s29+$0xFFFFFC90]  }
0x16b: {  	[tilespmem:s0+$0x8130] =	vst.add.f32.msk $0xffff, v4  }
0x16c: {  	v4 =	vld [tilespmem:s25+$0x200]  }
0x16d: {  	[tilespmem:s20+$0x8120] =	vst.add.f32.msk $0xffff, v6  }
0x16e: {  	v6 =	vld [tilespmem:s26+$0xFFFFFF30]  }
0x16f: {  	[tilespmem:s19+$0x8110] =	vst.add.f32.msk $0xffff, v5  }
0x170: {  	v5 =	vld [tilespmem:s29+$0xFFFFFCA0];
	s0 =	spop (v2sf)  }
0x171: {  	(v2sf) =	vpush v3, $0x2;
	[tilespmem:s0+$0x8100] =	vst.add.f32.msk $0xffff, v4  }
0x172: {  	v4 =	vld [tilespmem:s25+$0x210]  }
0x173: {  	[tilespmem:s20+$0x8130] =	vst.add.f32.msk $0xffff, v6  }
0x174: {  	v6 =	vld [tilespmem:s26+$0xFFFFFF80]  }
0x175: {  	[tilespmem:s19+$0x8120] =	vst.add.f32.msk $0xffff, v5  }
0x176: {  	v5 =	vld [tilespmem:s29+$0xFFFFFCB0]  }
0x177: {  	[tilespmem:s0+$0x8110] =	vst.add.f32.msk $0xffff, v4  }
0x178: {  	s20 =	spop (v2sf);
	v4 =	vld [tilespmem:s25+$0x220]  }
0x179: {  	[tilespmem:s20+$0x8100] =	vst.add.f32.msk $0xffff, v6;
	(v2sf) =	vpush v1, $0xD  }
0x17a: {  	v6 =	vld [tilespmem:s26+$0xFFFFFF90]  }
0x17b: {  	[tilespmem:s19+$0x8130] =	vst.add.f32.msk $0xffff, v5  }
0x17c: {  	v5 =	vld [tilespmem:s29+$0xFFFFFD00]  }
0x17d: {  	[tilespmem:s0+$0x8120] =	vst.add.f32.msk $0xffff, v4  }
0x17e: {  	v4 =	vld [tilespmem:s25+$0x230]  }
0x17f: {  	[tilespmem:s20+$0x8110] =	vst.add.f32.msk $0xffff, v6  }
0x180: {  	s19 =	spop (v2sf);
	v6 =	vld [tilespmem:s26+$0xFFFFFFA0]  }
0x181: {  	[tilespmem:s19+$0x8100] =	vst.add.f32.msk $0xffff, v5;
	(v2sf) =	vpush v2, $0x8  }
0x182: {  	v5 =	vld [tilespmem:s29+$0xFFFFFD10]  }
0x183: {  	[tilespmem:s0+$0x8130] =	vst.add.f32.msk $0xffff, v4  }
0x184: {  	v4 =	vld [tilespmem:s25+$0x280]  }
0x185: {  	[tilespmem:s20+$0x8120] =	vst.add.f32.msk $0xffff, v6  }
0x186: {  	v6 =	vld [tilespmem:s26+$0xFFFFFFB0]  }
0x187: {  	[tilespmem:s19+$0x8110] =	vst.add.f32.msk $0xffff, v5  }
0x188: {  	v5 =	vld [tilespmem:s29+$0xFFFFFD20];
	s0 =	spop (v2sf)  }
0x189: {  	(v2sf) =	vpush v3, $0x3;
	[tilespmem:s0+$0x8100] =	vst.add.f32.msk $0xffff, v4  }
0x18a: {  	v4 =	vld [tilespmem:s25+$0x290]  }
0x18b: {  	[tilespmem:s20+$0x8130] =	vst.add.f32.msk $0xffff, v6  }
0x18c: {  	v6 =	vld [tilespmem:s26+$0x0]  }
0x18d: {  	[tilespmem:s19+$0x8120] =	vst.add.f32.msk $0xffff, v5  }
0x18e: {  	v5 =	vld [tilespmem:s29+$0xFFFFFD30]  }
0x18f: {  	[tilespmem:s0+$0x8110] =	vst.add.f32.msk $0xffff, v4  }
0x190: {  	s20 =	spop (v2sf);
	v4 =	vld [tilespmem:s25+$0x2A0]  }
0x191: {  	[tilespmem:s20+$0x8100] =	vst.add.f32.msk $0xffff, v6;
	(v2sf) =	vpush v1, $0xE  }
0x192: {  	v6 =	vld [tilespmem:s26+$0x10]  }
0x193: {  	[tilespmem:s19+$0x8130] =	vst.add.f32.msk $0xffff, v5  }
0x194: {  	v5 =	vld [tilespmem:s29+$0xFFFFFD80]  }
0x195: {  	[tilespmem:s0+$0x8120] =	vst.add.f32.msk $0xffff, v4  }
0x196: {  	v4 =	vld [tilespmem:s25+$0x2B0]  }
0x197: {  	[tilespmem:s20+$0x8110] =	vst.add.f32.msk $0xffff, v6  }
0x198: {  	s19 =	spop (v2sf);
	v6 =	vld [tilespmem:s26+$0x20]  }
0x199: {  	[tilespmem:s19+$0x8100] =	vst.add.f32.msk $0xffff, v5;
	(v2sf) =	vpush v2, $0x9  }
0x19a: {  	v5 =	vld [tilespmem:s29+$0xFFFFFD90]  }
0x19b: {  	[tilespmem:s0+$0x8130] =	vst.add.f32.msk $0xffff, v4  }
0x19c: {  	v4 =	vld [tilespmem:s25+$0x300]  }
0x19d: {  	[tilespmem:s20+$0x8120] =	vst.add.f32.msk $0xffff, v6  }
0x19e: {  	v6 =	vld [tilespmem:s26+$0x30]  }
0x19f: {  	[tilespmem:s19+$0x8110] =	vst.add.f32.msk $0xffff, v5  }
0x1a0: {  	v5 =	vld [tilespmem:s29+$0xFFFFFDA0];
	s7 =	spop (v2sf)  }
0x1a1: {  	[tilespmem:s7+$0x8100] =	vst.add.f32.msk $0xffff, v4  }
0x1a2: {  	(v2sf) =	vpush v3, $0x4;
	v4 =	vld [tilespmem:s25+$0x310]  }
0x1a3: {  	[tilespmem:s20+$0x8130] =	vst.add.f32.msk $0xffff, v6  }
0x1a4: {  	v6 =	vld [tilespmem:s26+$0x80]  }
0x1a5: {  	[tilespmem:s19+$0x8120] =	vst.add.f32.msk $0xffff, v5  }
0x1a6: {  	v5 =	vld [tilespmem:s29+$0xFFFFFDB0]  }
0x1a7: {  	[tilespmem:s7+$0x8110] =	vst.add.f32.msk $0xffff, v4  }
0x1a8: {  	s0 =	spop (v2sf);
	v4 =	vld [tilespmem:s25+$0x320]  }
0x1a9: {  	[tilespmem:s0+$0x8100] =	vst.add.f32.msk $0xffff, v6  }
0x1aa: {  	v6 =	vld [tilespmem:s26+$0x90]  }
0x1ab: {  	[tilespmem:s19+$0x8130] =	vst.add.f32.msk $0xffff, v5  }
0x1ac: {  	v5 =	vld [tilespmem:s28+$0x3B0];
	s28 =	smov.u32 s25;
	s25 =	smov.u32 s26;
	s26 =	smov.u32 s29  }
0x1ad: {  	v7 =	vld [tilespmem:s29+$0xFFFFFE00]  }
0x1ae: {  	[tilespmem:s7+$0x8120] =	vst.add.f32.msk $0xffff, v4  }
0x1af: {  	[tilespmem:s0+$0x8110] =	vst.add.f32.msk $0xffff, v6  }
0x1b0: {  	v4 =	vld [tilespmem:s25+$0xA0];
	(v2sf) =	vpush v1, $0xF;
	v1 =	vmov v2;
	v2 =	vmov v3  }
0x1b1: {  	s19 =	spop (v2sf);
	v3 =	vld [tilespmem:s28+$0x330]  }
0x1b2: {  	[tilespmem:s19+$0x8100] =	vst.add.f32.msk $0xffff, v7;
	(v2sf) =	vpush v1, $0xA  }
0x1b3: {  	v6 =	vld [tilespmem:s29+$0xFFFFFE10]  }
0x1b4: {  	[tilespmem:s2+$0x8130] =	vst.add.f32.msk $0xffff, v5  }
.Ltmp1:
0x1b5: {  	[tilespmem:s0+$0x8120] =	vst.add.f32.msk $0xffff, v4;
	(pc) =	sbr.rel @p0 .LBB2_5-.Ltmp1, $4  }
0x1b6: {  	v4 =	vld [tilespmem:s25+$0xB0]  }
0x1b7: {  	[tilespmem:s7+$0x8130] =	vst.add.f32.msk $0xffff, v3  }
0x1b8: {  	[tilespmem:s19+$0x8110] =	vst.add.f32.msk $0xffff, v6  }
0x1b9: {  	v3 =	vld [tilespmem:s29+$0xFFFFFE20]  }
0x1ba: {  	_ =	sdelay $0x3  }
0x1bb: {  	[tilespmem:s19+$0x8120] =	vst.add.f32.msk $0xffff, v3  }
0x1bc: {  	v3 =	vld [tilespmem:s29+$0xFFFFFE30];
	_ =	sdelay $0x4  }
0x1bd: {  	[tilespmem:s19+$0x8130] =	vst.add.f32.msk $0xffff, v3  }
0x1be: {  	v3 =	vld [tilespmem:s29+$0xFFFFFE80];
	_ =	sdelay $0x4  }
0x1bf: {  	[tilespmem:s30+$0x8100] =	vst.add.f32.msk $0xffff, v3  }
0x1c0: {  	v3 =	vld [tilespmem:s29+$0xFFFFFE90];
	_ =	sdelay $0x4  }
0x1c1: {  	[tilespmem:s30+$0x8110] =	vst.add.f32.msk $0xffff, v3  }
0x1c2: {  	(v2sf) =	vpush v1, $0xB;
	v3 =	vld [tilespmem:s26+$0xFFFFFEA0]  }
0x1c3: {  	(v2sf) =	vpush v2, $0x6;
	_ =	sdelay $0x3  }
0x1c4: {  	[tilespmem:s30+$0x8120] =	vst.add.f32.msk $0xffff, v3  }
0x1c5: {  	v3 =	vld [tilespmem:s26+$0xFFFFFEB0];
	_ =	sdelay $0x4  }
0x1c6: {  	[tilespmem:s30+$0x8130] =	vst.add.f32.msk $0xffff, v3  }
0x1c7: {  	v3 =	vld [tilespmem:s26+$0xFFFFFF00]  }
0x1c8: {  	s2 =	spop (v2sf)  }
0x1c9: {  	s20 =	spop (v2sf)  }
0x1ca: {  	s19 =	spop (v2sf)  }
0x1cb: {  	s7 =	spop (v2sf)  }
0x1cc: {  	[tilespmem:s7+$0x8100] =	vst.add.f32.msk $0xffff, v3  }
0x1cd: {  	v3 =	vld [tilespmem:s26+$0xFFFFFF10];
	_ =	sdelay $0x4  }
0x1ce: {  	[tilespmem:s7+$0x8110] =	vst.add.f32.msk $0xffff, v3  }
0x1cf: {  	(v2sf) =	vpush v1, $0xC;
	v3 =	vld [tilespmem:s26+$0xFFFFFF20]  }
0x1d0: {  	(v2sf) =	vpush v2, $0x7;
	_ =	sdelay $0x3  }
0x1d1: {  	[tilespmem:s7+$0x8120] =	vst.add.f32.msk $0xffff, v3  }
0x1d2: {  	v3 =	vld [tilespmem:s26+$0xFFFFFF30];
	_ =	sdelay $0x4  }
0x1d3: {  	[tilespmem:s7+$0x8130] =	vst.add.f32.msk $0xffff, v3  }
0x1d4: {  	v3 =	vld [tilespmem:s26+$0xFFFFFF80];
	_ =	sdelay $0x2  }
0x1d5: {  	s31 =	spop (v2sf)  }
0x1d6: {  	s7 =	spop (v2sf)  }
0x1d7: {  	[tilespmem:s7+$0x8100] =	vst.add.f32.msk $0xffff, v3  }
0x1d8: {  	v3 =	vld [tilespmem:s26+$0xFFFFFF90];
	_ =	sdelay $0x4  }
0x1d9: {  	[tilespmem:s7+$0x8110] =	vst.add.f32.msk $0xffff, v3  }
0x1da: {  	(v2sf) =	vpush v1, $0xD;
	v3 =	vld [tilespmem:s26+$0xFFFFFFA0]  }
0x1db: {  	(v2sf) =	vpush v2, $0x8;
	_ =	sdelay $0x3  }
0x1dc: {  	[tilespmem:s7+$0x8120] =	vst.add.f32.msk $0xffff, v3  }
0x1dd: {  	v3 =	vld [tilespmem:s26+$0xFFFFFFB0];
	_ =	sdelay $0x4  }
0x1de: {  	[tilespmem:s7+$0x8130] =	vst.add.f32.msk $0xffff, v3  }
0x1df: {  	v3 =	vld [tilespmem:s26+$0x0];
	_ =	sdelay $0x2  }
0x1e0: {  	s30 =	spop (v2sf)  }
0x1e1: {  	s7 =	spop (v2sf)  }
0x1e2: {  	[tilespmem:s7+$0x8100] =	vst.add.f32.msk $0xffff, v3  }
0x1e3: {  	v3 =	vld [tilespmem:s26+$0x10];
	_ =	sdelay $0x4  }
0x1e4: {  	[tilespmem:s7+$0x8110] =	vst.add.f32.msk $0xffff, v3  }
0x1e5: {  	(v2sf) =	vpush v1, $0xE;
	v3 =	vld [tilespmem:s26+$0x20]  }
0x1e6: {  	(v2sf) =	vpush v2, $0x9;
	_ =	sdelay $0x3  }
0x1e7: {  	[tilespmem:s7+$0x8120] =	vst.add.f32.msk $0xffff, v3  }
0x1e8: {  	v3 =	vld [tilespmem:s26+$0x30];
	_ =	sdelay $0x4  }
0x1e9: {  	[tilespmem:s7+$0x8130] =	vst.add.f32.msk $0xffff, v3  }
0x1ea: {  	v3 =	vld [tilespmem:s26+$0x80];
	_ =	sdelay $0x2  }
0x1eb: {  	s29 =	spop (v2sf)  }
0x1ec: {  	s7 =	spop (v2sf)  }
0x1ed: {  	[tilespmem:s7+$0x8100] =	vst.add.f32.msk $0xffff, v3  }
0x1ee: {  	v3 =	vld [tilespmem:s26+$0x90];
	_ =	sdelay $0x4  }
0x1ef: {  	[tilespmem:s7+$0x8110] =	vst.add.f32.msk $0xffff, v3  }
0x1f0: {  	(v2sf) =	vpush v1, $0xF;
	v3 =	vld [tilespmem:s26+$0xA0]  }
0x1f1: {  	(v2sf) =	vpush v2, $0xA;
	_ =	sdelay $0x3  }
0x1f2: {  	[tilespmem:s7+$0x8120] =	vst.add.f32.msk $0xffff, v3  }
0x1f3: {  	v1 =	vld [tilespmem:s26+$0xB0];
	_ =	sdelay $0x2  }
0x1f4: {  	[tilespmem:s0+$0x8130] =	vst.add.f32.msk $0xffff, v4  }
0x1f5: {  	v3 =	vld [tilespmem:s25+$0x100]  }
0x1f6: {  	[tilespmem:s7+$0x8130] =	vst.add.f32.msk $0xffff, v1  }
0x1f7: {  	v1 =	vld [tilespmem:s26+$0x100];
	_ =	sdelay $0x2  }
0x1f8: {  	s0 =	spop (v2sf);
	[tilespmem:s20+$0x8100] =	vst.add.f32.msk $0xffff, v3  }
0x1f9: {  	v3 =	vld [tilespmem:s25+$0x110];
	s7 =	spop (v2sf)  }
0x1fa: {  	[tilespmem:s7+$0x8100] =	vst.add.f32.msk $0xffff, v1  }
0x1fb: {  	v1 =	vld [tilespmem:s26+$0x110];
	_ =	sdelay $0x2  }
0x1fc: {  	[tilespmem:s20+$0x8110] =	vst.add.f32.msk $0xffff, v3  }
0x1fd: {  	v3 =	vld [tilespmem:s25+$0x120]  }
0x1fe: {  	[tilespmem:s7+$0x8110] =	vst.add.f32.msk $0xffff, v1  }
0x1ff: {  	v1 =	vld [tilespmem:s26+$0x120]  }
0x200: {  	(v2sf) =	vpush v2, $0xB;
	_ =	sdelay $0x1  }
0x201: {  	[tilespmem:s20+$0x8120] =	vst.add.f32.msk $0xffff, v3  }
0x202: {  	v3 =	vld [tilespmem:s25+$0x130]  }
0x203: {  	[tilespmem:s7+$0x8120] =	vst.add.f32.msk $0xffff, v1  }
0x204: {  	v1 =	vld [tilespmem:s26+$0x130];
	_ =	sdelay $0x2  }
0x205: {  	[tilespmem:s20+$0x8130] =	vst.add.f32.msk $0xffff, v3  }
0x206: {  	v3 =	vld [tilespmem:s25+$0x180]  }
0x207: {  	[tilespmem:s7+$0x8130] =	vst.add.f32.msk $0xffff, v1  }
0x208: {  	v1 =	vld [tilespmem:s26+$0x180];
	_ =	sdelay $0x2  }
0x209: {  	[tilespmem:s19+$0x8100] =	vst.add.f32.msk $0xffff, v3  }
0x20a: {  	s20 =	spop (v2sf);
	v3 =	vld [tilespmem:s25+$0x190]  }
0x20b: {  	[tilespmem:s20+$0x8100] =	vst.add.f32.msk $0xffff, v1  }
0x20c: {  	v1 =	vld [tilespmem:s26+$0x190];
	_ =	sdelay $0x2  }
0x20d: {  	[tilespmem:s19+$0x8110] =	vst.add.f32.msk $0xffff, v3  }
0x20e: {  	v3 =	vld [tilespmem:s25+$0x1A0]  }
0x20f: {  	[tilespmem:s20+$0x8110] =	vst.add.f32.msk $0xffff, v1  }
0x210: {  	v1 =	vld [tilespmem:s26+$0x1A0]  }
0x211: {  	(v2sf) =	vpush v2, $0xC;
	_ =	sdelay $0x1  }
0x212: {  	[tilespmem:s19+$0x8120] =	vst.add.f32.msk $0xffff, v3  }
0x213: {  	v3 =	vld [tilespmem:s25+$0x1B0]  }
0x214: {  	[tilespmem:s20+$0x8120] =	vst.add.f32.msk $0xffff, v1  }
0x215: {  	v1 =	vld [tilespmem:s26+$0x1B0];
	_ =	sdelay $0x2  }
0x216: {  	[tilespmem:s19+$0x8130] =	vst.add.f32.msk $0xffff, v3  }
0x217: {  	v3 =	vld [tilespmem:s25+$0x200]  }
0x218: {  	[tilespmem:s20+$0x8130] =	vst.add.f32.msk $0xffff, v1  }
0x219: {  	v1 =	vld [tilespmem:s26+$0x200];
	_ =	sdelay $0x2  }
0x21a: {  	[tilespmem:s31+$0x8100] =	vst.add.f32.msk $0xffff, v3  }
0x21b: {  	v3 =	vld [tilespmem:s25+$0x210];
	s20 =	spop (v2sf)  }
0x21c: {  	[tilespmem:s20+$0x8100] =	vst.add.f32.msk $0xffff, v1  }
0x21d: {  	v1 =	vld [tilespmem:s26+$0x210];
	_ =	sdelay $0x2  }
0x21e: {  	[tilespmem:s31+$0x8110] =	vst.add.f32.msk $0xffff, v3  }
0x21f: {  	v3 =	vld [tilespmem:s25+$0x220]  }
0x220: {  	[tilespmem:s20+$0x8110] =	vst.add.f32.msk $0xffff, v1  }
0x221: {  	v1 =	vld [tilespmem:s26+$0x220]  }
0x222: {  	(v2sf) =	vpush v2, $0xD;
	_ =	sdelay $0x1  }
0x223: {  	[tilespmem:s31+$0x8120] =	vst.add.f32.msk $0xffff, v3  }
0x224: {  	v3 =	vld [tilespmem:s25+$0x230]  }
0x225: {  	[tilespmem:s20+$0x8120] =	vst.add.f32.msk $0xffff, v1  }
0x226: {  	v1 =	vld [tilespmem:s26+$0x230];
	_ =	sdelay $0x2  }
0x227: {  	[tilespmem:s31+$0x8130] =	vst.add.f32.msk $0xffff, v3  }
0x228: {  	v3 =	vld [tilespmem:s25+$0x280]  }
0x229: {  	[tilespmem:s20+$0x8130] =	vst.add.f32.msk $0xffff, v1  }
0x22a: {  	v1 =	vld [tilespmem:s26+$0x280];
	_ =	sdelay $0x2  }
0x22b: {  	[tilespmem:s30+$0x8100] =	vst.add.f32.msk $0xffff, v3  }
0x22c: {  	s31 =	spop (v2sf);
	v3 =	vld [tilespmem:s25+$0x290]  }
0x22d: {  	[tilespmem:s31+$0x8100] =	vst.add.f32.msk $0xffff, v1  }
0x22e: {  	v1 =	vld [tilespmem:s26+$0x290];
	_ =	sdelay $0x2  }
0x22f: {  	[tilespmem:s30+$0x8110] =	vst.add.f32.msk $0xffff, v3  }
0x230: {  	v3 =	vld [tilespmem:s25+$0x2A0]  }
0x231: {  	[tilespmem:s31+$0x8110] =	vst.add.f32.msk $0xffff, v1  }
0x232: {  	v1 =	vld [tilespmem:s26+$0x2A0]  }
0x233: {  	(v2sf) =	vpush v2, $0xE;
	_ =	sdelay $0x1  }
0x234: {  	[tilespmem:s30+$0x8120] =	vst.add.f32.msk $0xffff, v3  }
0x235: {  	v3 =	vld [tilespmem:s25+$0x2B0]  }
0x236: {  	[tilespmem:s31+$0x8120] =	vst.add.f32.msk $0xffff, v1  }
0x237: {  	v1 =	vld [tilespmem:s26+$0x2B0];
	_ =	sdelay $0x2  }
0x238: {  	[tilespmem:s30+$0x8130] =	vst.add.f32.msk $0xffff, v3  }
0x239: {  	v3 =	vld [tilespmem:s25+$0x300]  }
0x23a: {  	[tilespmem:s31+$0x8130] =	vst.add.f32.msk $0xffff, v1  }
0x23b: {  	v1 =	vld [tilespmem:s26+$0x300];
	_ =	sdelay $0x2  }
0x23c: {  	[tilespmem:s29+$0x8100] =	vst.add.f32.msk $0xffff, v3  }
0x23d: {  	s19 =	spop (v2sf);
	v3 =	vld [tilespmem:s25+$0x310]  }
0x23e: {  	[tilespmem:s19+$0x8100] =	vst.add.f32.msk $0xffff, v1  }
0x23f: {  	v1 =	vld [tilespmem:s26+$0x310];
	_ =	sdelay $0x2  }
0x240: {  	[tilespmem:s29+$0x8110] =	vst.add.f32.msk $0xffff, v3  }
0x241: {  	v3 =	vld [tilespmem:s25+$0x320]  }
0x242: {  	[tilespmem:s19+$0x8110] =	vst.add.f32.msk $0xffff, v1  }
0x243: {  	v1 =	vld [tilespmem:s26+$0x320]  }
0x244: {  	(v2sf) =	vpush v2, $0xF;
	_ =	sdelay $0x1  }
0x245: {  	[tilespmem:s29+$0x8120] =	vst.add.f32.msk $0xffff, v3  }
0x246: {  	v2 =	vld [tilespmem:s25+$0x330]  }
0x247: {  	[tilespmem:s19+$0x8120] =	vst.add.f32.msk $0xffff, v1  }
0x248: {  	v1 =	vld [tilespmem:s26+$0x330];
	_ =	sdelay $0x1  }
0x249: {  	v3 =	vld [tilespmem:s28+$0x380]  }
0x24a: {  	[tilespmem:s29+$0x8130] =	vst.add.f32.msk $0xffff, v2  }
0x24b: {  	v2 =	vld [tilespmem:s25+$0x380]  }
0x24c: {  	[tilespmem:s19+$0x8130] =	vst.add.f32.msk $0xffff, v1  }
0x24d: {  	v1 =	vld [tilespmem:s26+$0x380]  }
0x24e: {  	[tilespmem:s2+$0x8100] =	vst.add.f32.msk $0xffff, v3  }
0x24f: {  	v3 =	vld [tilespmem:s28+$0x390]  }
0x250: {  	[tilespmem:s0+$0x8100] =	vst.add.f32.msk $0xffff, v2  }
0x251: {  	s20 =	spop (v2sf);
	v2 =	vld [tilespmem:s25+$0x390]  }
0x252: {  	[tilespmem:s20+$0x8100] =	vst.add.f32.msk $0xffff, v1  }
0x253: {  	v1 =	vld [tilespmem:s26+$0x390]  }
0x254: {  	[tilespmem:s2+$0x8110] =	vst.add.f32.msk $0xffff, v3  }
0x255: {  	v3 =	vld [tilespmem:s28+$0x3A0]  }
0x256: {  	[tilespmem:s0+$0x8110] =	vst.add.f32.msk $0xffff, v2  }
0x257: {  	v2 =	vld [tilespmem:s25+$0x3A0]  }
0x258: {  	[tilespmem:s20+$0x8110] =	vst.add.f32.msk $0xffff, v1  }
0x259: {  	v1 =	vld [tilespmem:s26+$0x3A0]  }
0x25a: {  	[tilespmem:s2+$0x8120] =	vst.add.f32.msk $0xffff, v3  }
0x25b: {  	v3 =	vld [tilespmem:s28+$0x3B0]  }
0x25c: {  	[tilespmem:s0+$0x8120] =	vst.add.f32.msk $0xffff, v2  }
0x25d: {  	v2 =	vld [tilespmem:s25+$0x3B0]  }
0x25e: {  	[tilespmem:s20+$0x8120] =	vst.add.f32.msk $0xffff, v1  }
0x25f: {  	v1 =	vld [tilespmem:s26+$0x3B0];
	_ =	sdelay $0x2  }
0x260: {  	[tilespmem:s2+$0x8130] =	vst.add.f32.msk $0xffff, v3  }
0x261: {  	[tilespmem:s0+$0x8130] =	vst.add.f32.msk $0xffff, v2  }
0x262: {  	[tilespmem:s20+$0x8130] =	vst.add.f32.msk $0xffff, v1  }
0x263: {  	p0 =	seq.s32 s23, $0x3F;
	_ =	swait.ge [sflag:s17], $0x4000  }
0x264: {  	s0 =	sadd.s32 @!p0 $0x100, s24;
	[sflag:s17] =	ssyncset.done $0x0  }
0x265: {  	s7 =	simm.s32 @!p0 $0x400;
	s2 =	sshll.u32 @!p0 s0, $0xB;
	[sflag:s17] =	ssyncadd.s32 $0xFFFFC000  }
0x266: {  	s19 =	simm.s32 @!p0 $0x4000;
	s2 =	sadd.s32 @!p0 s5, s2;
	_ =	swait.ge [sflag:s18], $0x80  }
0x267: {  	s0 =	sshrl.u32 @!p0 s0, $0x3;
	s2 =	sshrl.u32 @!p0 s2, $0x3;
	[sflag:s18] =	ssyncset.done $0x0  }
0x268: {  	s2 =	sadd.s32 @!p0 s1, s2;
	s20 =	simm.s32 @!p0 $0x0;
	[sflag:s18] =	ssyncadd.s32 $0xFFFFFF80  }
0x269: {  	[tilespmem:s20], [sflag:$0x1] =	stream.strided.gather @!p0 [hbm4b:s2+s7], $0x4000, s19, s7, $0x38;
	[tilespmem:$0x1C100] =	vst v63  }
0x26a: {  	s24 =	simm.s32 $0x0;
	s0 =	sadd.s32 @!p0 s3, s0  }
0x26b: {  	[tilespmem:s19], [sflag:$0x2] =	stream.linear.gather @!p0 [hbm4b:s0+s20], $0x80, $0x38;
	[tilespmem:$0x1C100] =	vst v63  }
0x26c: {  	v1 =	vld [tilespmem:s24+$0x8080];
	_ =	sdelay $0x4  }
0x26d: {  	v1 =	vshll.u32 v1, $0x8  }
0x26e: {  	v3 =	vshra.s32 v1, $0x2  }
0x26f: {  	(v2sf) =	vpush v3, $0x0;
	_ =	sdelay $0xa  }
0x270: {  	v1 =	vld [tilespmem:s11+$0xFFFFFC00];
	_ =	sdelay $0x3  }
0x271: {  	s25 =	spop (v2sf)  }
0x272: {  	[tilespmem:s25+$0x8100] =	vst.add.f32.msk $0xffff, v1  }
0x273: {  	v1 =	vld [tilespmem:s11+$0xFFFFFC10];
	_ =	sdelay $0x4  }
0x274: {  	[tilespmem:s25+$0x8110] =	vst.add.f32.msk $0xffff, v1  }
0x275: {  	(v2sf) =	vpush v3, $0x5;
	v1 =	vld [tilespmem:s11+$0xFFFFFC20]  }
0x276: {  	(v2sf) =	vpush v3, $0x1;
	_ =	sdelay $0x3  }
0x277: {  	[tilespmem:s25+$0x8120] =	vst.add.f32.msk $0xffff, v1  }
0x278: {  	v1 =	vld [tilespmem:s11+$0xFFFFFC30];
	_ =	sdelay $0x4  }
0x279: {  	[tilespmem:s25+$0x8130] =	vst.add.f32.msk $0xffff, v1  }
0x27a: {  	v1 =	vld [tilespmem:s11+$0xFFFFFC80];
	_ =	sdelay $0x2  }
0x27b: {  	s26 =	spop (v2sf)  }
0x27c: {  	s31 =	spop (v2sf)  }
0x27d: {  	[tilespmem:s31+$0x8100] =	vst.add.f32.msk $0xffff, v1  }
0x27e: {  	v1 =	vld [tilespmem:s11+$0xFFFFFC90];
	_ =	sdelay $0x4  }
0x27f: {  	[tilespmem:s31+$0x8110] =	vst.add.f32.msk $0xffff, v1  }
0x280: {  	v1 =	vld [tilespmem:s11+$0xFFFFFCA0]  }
0x281: {  	(v2sf) =	vpush v3, $0x2;
	_ =	sdelay $0x3  }
0x282: {  	[tilespmem:s31+$0x8120] =	vst.add.f32.msk $0xffff, v1  }
0x283: {  	v1 =	vld [tilespmem:s11+$0xFFFFFCB0];
	_ =	sdelay $0x4  }
0x284: {  	[tilespmem:s31+$0x8130] =	vst.add.f32.msk $0xffff, v1  }
0x285: {  	v1 =	vld [tilespmem:s11+$0xFFFFFD00];
	_ =	sdelay $0x3  }
0x286: {  	s7 =	spop (v2sf)  }
0x287: {  	[tilespmem:s7+$0x8100] =	vst.add.f32.msk $0xffff, v1  }
0x288: {  	v1 =	vld [tilespmem:s11+$0xFFFFFD10];
	_ =	sdelay $0x4  }
0x289: {  	[tilespmem:s7+$0x8110] =	vst.add.f32.msk $0xffff, v1  }
0x28a: {  	v1 =	vld [tilespmem:s11+$0xFFFFFD20]  }
0x28b: {  	(v2sf) =	vpush v3, $0x3;
	_ =	sdelay $0x3  }
0x28c: {  	[tilespmem:s7+$0x8120] =	vst.add.f32.msk $0xffff, v1  }
0x28d: {  	v1 =	vld [tilespmem:s11+$0xFFFFFD30];
	_ =	sdelay $0x4  }
0x28e: {  	[tilespmem:s7+$0x8130] =	vst.add.f32.msk $0xffff, v1  }
0x28f: {  	v1 =	vld [tilespmem:s11+$0xFFFFFD80];
	_ =	sdelay $0x3  }
0x290: {  	s19 =	spop (v2sf)  }
0x291: {  	[tilespmem:s19+$0x8100] =	vst.add.f32.msk $0xffff, v1  }
0x292: {  	v1 =	vld [tilespmem:s11+$0xFFFFFD90];
	_ =	sdelay $0x4  }
0x293: {  	[tilespmem:s19+$0x8110] =	vst.add.f32.msk $0xffff, v1  }
0x294: {  	v1 =	vld [tilespmem:s11+$0xFFFFFDA0]  }
0x295: {  	(v2sf) =	vpush v3, $0x4;
	_ =	sdelay $0x3  }
0x296: {  	[tilespmem:s19+$0x8120] =	vst.add.f32.msk $0xffff, v1  }
0x297: {  	v1 =	vld [tilespmem:s11+$0xFFFFFDB0];
	_ =	sdelay $0x4  }
0x298: {  	[tilespmem:s19+$0x8130] =	vst.add.f32.msk $0xffff, v1  }
0x299: {  	v1 =	vld [tilespmem:s11+$0xFFFFFE00];
	_ =	sdelay $0x3  }
0x29a: {  	s20 =	spop (v2sf)  }
0x29b: {  	[tilespmem:s20+$0x8100] =	vst.add.f32.msk $0xffff, v1  }
0x29c: {  	v1 =	vld [tilespmem:s11+$0xFFFFFE10];
	_ =	sdelay $0x4  }
0x29d: {  	[tilespmem:s20+$0x8110] =	vst.add.f32.msk $0xffff, v1  }
0x29e: {  	s24 =	simm.s32 $0x10;
	v1 =	vld [tilespmem:s11+$0xFFFFFE20]  }
0x29f: {  	v2 =	vld [tilespmem:s24+$0x8080];
	_ =	sdelay $0x3  }
0x2a0: {  	[tilespmem:s20+$0x8120] =	vst.add.f32.msk $0xffff, v1  }
0x2a1: {  	v1 =	vshll.u32 v2, $0x8;
	v4 =	vld [tilespmem:s11+$0xFFFFFE30]  }
0x2a2: {  	v1 =	vshra.s32 v1, $0x2  }
0x2a3: {  	(v2sf) =	vpush v1, $0x0;
	_ =	sdelay $0x2  }
0x2a4: {  	[tilespmem:s20+$0x8130] =	vst.add.f32.msk $0xffff, v4  }
0x2a5: {  	v2 =	vld [tilespmem:s11+$0xFFFFFE80];
	_ =	sdelay $0x4  }
0x2a6: {  	[tilespmem:s26+$0x8100] =	vst.add.f32.msk $0xffff, v2  }
0x2a7: {  	s24 =	sadd.s32 $0x800, s11;
	v2 =	vld [tilespmem:s11+$0xFFFFFE90]  }
0x2a8: {  	v4 =	vld [tilespmem:s24+$0xFFFFFC00];
	_ =	sdelay $0x3  }
0x2a9: {  	s25 =	spop (v2sf);
	[tilespmem:s26+$0x8110] =	vst.add.f32.msk $0xffff, v2  }
0x2aa: {  	[tilespmem:s25+$0x8100] =	vst.add.f32.msk $0xffff, v4  }
0x2ab: {  	v2 =	vld [tilespmem:s11+$0xFFFFFEA0]  }
0x2ac: {  	v4 =	vld [tilespmem:s24+$0xFFFFFC10]  }
0x2ad: {  	(v2sf) =	vpush v1, $0x5  }
0x2ae: {  	(v2sf) =	vpush v3, $0x6;
	_ =	sdelay $0x1  }
0x2af: {  	[tilespmem:s26+$0x8120] =	vst.add.f32.msk $0xffff, v2  }
0x2b0: {  	[tilespmem:s25+$0x8110] =	vst.add.f32.msk $0xffff, v4  }
0x2b1: {  	v2 =	vld [tilespmem:s11+$0xFFFFFEB0]  }
0x2b2: {  	v4 =	vld [tilespmem:s24+$0xFFFFFC20];
	_ =	sdelay $0x2  }
0x2b3: {  	(v2sf) =	vpush v1, $0x1  }
0x2b4: {  	[tilespmem:s26+$0x8130] =	vst.add.f32.msk $0xffff, v2  }
0x2b5: {  	[tilespmem:s25+$0x8120] =	vst.add.f32.msk $0xffff, v4  }
0x2b6: {  	v2 =	vld [tilespmem:s11+$0xFFFFFF00]  }
0x2b7: {  	v4 =	vld [tilespmem:s24+$0xFFFFFC30];
	_ =	sdelay $0x1  }
0x2b8: {  	s0 =	spop (v2sf)  }
0x2b9: {  	s26 =	spop (v2sf)  }
0x2ba: {  	[tilespmem:s26+$0x8100] =	vst.add.f32.msk $0xffff, v2  }
0x2bb: {  	[tilespmem:s25+$0x8130] =	vst.add.f32.msk $0xffff, v4  }
0x2bc: {  	v2 =	vld [tilespmem:s11+$0xFFFFFF10]  }
0x2bd: {  	v4 =	vld [tilespmem:s24+$0xFFFFFC80];
	_ =	sdelay $0x3  }
0x2be: {  	s31 =	spop (v2sf);
	[tilespmem:s26+$0x8110] =	vst.add.f32.msk $0xffff, v2  }
0x2bf: {  	[tilespmem:s31+$0x8100] =	vst.add.f32.msk $0xffff, v4  }
0x2c0: {  	v2 =	vld [tilespmem:s11+$0xFFFFFF20]  }
0x2c1: {  	v4 =	vld [tilespmem:s24+$0xFFFFFC90];
	_ =	sdelay $0x1  }
0x2c2: {  	(v2sf) =	vpush v3, $0x7;
	_ =	sdelay $0x1  }
0x2c3: {  	[tilespmem:s26+$0x8120] =	vst.add.f32.msk $0xffff, v2  }
0x2c4: {  	[tilespmem:s31+$0x8110] =	vst.add.f32.msk $0xffff, v4  }
0x2c5: {  	v2 =	vld [tilespmem:s11+$0xFFFFFF30]  }
0x2c6: {  	v4 =	vld [tilespmem:s24+$0xFFFFFCA0];
	_ =	sdelay $0x2  }
0x2c7: {  	(v2sf) =	vpush v1, $0x2  }
0x2c8: {  	[tilespmem:s26+$0x8130] =	vst.add.f32.msk $0xffff, v2  }
0x2c9: {  	[tilespmem:s31+$0x8120] =	vst.add.f32.msk $0xffff, v4  }
0x2ca: {  	v2 =	vld [tilespmem:s11+$0xFFFFFF80]  }
0x2cb: {  	v4 =	vld [tilespmem:s24+$0xFFFFFCB0];
	_ =	sdelay $0x2  }
0x2cc: {  	s19 =	spop (v2sf)  }
0x2cd: {  	[tilespmem:s19+$0x8100] =	vst.add.f32.msk $0xffff, v2  }
0x2ce: {  	[tilespmem:s31+$0x8130] =	vst.add.f32.msk $0xffff, v4  }
0x2cf: {  	v2 =	vld [tilespmem:s11+$0xFFFFFF90]  }
0x2d0: {  	v4 =	vld [tilespmem:s24+$0xFFFFFD00];
	_ =	sdelay $0x3  }
0x2d1: {  	s20 =	spop (v2sf);
	[tilespmem:s19+$0x8110] =	vst.add.f32.msk $0xffff, v2  }
0x2d2: {  	[tilespmem:s20+$0x8100] =	vst.add.f32.msk $0xffff, v4  }
0x2d3: {  	v2 =	vld [tilespmem:s11+$0xFFFFFFA0]  }
0x2d4: {  	v4 =	vld [tilespmem:s24+$0xFFFFFD10];
	_ =	sdelay $0x1  }
0x2d5: {  	(v2sf) =	vpush v3, $0x8;
	_ =	sdelay $0x1  }
0x2d6: {  	[tilespmem:s19+$0x8120] =	vst.add.f32.msk $0xffff, v2  }
0x2d7: {  	[tilespmem:s20+$0x8110] =	vst.add.f32.msk $0xffff, v4  }
0x2d8: {  	v2 =	vld [tilespmem:s11+$0xFFFFFFB0]  }
0x2d9: {  	v4 =	vld [tilespmem:s24+$0xFFFFFD20];
	_ =	sdelay $0x2  }
0x2da: {  	(v2sf) =	vpush v1, $0x3  }
0x2db: {  	[tilespmem:s19+$0x8130] =	vst.add.f32.msk $0xffff, v2  }
0x2dc: {  	[tilespmem:s20+$0x8120] =	vst.add.f32.msk $0xffff, v4  }
0x2dd: {  	v2 =	vld [tilespmem:s11+$0x0]  }
0x2de: {  	v4 =	vld [tilespmem:s24+$0xFFFFFD30];
	_ =	sdelay $0x2  }
0x2df: {  	s25 =	spop (v2sf)  }
0x2e0: {  	[tilespmem:s25+$0x8100] =	vst.add.f32.msk $0xffff, v2  }
0x2e1: {  	[tilespmem:s20+$0x8130] =	vst.add.f32.msk $0xffff, v4  }
0x2e2: {  	v2 =	vld [tilespmem:s11+$0x10]  }
0x2e3: {  	v4 =	vld [tilespmem:s24+$0xFFFFFD80];
	_ =	sdelay $0x3  }
0x2e4: {  	s26 =	spop (v2sf);
	[tilespmem:s25+$0x8110] =	vst.add.f32.msk $0xffff, v2  }
0x2e5: {  	[tilespmem:s26+$0x8100] =	vst.add.f32.msk $0xffff, v4  }
0x2e6: {  	v2 =	vld [tilespmem:s11+$0x20]  }
0x2e7: {  	v4 =	vld [tilespmem:s24+$0xFFFFFD90];
	_ =	sdelay $0x1  }
0x2e8: {  	(v2sf) =	vpush v3, $0x9;
	_ =	sdelay $0x1  }
0x2e9: {  	[tilespmem:s25+$0x8120] =	vst.add.f32.msk $0xffff, v2  }
0x2ea: {  	[tilespmem:s26+$0x8110] =	vst.add.f32.msk $0xffff, v4  }
0x2eb: {  	v2 =	vld [tilespmem:s11+$0x30]  }
0x2ec: {  	v4 =	vld [tilespmem:s24+$0xFFFFFDA0];
	_ =	sdelay $0x2  }
0x2ed: {  	(v2sf) =	vpush v1, $0x4  }
0x2ee: {  	[tilespmem:s25+$0x8130] =	vst.add.f32.msk $0xffff, v2  }
0x2ef: {  	[tilespmem:s26+$0x8120] =	vst.add.f32.msk $0xffff, v4  }
0x2f0: {  	v2 =	vld [tilespmem:s11+$0x80]  }
0x2f1: {  	v4 =	vld [tilespmem:s24+$0xFFFFFDB0];
	_ =	sdelay $0x2  }
0x2f2: {  	s31 =	spop (v2sf)  }
0x2f3: {  	[tilespmem:s31+$0x8100] =	vst.add.f32.msk $0xffff, v2  }
0x2f4: {  	[tilespmem:s26+$0x8130] =	vst.add.f32.msk $0xffff, v4  }
0x2f5: {  	v2 =	vld [tilespmem:s11+$0x90]  }
0x2f6: {  	v4 =	vld [tilespmem:s24+$0xFFFFFE00];
	_ =	sdelay $0x3  }
0x2f7: {  	s20 =	spop (v2sf);
	[tilespmem:s31+$0x8110] =	vst.add.f32.msk $0xffff, v2  }
0x2f8: {  	[tilespmem:s20+$0x8100] =	vst.add.f32.msk $0xffff, v4  }
0x2f9: {  	v2 =	vld [tilespmem:s11+$0xA0]  }
0x2fa: {  	v4 =	vld [tilespmem:s24+$0xFFFFFE10];
	_ =	sdelay $0x1  }
0x2fb: {  	(v2sf) =	vpush v3, $0xA;
	_ =	sdelay $0x1  }
0x2fc: {  	[tilespmem:s31+$0x8120] =	vst.add.f32.msk $0xffff, v2  }
0x2fd: {  	[tilespmem:s20+$0x8110] =	vst.add.f32.msk $0xffff, v4  }
0x2fe: {  	v2 =	vld [tilespmem:s11+$0xB0]  }
0x2ff: {  	v4 =	vld [tilespmem:s24+$0xFFFFFE20];
	_ =	sdelay $0x1  }
0x300: {  	s25 =	simm.s32 $0x20  }
0x301: {  	v5 =	vld [tilespmem:s25+$0x8080]  }
0x302: {  	[tilespmem:s31+$0x8130] =	vst.add.f32.msk $0xffff, v2  }
0x303: {  	[tilespmem:s20+$0x8120] =	vst.add.f32.msk $0xffff, v4  }
0x304: {  	v6 =	vld [tilespmem:s11+$0x100]  }
0x305: {  	v4 =	vld [tilespmem:s24+$0xFFFFFE30];
	_ =	sdelay $0x2  }
0x306: {  	s26 =	spop (v2sf)  }
0x307: {  	[tilespmem:s26+$0x8100] =	vst.add.f32.msk $0xffff, v6  }
0x308: {  	v2 =	vshll.u32 v5, $0x8;
	[tilespmem:s20+$0x8130] =	vst.add.f32.msk $0xffff, v4  }
0x309: {  	v2 =	vshra.s32 v2, $0x2;
	v5 =	vld [tilespmem:s11+$0x110]  }
0x30a: {  	(v2sf) =	vpush v2, $0x0;
	v4 =	vld [tilespmem:s24+$0xFFFFFE80];
	_ =	sdelay $0x3  }
0x30b: {  	[tilespmem:s26+$0x8110] =	vst.add.f32.msk $0xffff, v5  }
0x30c: {  	[tilespmem:s0+$0x8100] =	vst.add.f32.msk $0xffff, v4  }
0x30d: {  	v5 =	vld [tilespmem:s11+$0x120]  }
0x30e: {  	v4 =	vld [tilespmem:s24+$0xFFFFFE90]  }
0x30f: {  	(v2sf) =	vpush v2, $0x5  }
0x310: {  	s28 =	sadd.s32 $0x800, s24;
	(v2sf) =	vpush v3, $0xB  }
0x311: {  	v6 =	vld [tilespmem:s28+$0xFFFFFC00]  }
0x312: {  	[tilespmem:s26+$0x8120] =	vst.add.f32.msk $0xffff, v5  }
0x313: {  	[tilespmem:s0+$0x8110] =	vst.add.f32.msk $0xffff, v4  }
0x314: {  	v5 =	vld [tilespmem:s11+$0x130]  }
0x315: {  	v4 =	vld [tilespmem:s24+$0xFFFFFEA0]  }
0x316: {  	s31 =	spop (v2sf)  }
0x317: {  	[tilespmem:s31+$0x8100] =	vst.add.f32.msk $0xffff, v6  }
0x318: {  	(v2sf) =	vpush v1, $0x6;
	v6 =	vld [tilespmem:s28+$0xFFFFFC10]  }
0x319: {  	[tilespmem:s26+$0x8130] =	vst.add.f32.msk $0xffff, v5  }
0x31a: {  	[tilespmem:s0+$0x8120] =	vst.add.f32.msk $0xffff, v4  }
0x31b: {  	v5 =	vld [tilespmem:s11+$0x180]  }
0x31c: {  	v4 =	vld [tilespmem:s24+$0xFFFFFEB0];
	_ =	sdelay $0x1  }
0x31d: {  	s29 =	spop (v2sf);
	[tilespmem:s31+$0x8110] =	vst.add.f32.msk $0xffff, v6  }
0x31e: {  	s19 =	spop (v2sf);
	v6 =	vld [tilespmem:s28+$0xFFFFFC20]  }
0x31f: {  	[tilespmem:s19+$0x8100] =	vst.add.f32.msk $0xffff, v5  }
0x320: {  	[tilespmem:s0+$0x8130] =	vst.add.f32.msk $0xffff, v4  }
0x321: {  	v5 =	vld [tilespmem:s11+$0x190]  }
0x322: {  	(v2sf) =	vpush v2, $0x1;
	v4 =	vld [tilespmem:s24+$0xFFFFFF00];
	_ =	sdelay $0x1  }
0x323: {  	[tilespmem:s31+$0x8120] =	vst.add.f32.msk $0xffff, v6  }
0x324: {  	v6 =	vld [tilespmem:s28+$0xFFFFFC30]  }
0x325: {  	s20 =	spop (v2sf);
	[tilespmem:s19+$0x8110] =	vst.add.f32.msk $0xffff, v5  }
0x326: {  	[tilespmem:s20+$0x8100] =	vst.add.f32.msk $0xffff, v4  }
0x327: {  	v5 =	vld [tilespmem:s11+$0x1A0]  }
0x328: {  	v4 =	vld [tilespmem:s24+$0xFFFFFF10];
	_ =	sdelay $0x1  }
0x329: {  	(v2sf) =	vpush v3, $0xC;
	[tilespmem:s31+$0x8130] =	vst.add.f32.msk $0xffff, v6  }
0x32a: {  	v6 =	vld [tilespmem:s28+$0xFFFFFC80]  }
0x32b: {  	[tilespmem:s19+$0x8120] =	vst.add.f32.msk $0xffff, v5  }
0x32c: {  	[tilespmem:s20+$0x8110] =	vst.add.f32.msk $0xffff, v4  }
0x32d: {  	v5 =	vld [tilespmem:s11+$0x1B0]  }
0x32e: {  	v4 =	vld [tilespmem:s24+$0xFFFFFF20]  }
0x32f: {  	s25 =	spop (v2sf)  }
0x330: {  	[tilespmem:s25+$0x8100] =	vst.add.f32.msk $0xffff, v6  }
0x331: {  	(v2sf) =	vpush v1, $0x7;
	v6 =	vld [tilespmem:s28+$0xFFFFFC90]  }
0x332: {  	[tilespmem:s19+$0x8130] =	vst.add.f32.msk $0xffff, v5  }
0x333: {  	[tilespmem:s20+$0x8120] =	vst.add.f32.msk $0xffff, v4  }
0x334: {  	v5 =	vld [tilespmem:s11+$0x200]  }
0x335: {  	v4 =	vld [tilespmem:s24+$0xFFFFFF30];
	_ =	sdelay $0x1  }
0x336: {  	[tilespmem:s25+$0x8110] =	vst.add.f32.msk $0xffff, v6  }
0x337: {  	s26 =	spop (v2sf);
	v6 =	vld [tilespmem:s28+$0xFFFFFCA0]  }
0x338: {  	[tilespmem:s26+$0x8100] =	vst.add.f32.msk $0xffff, v5  }
0x339: {  	[tilespmem:s20+$0x8130] =	vst.add.f32.msk $0xffff, v4  }
0x33a: {  	v5 =	vld [tilespmem:s11+$0x210]  }
0x33b: {  	(v2sf) =	vpush v2, $0x2;
	v4 =	vld [tilespmem:s24+$0xFFFFFF80];
	_ =	sdelay $0x1  }
0x33c: {  	[tilespmem:s25+$0x8120] =	vst.add.f32.msk $0xffff, v6  }
0x33d: {  	v6 =	vld [tilespmem:s28+$0xFFFFFCB0]  }
0x33e: {  	s31 =	spop (v2sf);
	[tilespmem:s26+$0x8110] =	vst.add.f32.msk $0xffff, v5  }
0x33f: {  	[tilespmem:s31+$0x8100] =	vst.add.f32.msk $0xffff, v4  }
0x340: {  	v5 =	vld [tilespmem:s11+$0x220]  }
0x341: {  	v4 =	vld [tilespmem:s24+$0xFFFFFF90];
	_ =	sdelay $0x1  }
0x342: {  	(v2sf) =	vpush v3, $0xD;
	[tilespmem:s25+$0x8130] =	vst.add.f32.msk $0xffff, v6  }
0x343: {  	v6 =	vld [tilespmem:s28+$0xFFFFFD00]  }
0x344: {  	[tilespmem:s26+$0x8120] =	vst.add.f32.msk $0xffff, v5  }
0x345: {  	[tilespmem:s31+$0x8110] =	vst.add.f32.msk $0xffff, v4  }
0x346: {  	v5 =	vld [tilespmem:s11+$0x230]  }
0x347: {  	v4 =	vld [tilespmem:s24+$0xFFFFFFA0]  }
0x348: {  	s19 =	spop (v2sf)  }
0x349: {  	[tilespmem:s19+$0x8100] =	vst.add.f32.msk $0xffff, v6  }
0x34a: {  	(v2sf) =	vpush v1, $0x8;
	v6 =	vld [tilespmem:s28+$0xFFFFFD10]  }
0x34b: {  	[tilespmem:s26+$0x8130] =	vst.add.f32.msk $0xffff, v5  }
0x34c: {  	[tilespmem:s31+$0x8120] =	vst.add.f32.msk $0xffff, v4  }
0x34d: {  	v5 =	vld [tilespmem:s11+$0x280]  }
0x34e: {  	v4 =	vld [tilespmem:s24+$0xFFFFFFB0];
	_ =	sdelay $0x1  }
0x34f: {  	[tilespmem:s19+$0x8110] =	vst.add.f32.msk $0xffff, v6  }
0x350: {  	s20 =	spop (v2sf);
	v6 =	vld [tilespmem:s28+$0xFFFFFD20]  }
0x351: {  	[tilespmem:s20+$0x8100] =	vst.add.f32.msk $0xffff, v5  }
0x352: {  	[tilespmem:s31+$0x8130] =	vst.add.f32.msk $0xffff, v4  }
0x353: {  	v5 =	vld [tilespmem:s11+$0x290]  }
0x354: {  	(v2sf) =	vpush v2, $0x3;
	v4 =	vld [tilespmem:s24+$0x0];
	_ =	sdelay $0x1  }
0x355: {  	[tilespmem:s19+$0x8120] =	vst.add.f32.msk $0xffff, v6  }
0x356: {  	v6 =	vld [tilespmem:s28+$0xFFFFFD30]  }
0x357: {  	s25 =	spop (v2sf);
	[tilespmem:s20+$0x8110] =	vst.add.f32.msk $0xffff, v5  }
0x358: {  	[tilespmem:s25+$0x8100] =	vst.add.f32.msk $0xffff, v4  }
0x359: {  	v5 =	vld [tilespmem:s11+$0x2A0]  }
0x35a: {  	v4 =	vld [tilespmem:s24+$0x10];
	_ =	sdelay $0x1  }
0x35b: {  	(v2sf) =	vpush v3, $0xE;
	[tilespmem:s19+$0x8130] =	vst.add.f32.msk $0xffff, v6  }
0x35c: {  	v6 =	vld [tilespmem:s28+$0xFFFFFD80]  }
0x35d: {  	[tilespmem:s20+$0x8120] =	vst.add.f32.msk $0xffff, v5  }
0x35e: {  	[tilespmem:s25+$0x8110] =	vst.add.f32.msk $0xffff, v4  }
0x35f: {  	v5 =	vld [tilespmem:s11+$0x2B0]  }
0x360: {  	v4 =	vld [tilespmem:s24+$0x20]  }
0x361: {  	s26 =	spop (v2sf)  }
0x362: {  	[tilespmem:s26+$0x8100] =	vst.add.f32.msk $0xffff, v6  }
0x363: {  	(v2sf) =	vpush v1, $0x9;
	v6 =	vld [tilespmem:s28+$0xFFFFFD90]  }
0x364: {  	[tilespmem:s20+$0x8130] =	vst.add.f32.msk $0xffff, v5  }
0x365: {  	[tilespmem:s25+$0x8120] =	vst.add.f32.msk $0xffff, v4  }
0x366: {  	v5 =	vld [tilespmem:s11+$0x300]  }
0x367: {  	v4 =	vld [tilespmem:s24+$0x30];
	_ =	sdelay $0x1  }
0x368: {  	[tilespmem:s26+$0x8110] =	vst.add.f32.msk $0xffff, v6  }
0x369: {  	s31 =	spop (v2sf);
	v6 =	vld [tilespmem:s28+$0xFFFFFDA0]  }
0x36a: {  	[tilespmem:s31+$0x8100] =	vst.add.f32.msk $0xffff, v5  }
0x36b: {  	(v2sf) =	vpush v2, $0x4;
	[tilespmem:s25+$0x8130] =	vst.add.f32.msk $0xffff, v4  }
0x36c: {  	v5 =	vld [tilespmem:s11+$0x310]  }
0x36d: {  	v4 =	vld [tilespmem:s24+$0x80];
	_ =	sdelay $0x1  }
0x36e: {  	[tilespmem:s26+$0x8120] =	vst.add.f32.msk $0xffff, v6  }
0x36f: {  	v6 =	vld [tilespmem:s28+$0xFFFFFDB0]  }
0x370: {  	s0 =	spop (v2sf);
	[tilespmem:s31+$0x8110] =	vst.add.f32.msk $0xffff, v5  }
0x371: {  	[tilespmem:s0+$0x8100] =	vst.add.f32.msk $0xffff, v4  }
0x372: {  	v5 =	vld [tilespmem:s11+$0x320]  }
0x373: {  	v4 =	vld [tilespmem:s24+$0x90];
	_ =	sdelay $0x1  }
0x374: {  	[tilespmem:s26+$0x8130] =	vst.add.f32.msk $0xffff, v6  }
0x375: {  	v6 =	vld [tilespmem:s28+$0xFFFFFE00]  }
0x376: {  	[tilespmem:s31+$0x8120] =	vst.add.f32.msk $0xffff, v5  }
0x377: {  	[tilespmem:s0+$0x8110] =	vst.add.f32.msk $0xffff, v4  }
0x378: {  	s19 =	spop (v2sf);
	(v2sf) =	vpush v3, $0xF;
	v4 =	vld [tilespmem:s24+$0xA0]  }
0x379: {  	v5 =	vld [tilespmem:s11+$0x330]  }
0x37a: {  	(v2sf) =	vpush v1, $0xA;
	[tilespmem:s19+$0x8100] =	vst.add.f32.msk $0xffff, v6  }
0x37b: {  	v6 =	vld [tilespmem:s28+$0xFFFFFE10];
	_ =	sdelay $0x1  }
0x37c: {  	[tilespmem:s0+$0x8120] =	vst.add.f32.msk $0xffff, v4  }
0x37d: {  	[tilespmem:s31+$0x8130] =	vst.add.f32.msk $0xffff, v5  }
0x37e: {  	v4 =	vld [tilespmem:s24+$0xB0]  }
0x37f: {  	[tilespmem:s19+$0x8110] =	vst.add.f32.msk $0xffff, v6  }
0x380: {  	s30 =	simm.s32 $0xC0;
	s25 =	smov.u32 s28;
	s26 =	smov.u32 s11;
	v3 =	vld [tilespmem:s28+$0xFFFFFE20]  }
.LBB2_7:
0x381: {  	s2 =	sshra.s32 s30, $0x2;
	p0 =	sne.s32 s30, $0x1C0;
	s30 =	sadd.s32 $0x40, s30;
	v5 =	vld [tilespmem:s26+$0x380]  }
0x382: {  	v6 =	vld [tilespmem:s2+$0x8080]  }
0x383: {  	[tilespmem:s0+$0x8130] =	vst.add.f32.msk $0xffff, v4  }
0x384: {  	v4 =	vld [tilespmem:s24+$0x100]  }
0x385: {  	[tilespmem:s19+$0x8120] =	vst.add.f32.msk $0xffff, v3  }
0x386: {  	v7 =	vld [tilespmem:s28+$0xFFFFFE30];
	s2 =	spop (v2sf)  }
0x387: {  	v3 =	vshll.u32 v6, $0x8;
	[tilespmem:s2+$0x8100] =	vst.add.f32.msk $0xffff, v5  }
0x388: {  	v3 =	vshra.s32 v3, $0x2;
	s0 =	spop (v2sf);
	v5 =	vld [tilespmem:s26+$0x390]  }
0x389: {  	(v2sf) =	vpush v3, $0x0;
	[tilespmem:s0+$0x8100] =	vst.add.f32.msk $0xffff, v4  }
0x38a: {  	(v2sf) =	vpush v3, $0x5;
	v4 =	vld [tilespmem:s24+$0x110]  }
0x38b: {  	[tilespmem:s19+$0x8130] =	vst.add.f32.msk $0xffff, v7  }
0x38c: {  	v6 =	vld [tilespmem:s28+$0xFFFFFE80]  }
0x38d: {  	[tilespmem:s2+$0x8110] =	vst.add.f32.msk $0xffff, v5  }
0x38e: {  	v5 =	vld [tilespmem:s26+$0x3A0]  }
0x38f: {  	[tilespmem:s0+$0x8110] =	vst.add.f32.msk $0xffff, v4  }
0x390: {  	v4 =	vld [tilespmem:s24+$0x120]  }
0x391: {  	[tilespmem:s29+$0x8100] =	vst.add.f32.msk $0xffff, v6;
	(v2sf) =	vpush v1, $0xB  }
0x392: {  	v6 =	vld [tilespmem:s28+$0xFFFFFE90]  }
0x393: {  	s28 =	sadd.s32 $0x800, s28;
	[tilespmem:s2+$0x8120] =	vst.add.f32.msk $0xffff, v5  }
0x394: {  	v5 =	vld [tilespmem:s28+$0xFFFFFC00]  }
0x395: {  	[tilespmem:s0+$0x8120] =	vst.add.f32.msk $0xffff, v4  }
0x396: {  	v4 =	vld [tilespmem:s24+$0x130]  }
0x397: {  	[tilespmem:s29+$0x8110] =	vst.add.f32.msk $0xffff, v6  }
0x398: {  	s7 =	spop (v2sf);
	v6 =	vld [tilespmem:s25+$0xFFFFFEA0]  }
0x399: {  	[tilespmem:s7+$0x8100] =	vst.add.f32.msk $0xffff, v5;
	s19 =	spop (v2sf);
	(v2sf) =	vpush v2, $0x6  }
0x39a: {  	v5 =	vld [tilespmem:s28+$0xFFFFFC10]  }
0x39b: {  	[tilespmem:s0+$0x8130] =	vst.add.f32.msk $0xffff, v4  }
0x39c: {  	v4 =	vld [tilespmem:s24+$0x180]  }
0x39d: {  	[tilespmem:s29+$0x8120] =	vst.add.f32.msk $0xffff, v6  }
0x39e: {  	v6 =	vld [tilespmem:s25+$0xFFFFFEB0]  }
0x39f: {  	[tilespmem:s7+$0x8110] =	vst.add.f32.msk $0xffff, v5  }
0x3a0: {  	v5 =	vld [tilespmem:s28+$0xFFFFFC20];
	s0 =	spop (v2sf)  }
0x3a1: {  	(v2sf) =	vpush v3, $0x1;
	[tilespmem:s0+$0x8100] =	vst.add.f32.msk $0xffff, v4  }
0x3a2: {  	v4 =	vld [tilespmem:s24+$0x190]  }
0x3a3: {  	[tilespmem:s29+$0x8130] =	vst.add.f32.msk $0xffff, v6;
	s29 =	smov.u32 s19  }
0x3a4: {  	v6 =	vld [tilespmem:s25+$0xFFFFFF00]  }
0x3a5: {  	[tilespmem:s7+$0x8120] =	vst.add.f32.msk $0xffff, v5  }
0x3a6: {  	v5 =	vld [tilespmem:s28+$0xFFFFFC30]  }
0x3a7: {  	[tilespmem:s0+$0x8110] =	vst.add.f32.msk $0xffff, v4  }
0x3a8: {  	s19 =	spop (v2sf);
	v4 =	vld [tilespmem:s24+$0x1A0]  }
0x3a9: {  	[tilespmem:s19+$0x8100] =	vst.add.f32.msk $0xffff, v6;
	(v2sf) =	vpush v1, $0xC  }
0x3aa: {  	v6 =	vld [tilespmem:s25+$0xFFFFFF10]  }
0x3ab: {  	[tilespmem:s7+$0x8130] =	vst.add.f32.msk $0xffff, v5  }
0x3ac: {  	v5 =	vld [tilespmem:s28+$0xFFFFFC80]  }
0x3ad: {  	[tilespmem:s0+$0x8120] =	vst.add.f32.msk $0xffff, v4  }
0x3ae: {  	v4 =	vld [tilespmem:s24+$0x1B0]  }
0x3af: {  	[tilespmem:s19+$0x8110] =	vst.add.f32.msk $0xffff, v6  }
0x3b0: {  	s7 =	spop (v2sf);
	v6 =	vld [tilespmem:s25+$0xFFFFFF20]  }
0x3b1: {  	[tilespmem:s7+$0x8100] =	vst.add.f32.msk $0xffff, v5;
	(v2sf) =	vpush v2, $0x7  }
0x3b2: {  	v5 =	vld [tilespmem:s28+$0xFFFFFC90]  }
0x3b3: {  	[tilespmem:s0+$0x8130] =	vst.add.f32.msk $0xffff, v4  }
0x3b4: {  	v4 =	vld [tilespmem:s24+$0x200]  }
0x3b5: {  	[tilespmem:s19+$0x8120] =	vst.add.f32.msk $0xffff, v6  }
0x3b6: {  	v6 =	vld [tilespmem:s25+$0xFFFFFF30]  }
0x3b7: {  	[tilespmem:s7+$0x8110] =	vst.add.f32.msk $0xffff, v5  }
0x3b8: {  	v5 =	vld [tilespmem:s28+$0xFFFFFCA0];
	s0 =	spop (v2sf)  }
0x3b9: {  	(v2sf) =	vpush v3, $0x2;
	[tilespmem:s0+$0x8100] =	vst.add.f32.msk $0xffff, v4  }
0x3ba: {  	v4 =	vld [tilespmem:s24+$0x210]  }
0x3bb: {  	[tilespmem:s19+$0x8130] =	vst.add.f32.msk $0xffff, v6  }
0x3bc: {  	v6 =	vld [tilespmem:s25+$0xFFFFFF80]  }
0x3bd: {  	[tilespmem:s7+$0x8120] =	vst.add.f32.msk $0xffff, v5  }
0x3be: {  	v5 =	vld [tilespmem:s28+$0xFFFFFCB0]  }
0x3bf: {  	[tilespmem:s0+$0x8110] =	vst.add.f32.msk $0xffff, v4  }
0x3c0: {  	s19 =	spop (v2sf);
	v4 =	vld [tilespmem:s24+$0x220]  }
0x3c1: {  	[tilespmem:s19+$0x8100] =	vst.add.f32.msk $0xffff, v6;
	(v2sf) =	vpush v1, $0xD  }
0x3c2: {  	v6 =	vld [tilespmem:s25+$0xFFFFFF90]  }
0x3c3: {  	[tilespmem:s7+$0x8130] =	vst.add.f32.msk $0xffff, v5  }
0x3c4: {  	v5 =	vld [tilespmem:s28+$0xFFFFFD00]  }
0x3c5: {  	[tilespmem:s0+$0x8120] =	vst.add.f32.msk $0xffff, v4  }
0x3c6: {  	v4 =	vld [tilespmem:s24+$0x230]  }
0x3c7: {  	[tilespmem:s19+$0x8110] =	vst.add.f32.msk $0xffff, v6  }
0x3c8: {  	s7 =	spop (v2sf);
	v6 =	vld [tilespmem:s25+$0xFFFFFFA0]  }
0x3c9: {  	[tilespmem:s7+$0x8100] =	vst.add.f32.msk $0xffff, v5;
	(v2sf) =	vpush v2, $0x8  }
0x3ca: {  	v5 =	vld [tilespmem:s28+$0xFFFFFD10]  }
0x3cb: {  	[tilespmem:s0+$0x8130] =	vst.add.f32.msk $0xffff, v4  }
0x3cc: {  	v4 =	vld [tilespmem:s24+$0x280]  }
0x3cd: {  	[tilespmem:s19+$0x8120] =	vst.add.f32.msk $0xffff, v6  }
0x3ce: {  	v6 =	vld [tilespmem:s25+$0xFFFFFFB0]  }
0x3cf: {  	[tilespmem:s7+$0x8110] =	vst.add.f32.msk $0xffff, v5  }
0x3d0: {  	v5 =	vld [tilespmem:s28+$0xFFFFFD20];
	s0 =	spop (v2sf)  }
0x3d1: {  	(v2sf) =	vpush v3, $0x3;
	[tilespmem:s0+$0x8100] =	vst.add.f32.msk $0xffff, v4  }
0x3d2: {  	v4 =	vld [tilespmem:s24+$0x290]  }
0x3d3: {  	[tilespmem:s19+$0x8130] =	vst.add.f32.msk $0xffff, v6  }
0x3d4: {  	v6 =	vld [tilespmem:s25+$0x0]  }
0x3d5: {  	[tilespmem:s7+$0x8120] =	vst.add.f32.msk $0xffff, v5  }
0x3d6: {  	v5 =	vld [tilespmem:s28+$0xFFFFFD30]  }
0x3d7: {  	[tilespmem:s0+$0x8110] =	vst.add.f32.msk $0xffff, v4  }
0x3d8: {  	s19 =	spop (v2sf);
	v4 =	vld [tilespmem:s24+$0x2A0]  }
0x3d9: {  	[tilespmem:s19+$0x8100] =	vst.add.f32.msk $0xffff, v6;
	(v2sf) =	vpush v1, $0xE  }
0x3da: {  	v6 =	vld [tilespmem:s25+$0x10]  }
0x3db: {  	[tilespmem:s7+$0x8130] =	vst.add.f32.msk $0xffff, v5  }
0x3dc: {  	v5 =	vld [tilespmem:s28+$0xFFFFFD80]  }
0x3dd: {  	[tilespmem:s0+$0x8120] =	vst.add.f32.msk $0xffff, v4  }
0x3de: {  	v4 =	vld [tilespmem:s24+$0x2B0]  }
0x3df: {  	[tilespmem:s19+$0x8110] =	vst.add.f32.msk $0xffff, v6  }
0x3e0: {  	s7 =	spop (v2sf);
	v6 =	vld [tilespmem:s25+$0x20]  }
0x3e1: {  	[tilespmem:s7+$0x8100] =	vst.add.f32.msk $0xffff, v5;
	(v2sf) =	vpush v2, $0x9  }
0x3e2: {  	v5 =	vld [tilespmem:s28+$0xFFFFFD90]  }
0x3e3: {  	[tilespmem:s0+$0x8130] =	vst.add.f32.msk $0xffff, v4  }
0x3e4: {  	v4 =	vld [tilespmem:s24+$0x300]  }
0x3e5: {  	[tilespmem:s19+$0x8120] =	vst.add.f32.msk $0xffff, v6  }
0x3e6: {  	v6 =	vld [tilespmem:s25+$0x30]  }
0x3e7: {  	[tilespmem:s7+$0x8110] =	vst.add.f32.msk $0xffff, v5  }
0x3e8: {  	v5 =	vld [tilespmem:s28+$0xFFFFFDA0];
	s20 =	spop (v2sf)  }
0x3e9: {  	[tilespmem:s20+$0x8100] =	vst.add.f32.msk $0xffff, v4  }
0x3ea: {  	(v2sf) =	vpush v3, $0x4;
	v4 =	vld [tilespmem:s24+$0x310]  }
0x3eb: {  	[tilespmem:s19+$0x8130] =	vst.add.f32.msk $0xffff, v6  }
0x3ec: {  	v6 =	vld [tilespmem:s25+$0x80]  }
0x3ed: {  	[tilespmem:s7+$0x8120] =	vst.add.f32.msk $0xffff, v5  }
0x3ee: {  	v5 =	vld [tilespmem:s28+$0xFFFFFDB0]  }
0x3ef: {  	[tilespmem:s20+$0x8110] =	vst.add.f32.msk $0xffff, v4  }
0x3f0: {  	s0 =	spop (v2sf);
	v4 =	vld [tilespmem:s24+$0x320]  }
0x3f1: {  	[tilespmem:s0+$0x8100] =	vst.add.f32.msk $0xffff, v6  }
0x3f2: {  	v6 =	vld [tilespmem:s25+$0x90]  }
0x3f3: {  	[tilespmem:s7+$0x8130] =	vst.add.f32.msk $0xffff, v5  }
0x3f4: {  	v5 =	vld [tilespmem:s26+$0x3B0];
	s26 =	smov.u32 s24;
	s24 =	smov.u32 s25;
	s25 =	smov.u32 s28  }
0x3f5: {  	v7 =	vld [tilespmem:s28+$0xFFFFFE00]  }
0x3f6: {  	[tilespmem:s20+$0x8120] =	vst.add.f32.msk $0xffff, v4  }
0x3f7: {  	[tilespmem:s0+$0x8110] =	vst.add.f32.msk $0xffff, v6  }
0x3f8: {  	v4 =	vld [tilespmem:s24+$0xA0];
	(v2sf) =	vpush v1, $0xF;
	v1 =	vmov v2;
	v2 =	vmov v3  }
0x3f9: {  	s19 =	spop (v2sf);
	v3 =	vld [tilespmem:s26+$0x330]  }
0x3fa: {  	[tilespmem:s19+$0x8100] =	vst.add.f32.msk $0xffff, v7;
	(v2sf) =	vpush v1, $0xA  }
0x3fb: {  	v6 =	vld [tilespmem:s28+$0xFFFFFE10]  }
0x3fc: {  	[tilespmem:s2+$0x8130] =	vst.add.f32.msk $0xffff, v5  }
.Ltmp2:
0x3fd: {  	[tilespmem:s0+$0x8120] =	vst.add.f32.msk $0xffff, v4;
	(pc) =	sbr.rel @p0 .LBB2_7-.Ltmp2, $4  }
0x3fe: {  	v4 =	vld [tilespmem:s24+$0xB0]  }
0x3ff: {  	[tilespmem:s20+$0x8130] =	vst.add.f32.msk $0xffff, v3  }
0x400: {  	[tilespmem:s19+$0x8110] =	vst.add.f32.msk $0xffff, v6  }
0x401: {  	v3 =	vld [tilespmem:s28+$0xFFFFFE20]  }
0x402: {  	_ =	sdelay $0x3  }
0x403: {  	[tilespmem:s19+$0x8120] =	vst.add.f32.msk $0xffff, v3  }
0x404: {  	v3 =	vld [tilespmem:s28+$0xFFFFFE30];
	_ =	sdelay $0x4  }
0x405: {  	[tilespmem:s19+$0x8130] =	vst.add.f32.msk $0xffff, v3  }
0x406: {  	v3 =	vld [tilespmem:s28+$0xFFFFFE80];
	_ =	sdelay $0x4  }
0x407: {  	[tilespmem:s29+$0x8100] =	vst.add.f32.msk $0xffff, v3  }
0x408: {  	v3 =	vld [tilespmem:s28+$0xFFFFFE90];
	_ =	sdelay $0x4  }
0x409: {  	[tilespmem:s29+$0x8110] =	vst.add.f32.msk $0xffff, v3  }
0x40a: {  	(v2sf) =	vpush v1, $0xB;
	v3 =	vld [tilespmem:s25+$0xFFFFFEA0]  }
0x40b: {  	(v2sf) =	vpush v2, $0x6;
	_ =	sdelay $0x3  }
0x40c: {  	[tilespmem:s29+$0x8120] =	vst.add.f32.msk $0xffff, v3  }
0x40d: {  	v3 =	vld [tilespmem:s25+$0xFFFFFEB0];
	_ =	sdelay $0x4  }
0x40e: {  	[tilespmem:s29+$0x8130] =	vst.add.f32.msk $0xffff, v3  }
0x40f: {  	v3 =	vld [tilespmem:s25+$0xFFFFFF00]  }
0x410: {  	s2 =	spop (v2sf)  }
0x411: {  	s20 =	spop (v2sf)  }
0x412: {  	s19 =	spop (v2sf)  }
0x413: {  	s7 =	spop (v2sf)  }
0x414: {  	[tilespmem:s7+$0x8100] =	vst.add.f32.msk $0xffff, v3  }
0x415: {  	v3 =	vld [tilespmem:s25+$0xFFFFFF10];
	_ =	sdelay $0x4  }
0x416: {  	[tilespmem:s7+$0x8110] =	vst.add.f32.msk $0xffff, v3  }
0x417: {  	(v2sf) =	vpush v1, $0xC;
	v3 =	vld [tilespmem:s25+$0xFFFFFF20]  }
0x418: {  	(v2sf) =	vpush v2, $0x7;
	_ =	sdelay $0x3  }
0x419: {  	[tilespmem:s7+$0x8120] =	vst.add.f32.msk $0xffff, v3  }
0x41a: {  	v3 =	vld [tilespmem:s25+$0xFFFFFF30];
	_ =	sdelay $0x4  }
0x41b: {  	[tilespmem:s7+$0x8130] =	vst.add.f32.msk $0xffff, v3  }
0x41c: {  	v3 =	vld [tilespmem:s25+$0xFFFFFF80];
	_ =	sdelay $0x2  }
0x41d: {  	s30 =	spop (v2sf)  }
0x41e: {  	s31 =	spop (v2sf)  }
0x41f: {  	[tilespmem:s31+$0x8100] =	vst.add.f32.msk $0xffff, v3  }
0x420: {  	v3 =	vld [tilespmem:s25+$0xFFFFFF90];
	_ =	sdelay $0x4  }
0x421: {  	[tilespmem:s31+$0x8110] =	vst.add.f32.msk $0xffff, v3  }
0x422: {  	(v2sf) =	vpush v1, $0xD;
	v3 =	vld [tilespmem:s25+$0xFFFFFFA0]  }
0x423: {  	(v2sf) =	vpush v2, $0x8;
	_ =	sdelay $0x3  }
0x424: {  	[tilespmem:s31+$0x8120] =	vst.add.f32.msk $0xffff, v3  }
0x425: {  	v3 =	vld [tilespmem:s25+$0xFFFFFFB0];
	_ =	sdelay $0x4  }
0x426: {  	[tilespmem:s31+$0x8130] =	vst.add.f32.msk $0xffff, v3  }
0x427: {  	v3 =	vld [tilespmem:s25+$0x0];
	_ =	sdelay $0x2  }
0x428: {  	s29 =	spop (v2sf)  }
0x429: {  	s28 =	spop (v2sf)  }
0x42a: {  	[tilespmem:s28+$0x8100] =	vst.add.f32.msk $0xffff, v3  }
0x42b: {  	v3 =	vld [tilespmem:s25+$0x10];
	_ =	sdelay $0x4  }
0x42c: {  	[tilespmem:s28+$0x8110] =	vst.add.f32.msk $0xffff, v3  }
0x42d: {  	(v2sf) =	vpush v1, $0xE;
	v3 =	vld [tilespmem:s25+$0x20]  }
0x42e: {  	(v2sf) =	vpush v2, $0x9;
	_ =	sdelay $0x3  }
0x42f: {  	[tilespmem:s28+$0x8120] =	vst.add.f32.msk $0xffff, v3  }
0x430: {  	v3 =	vld [tilespmem:s25+$0x30];
	_ =	sdelay $0x4  }
0x431: {  	[tilespmem:s28+$0x8130] =	vst.add.f32.msk $0xffff, v3  }
0x432: {  	v3 =	vld [tilespmem:s25+$0x80];
	_ =	sdelay $0x2  }
0x433: {  	s28 =	spop (v2sf)  }
0x434: {  	s31 =	spop (v2sf)  }
0x435: {  	[tilespmem:s31+$0x8100] =	vst.add.f32.msk $0xffff, v3  }
0x436: {  	v3 =	vld [tilespmem:s25+$0x90];
	_ =	sdelay $0x4  }
0x437: {  	[tilespmem:s31+$0x8110] =	vst.add.f32.msk $0xffff, v3  }
0x438: {  	(v2sf) =	vpush v1, $0xF;
	v3 =	vld [tilespmem:s25+$0xA0]  }
0x439: {  	(v2sf) =	vpush v2, $0xA;
	_ =	sdelay $0x3  }
0x43a: {  	[tilespmem:s31+$0x8120] =	vst.add.f32.msk $0xffff, v3  }
0x43b: {  	v1 =	vld [tilespmem:s25+$0xB0];
	_ =	sdelay $0x2  }
0x43c: {  	[tilespmem:s0+$0x8130] =	vst.add.f32.msk $0xffff, v4  }
0x43d: {  	v3 =	vld [tilespmem:s24+$0x100]  }
0x43e: {  	[tilespmem:s31+$0x8130] =	vst.add.f32.msk $0xffff, v1  }
0x43f: {  	v1 =	vld [tilespmem:s25+$0x100];
	_ =	sdelay $0x2  }
0x440: {  	s0 =	spop (v2sf);
	[tilespmem:s20+$0x8100] =	vst.add.f32.msk $0xffff, v3  }
0x441: {  	v3 =	vld [tilespmem:s24+$0x110];
	s31 =	spop (v2sf)  }
0x442: {  	[tilespmem:s31+$0x8100] =	vst.add.f32.msk $0xffff, v1  }
0x443: {  	v1 =	vld [tilespmem:s25+$0x110];
	_ =	sdelay $0x2  }
0x444: {  	[tilespmem:s20+$0x8110] =	vst.add.f32.msk $0xffff, v3  }
0x445: {  	v3 =	vld [tilespmem:s24+$0x120]  }
0x446: {  	[tilespmem:s31+$0x8110] =	vst.add.f32.msk $0xffff, v1  }
0x447: {  	v1 =	vld [tilespmem:s25+$0x120]  }
0x448: {  	(v2sf) =	vpush v2, $0xB;
	_ =	sdelay $0x1  }
0x449: {  	[tilespmem:s20+$0x8120] =	vst.add.f32.msk $0xffff, v3  }
0x44a: {  	v3 =	vld [tilespmem:s24+$0x130]  }
0x44b: {  	[tilespmem:s31+$0x8120] =	vst.add.f32.msk $0xffff, v1  }
0x44c: {  	v1 =	vld [tilespmem:s25+$0x130];
	_ =	sdelay $0x2  }
0x44d: {  	[tilespmem:s20+$0x8130] =	vst.add.f32.msk $0xffff, v3  }
0x44e: {  	v3 =	vld [tilespmem:s24+$0x180]  }
0x44f: {  	[tilespmem:s31+$0x8130] =	vst.add.f32.msk $0xffff, v1  }
0x450: {  	v1 =	vld [tilespmem:s25+$0x180];
	_ =	sdelay $0x2  }
0x451: {  	[tilespmem:s19+$0x8100] =	vst.add.f32.msk $0xffff, v3  }
0x452: {  	v3 =	vld [tilespmem:s24+$0x190];
	s31 =	spop (v2sf)  }
0x453: {  	[tilespmem:s31+$0x8100] =	vst.add.f32.msk $0xffff, v1  }
0x454: {  	v1 =	vld [tilespmem:s25+$0x190];
	_ =	sdelay $0x2  }
0x455: {  	[tilespmem:s19+$0x8110] =	vst.add.f32.msk $0xffff, v3  }
0x456: {  	v3 =	vld [tilespmem:s24+$0x1A0]  }
0x457: {  	[tilespmem:s31+$0x8110] =	vst.add.f32.msk $0xffff, v1  }
0x458: {  	v1 =	vld [tilespmem:s25+$0x1A0]  }
0x459: {  	(v2sf) =	vpush v2, $0xC;
	_ =	sdelay $0x1  }
0x45a: {  	[tilespmem:s19+$0x8120] =	vst.add.f32.msk $0xffff, v3  }
0x45b: {  	v3 =	vld [tilespmem:s24+$0x1B0]  }
0x45c: {  	[tilespmem:s31+$0x8120] =	vst.add.f32.msk $0xffff, v1  }
0x45d: {  	v1 =	vld [tilespmem:s25+$0x1B0];
	_ =	sdelay $0x2  }
0x45e: {  	[tilespmem:s19+$0x8130] =	vst.add.f32.msk $0xffff, v3  }
0x45f: {  	v3 =	vld [tilespmem:s24+$0x200]  }
0x460: {  	[tilespmem:s31+$0x8130] =	vst.add.f32.msk $0xffff, v1  }
0x461: {  	v1 =	vld [tilespmem:s25+$0x200];
	_ =	sdelay $0x2  }
0x462: {  	[tilespmem:s30+$0x8100] =	vst.add.f32.msk $0xffff, v3  }
0x463: {  	s19 =	spop (v2sf);
	v3 =	vld [tilespmem:s24+$0x210]  }
0x464: {  	[tilespmem:s19+$0x8100] =	vst.add.f32.msk $0xffff, v1  }
0x465: {  	v1 =	vld [tilespmem:s25+$0x210];
	_ =	sdelay $0x2  }
0x466: {  	[tilespmem:s30+$0x8110] =	vst.add.f32.msk $0xffff, v3  }
0x467: {  	v3 =	vld [tilespmem:s24+$0x220]  }
0x468: {  	[tilespmem:s19+$0x8110] =	vst.add.f32.msk $0xffff, v1  }
0x469: {  	v1 =	vld [tilespmem:s25+$0x220]  }
0x46a: {  	(v2sf) =	vpush v2, $0xD;
	_ =	sdelay $0x1  }
0x46b: {  	[tilespmem:s30+$0x8120] =	vst.add.f32.msk $0xffff, v3  }
0x46c: {  	v3 =	vld [tilespmem:s24+$0x230]  }
0x46d: {  	[tilespmem:s19+$0x8120] =	vst.add.f32.msk $0xffff, v1  }
0x46e: {  	v1 =	vld [tilespmem:s25+$0x230];
	_ =	sdelay $0x2  }
0x46f: {  	[tilespmem:s30+$0x8130] =	vst.add.f32.msk $0xffff, v3  }
0x470: {  	v3 =	vld [tilespmem:s24+$0x280]  }
0x471: {  	[tilespmem:s19+$0x8130] =	vst.add.f32.msk $0xffff, v1  }
0x472: {  	v1 =	vld [tilespmem:s25+$0x280];
	_ =	sdelay $0x2  }
0x473: {  	[tilespmem:s29+$0x8100] =	vst.add.f32.msk $0xffff, v3  }
0x474: {  	s20 =	spop (v2sf);
	v3 =	vld [tilespmem:s24+$0x290]  }
0x475: {  	[tilespmem:s20+$0x8100] =	vst.add.f32.msk $0xffff, v1  }
0x476: {  	v1 =	vld [tilespmem:s25+$0x290];
	_ =	sdelay $0x2  }
0x477: {  	[tilespmem:s29+$0x8110] =	vst.add.f32.msk $0xffff, v3  }
0x478: {  	v3 =	vld [tilespmem:s24+$0x2A0]  }
0x479: {  	[tilespmem:s20+$0x8110] =	vst.add.f32.msk $0xffff, v1  }
0x47a: {  	v1 =	vld [tilespmem:s25+$0x2A0]  }
0x47b: {  	(v2sf) =	vpush v2, $0xE;
	_ =	sdelay $0x1  }
0x47c: {  	[tilespmem:s29+$0x8120] =	vst.add.f32.msk $0xffff, v3  }
0x47d: {  	v3 =	vld [tilespmem:s24+$0x2B0]  }
0x47e: {  	[tilespmem:s20+$0x8120] =	vst.add.f32.msk $0xffff, v1  }
0x47f: {  	v1 =	vld [tilespmem:s25+$0x2B0];
	_ =	sdelay $0x2  }
0x480: {  	[tilespmem:s29+$0x8130] =	vst.add.f32.msk $0xffff, v3  }
0x481: {  	v3 =	vld [tilespmem:s24+$0x300]  }
0x482: {  	[tilespmem:s20+$0x8130] =	vst.add.f32.msk $0xffff, v1  }
0x483: {  	v1 =	vld [tilespmem:s25+$0x300];
	_ =	sdelay $0x2  }
0x484: {  	[tilespmem:s28+$0x8100] =	vst.add.f32.msk $0xffff, v3  }
0x485: {  	s30 =	spop (v2sf);
	v3 =	vld [tilespmem:s24+$0x310]  }
0x486: {  	[tilespmem:s30+$0x8100] =	vst.add.f32.msk $0xffff, v1  }
0x487: {  	v1 =	vld [tilespmem:s25+$0x310];
	_ =	sdelay $0x2  }
0x488: {  	[tilespmem:s28+$0x8110] =	vst.add.f32.msk $0xffff, v3  }
0x489: {  	v3 =	vld [tilespmem:s24+$0x320]  }
0x48a: {  	[tilespmem:s30+$0x8110] =	vst.add.f32.msk $0xffff, v1  }
0x48b: {  	v1 =	vld [tilespmem:s25+$0x320]  }
0x48c: {  	(v2sf) =	vpush v2, $0xF;
	_ =	sdelay $0x1  }
0x48d: {  	[tilespmem:s28+$0x8120] =	vst.add.f32.msk $0xffff, v3  }
0x48e: {  	v2 =	vld [tilespmem:s24+$0x330]  }
0x48f: {  	[tilespmem:s30+$0x8120] =	vst.add.f32.msk $0xffff, v1  }
0x490: {  	v1 =	vld [tilespmem:s25+$0x330];
	_ =	sdelay $0x1  }
0x491: {  	v3 =	vld [tilespmem:s26+$0x380]  }
0x492: {  	[tilespmem:s28+$0x8130] =	vst.add.f32.msk $0xffff, v2  }
0x493: {  	v2 =	vld [tilespmem:s24+$0x380]  }
0x494: {  	[tilespmem:s30+$0x8130] =	vst.add.f32.msk $0xffff, v1  }
0x495: {  	v1 =	vld [tilespmem:s25+$0x380]  }
0x496: {  	[tilespmem:s2+$0x8100] =	vst.add.f32.msk $0xffff, v3  }
0x497: {  	v3 =	vld [tilespmem:s26+$0x390]  }
0x498: {  	[tilespmem:s0+$0x8100] =	vst.add.f32.msk $0xffff, v2  }
0x499: {  	s31 =	spop (v2sf);
	v2 =	vld [tilespmem:s24+$0x390]  }
0x49a: {  	[tilespmem:s31+$0x8100] =	vst.add.f32.msk $0xffff, v1  }
0x49b: {  	v1 =	vld [tilespmem:s25+$0x390]  }
0x49c: {  	[tilespmem:s2+$0x8110] =	vst.add.f32.msk $0xffff, v3  }
0x49d: {  	v3 =	vld [tilespmem:s26+$0x3A0]  }
0x49e: {  	[tilespmem:s0+$0x8110] =	vst.add.f32.msk $0xffff, v2  }
0x49f: {  	v2 =	vld [tilespmem:s24+$0x3A0]  }
0x4a0: {  	[tilespmem:s31+$0x8110] =	vst.add.f32.msk $0xffff, v1  }
0x4a1: {  	v1 =	vld [tilespmem:s25+$0x3A0]  }
0x4a2: {  	[tilespmem:s2+$0x8120] =	vst.add.f32.msk $0xffff, v3  }
0x4a3: {  	v3 =	vld [tilespmem:s26+$0x3B0]  }
0x4a4: {  	[tilespmem:s0+$0x8120] =	vst.add.f32.msk $0xffff, v2  }
0x4a5: {  	v2 =	vld [tilespmem:s24+$0x3B0]  }
0x4a6: {  	s23 =	sadd.s32 $0x1, s23;
	[tilespmem:s31+$0x8120] =	vst.add.f32.msk $0xffff, v1  }
0x4a7: {  	p0 =	sne.s32 s23, $0x40;
	v1 =	vld [tilespmem:s25+$0x3B0]  }
.Ltmp3:
0x4a8: {  	_ = 	snop;
	(pc) =	sbr.rel @p0 .LBB2_4-.Ltmp3, $4  }
0x4a9: {  	_ = 	snop  }
0x4aa: {  	[tilespmem:s2+$0x8130] =	vst.add.f32.msk $0xffff, v3  }
0x4ab: {  	[tilespmem:s0+$0x8130] =	vst.add.f32.msk $0xffff, v2  }
0x4ac: {  	[tilespmem:s31+$0x8130] =	vst.add.f32.msk $0xffff, v1  }
0x4ad: {  	s4 =	sadd.s32 $0x1, s4  }
0x4ae: {  	p0 =	sne.s32 s4, s9  }
.Ltmp4:
0x4af: {  	s0 =	simm.s32 $0x80;
	s2 =	simm.s32 $0x8100;
	(pc) =	sbr.rel @p0 .LBB2_1-.Ltmp4, $4  }
0x4b0: {  	[hbm4b:s8+s0] =	stream.strided.scatter [tilespmem:s2], [sflag:$0x5], $0x14000, s12, s0, $0x38;
	[tilespmem:$0x1C100] =	vst v63  }
0x4b1: {  	_ =	swait.ge [sflag:s21], $0x14000  }
0x4b2: {  	[sflag:s21] =	ssyncset.done $0x0  }
0x4b3: {  	[sflag:s21] =	ssyncadd.s32 $0xFFFEC000  }
0x4b4: {  	_ =	sfence.sel $0x180000  }
0x4b5: {  	[bflag:$0x0] =	sbarrier.arrive $0xFFFF  }
0x4b6: {  	_ =	strace $0x90000047  }
0x4b7: {  	s0 =	stileid.u32;
	[bflag:$0x2] =	sbarrier.arrive $0xFFFF  }
0x4b8: {  	p0 =	sne.s32 s0, $0x0;
	s0 =	rddreg [dreg:$0x3]  }
0x4b9: {  	s0 =	sadd.s32 @!p0 $0x100000, s0  }
0x4ba: {  	[sflag:s0] =	ssyncadd.tile.s32 @!p0 $0x1;
	_ =	shalt  }
.Lfunc_end2:
_tile_overlayer_lowered:
.L_overlay_start_2:
0x4bb: {  	(tag) =	ssettag $0x2  }
0x4bc: {  	s0 =	rddreg [dreg:$0x0];
	s2 =	stileid.u32  }
0x4bd: {  	s1 =	rddreg [dreg:$0x1];
	p0 =	sne.s32 s2, $0x0  }
0x4be: {  	s3 =	rddreg [dreg:$0x2];
	[bflag:$0x3] =	sbarrier.arrive $0xFFFF;
	s2 =	simm.s32 @!p0 $0x1C05  }
0x4bf: {  	[timem:s3], [sflag:s2] =	dma.local @!p0 [hbm:s0], s1  }
0x4c0: {  	s0 =	simm.s32 @!p0 $0x5  }
0x4c1: {  	_ =	swait.ge @!p0 [sflag:s0], s1  }
0x4c2: {  	s1 =	ssub.s32 @!p0 $0x0, s1;
	[sflag:s0] =	ssyncset.done @!p0 $0x0  }
0x4c3: {  	[sflag:s0] =	ssyncadd.s32 @!p0 s1  }
0x4c4: {  	[bflag:$0x3] =	sbarrier.arrive $0xFFFF  }
0x4c5: {  	_ =	shalt  }

</sc_bundles>
